<compile_context>
chip_gen: v7x
topology: tpu7x:2x2x1
jax: 0.10.2.dev20260603
libtpu: 0.0.44.dev20260713+nightly
codegen_flags: <defaults>
</compile_context>

<pallas_src>
import functools

import jax
import jax.numpy as jnp
from jax import lax
from jax.experimental import pallas as pl
from jax.experimental.pallas import tpu as pltpu
from jax.experimental.pallas import tpu_sc as plsc


def _stage1_body(A, A_pad, G, x_ref, t_ref, lc_ref, stats_ref, k_ref):
    C = x_ref.shape[1]
    lane = lax.broadcasted_iota(jnp.int32, (128,), 0)
    cls_iota = lax.broadcasted_iota(jnp.int32, (C, A), 0)
    for g in range(G):
        xt = x_ref[g]
        t = t_ref[g, 0]
        s = jnp.sum(jnp.exp(xt), axis=0)
        lse = jnp.log(s)
        picked = jnp.sum(jnp.where(cls_iota == t[None, :], xt, 0.0), axis=0)
        ce = lse - picked
        pos = t == 1
        posf = pos.astype(jnp.float32)
        loss_c = jnp.maximum(jnp.where(pos, 0.0, ce), 0.0)
        num_pos = jnp.sum(posf)
        pos_sum = jnp.sum(ce * posf)
        k = jnp.minimum(3.0 * num_pos, float(A - 1))
        lc_ref[g, 0, :] = jnp.concatenate(
            [loss_c, jnp.zeros((A_pad - A,), jnp.float32)])
        stats_ref[g, 0, :] = (jnp.where(lane == 0, pos_sum, 0.0)
                              + jnp.where(lane == 1, num_pos, 0.0))
        k_ref[g, 0, :] = lax.broadcast_in_dim(k, (16,), ())


def _stage2_sc_body(A_pad, R, lc_hbm, kv_hbm, out_hbm, vals_v, k_v, res_v, red_v):
    wid = lax.axis_index("s") * 2 + lax.axis_index("c")
    base = wid * R
    pltpu.sync_copy(lc_hbm.at[pl.ds(base, R)], vals_v)
    pltpu.sync_copy(kv_hbm.at[pl.ds(base, R)], k_v)
    U = 13
    NI = A_pad // 16 // U

    def fold(x, op):
        for sh in (8, 4, 2, 1):
            red_v[pl.ds(0, 16)] = x
            red_v[pl.ds(16, 16)] = x
            x = op(x, red_v[pl.ds(sh, 16)])
        return x

    one = jnp.full((16,), 1.0, jnp.float32)
    zero = jnp.zeros((16,), jnp.float32)
    lanes = lax.iota(jnp.int32, 16)
    res = zero
    for j in range(R):
        kv = k_v[j]

        def max_body(i, mx, j=j):
            b = i * (U * 16)
            for u in range(U):
                mx = jnp.maximum(mx, vals_v[j, pl.ds(b + u * 16, 16)])
            return mx

        mx = fold(lax.fori_loop(0, NI, max_body, zero), jnp.maximum)
        hiv = mx * (1.0 + 2.0 ** -20) + 1e-30

        def search_it(_, lh, j=j, kv=kv):
            lov, hiv = lh
            midv = 0.5 * (lov + hiv)

            def cnt_body(i, acc, midv=midv, j=j):
                b = i * (U * 16)
                for u in range(U):
                    acc = acc + jnp.where(
                        vals_v[j, pl.ds(b + u * 16, 16)] >= midv, one, zero)
                return acc

            cnt = fold(lax.fori_loop(0, NI, cnt_body, zero), jnp.add)
            predv = cnt >= kv
            return jnp.where(predv, midv, lov), jnp.where(predv, hiv, midv)

        lov, _ = lax.fori_loop(0, 20, search_it, (zero, hiv))

        def fin_body(i, accs, lov=lov, j=j):
            c, sm = accs
            b = i * (U * 16)
            for u in range(U):
                v = vals_v[j, pl.ds(b + u * 16, 16)]
                gt = v > lov
                c = c + jnp.where(gt, one, zero)
                sm = sm + jnp.where(gt, v, zero)
            return c, sm

        cgt, sm = lax.fori_loop(0, NI, fin_body, (zero, zero))
        cgt = fold(cgt, jnp.add)
        sm = fold(sm, jnp.add)
        res = jnp.where(lanes == j, sm + (kv - cgt) * lov, res)
    res_v[...] = res
    pltpu.sync_copy(res_v, out_hbm.at[wid])


def _finalize_body(stats_ref, topk_ref, out_ref):
    st = stats_ref[...]
    pos_total = jnp.sum(st[:, 1])
    sel = jnp.sum(st[:, 0]) + jnp.sum(topk_ref[...][:, 0:4])
    out_ref[0, 0] = sel / jnp.maximum(pos_total, 1.0)


def _full_pipeline(A, C, A_pad, NW, logits_full, targets_full):
    Bh = logits_full.shape[0]
    R = Bh // NW
    targets3 = targets_full.reshape(Bh, 1, A)
    logits_t = jnp.transpose(logits_full, (0, 2, 1))
    G = 8
    lc, stats, kvec = pl.pallas_call(
        functools.partial(_stage1_body, A, A_pad, G),
        grid=(Bh // G,),
        in_specs=[
            pl.BlockSpec((G, C, A), lambda i: (i, 0, 0)),
            pl.BlockSpec((G, 1, A), lambda i: (i, 0, 0)),
        ],
        out_specs=[
            pl.BlockSpec((G, 1, A_pad), lambda i: (i, 0, 0)),
            pl.BlockSpec((G, 1, 128), lambda i: (i, 0, 0)),
            pl.BlockSpec((G, 1, 16), lambda i: (i, 0, 0)),
        ],
        out_shape=[
            jax.ShapeDtypeStruct((Bh, 1, A_pad), jnp.float32),
            jax.ShapeDtypeStruct((Bh, 1, 128), jnp.float32),
            jax.ShapeDtypeStruct((Bh, 1, 16), jnp.float32),
        ],
    )(logits_t, targets3)

    stage2 = pl.kernel(
        functools.partial(_stage2_sc_body, A_pad, R),
        out_type=jax.ShapeDtypeStruct((NW, 16), jnp.float32),
        mesh=plsc.VectorSubcoreMesh(core_axis_name="c", subcore_axis_name="s"),
        scratch_types=[
            pltpu.VMEM((R, A_pad), jnp.float32),
            pltpu.VMEM((R, 16), jnp.float32),
            pltpu.VMEM((16,), jnp.float32),
            pltpu.VMEM((32,), jnp.float32),
        ],
    )
    topk = stage2(lc.reshape(Bh, A_pad), kvec.reshape(Bh, 16))
    return stats.reshape(Bh, 128), topk


def kernel(pred_logits, targets):
    B, A, C = pred_logits.shape
    A_pad = ((A + 15) // 16) * 16
    NW = 32
    stats, topk = _full_pipeline(A, C, A_pad, NW, pred_logits, targets)

    out = pl.pallas_call(
        _finalize_body,
        in_specs=[
            pl.BlockSpec((B, 128), lambda: (0, 0)),
            pl.BlockSpec((NW, 16), lambda: (0, 0)),
        ],
        out_specs=pl.BlockSpec(memory_space=pltpu.SMEM),
        out_shape=jax.ShapeDtypeStruct((1, 1), jnp.float32),
    )(stats, topk)
    return out[0, 0]

# --- scband reference (transcript-rebuilt; emitter-appended) ---
"""Pipeline reference for scband-ohem-66718021976736 (READ-ONLY COPY).

The authoritative reference and input builder live on the scoring server;
editing this copy changes nothing except your own understanding.
"""

import jax, jax.numpy as jnp
import numpy as np

NEG_POS_RATIO = 3
NUM_CLASSES = 21


def setup_inputs(seed: int = 0) -> dict:
    key = jax.random.key(seed)
    k1, k2 = jax.random.split(key)
    pred_logits = jax.random.normal(k1, (128, 8732, NUM_CLASSES), dtype=jnp.float32)
    targets = jax.random.randint(k2, (128, 8732), 0, NUM_CLASSES, dtype=jnp.int32)
    return {"pred_logits": pred_logits, "targets": targets}


def _per_elem_ce(logits, labels):
    # cross_entropy with reduction='none': logsumexp(logits) - logits[label]
    lse = jax.nn.logsumexp(logits, axis=-1)
    picked = jnp.take_along_axis(logits, labels[:, None], axis=1)[:, 0]
    return lse - picked


def reference(pred_logits, targets):
    B, A, C = pred_logits.shape
    pos_boxes_mask = (targets == 1)  # [B, A]

    flat_logits = pred_logits.reshape(-1, C)
    flat_targets = targets.reshape(-1)
    ce = _per_elem_ce(flat_logits, flat_targets)  # [B*A]

    # loss_c with positives zeroed, then sort-based hard negative mining
    loss_c = jnp.where(pos_boxes_mask.reshape(-1), 0.0, ce).reshape(B, A)
    loss_idx = jnp.argsort(-loss_c, axis=1)   # descending sort indices
    idx_rank = jnp.argsort(loss_idx, axis=1)  # rank of each anchor's loss

    num_pos = pos_boxes_mask.astype(jnp.int32).sum(axis=1, keepdims=True)  # [B,1]
    num_neg = jnp.minimum(NEG_POS_RATIO * num_pos, A - 1)                  # [B,1]
    neg_boxes_mask = idx_rank < num_neg                                    # [B,A]

    sel = jnp.logical_or(pos_boxes_mask, neg_boxes_mask)  # union of pos + hard neg
    ce2 = ce.reshape(B, A)
    cls_loss = jnp.sum(ce2 * sel.astype(ce2.dtype))

    N = jnp.maximum(num_pos.sum().astype(jnp.float32), 1.0)
    return cls_loss / N

if __name__ == "__main__":
    import jax
    _d = setup_inputs()
    print(jax.jit(kernel)(*tuple(_d.values())))

</pallas_src>

<mosaic_0001>
#map = affine_map<(d0, d1) -> (0, 0)>
module attributes {stable_mosaic.version = 14 : i64} {
  func.func @_stage2_sc_body(%arg0: i32, %arg1: i32, %arg2: memref<128x8736xf32, #tpu.memory_space<hbm>>, %arg3: memref<128x16xf32, #tpu.memory_space<hbm>>, %arg4: memref<32x16xf32, #tpu.memory_space<hbm>>, %arg5: memref<4x8736xf32, #tpu.memory_space<vmem>>, %arg6: memref<4x16xf32, #tpu.memory_space<vmem>>, %arg7: memref<16xf32, #tpu.memory_space<vmem>>, %arg8: memref<32xf32, #tpu.memory_space<vmem>>) attributes {dimension_semantics = [#tpu.dimension_semantics<core_parallel>, #tpu.dimension_semantics<subcore_parallel>], iteration_bounds = array<i64: 2, 16>, scalar_prefetch = 0 : i64, scratch_operands = 4 : i64, tpu.core_type = #tpu.core_type<sc_vector_subcore>, window_params = [{transform_indices = #map}, {transform_indices = #map}, {transform_indices = #map}]} {
    %mul3A = arith.constant 2 : i32
    %mul3A_0 = arith.muli %arg1, %mul3A : i32
    %add3A = arith.addi %mul3A_0, %arg0 : i32
    %mul3A_1 = arith.constant 4 : i32
    %mul3A_2 = arith.muli %add3A, %mul3A_1 : i32
    "tpu.region"() ({
      %run_scoped3A = tpu.sem_alloc : memref<!tpu.dma_semaphore, #tpu.memory_space<semaphore_mem>>
      %dma_start3A = arith.constant 0 : i32
      %dma_start3A_723 = tpu.memref_slice %arg2[%mul3A_2, %dma_start3A] : memref<128x8736xf32, #tpu.memory_space<hbm>> -> memref<4x8736xf32, #tpu.memory_space<hbm>>
      %dma_start3A_724 = arith.constant 0 : i32
      %dma_start3A_725 = tpu.memref_slice %arg2[%mul3A_2, %dma_start3A_724] : memref<128x8736xf32, #tpu.memory_space<hbm>> -> memref<4x8736xf32, #tpu.memory_space<hbm>>
      tpu.enqueue_dma source(%dma_start3A_725 : memref<4x8736xf32, #tpu.memory_space<hbm>>) target(%arg5 : memref<4x8736xf32, #tpu.memory_space<vmem>>) target_semaphore(%run_scoped3A : memref<!tpu.dma_semaphore, #tpu.memory_space<semaphore_mem>>)
      %dma_wait3A = arith.constant 0 : i32
      %dma_wait3A_726 = tpu.memref_slice %arg2[%mul3A_2, %dma_wait3A] : memref<128x8736xf32, #tpu.memory_space<hbm>> -> memref<4x8736xf32, #tpu.memory_space<hbm>>
      %dma_wait3A_727 = arith.constant 0 : i32
      %dma_wait3A_728 = tpu.memref_slice %arg2[%mul3A_2, %dma_wait3A_727] : memref<128x8736xf32, #tpu.memory_space<hbm>> -> memref<4x8736xf32, #tpu.memory_space<hbm>>
      tpu.wait_dma2 semaphore(%run_scoped3A : memref<!tpu.dma_semaphore, #tpu.memory_space<semaphore_mem>>) src(%dma_wait3A_728 : memref<4x8736xf32, #tpu.memory_space<hbm>>) dst(%arg5 : memref<4x8736xf32, #tpu.memory_space<vmem>>)
      tpu.yield
    }) : () -> ()
    "tpu.region"() ({
      %run_scoped3A = tpu.sem_alloc : memref<!tpu.dma_semaphore, #tpu.memory_space<semaphore_mem>>
      %dma_start3A = arith.constant 0 : i32
      %dma_start3A_723 = tpu.memref_slice %arg3[%mul3A_2, %dma_start3A] : memref<128x16xf32, #tpu.memory_space<hbm>> -> memref<4x16xf32, #tpu.memory_space<hbm>>
      %dma_start3A_724 = arith.constant 0 : i32
      %dma_start3A_725 = tpu.memref_slice %arg3[%mul3A_2, %dma_start3A_724] : memref<128x16xf32, #tpu.memory_space<hbm>> -> memref<4x16xf32, #tpu.memory_space<hbm>>
      tpu.enqueue_dma source(%dma_start3A_725 : memref<4x16xf32, #tpu.memory_space<hbm>>) target(%arg6 : memref<4x16xf32, #tpu.memory_space<vmem>>) target_semaphore(%run_scoped3A : memref<!tpu.dma_semaphore, #tpu.memory_space<semaphore_mem>>)
      %dma_wait3A = arith.constant 0 : i32
      %dma_wait3A_726 = tpu.memref_slice %arg3[%mul3A_2, %dma_wait3A] : memref<128x16xf32, #tpu.memory_space<hbm>> -> memref<4x16xf32, #tpu.memory_space<hbm>>
      %dma_wait3A_727 = arith.constant 0 : i32
      %dma_wait3A_728 = tpu.memref_slice %arg3[%mul3A_2, %dma_wait3A_727] : memref<128x16xf32, #tpu.memory_space<hbm>> -> memref<4x16xf32, #tpu.memory_space<hbm>>
      tpu.wait_dma2 semaphore(%run_scoped3A : memref<!tpu.dma_semaphore, #tpu.memory_space<semaphore_mem>>) src(%dma_wait3A_728 : memref<4x16xf32, #tpu.memory_space<hbm>>) dst(%arg6 : memref<4x16xf32, #tpu.memory_space<vmem>>)
      tpu.yield
    }) : () -> ()
    %broadcast_in_dim3A = arith.constant 1.000000e+00 : f32
    %broadcast_in_dim3A_3 = vector.broadcast %broadcast_in_dim3A : f32 to vector<16xf32>
    %broadcast_in_dim3A_4 = arith.constant 0.000000e+00 : f32
    %broadcast_in_dim3A_5 = vector.broadcast %broadcast_in_dim3A_4 : f32 to vector<16xf32>
    %iota3A = tpu.iota {dimensions = array<i32: 0>} : vector<16xi32>
    %get3A = arith.constant 0 : i32
    %get3A_6 = arith.index_cast %get3A : i32 to index
    %get3A_7 = arith.constant 0 : index
    %get3A_8 = tpu.vector_load %arg6[%get3A_6, %get3A_7] {strides = array<i32>} : memref<4x16xf32, #tpu.memory_space<vmem>>, vector<1x16xf32>,
    %get3A_9 = vector.shape_cast %get3A_8 : vector<1x16xf32> to vector<16xf32>
    %scan3A = arith.constant 0 : i32
    %scan3A_10 = arith.constant 42 : i32
    %scan3A_11 = arith.addi %scan3A, %scan3A_10 : i32
    %scan3A_12 = arith.constant 1 : i32
    %scan3A_13 = scf.for %scan3A_723 = %scan3A to %scan3A_11 step %scan3A_12 iter_args(%scan3A_724 = %broadcast_in_dim3A_5) -> (vector<16xf32>)  : i32 {
      %mul3A_725 = arith.constant 208 : i32
      %mul3A_726 = arith.muli %scan3A_723, %mul3A_725 : i32
      %add3A_727 = arith.constant 0 : i32
      %add3A_728 = arith.addi %mul3A_726, %add3A_727 : i32
      %get3A_729 = arith.constant 0 : i32
      %get3A_730 = arith.index_cast %get3A_729 : i32 to index
      %get3A_731 = arith.index_cast %add3A_728 : i32 to index
      %get3A_732 = tpu.vector_load %arg5[%get3A_730, %get3A_731] {strides = array<i32>} : memref<4x8736xf32, #tpu.memory_space<vmem>>, vector<1x16xf32>,
      %get3A_733 = vector.shape_cast %get3A_732 : vector<1x16xf32> to vector<16xf32>
      %max3A_734 = arith.maximumf %scan3A_724, %get3A_733 : vector<16xf32>
      %add3A_735 = arith.constant 16 : i32
      %add3A_736 = arith.addi %mul3A_726, %add3A_735 : i32
      %get3A_737 = arith.constant 0 : i32
      %get3A_738 = arith.index_cast %get3A_737 : i32 to index
      %get3A_739 = arith.index_cast %add3A_736 : i32 to index
      %get3A_740 = tpu.vector_load %arg5[%get3A_738, %get3A_739] {strides = array<i32>} : memref<4x8736xf32, #tpu.memory_space<vmem>>, vector<1x16xf32>,
      %get3A_741 = vector.shape_cast %get3A_740 : vector<1x16xf32> to vector<16xf32>
      %max3A_742 = arith.maximumf %max3A_734, %get3A_741 : vector<16xf32>
      %add3A_743 = arith.constant 32 : i32
      %add3A_744 = arith.addi %mul3A_726, %add3A_743 : i32
      %get3A_745 = arith.constant 0 : i32
      %get3A_746 = arith.index_cast %get3A_745 : i32 to index
      %get3A_747 = arith.index_cast %add3A_744 : i32 to index
      %get3A_748 = tpu.vector_load %arg5[%get3A_746, %get3A_747] {strides = array<i32>} : memref<4x8736xf32, #tpu.memory_space<vmem>>, vector<1x16xf32>,
      %get3A_749 = vector.shape_cast %get3A_748 : vector<1x16xf32> to vector<16xf32>
      %max3A_750 = arith.maximumf %max3A_742, %get3A_749 : vector<16xf32>
      %add3A_751 = arith.constant 48 : i32
      %add3A_752 = arith.addi %mul3A_726, %add3A_751 : i32
      %get3A_753 = arith.constant 0 : i32
      %get3A_754 = arith.index_cast %get3A_753 : i32 to index
      %get3A_755 = arith.index_cast %add3A_752 : i32 to index
      %get3A_756 = tpu.vector_load %arg5[%get3A_754, %get3A_755] {strides = array<i32>} : memref<4x8736xf32, #tpu.memory_space<vmem>>, vector<1x16xf32>,
      %get3A_757 = vector.shape_cast %get3A_756 : vector<1x16xf32> to vector<16xf32>
      %max3A_758 = arith.maximumf %max3A_750, %get3A_757 : vector<16xf32>
      %add3A_759 = arith.constant 64 : i32
      %add3A_760 = arith.addi %mul3A_726, %add3A_759 : i32
      %get3A_761 = arith.constant 0 : i32
      %get3A_762 = arith.index_cast %get3A_761 : i32 to index
      %get3A_763 = arith.index_cast %add3A_760 : i32 to index
      %get3A_764 = tpu.vector_load %arg5[%get3A_762, %get3A_763] {strides = array<i32>} : memref<4x8736xf32, #tpu.memory_space<vmem>>, vector<1x16xf32>,
      %get3A_765 = vector.shape_cast %get3A_764 : vector<1x16xf32> to vector<16xf32>
      %max3A_766 = arith.maximumf %max3A_758, %get3A_765 : vector<16xf32>
      %add3A_767 = arith.constant 80 : i32
      %add3A_768 = arith.addi %mul3A_726, %add3A_767 : i32
      %get3A_769 = arith.constant 0 : i32
      %get3A_770 = arith.index_cast %get3A_769 : i32 to index
      %get3A_771 = arith.index_cast %add3A_768 : i32 to index
      %get3A_772 = tpu.vector_load %arg5[%get3A_770, %get3A_771] {strides = array<i32>} : memref<4x8736xf32, #tpu.memory_space<vmem>>, vector<1x16xf32>,
      %get3A_773 = vector.shape_cast %get3A_772 : vector<1x16xf32> to vector<16xf32>
      %max3A_774 = arith.maximumf %max3A_766, %get3A_773 : vector<16xf32>
      %add3A_775 = arith.constant 96 : i32
      %add3A_776 = arith.addi %mul3A_726, %add3A_775 : i32
      %get3A_777 = arith.constant 0 : i32
      %get3A_778 = arith.index_cast %get3A_777 : i32 to index
      %get3A_779 = arith.index_cast %add3A_776 : i32 to index
      %get3A_780 = tpu.vector_load %arg5[%get3A_778, %get3A_779] {strides = array<i32>} : memref<4x8736xf32, #tpu.memory_space<vmem>>, vector<1x16xf32>,
      %get3A_781 = vector.shape_cast %get3A_780 : vector<1x16xf32> to vector<16xf32>
      %max3A_782 = arith.maximumf %max3A_774, %get3A_781 : vector<16xf32>
      %add3A_783 = arith.constant 112 : i32
      %add3A_784 = arith.addi %mul3A_726, %add3A_783 : i32
      %get3A_785 = arith.constant 0 : i32
      %get3A_786 = arith.index_cast %get3A_785 : i32 to index
      %get3A_787 = arith.index_cast %add3A_784 : i32 to index
      %get3A_788 = tpu.vector_load %arg5[%get3A_786, %get3A_787] {strides = array<i32>} : memref<4x8736xf32, #tpu.memory_space<vmem>>, vector<1x16xf32>,
      %get3A_789 = vector.shape_cast %get3A_788 : vector<1x16xf32> to vector<16xf32>
      %max3A_790 = arith.maximumf %max3A_782, %get3A_789 : vector<16xf32>
      %add3A_791 = arith.constant 128 : i32
      %add3A_792 = arith.addi %mul3A_726, %add3A_791 : i32
      %get3A_793 = arith.constant 0 : i32
      %get3A_794 = arith.index_cast %get3A_793 : i32 to index
      %get3A_795 = arith.index_cast %add3A_792 : i32 to index
      %get3A_796 = tpu.vector_load %arg5[%get3A_794, %get3A_795] {strides = array<i32>} : memref<4x8736xf32, #tpu.memory_space<vmem>>, vector<1x16xf32>,
      %get3A_797 = vector.shape_cast %get3A_796 : vector<1x16xf32> to vector<16xf32>
      %max3A_798 = arith.maximumf %max3A_790, %get3A_797 : vector<16xf32>
      %add3A_799 = arith.constant 144 : i32
      %add3A_800 = arith.addi %mul3A_726, %add3A_799 : i32
      %get3A_801 = arith.constant 0 : i32
      %get3A_802 = arith.index_cast %get3A_801 : i32 to index
      %get3A_803 = arith.index_cast %add3A_800 : i32 to index
      %get3A_804 = tpu.vector_load %arg5[%get3A_802, %get3A_803] {strides = array<i32>} : memref<4x8736xf32, #tpu.memory_space<vmem>>, vector<1x16xf32>,
      %get3A_805 = vector.shape_cast %get3A_804 : vector<1x16xf32> to vector<16xf32>
      %max3A_806 = arith.maximumf %max3A_798, %get3A_805 : vector<16xf32>
      %add3A_807 = arith.constant 160 : i32
      %add3A_808 = arith.addi %mul3A_726, %add3A_807 : i32
      %get3A_809 = arith.constant 0 : i32
      %get3A_810 = arith.index_cast %get3A_809 : i32 to index
      %get3A_811 = arith.index_cast %add3A_808 : i32 to index
      %get3A_812 = tpu.vector_load %arg5[%get3A_810, %get3A_811] {strides = array<i32>} : memref<4x8736xf32, #tpu.memory_space<vmem>>, vector<1x16xf32>,
      %get3A_813 = vector.shape_cast %get3A_812 : vector<1x16xf32> to vector<16xf32>
      %max3A_814 = arith.maximumf %max3A_806, %get3A_813 : vector<16xf32>
      %add3A_815 = arith.constant 176 : i32
      %add3A_816 = arith.addi %mul3A_726, %add3A_815 : i32
      %get3A_817 = arith.constant 0 : i32
      %get3A_818 = arith.index_cast %get3A_817 : i32 to index
      %get3A_819 = arith.index_cast %add3A_816 : i32 to index
      %get3A_820 = tpu.vector_load %arg5[%get3A_818, %get3A_819] {strides = array<i32>} : memref<4x8736xf32, #tpu.memory_space<vmem>>, vector<1x16xf32>,
      %get3A_821 = vector.shape_cast %get3A_820 : vector<1x16xf32> to vector<16xf32>
      %max3A_822 = arith.maximumf %max3A_814, %get3A_821 : vector<16xf32>
      %add3A_823 = arith.constant 192 : i32
      %add3A_824 = arith.addi %mul3A_726, %add3A_823 : i32
      %get3A_825 = arith.constant 0 : i32
      %get3A_826 = arith.index_cast %get3A_825 : i32 to index
      %get3A_827 = arith.index_cast %add3A_824 : i32 to index
      %get3A_828 = tpu.vector_load %arg5[%get3A_826, %get3A_827] {strides = array<i32>} : memref<4x8736xf32, #tpu.memory_space<vmem>>, vector<1x16xf32>,
      %get3A_829 = vector.shape_cast %get3A_828 : vector<1x16xf32> to vector<16xf32>
      %max3A_830 = arith.maximumf %max3A_822, %get3A_829 : vector<16xf32>
      scf.yield %max3A_830 : vector<16xf32>
    }
    %scan3A_14 = arith.constant 42 : i32
    %swap3A = arith.constant 0 : index
    %swap3A_15 = tpu.vector_load %arg8[%swap3A] {strides = array<i32>} : memref<32xf32, #tpu.memory_space<vmem>>, vector<16xf32>,
    %swap3A_16 = vector.shape_cast %swap3A_15 : vector<16xf32> to vector<16xf32>
    %swap3A_17 = vector.shape_cast %scan3A_13 : vector<16xf32> to vector<16xf32>
    tpu.vector_store %arg8[%swap3A], %swap3A_17 {strides = array<i32>} : memref<32xf32, #tpu.memory_space<vmem>>, vector<16xf32>,
    %swap3A_18 = arith.constant 16 : index
    %swap3A_19 = tpu.vector_load %arg8[%swap3A_18] {strides = array<i32>} : memref<32xf32, #tpu.memory_space<vmem>>, vector<16xf32>,
    %swap3A_20 = vector.shape_cast %swap3A_19 : vector<16xf32> to vector<16xf32>
    %swap3A_21 = vector.shape_cast %scan3A_13 : vector<16xf32> to vector<16xf32>
    tpu.vector_store %arg8[%swap3A_18], %swap3A_21 {strides = array<i32>} : memref<32xf32, #tpu.memory_space<vmem>>, vector<16xf32>,
    %get3A_22 = arith.constant 8 : index
    %get3A_23 = tpu.vector_load %arg8[%get3A_22] {strides = array<i32>} : memref<32xf32, #tpu.memory_space<vmem>>, vector<16xf32>,
    %get3A_24 = vector.shape_cast %get3A_23 : vector<16xf32> to vector<16xf32>
    %max3A = arith.maximumf %scan3A_13, %get3A_24 : vector<16xf32>
    %swap3A_25 = arith.constant 0 : index
    %swap3A_26 = tpu.vector_load %arg8[%swap3A_25] {strides = array<i32>} : memref<32xf32, #tpu.memory_space<vmem>>, vector<16xf32>,
    %swap3A_27 = vector.shape_cast %swap3A_26 : vector<16xf32> to vector<16xf32>
    %swap3A_28 = vector.shape_cast %max3A : vector<16xf32> to vector<16xf32>
    tpu.vector_store %arg8[%swap3A_25], %swap3A_28 {strides = array<i32>} : memref<32xf32, #tpu.memory_space<vmem>>, vector<16xf32>,
    %swap3A_29 = arith.constant 16 : index
    %swap3A_30 = tpu.vector_load %arg8[%swap3A_29] {strides = array<i32>} : memref<32xf32, #tpu.memory_space<vmem>>, vector<16xf32>,
    %swap3A_31 = vector.shape_cast %swap3A_30 : vector<16xf32> to vector<16xf32>
    %swap3A_32 = vector.shape_cast %max3A : vector<16xf32> to vector<16xf32>
    tpu.vector_store %arg8[%swap3A_29], %swap3A_32 {strides = array<i32>} : memref<32xf32, #tpu.memory_space<vmem>>, vector<16xf32>,
    %get3A_33 = arith.constant 4 : index
    %get3A_34 = tpu.vector_load %arg8[%get3A_33] {strides = array<i32>} : memref<32xf32, #tpu.memory_space<vmem>>, vector<16xf32>,
    %get3A_35 = vector.shape_cast %get3A_34 : vector<16xf32> to vector<16xf32>
    %max3A_36 = arith.maximumf %max3A, %get3A_35 : vector<16xf32>
    %swap3A_37 = arith.constant 0 : index
    %swap3A_38 = tpu.vector_load %arg8[%swap3A_37] {strides = array<i32>} : memref<32xf32, #tpu.memory_space<vmem>>, vector<16xf32>,
    %swap3A_39 = vector.shape_cast %swap3A_38 : vector<16xf32> to vector<16xf32>
    %swap3A_40 = vector.shape_cast %max3A_36 : vector<16xf32> to vector<16xf32>
    tpu.vector_store %arg8[%swap3A_37], %swap3A_40 {strides = array<i32>} : memref<32xf32, #tpu.memory_space<vmem>>, vector<16xf32>,
    %swap3A_41 = arith.constant 16 : index
    %swap3A_42 = tpu.vector_load %arg8[%swap3A_41] {strides = array<i32>} : memref<32xf32, #tpu.memory_space<vmem>>, vector<16xf32>,
    %swap3A_43 = vector.shape_cast %swap3A_42 : vector<16xf32> to vector<16xf32>
    %swap3A_44 = vector.shape_cast %max3A_36 : vector<16xf32> to vector<16xf32>
    tpu.vector_store %arg8[%swap3A_41], %swap3A_44 {strides = array<i32>} : memref<32xf32, #tpu.memory_space<vmem>>, vector<16xf32>,
    %get3A_45 = arith.constant 2 : index
    %get3A_46 = tpu.vector_load %arg8[%get3A_45] {strides = array<i32>} : memref<32xf32, #tpu.memory_space<vmem>>, vector<16xf32>,
    %get3A_47 = vector.shape_cast %get3A_46 : vector<16xf32> to vector<16xf32>
    %max3A_48 = arith.maximumf %max3A_36, %get3A_47 : vector<16xf32>
    %swap3A_49 = arith.constant 0 : index
    %swap3A_50 = tpu.vector_load %arg8[%swap3A_49] {strides = array<i32>} : memref<32xf32, #tpu.memory_space<vmem>>, vector<16xf32>,
    %swap3A_51 = vector.shape_cast %swap3A_50 : vector<16xf32> to vector<16xf32>
    %swap3A_52 = vector.shape_cast %max3A_48 : vector<16xf32> to vector<16xf32>
    tpu.vector_store %arg8[%swap3A_49], %swap3A_52 {strides = array<i32>} : memref<32xf32, #tpu.memory_space<vmem>>, vector<16xf32>,
    %swap3A_53 = arith.constant 16 : index
    %swap3A_54 = tpu.vector_load %arg8[%swap3A_53] {strides = array<i32>} : memref<32xf32, #tpu.memory_space<vmem>>, vector<16xf32>,
    %swap3A_55 = vector.shape_cast %swap3A_54 : vector<16xf32> to vector<16xf32>
    %swap3A_56 = vector.shape_cast %max3A_48 : vector<16xf32> to vector<16xf32>
    tpu.vector_store %arg8[%swap3A_53], %swap3A_56 {strides = array<i32>} : memref<32xf32, #tpu.memory_space<vmem>>, vector<16xf32>,
    %get3A_57 = arith.constant 1 : index
    %get3A_58 = tpu.vector_load %arg8[%get3A_57] {strides = array<i32>} : memref<32xf32, #tpu.memory_space<vmem>>, vector<16xf32>,
    %get3A_59 = vector.shape_cast %get3A_58 : vector<16xf32> to vector<16xf32>
    %max3A_60 = arith.maximumf %max3A_48, %get3A_59 : vector<16xf32>
    %mul3A_61 = arith.constant 1.00000095 : f32
    %mul3A_62 = vector.broadcast %mul3A_61 : f32 to vector<16xf32>
    %mul3A_63 = arith.mulf %max3A_60, %mul3A_62 : vector<16xf32>
    %add3A_64 = arith.constant 1.000000e-30 : f32
    %add3A_65 = vector.broadcast %add3A_64 : f32 to vector<16xf32>
    %add3A_66 = arith.addf %mul3A_63, %add3A_65 : vector<16xf32>
    %scan3A_67 = arith.constant 0 : i32
    %scan3A_68 = arith.constant 20 : i32
    %scan3A_69 = arith.addi %scan3A_67, %scan3A_68 : i32
    %scan3A_70 = arith.constant 1 : i32
    %scan3A_71:2 = scf.for %scan3A_723 = %scan3A_67 to %scan3A_69 step %scan3A_70 iter_args(%scan3A_724 = %broadcast_in_dim3A_5, %scan3A_725 = %add3A_66) -> (vector<16xf32>, vector<16xf32>)  : i32 {
      %add3A_726 = arith.addf %scan3A_724, %scan3A_725 : vector<16xf32>
      %mul3A_727 = arith.constant 5.000000e-01 : f32
      %mul3A_728 = vector.broadcast %mul3A_727 : f32 to vector<16xf32>
      %mul3A_729 = arith.mulf %mul3A_728, %add3A_726 : vector<16xf32>
      %scan3A_730 = arith.constant 0 : i32
      %scan3A_731 = arith.constant 42 : i32
      %scan3A_732 = arith.addi %scan3A_730, %scan3A_731 : i32
      %scan3A_733 = arith.constant 1 : i32
      %scan3A_734 = scf.for %scan3A_786 = %scan3A_730 to %scan3A_732 step %scan3A_733 iter_args(%scan3A_787 = %broadcast_in_dim3A_5) -> (vector<16xf32>)  : i32 {
        %mul3A_788 = arith.constant 208 : i32
        %mul3A_789 = arith.muli %scan3A_786, %mul3A_788 : i32
        %add3A_790 = arith.constant 0 : i32
        %add3A_791 = arith.addi %mul3A_789, %add3A_790 : i32
        %get3A_792 = arith.constant 0 : i32
        %get3A_793 = arith.index_cast %get3A_792 : i32 to index
        %get3A_794 = arith.index_cast %add3A_791 : i32 to index
        %get3A_795 = tpu.vector_load %arg5[%get3A_793, %get3A_794] {strides = array<i32>} : memref<4x8736xf32, #tpu.memory_space<vmem>>, vector<1x16xf32>,
        %get3A_796 = vector.shape_cast %get3A_795 : vector<1x16xf32> to vector<16xf32>
        %ge3A_797 = arith.cmpf oge, %get3A_796, %mul3A_729 : vector<16xf32>
        %select_n3A_798 = arith.select %ge3A_797, %broadcast_in_dim3A_3, %broadcast_in_dim3A_5 : vector<16xi1>, vector<16xf32>
        %add3A_799 = arith.addf %scan3A_787, %select_n3A_798 : vector<16xf32>
        %add3A_800 = arith.constant 16 : i32
        %add3A_801 = arith.addi %mul3A_789, %add3A_800 : i32
        %get3A_802 = arith.constant 0 : i32
        %get3A_803 = arith.index_cast %get3A_802 : i32 to index
        %get3A_804 = arith.index_cast %add3A_801 : i32 to index
        %get3A_805 = tpu.vector_load %arg5[%get3A_803, %get3A_804] {strides = array<i32>} : memref<4x8736xf32, #tpu.memory_space<vmem>>, vector<1x16xf32>,
        %get3A_806 = vector.shape_cast %get3A_805 : vector<1x16xf32> to vector<16xf32>
        %ge3A_807 = arith.cmpf oge, %get3A_806, %mul3A_729 : vector<16xf32>
        %select_n3A_808 = arith.select %ge3A_807, %broadcast_in_dim3A_3, %broadcast_in_dim3A_5 : vector<16xi1>, vector<16xf32>
        %add3A_809 = arith.addf %add3A_799, %select_n3A_808 : vector<16xf32>
        %add3A_810 = arith.constant 32 : i32
        %add3A_811 = arith.addi %mul3A_789, %add3A_810 : i32
        %get3A_812 = arith.constant 0 : i32
        %get3A_813 = arith.index_cast %get3A_812 : i32 to index
        %get3A_814 = arith.index_cast %add3A_811 : i32 to index
        %get3A_815 = tpu.vector_load %arg5[%get3A_813, %get3A_814] {strides = array<i32>} : memref<4x8736xf32, #tpu.memory_space<vmem>>, vector<1x16xf32>,
        %get3A_816 = vector.shape_cast %get3A_815 : vector<1x16xf32> to vector<16xf32>
        %ge3A_817 = arith.cmpf oge, %get3A_816, %mul3A_729 : vector<16xf32>
        %select_n3A_818 = arith.select %ge3A_817, %broadcast_in_dim3A_3, %broadcast_in_dim3A_5 : vector<16xi1>, vector<16xf32>
        %add3A_819 = arith.addf %add3A_809, %select_n3A_818 : vector<16xf32>
        %add3A_820 = arith.constant 48 : i32
        %add3A_821 = arith.addi %mul3A_789, %add3A_820 : i32
        %get3A_822 = arith.constant 0 : i32
        %get3A_823 = arith.index_cast %get3A_822 : i32 to index
        %get3A_824 = arith.index_cast %add3A_821 : i32 to index
        %get3A_825 = tpu.vector_load %arg5[%get3A_823, %get3A_824] {strides = array<i32>} : memref<4x8736xf32, #tpu.memory_space<vmem>>, vector<1x16xf32>,
        %get3A_826 = vector.shape_cast %get3A_825 : vector<1x16xf32> to vector<16xf32>
        %ge3A_827 = arith.cmpf oge, %get3A_826, %mul3A_729 : vector<16xf32>
        %select_n3A_828 = arith.select %ge3A_827, %broadcast_in_dim3A_3, %broadcast_in_dim3A_5 : vector<16xi1>, vector<16xf32>
        %add3A_829 = arith.addf %add3A_819, %select_n3A_828 : vector<16xf32>
        %add3A_830 = arith.constant 64 : i32
        %add3A_831 = arith.addi %mul3A_789, %add3A_830 : i32
        %get3A_832 = arith.constant 0 : i32
        %get3A_833 = arith.index_cast %get3A_832 : i32 to index
        %get3A_834 = arith.index_cast %add3A_831 : i32 to index
        %get3A_835 = tpu.vector_load %arg5[%get3A_833, %get3A_834] {strides = array<i32>} : memref<4x8736xf32, #tpu.memory_space<vmem>>, vector<1x16xf32>,
        %get3A_836 = vector.shape_cast %get3A_835 : vector<1x16xf32> to vector<16xf32>
        %ge3A_837 = arith.cmpf oge, %get3A_836, %mul3A_729 : vector<16xf32>
        %select_n3A_838 = arith.select %ge3A_837, %broadcast_in_dim3A_3, %broadcast_in_dim3A_5 : vector<16xi1>, vector<16xf32>
        %add3A_839 = arith.addf %add3A_829, %select_n3A_838 : vector<16xf32>
        %add3A_840 = arith.constant 80 : i32
        %add3A_841 = arith.addi %mul3A_789, %add3A_840 : i32
        %get3A_842 = arith.constant 0 : i32
        %get3A_843 = arith.index_cast %get3A_842 : i32 to index
        %get3A_844 = arith.index_cast %add3A_841 : i32 to index
        %get3A_845 = tpu.vector_load %arg5[%get3A_843, %get3A_844] {strides = array<i32>} : memref<4x8736xf32, #tpu.memory_space<vmem>>, vector<1x16xf32>,
        %get3A_846 = vector.shape_cast %get3A_845 : vector<1x16xf32> to vector<16xf32>
        %ge3A_847 = arith.cmpf oge, %get3A_846, %mul3A_729 : vector<16xf32>
        %select_n3A_848 = arith.select %ge3A_847, %broadcast_in_dim3A_3, %broadcast_in_dim3A_5 : vector<16xi1>, vector<16xf32>
        %add3A_849 = arith.addf %add3A_839, %select_n3A_848 : vector<16xf32>
        %add3A_850 = arith.constant 96 : i32
        %add3A_851 = arith.addi %mul3A_789, %add3A_850 : i32
        %get3A_852 = arith.constant 0 : i32
        %get3A_853 = arith.index_cast %get3A_852 : i32 to index
        %get3A_854 = arith.index_cast %add3A_851 : i32 to index
        %get3A_855 = tpu.vector_load %arg5[%get3A_853, %get3A_854] {strides = array<i32>} : memref<4x8736xf32, #tpu.memory_space<vmem>>, vector<1x16xf32>,
        %get3A_856 = vector.shape_cast %get3A_855 : vector<1x16xf32> to vector<16xf32>
        %ge3A_857 = arith.cmpf oge, %get3A_856, %mul3A_729 : vector<16xf32>
        %select_n3A_858 = arith.select %ge3A_857, %broadcast_in_dim3A_3, %broadcast_in_dim3A_5 : vector<16xi1>, vector<16xf32>
        %add3A_859 = arith.addf %add3A_849, %select_n3A_858 : vector<16xf32>
        %add3A_860 = arith.constant 112 : i32
        %add3A_861 = arith.addi %mul3A_789, %add3A_860 : i32
        %get3A_862 = arith.constant 0 : i32
        %get3A_863 = arith.index_cast %get3A_862 : i32 to index
        %get3A_864 = arith.index_cast %add3A_861 : i32 to index
        %get3A_865 = tpu.vector_load %arg5[%get3A_863, %get3A_864] {strides = array<i32>} : memref<4x8736xf32, #tpu.memory_space<vmem>>, vector<1x16xf32>,
        %get3A_866 = vector.shape_cast %get3A_865 : vector<1x16xf32> to vector<16xf32>
        %ge3A_867 = arith.cmpf oge, %get3A_866, %mul3A_729 : vector<16xf32>
        %select_n3A_868 = arith.select %ge3A_867, %broadcast_in_dim3A_3, %broadcast_in_dim3A_5 : vector<16xi1>, vector<16xf32>
        %add3A_869 = arith.addf %add3A_859, %select_n3A_868 : vector<16xf32>
        %add3A_870 = arith.constant 128 : i32
        %add3A_871 = arith.addi %mul3A_789, %add3A_870 : i32
        %get3A_872 = arith.constant 0 : i32
        %get3A_873 = arith.index_cast %get3A_872 : i32 to index
        %get3A_874 = arith.index_cast %add3A_871 : i32 to index
        %get3A_875 = tpu.vector_load %arg5[%get3A_873, %get3A_874] {strides = array<i32>} : memref<4x8736xf32, #tpu.memory_space<vmem>>, vector<1x16xf32>,
        %get3A_876 = vector.shape_cast %get3A_875 : vector<1x16xf32> to vector<16xf32>
        %ge3A_877 = arith.cmpf oge, %get3A_876, %mul3A_729 : vector<16xf32>
        %select_n3A_878 = arith.select %ge3A_877, %broadcast_in_dim3A_3, %broadcast_in_dim3A_5 : vector<16xi1>, vector<16xf32>
        %add3A_879 = arith.addf %add3A_869, %select_n3A_878 : vector<16xf32>
        %add3A_880 = arith.constant 144 : i32
        %add3A_881 = arith.addi %mul3A_789, %add3A_880 : i32
        %get3A_882 = arith.constant 0 : i32
        %get3A_883 = arith.index_cast %get3A_882 : i32 to index
        %get3A_884 = arith.index_cast %add3A_881 : i32 to index
        %get3A_885 = tpu.vector_load %arg5[%get3A_883, %get3A_884] {strides = array<i32>} : memref<4x8736xf32, #tpu.memory_space<vmem>>, vector<1x16xf32>,
        %get3A_886 = vector.shape_cast %get3A_885 : vector<1x16xf32> to vector<16xf32>
        %ge3A_887 = arith.cmpf oge, %get3A_886, %mul3A_729 : vector<16xf32>
        %select_n3A_888 = arith.select %ge3A_887, %broadcast_in_dim3A_3, %broadcast_in_dim3A_5 : vector<16xi1>, vector<16xf32>
        %add3A_889 = arith.addf %add3A_879, %select_n3A_888 : vector<16xf32>
        %add3A_890 = arith.constant 160 : i32
        %add3A_891 = arith.addi %mul3A_789, %add3A_890 : i32
        %get3A_892 = arith.constant 0 : i32
        %get3A_893 = arith.index_cast %get3A_892 : i32 to index
        %get3A_894 = arith.index_cast %add3A_891 : i32 to index
        %get3A_895 = tpu.vector_load %arg5[%get3A_893, %get3A_894] {strides = array<i32>} : memref<4x8736xf32, #tpu.memory_space<vmem>>, vector<1x16xf32>,
        %get3A_896 = vector.shape_cast %get3A_895 : vector<1x16xf32> to vector<16xf32>
        %ge3A_897 = arith.cmpf oge, %get3A_896, %mul3A_729 : vector<16xf32>
        %select_n3A_898 = arith.select %ge3A_897, %broadcast_in_dim3A_3, %broadcast_in_dim3A_5 : vector<16xi1>, vector<16xf32>
        %add3A_899 = arith.addf %add3A_889, %select_n3A_898 : vector<16xf32>
        %add3A_900 = arith.constant 176 : i32
        %add3A_901 = arith.addi %mul3A_789, %add3A_900 : i32
        %get3A_902 = arith.constant 0 : i32
        %get3A_903 = arith.index_cast %get3A_902 : i32 to index
        %get3A_904 = arith.index_cast %add3A_901 : i32 to index
        %get3A_905 = tpu.vector_load %arg5[%get3A_903, %get3A_904] {strides = array<i32>} : memref<4x8736xf32, #tpu.memory_space<vmem>>, vector<1x16xf32>,
        %get3A_906 = vector.shape_cast %get3A_905 : vector<1x16xf32> to vector<16xf32>
        %ge3A_907 = arith.cmpf oge, %get3A_906, %mul3A_729 : vector<16xf32>
        %select_n3A_908 = arith.select %ge3A_907, %broadcast_in_dim3A_3, %broadcast_in_dim3A_5 : vector<16xi1>, vector<16xf32>
        %add3A_909 = arith.addf %add3A_899, %select_n3A_908 : vector<16xf32>
        %add3A_910 = arith.constant 192 : i32
        %add3A_911 = arith.addi %mul3A_789, %add3A_910 : i32
        %get3A_912 = arith.constant 0 : i32
        %get3A_913 = arith.index_cast %get3A_912 : i32 to index
        %get3A_914 = arith.index_cast %add3A_911 : i32 to index
        %get3A_915 = tpu.vector_load %arg5[%get3A_913, %get3A_914] {strides = array<i32>} : memref<4x8736xf32, #tpu.memory_space<vmem>>, vector<1x16xf32>,
        %get3A_916 = vector.shape_cast %get3A_915 : vector<1x16xf32> to vector<16xf32>
        %ge3A_917 = arith.cmpf oge, %get3A_916, %mul3A_729 : vector<16xf32>
        %select_n3A_918 = arith.select %ge3A_917, %broadcast_in_dim3A_3, %broadcast_in_dim3A_5 : vector<16xi1>, vector<16xf32>
        %add3A_919 = arith.addf %add3A_909, %select_n3A_918 : vector<16xf32>
        scf.yield %add3A_919 : vector<16xf32>
      }
      %scan3A_735 = arith.constant 42 : i32
      %swap3A_736 = arith.constant 0 : index
      %swap3A_737 = tpu.vector_load %arg8[%swap3A_736] {strides = array<i32>} : memref<32xf32, #tpu.memory_space<vmem>>, vector<16xf32>,
      %swap3A_738 = vector.shape_cast %swap3A_737 : vector<16xf32> to vector<16xf32>
      %swap3A_739 = vector.shape_cast %scan3A_734 : vector<16xf32> to vector<16xf32>
      tpu.vector_store %arg8[%swap3A_736], %swap3A_739 {strides = array<i32>} : memref<32xf32, #tpu.memory_space<vmem>>, vector<16xf32>,
      %swap3A_740 = arith.constant 16 : index
      %swap3A_741 = tpu.vector_load %arg8[%swap3A_740] {strides = array<i32>} : memref<32xf32, #tpu.memory_space<vmem>>, vector<16xf32>,
      %swap3A_742 = vector.shape_cast %swap3A_741 : vector<16xf32> to vector<16xf32>
      %swap3A_743 = vector.shape_cast %scan3A_734 : vector<16xf32> to vector<16xf32>
      tpu.vector_store %arg8[%swap3A_740], %swap3A_743 {strides = array<i32>} : memref<32xf32, #tpu.memory_space<vmem>>, vector<16xf32>,
      %get3A_744 = arith.constant 8 : index
      %get3A_745 = tpu.vector_load %arg8[%get3A_744] {strides = array<i32>} : memref<32xf32, #tpu.memory_space<vmem>>, vector<16xf32>,
      %get3A_746 = vector.shape_cast %get3A_745 : vector<16xf32> to vector<16xf32>
      %add3A_747 = arith.addf %scan3A_734, %get3A_746 : vector<16xf32>
      %swap3A_748 = arith.constant 0 : index
      %swap3A_749 = tpu.vector_load %arg8[%swap3A_748] {strides = array<i32>} : memref<32xf32, #tpu.memory_space<vmem>>, vector<16xf32>,
      %swap3A_750 = vector.shape_cast %swap3A_749 : vector<16xf32> to vector<16xf32>
      %swap3A_751 = vector.shape_cast %add3A_747 : vector<16xf32> to vector<16xf32>
      tpu.vector_store %arg8[%swap3A_748], %swap3A_751 {strides = array<i32>} : memref<32xf32, #tpu.memory_space<vmem>>, vector<16xf32>,
      %swap3A_752 = arith.constant 16 : index
      %swap3A_753 = tpu.vector_load %arg8[%swap3A_752] {strides = array<i32>} : memref<32xf32, #tpu.memory_space<vmem>>, vector<16xf32>,
      %swap3A_754 = vector.shape_cast %swap3A_753 : vector<16xf32> to vector<16xf32>
      %swap3A_755 = vector.shape_cast %add3A_747 : vector<16xf32> to vector<16xf32>
      tpu.vector_store %arg8[%swap3A_752], %swap3A_755 {strides = array<i32>} : memref<32xf32, #tpu.memory_space<vmem>>, vector<16xf32>,
      %get3A_756 = arith.constant 4 : index
      %get3A_757 = tpu.vector_load %arg8[%get3A_756] {strides = array<i32>} : memref<32xf32, #tpu.memory_space<vmem>>, vector<16xf32>,
      %get3A_758 = vector.shape_cast %get3A_757 : vector<16xf32> to vector<16xf32>
      %add3A_759 = arith.addf %add3A_747, %get3A_758 : vector<16xf32>
      %swap3A_760 = arith.constant 0 : index
      %swap3A_761 = tpu.vector_load %arg8[%swap3A_760] {strides = array<i32>} : memref<32xf32, #tpu.memory_space<vmem>>, vector<16xf32>,
      %swap3A_762 = vector.shape_cast %swap3A_761 : vector<16xf32> to vector<16xf32>
      %swap3A_763 = vector.shape_cast %add3A_759 : vector<16xf32> to vector<16xf32>
      tpu.vector_store %arg8[%swap3A_760], %swap3A_763 {strides = array<i32>} : memref<32xf32, #tpu.memory_space<vmem>>, vector<16xf32>,
      %swap3A_764 = arith.constant 16 : index
      %swap3A_765 = tpu.vector_load %arg8[%swap3A_764] {strides = array<i32>} : memref<32xf32, #tpu.memory_space<vmem>>, vector<16xf32>,
      %swap3A_766 = vector.shape_cast %swap3A_765 : vector<16xf32> to vector<16xf32>
      %swap3A_767 = vector.shape_cast %add3A_759 : vector<16xf32> to vector<16xf32>
      tpu.vector_store %arg8[%swap3A_764], %swap3A_767 {strides = array<i32>} : memref<32xf32, #tpu.memory_space<vmem>>, vector<16xf32>,
      %get3A_768 = arith.constant 2 : index
      %get3A_769 = tpu.vector_load %arg8[%get3A_768] {strides = array<i32>} : memref<32xf32, #tpu.memory_space<vmem>>, vector<16xf32>,
      %get3A_770 = vector.shape_cast %get3A_769 : vector<16xf32> to vector<16xf32>
      %add3A_771 = arith.addf %add3A_759, %get3A_770 : vector<16xf32>
      %swap3A_772 = arith.constant 0 : index
      %swap3A_773 = tpu.vector_load %arg8[%swap3A_772] {strides = array<i32>} : memref<32xf32, #tpu.memory_space<vmem>>, vector<16xf32>,
      %swap3A_774 = vector.shape_cast %swap3A_773 : vector<16xf32> to vector<16xf32>
      %swap3A_775 = vector.shape_cast %add3A_771 : vector<16xf32> to vector<16xf32>
      tpu.vector_store %arg8[%swap3A_772], %swap3A_775 {strides = array<i32>} : memref<32xf32, #tpu.memory_space<vmem>>, vector<16xf32>,
      %swap3A_776 = arith.constant 16 : index
      %swap3A_777 = tpu.vector_load %arg8[%swap3A_776] {strides = array<i32>} : memref<32xf32, #tpu.memory_space<vmem>>, vector<16xf32>,
      %swap3A_778 = vector.shape_cast %swap3A_777 : vector<16xf32> to vector<16xf32>
      %swap3A_779 = vector.shape_cast %add3A_771 : vector<16xf32> to vector<16xf32>
      tpu.vector_store %arg8[%swap3A_776], %swap3A_779 {strides = array<i32>} : memref<32xf32, #tpu.memory_space<vmem>>, vector<16xf32>,
      %get3A_780 = arith.constant 1 : index
      %get3A_781 = tpu.vector_load %arg8[%get3A_780] {strides = array<i32>} : memref<32xf32, #tpu.memory_space<vmem>>, vector<16xf32>,
      %get3A_782 = vector.shape_cast %get3A_781 : vector<16xf32> to vector<16xf32>
      %add3A_783 = arith.addf %add3A_771, %get3A_782 : vector<16xf32>
      %ge3A = arith.cmpf oge, %add3A_783, %get3A_9 : vector<16xf32>
      %select_n3A_784 = arith.select %ge3A, %mul3A_729, %scan3A_724 : vector<16xi1>, vector<16xf32>
      %select_n3A_785 = arith.select %ge3A, %scan3A_725, %mul3A_729 : vector<16xi1>, vector<16xf32>
      scf.yield %select_n3A_784, %select_n3A_785 : vector<16xf32>, vector<16xf32>
    }
    %scan3A_72 = arith.constant 20 : i32
    %scan3A_73 = arith.constant 0 : i32
    %scan3A_74 = arith.constant 42 : i32
    %scan3A_75 = arith.addi %scan3A_73, %scan3A_74 : i32
    %scan3A_76 = arith.constant 1 : i32
    %scan3A_77:2 = scf.for %scan3A_723 = %scan3A_73 to %scan3A_75 step %scan3A_76 iter_args(%scan3A_724 = %broadcast_in_dim3A_5, %scan3A_725 = %broadcast_in_dim3A_5) -> (vector<16xf32>, vector<16xf32>)  : i32 {
      %mul3A_726 = arith.constant 208 : i32
      %mul3A_727 = arith.muli %scan3A_723, %mul3A_726 : i32
      %add3A_728 = arith.constant 0 : i32
      %add3A_729 = arith.addi %mul3A_727, %add3A_728 : i32
      %get3A_730 = arith.constant 0 : i32
      %get3A_731 = arith.index_cast %get3A_730 : i32 to index
      %get3A_732 = arith.index_cast %add3A_729 : i32 to index
      %get3A_733 = tpu.vector_load %arg5[%get3A_731, %get3A_732] {strides = array<i32>} : memref<4x8736xf32, #tpu.memory_space<vmem>>, vector<1x16xf32>,
      %get3A_734 = vector.shape_cast %get3A_733 : vector<1x16xf32> to vector<16xf32>
      %gt3A = arith.cmpf ogt, %get3A_734, %scan3A_71#0 : vector<16xf32>
      %select_n3A_735 = arith.select %gt3A, %broadcast_in_dim3A_3, %broadcast_in_dim3A_5 : vector<16xi1>, vector<16xf32>
      %add3A_736 = arith.addf %scan3A_724, %select_n3A_735 : vector<16xf32>
      %select_n3A_737 = arith.select %gt3A, %get3A_734, %broadcast_in_dim3A_5 : vector<16xi1>, vector<16xf32>
      %add3A_738 = arith.addf %scan3A_725, %select_n3A_737 : vector<16xf32>
      %add3A_739 = arith.constant 16 : i32
      %add3A_740 = arith.addi %mul3A_727, %add3A_739 : i32
      %get3A_741 = arith.constant 0 : i32
      %get3A_742 = arith.index_cast %get3A_741 : i32 to index
      %get3A_743 = arith.index_cast %add3A_740 : i32 to index
      %get3A_744 = tpu.vector_load %arg5[%get3A_742, %get3A_743] {strides = array<i32>} : memref<4x8736xf32, #tpu.memory_space<vmem>>, vector<1x16xf32>,
      %get3A_745 = vector.shape_cast %get3A_744 : vector<1x16xf32> to vector<16xf32>
      %gt3A_746 = arith.cmpf ogt, %get3A_745, %scan3A_71#0 : vector<16xf32>
      %select_n3A_747 = arith.select %gt3A_746, %broadcast_in_dim3A_3, %broadcast_in_dim3A_5 : vector<16xi1>, vector<16xf32>
      %add3A_748 = arith.addf %add3A_736, %select_n3A_747 : vector<16xf32>
      %select_n3A_749 = arith.select %gt3A_746, %get3A_745, %broadcast_in_dim3A_5 : vector<16xi1>, vector<16xf32>
      %add3A_750 = arith.addf %add3A_738, %select_n3A_749 : vector<16xf32>
      %add3A_751 = arith.constant 32 : i32
      %add3A_752 = arith.addi %mul3A_727, %add3A_751 : i32
      %get3A_753 = arith.constant 0 : i32
      %get3A_754 = arith.index_cast %get3A_753 : i32 to index
      %get3A_755 = arith.index_cast %add3A_752 : i32 to index
      %get3A_756 = tpu.vector_load %arg5[%get3A_754, %get3A_755] {strides = array<i32>} : memref<4x8736xf32, #tpu.memory_space<vmem>>, vector<1x16xf32>,
      %get3A_757 = vector.shape_cast %get3A_756 : vector<1x16xf32> to vector<16xf32>
      %gt3A_758 = arith.cmpf ogt, %get3A_757, %scan3A_71#0 : vector<16xf32>
      %select_n3A_759 = arith.select %gt3A_758, %broadcast_in_dim3A_3, %broadcast_in_dim3A_5 : vector<16xi1>, vector<16xf32>
      %add3A_760 = arith.addf %add3A_748, %select_n3A_759 : vector<16xf32>
      %select_n3A_761 = arith.select %gt3A_758, %get3A_757, %broadcast_in_dim3A_5 : vector<16xi1>, vector<16xf32>
      %add3A_762 = arith.addf %add3A_750, %select_n3A_761 : vector<16xf32>
      %add3A_763 = arith.constant 48 : i32
      %add3A_764 = arith.addi %mul3A_727, %add3A_763 : i32
      %get3A_765 = arith.constant 0 : i32
      %get3A_766 = arith.index_cast %get3A_765 : i32 to index
      %get3A_767 = arith.index_cast %add3A_764 : i32 to index
      %get3A_768 = tpu.vector_load %arg5[%get3A_766, %get3A_767] {strides = array<i32>} : memref<4x8736xf32, #tpu.memory_space<vmem>>, vector<1x16xf32>,
      %get3A_769 = vector.shape_cast %get3A_768 : vector<1x16xf32> to vector<16xf32>
      %gt3A_770 = arith.cmpf ogt, %get3A_769, %scan3A_71#0 : vector<16xf32>
      %select_n3A_771 = arith.select %gt3A_770, %broadcast_in_dim3A_3, %broadcast_in_dim3A_5 : vector<16xi1>, vector<16xf32>
      %add3A_772 = arith.addf %add3A_760, %select_n3A_771 : vector<16xf32>
      %select_n3A_773 = arith.select %gt3A_770, %get3A_769, %broadcast_in_dim3A_5 : vector<16xi1>, vector<16xf32>
      %add3A_774 = arith.addf %add3A_762, %select_n3A_773 : vector<16xf32>
      %add3A_775 = arith.constant 64 : i32
      %add3A_776 = arith.addi %mul3A_727, %add3A_775 : i32
      %get3A_777 = arith.constant 0 : i32
      %get3A_778 = arith.index_cast %get3A_777 : i32 to index
      %get3A_779 = arith.index_cast %add3A_776 : i32 to index
      %get3A_780 = tpu.vector_load %arg5[%get3A_778, %get3A_779] {strides = array<i32>} : memref<4x8736xf32, #tpu.memory_space<vmem>>, vector<1x16xf32>,
      %get3A_781 = vector.shape_cast %get3A_780 : vector<1x16xf32> to vector<16xf32>
      %gt3A_782 = arith.cmpf ogt, %get3A_781, %scan3A_71#0 : vector<16xf32>
      %select_n3A_783 = arith.select %gt3A_782, %broadcast_in_dim3A_3, %broadcast_in_dim3A_5 : vector<16xi1>, vector<16xf32>
      %add3A_784 = arith.addf %add3A_772, %select_n3A_783 : vector<16xf32>
      %select_n3A_785 = arith.select %gt3A_782, %get3A_781, %broadcast_in_dim3A_5 : vector<16xi1>, vector<16xf32>
      %add3A_786 = arith.addf %add3A_774, %select_n3A_785 : vector<16xf32>
      %add3A_787 = arith.constant 80 : i32
      %add3A_788 = arith.addi %mul3A_727, %add3A_787 : i32
      %get3A_789 = arith.constant 0 : i32
      %get3A_790 = arith.index_cast %get3A_789 : i32 to index
      %get3A_791 = arith.index_cast %add3A_788 : i32 to index
      %get3A_792 = tpu.vector_load %arg5[%get3A_790, %get3A_791] {strides = array<i32>} : memref<4x8736xf32, #tpu.memory_space<vmem>>, vector<1x16xf32>,
      %get3A_793 = vector.shape_cast %get3A_792 : vector<1x16xf32> to vector<16xf32>
      %gt3A_794 = arith.cmpf ogt, %get3A_793, %scan3A_71#0 : vector<16xf32>
      %select_n3A_795 = arith.select %gt3A_794, %broadcast_in_dim3A_3, %broadcast_in_dim3A_5 : vector<16xi1>, vector<16xf32>
      %add3A_796 = arith.addf %add3A_784, %select_n3A_795 : vector<16xf32>
      %select_n3A_797 = arith.select %gt3A_794, %get3A_793, %broadcast_in_dim3A_5 : vector<16xi1>, vector<16xf32>
      %add3A_798 = arith.addf %add3A_786, %select_n3A_797 : vector<16xf32>
      %add3A_799 = arith.constant 96 : i32
      %add3A_800 = arith.addi %mul3A_727, %add3A_799 : i32
      %get3A_801 = arith.constant 0 : i32
      %get3A_802 = arith.index_cast %get3A_801 : i32 to index
      %get3A_803 = arith.index_cast %add3A_800 : i32 to index
      %get3A_804 = tpu.vector_load %arg5[%get3A_802, %get3A_803] {strides = array<i32>} : memref<4x8736xf32, #tpu.memory_space<vmem>>, vector<1x16xf32>,
      %get3A_805 = vector.shape_cast %get3A_804 : vector<1x16xf32> to vector<16xf32>
      %gt3A_806 = arith.cmpf ogt, %get3A_805, %scan3A_71#0 : vector<16xf32>
      %select_n3A_807 = arith.select %gt3A_806, %broadcast_in_dim3A_3, %broadcast_in_dim3A_5 : vector<16xi1>, vector<16xf32>
      %add3A_808 = arith.addf %add3A_796, %select_n3A_807 : vector<16xf32>
      %select_n3A_809 = arith.select %gt3A_806, %get3A_805, %broadcast_in_dim3A_5 : vector<16xi1>, vector<16xf32>
      %add3A_810 = arith.addf %add3A_798, %select_n3A_809 : vector<16xf32>
      %add3A_811 = arith.constant 112 : i32
      %add3A_812 = arith.addi %mul3A_727, %add3A_811 : i32
      %get3A_813 = arith.constant 0 : i32
      %get3A_814 = arith.index_cast %get3A_813 : i32 to index
      %get3A_815 = arith.index_cast %add3A_812 : i32 to index
      %get3A_816 = tpu.vector_load %arg5[%get3A_814, %get3A_815] {strides = array<i32>} : memref<4x8736xf32, #tpu.memory_space<vmem>>, vector<1x16xf32>,
      %get3A_817 = vector.shape_cast %get3A_816 : vector<1x16xf32> to vector<16xf32>
      %gt3A_818 = arith.cmpf ogt, %get3A_817, %scan3A_71#0 : vector<16xf32>
      %select_n3A_819 = arith.select %gt3A_818, %broadcast_in_dim3A_3, %broadcast_in_dim3A_5 : vector<16xi1>, vector<16xf32>
      %add3A_820 = arith.addf %add3A_808, %select_n3A_819 : vector<16xf32>
      %select_n3A_821 = arith.select %gt3A_818, %get3A_817, %broadcast_in_dim3A_5 : vector<16xi1>, vector<16xf32>
      %add3A_822 = arith.addf %add3A_810, %select_n3A_821 : vector<16xf32>
      %add3A_823 = arith.constant 128 : i32
      %add3A_824 = arith.addi %mul3A_727, %add3A_823 : i32
      %get3A_825 = arith.constant 0 : i32
      %get3A_826 = arith.index_cast %get3A_825 : i32 to index
      %get3A_827 = arith.index_cast %add3A_824 : i32 to index
      %get3A_828 = tpu.vector_load %arg5[%get3A_826, %get3A_827] {strides = array<i32>} : memref<4x8736xf32, #tpu.memory_space<vmem>>, vector<1x16xf32>,
      %get3A_829 = vector.shape_cast %get3A_828 : vector<1x16xf32> to vector<16xf32>
      %gt3A_830 = arith.cmpf ogt, %get3A_829, %scan3A_71#0 : vector<16xf32>
      %select_n3A_831 = arith.select %gt3A_830, %broadcast_in_dim3A_3, %broadcast_in_dim3A_5 : vector<16xi1>, vector<16xf32>
      %add3A_832 = arith.addf %add3A_820, %select_n3A_831 : vector<16xf32>
      %select_n3A_833 = arith.select %gt3A_830, %get3A_829, %broadcast_in_dim3A_5 : vector<16xi1>, vector<16xf32>
      %add3A_834 = arith.addf %add3A_822, %select_n3A_833 : vector<16xf32>
      %add3A_835 = arith.constant 144 : i32
      %add3A_836 = arith.addi %mul3A_727, %add3A_835 : i32
      %get3A_837 = arith.constant 0 : i32
      %get3A_838 = arith.index_cast %get3A_837 : i32 to index
      %get3A_839 = arith.index_cast %add3A_836 : i32 to index
      %get3A_840 = tpu.vector_load %arg5[%get3A_838, %get3A_839] {strides = array<i32>} : memref<4x8736xf32, #tpu.memory_space<vmem>>, vector<1x16xf32>,
      %get3A_841 = vector.shape_cast %get3A_840 : vector<1x16xf32> to vector<16xf32>
      %gt3A_842 = arith.cmpf ogt, %get3A_841, %scan3A_71#0 : vector<16xf32>
      %select_n3A_843 = arith.select %gt3A_842, %broadcast_in_dim3A_3, %broadcast_in_dim3A_5 : vector<16xi1>, vector<16xf32>
      %add3A_844 = arith.addf %add3A_832, %select_n3A_843 : vector<16xf32>
      %select_n3A_845 = arith.select %gt3A_842, %get3A_841, %broadcast_in_dim3A_5 : vector<16xi1>, vector<16xf32>
      %add3A_846 = arith.addf %add3A_834, %select_n3A_845 : vector<16xf32>
      %add3A_847 = arith.constant 160 : i32
      %add3A_848 = arith.addi %mul3A_727, %add3A_847 : i32
      %get3A_849 = arith.constant 0 : i32
      %get3A_850 = arith.index_cast %get3A_849 : i32 to index
      %get3A_851 = arith.index_cast %add3A_848 : i32 to index
      %get3A_852 = tpu.vector_load %arg5[%get3A_850, %get3A_851] {strides = array<i32>} : memref<4x8736xf32, #tpu.memory_space<vmem>>, vector<1x16xf32>,
      %get3A_853 = vector.shape_cast %get3A_852 : vector<1x16xf32> to vector<16xf32>
      %gt3A_854 = arith.cmpf ogt, %get3A_853, %scan3A_71#0 : vector<16xf32>
      %select_n3A_855 = arith.select %gt3A_854, %broadcast_in_dim3A_3, %broadcast_in_dim3A_5 : vector<16xi1>, vector<16xf32>
      %add3A_856 = arith.addf %add3A_844, %select_n3A_855 : vector<16xf32>
      %select_n3A_857 = arith.select %gt3A_854, %get3A_853, %broadcast_in_dim3A_5 : vector<16xi1>, vector<16xf32>
      %add3A_858 = arith.addf %add3A_846, %select_n3A_857 : vector<16xf32>
      %add3A_859 = arith.constant 176 : i32
      %add3A_860 = arith.addi %mul3A_727, %add3A_859 : i32
      %get3A_861 = arith.constant 0 : i32
      %get3A_862 = arith.index_cast %get3A_861 : i32 to index
      %get3A_863 = arith.index_cast %add3A_860 : i32 to index
      %get3A_864 = tpu.vector_load %arg5[%get3A_862, %get3A_863] {strides = array<i32>} : memref<4x8736xf32, #tpu.memory_space<vmem>>, vector<1x16xf32>,
      %get3A_865 = vector.shape_cast %get3A_864 : vector<1x16xf32> to vector<16xf32>
      %gt3A_866 = arith.cmpf ogt, %get3A_865, %scan3A_71#0 : vector<16xf32>
      %select_n3A_867 = arith.select %gt3A_866, %broadcast_in_dim3A_3, %broadcast_in_dim3A_5 : vector<16xi1>, vector<16xf32>
      %add3A_868 = arith.addf %add3A_856, %select_n3A_867 : vector<16xf32>
      %select_n3A_869 = arith.select %gt3A_866, %get3A_865, %broadcast_in_dim3A_5 : vector<16xi1>, vector<16xf32>
      %add3A_870 = arith.addf %add3A_858, %select_n3A_869 : vector<16xf32>
      %add3A_871 = arith.constant 192 : i32
      %add3A_872 = arith.addi %mul3A_727, %add3A_871 : i32
      %get3A_873 = arith.constant 0 : i32
      %get3A_874 = arith.index_cast %get3A_873 : i32 to index
      %get3A_875 = arith.index_cast %add3A_872 : i32 to index
      %get3A_876 = tpu.vector_load %arg5[%get3A_874, %get3A_875] {strides = array<i32>} : memref<4x8736xf32, #tpu.memory_space<vmem>>, vector<1x16xf32>,
      %get3A_877 = vector.shape_cast %get3A_876 : vector<1x16xf32> to vector<16xf32>
      %gt3A_878 = arith.cmpf ogt, %get3A_877, %scan3A_71#0 : vector<16xf32>
      %select_n3A_879 = arith.select %gt3A_878, %broadcast_in_dim3A_3, %broadcast_in_dim3A_5 : vector<16xi1>, vector<16xf32>
      %add3A_880 = arith.addf %add3A_868, %select_n3A_879 : vector<16xf32>
      %select_n3A_881 = arith.select %gt3A_878, %get3A_877, %broadcast_in_dim3A_5 : vector<16xi1>, vector<16xf32>
      %add3A_882 = arith.addf %add3A_870, %select_n3A_881 : vector<16xf32>
      scf.yield %add3A_880, %add3A_882 : vector<16xf32>, vector<16xf32>
    }
    %scan3A_78 = arith.constant 42 : i32
    %swap3A_79 = arith.constant 0 : index
    %swap3A_80 = tpu.vector_load %arg8[%swap3A_79] {strides = array<i32>} : memref<32xf32, #tpu.memory_space<vmem>>, vector<16xf32>,
    %swap3A_81 = vector.shape_cast %swap3A_80 : vector<16xf32> to vector<16xf32>
    %swap3A_82 = vector.shape_cast %scan3A_77#0 : vector<16xf32> to vector<16xf32>
    tpu.vector_store %arg8[%swap3A_79], %swap3A_82 {strides = array<i32>} : memref<32xf32, #tpu.memory_space<vmem>>, vector<16xf32>,
    %swap3A_83 = arith.constant 16 : index
    %swap3A_84 = tpu.vector_load %arg8[%swap3A_83] {strides = array<i32>} : memref<32xf32, #tpu.memory_space<vmem>>, vector<16xf32>,
    %swap3A_85 = vector.shape_cast %swap3A_84 : vector<16xf32> to vector<16xf32>
    %swap3A_86 = vector.shape_cast %scan3A_77#0 : vector<16xf32> to vector<16xf32>
    tpu.vector_store %arg8[%swap3A_83], %swap3A_86 {strides = array<i32>} : memref<32xf32, #tpu.memory_space<vmem>>, vector<16xf32>,
    %get3A_87 = arith.constant 8 : index
    %get3A_88 = tpu.vector_load %arg8[%get3A_87] {strides = array<i32>} : memref<32xf32, #tpu.memory_space<vmem>>, vector<16xf32>,
    %get3A_89 = vector.shape_cast %get3A_88 : vector<16xf32> to vector<16xf32>
    %add3A_90 = arith.addf %scan3A_77#0, %get3A_89 : vector<16xf32>
    %swap3A_91 = arith.constant 0 : index
    %swap3A_92 = tpu.vector_load %arg8[%swap3A_91] {strides = array<i32>} : memref<32xf32, #tpu.memory_space<vmem>>, vector<16xf32>,
    %swap3A_93 = vector.shape_cast %swap3A_92 : vector<16xf32> to vector<16xf32>
    %swap3A_94 = vector.shape_cast %add3A_90 : vector<16xf32> to vector<16xf32>
    tpu.vector_store %arg8[%swap3A_91], %swap3A_94 {strides = array<i32>} : memref<32xf32, #tpu.memory_space<vmem>>, vector<16xf32>,
    %swap3A_95 = arith.constant 16 : index
    %swap3A_96 = tpu.vector_load %arg8[%swap3A_95] {strides = array<i32>} : memref<32xf32, #tpu.memory_space<vmem>>, vector<16xf32>,
    %swap3A_97 = vector.shape_cast %swap3A_96 : vector<16xf32> to vector<16xf32>
    %swap3A_98 = vector.shape_cast %add3A_90 : vector<16xf32> to vector<16xf32>
    tpu.vector_store %arg8[%swap3A_95], %swap3A_98 {strides = array<i32>} : memref<32xf32, #tpu.memory_space<vmem>>, vector<16xf32>,
    %get3A_99 = arith.constant 4 : index
    %get3A_100 = tpu.vector_load %arg8[%get3A_99] {strides = array<i32>} : memref<32xf32, #tpu.memory_space<vmem>>, vector<16xf32>,
    %get3A_101 = vector.shape_cast %get3A_100 : vector<16xf32> to vector<16xf32>
    %add3A_102 = arith.addf %add3A_90, %get3A_101 : vector<16xf32>
    %swap3A_103 = arith.constant 0 : index
    %swap3A_104 = tpu.vector_load %arg8[%swap3A_103] {strides = array<i32>} : memref<32xf32, #tpu.memory_space<vmem>>, vector<16xf32>,
    %swap3A_105 = vector.shape_cast %swap3A_104 : vector<16xf32> to vector<16xf32>
    %swap3A_106 = vector.shape_cast %add3A_102 : vector<16xf32> to vector<16xf32>
    tpu.vector_store %arg8[%swap3A_103], %swap3A_106 {strides = array<i32>} : memref<32xf32, #tpu.memory_space<vmem>>, vector<16xf32>,
    %swap3A_107 = arith.constant 16 : index
    %swap3A_108 = tpu.vector_load %arg8[%swap3A_107] {strides = array<i32>} : memref<32xf32, #tpu.memory_space<vmem>>, vector<16xf32>,
    %swap3A_109 = vector.shape_cast %swap3A_108 : vector<16xf32> to vector<16xf32>
    %swap3A_110 = vector.shape_cast %add3A_102 : vector<16xf32> to vector<16xf32>
    tpu.vector_store %arg8[%swap3A_107], %swap3A_110 {strides = array<i32>} : memref<32xf32, #tpu.memory_space<vmem>>, vector<16xf32>,
    %get3A_111 = arith.constant 2 : index
    %get3A_112 = tpu.vector_load %arg8[%get3A_111] {strides = array<i32>} : memref<32xf32, #tpu.memory_space<vmem>>, vector<16xf32>,
    %get3A_113 = vector.shape_cast %get3A_112 : vector<16xf32> to vector<16xf32>
    %add3A_114 = arith.addf %add3A_102, %get3A_113 : vector<16xf32>
    %swap3A_115 = arith.constant 0 : index
    %swap3A_116 = tpu.vector_load %arg8[%swap3A_115] {strides = array<i32>} : memref<32xf32, #tpu.memory_space<vmem>>, vector<16xf32>,
    %swap3A_117 = vector.shape_cast %swap3A_116 : vector<16xf32> to vector<16xf32>
    %swap3A_118 = vector.shape_cast %add3A_114 : vector<16xf32> to vector<16xf32>
    tpu.vector_store %arg8[%swap3A_115], %swap3A_118 {strides = array<i32>} : memref<32xf32, #tpu.memory_space<vmem>>, vector<16xf32>,
    %swap3A_119 = arith.constant 16 : index
    %swap3A_120 = tpu.vector_load %arg8[%swap3A_119] {strides = array<i32>} : memref<32xf32, #tpu.memory_space<vmem>>, vector<16xf32>,
    %swap3A_121 = vector.shape_cast %swap3A_120 : vector<16xf32> to vector<16xf32>
    %swap3A_122 = vector.shape_cast %add3A_114 : vector<16xf32> to vector<16xf32>
    tpu.vector_store %arg8[%swap3A_119], %swap3A_122 {strides = array<i32>} : memref<32xf32, #tpu.memory_space<vmem>>, vector<16xf32>,
    %get3A_123 = arith.constant 1 : index
    %get3A_124 = tpu.vector_load %arg8[%get3A_123] {strides = array<i32>} : memref<32xf32, #tpu.memory_space<vmem>>, vector<16xf32>,
    %get3A_125 = vector.shape_cast %get3A_124 : vector<16xf32> to vector<16xf32>
    %add3A_126 = arith.addf %add3A_114, %get3A_125 : vector<16xf32>
    %swap3A_127 = arith.constant 0 : index
    %swap3A_128 = tpu.vector_load %arg8[%swap3A_127] {strides = array<i32>} : memref<32xf32, #tpu.memory_space<vmem>>, vector<16xf32>,
    %swap3A_129 = vector.shape_cast %swap3A_128 : vector<16xf32> to vector<16xf32>
    %swap3A_130 = vector.shape_cast %scan3A_77#1 : vector<16xf32> to vector<16xf32>
    tpu.vector_store %arg8[%swap3A_127], %swap3A_130 {strides = array<i32>} : memref<32xf32, #tpu.memory_space<vmem>>, vector<16xf32>,
    %swap3A_131 = arith.constant 16 : index
    %swap3A_132 = tpu.vector_load %arg8[%swap3A_131] {strides = array<i32>} : memref<32xf32, #tpu.memory_space<vmem>>, vector<16xf32>,
    %swap3A_133 = vector.shape_cast %swap3A_132 : vector<16xf32> to vector<16xf32>
    %swap3A_134 = vector.shape_cast %scan3A_77#1 : vector<16xf32> to vector<16xf32>
    tpu.vector_store %arg8[%swap3A_131], %swap3A_134 {strides = array<i32>} : memref<32xf32, #tpu.memory_space<vmem>>, vector<16xf32>,
    %get3A_135 = arith.constant 8 : index
    %get3A_136 = tpu.vector_load %arg8[%get3A_135] {strides = array<i32>} : memref<32xf32, #tpu.memory_space<vmem>>, vector<16xf32>,
    %get3A_137 = vector.shape_cast %get3A_136 : vector<16xf32> to vector<16xf32>
    %add3A_138 = arith.addf %scan3A_77#1, %get3A_137 : vector<16xf32>
    %swap3A_139 = arith.constant 0 : index
    %swap3A_140 = tpu.vector_load %arg8[%swap3A_139] {strides = array<i32>} : memref<32xf32, #tpu.memory_space<vmem>>, vector<16xf32>,
    %swap3A_141 = vector.shape_cast %swap3A_140 : vector<16xf32> to vector<16xf32>
    %swap3A_142 = vector.shape_cast %add3A_138 : vector<16xf32> to vector<16xf32>
    tpu.vector_store %arg8[%swap3A_139], %swap3A_142 {strides = array<i32>} : memref<32xf32, #tpu.memory_space<vmem>>, vector<16xf32>,
    %swap3A_143 = arith.constant 16 : index
    %swap3A_144 = tpu.vector_load %arg8[%swap3A_143] {strides = array<i32>} : memref<32xf32, #tpu.memory_space<vmem>>, vector<16xf32>,
    %swap3A_145 = vector.shape_cast %swap3A_144 : vector<16xf32> to vector<16xf32>
    %swap3A_146 = vector.shape_cast %add3A_138 : vector<16xf32> to vector<16xf32>
    tpu.vector_store %arg8[%swap3A_143], %swap3A_146 {strides = array<i32>} : memref<32xf32, #tpu.memory_space<vmem>>, vector<16xf32>,
    %get3A_147 = arith.constant 4 : index
    %get3A_148 = tpu.vector_load %arg8[%get3A_147] {strides = array<i32>} : memref<32xf32, #tpu.memory_space<vmem>>, vector<16xf32>,
    %get3A_149 = vector.shape_cast %get3A_148 : vector<16xf32> to vector<16xf32>
    %add3A_150 = arith.addf %add3A_138, %get3A_149 : vector<16xf32>
    %swap3A_151 = arith.constant 0 : index
    %swap3A_152 = tpu.vector_load %arg8[%swap3A_151] {strides = array<i32>} : memref<32xf32, #tpu.memory_space<vmem>>, vector<16xf32>,
    %swap3A_153 = vector.shape_cast %swap3A_152 : vector<16xf32> to vector<16xf32>
    %swap3A_154 = vector.shape_cast %add3A_150 : vector<16xf32> to vector<16xf32>
    tpu.vector_store %arg8[%swap3A_151], %swap3A_154 {strides = array<i32>} : memref<32xf32, #tpu.memory_space<vmem>>, vector<16xf32>,
    %swap3A_155 = arith.constant 16 : index
    %swap3A_156 = tpu.vector_load %arg8[%swap3A_155] {strides = array<i32>} : memref<32xf32, #tpu.memory_space<vmem>>, vector<16xf32>,
    %swap3A_157 = vector.shape_cast %swap3A_156 : vector<16xf32> to vector<16xf32>
    %swap3A_158 = vector.shape_cast %add3A_150 : vector<16xf32> to vector<16xf32>
    tpu.vector_store %arg8[%swap3A_155], %swap3A_158 {strides = array<i32>} : memref<32xf32, #tpu.memory_space<vmem>>, vector<16xf32>,
    %get3A_159 = arith.constant 2 : index
    %get3A_160 = tpu.vector_load %arg8[%get3A_159] {strides = array<i32>} : memref<32xf32, #tpu.memory_space<vmem>>, vector<16xf32>,
    %get3A_161 = vector.shape_cast %get3A_160 : vector<16xf32> to vector<16xf32>
    %add3A_162 = arith.addf %add3A_150, %get3A_161 : vector<16xf32>
    %swap3A_163 = arith.constant 0 : index
    %swap3A_164 = tpu.vector_load %arg8[%swap3A_163] {strides = array<i32>} : memref<32xf32, #tpu.memory_space<vmem>>, vector<16xf32>,
    %swap3A_165 = vector.shape_cast %swap3A_164 : vector<16xf32> to vector<16xf32>
    %swap3A_166 = vector.shape_cast %add3A_162 : vector<16xf32> to vector<16xf32>
    tpu.vector_store %arg8[%swap3A_163], %swap3A_166 {strides = array<i32>} : memref<32xf32, #tpu.memory_space<vmem>>, vector<16xf32>,
    %swap3A_167 = arith.constant 16 : index
    %swap3A_168 = tpu.vector_load %arg8[%swap3A_167] {strides = array<i32>} : memref<32xf32, #tpu.memory_space<vmem>>, vector<16xf32>,
    %swap3A_169 = vector.shape_cast %swap3A_168 : vector<16xf32> to vector<16xf32>
    %swap3A_170 = vector.shape_cast %add3A_162 : vector<16xf32> to vector<16xf32>
    tpu.vector_store %arg8[%swap3A_167], %swap3A_170 {strides = array<i32>} : memref<32xf32, #tpu.memory_space<vmem>>, vector<16xf32>,
    %get3A_171 = arith.constant 1 : index
    %get3A_172 = tpu.vector_load %arg8[%get3A_171] {strides = array<i32>} : memref<32xf32, #tpu.memory_space<vmem>>, vector<16xf32>,
    %get3A_173 = vector.shape_cast %get3A_172 : vector<16xf32> to vector<16xf32>
    %add3A_174 = arith.addf %add3A_162, %get3A_173 : vector<16xf32>
    %eq3A = arith.constant 0 : i32
    %eq3A_175 = vector.broadcast %eq3A : i32 to vector<16xi32>
    %eq3A_176 = arith.cmpi eq, %iota3A, %eq3A_175 : vector<16xi32>
    %sub3A = arith.subf %get3A_9, %add3A_126 : vector<16xf32>
    %mul3A_177 = arith.mulf %sub3A, %scan3A_71#0 : vector<16xf32>
    %add3A_178 = arith.addf %add3A_174, %mul3A_177 : vector<16xf32>
    %select_n3A = arith.select %eq3A_176, %add3A_178, %broadcast_in_dim3A_5 : vector<16xi1>, vector<16xf32>
    %get3A_179 = arith.constant 1 : i32
    %get3A_180 = arith.index_cast %get3A_179 : i32 to index
    %get3A_181 = arith.constant 0 : index
    %get3A_182 = tpu.vector_load %arg6[%get3A_180, %get3A_181] {strides = array<i32>} : memref<4x16xf32, #tpu.memory_space<vmem>>, vector<1x16xf32>,
    %get3A_183 = vector.shape_cast %get3A_182 : vector<1x16xf32> to vector<16xf32>
    %scan3A_184 = arith.constant 0 : i32
    %scan3A_185 = arith.constant 42 : i32
    %scan3A_186 = arith.addi %scan3A_184, %scan3A_185 : i32
    %scan3A_187 = arith.constant 1 : i32
    %scan3A_188 = scf.for %scan3A_723 = %scan3A_184 to %scan3A_186 step %scan3A_187 iter_args(%scan3A_724 = %broadcast_in_dim3A_5) -> (vector<16xf32>)  : i32 {
      %mul3A_725 = arith.constant 208 : i32
      %mul3A_726 = arith.muli %scan3A_723, %mul3A_725 : i32
      %add3A_727 = arith.constant 0 : i32
      %add3A_728 = arith.addi %mul3A_726, %add3A_727 : i32
      %get3A_729 = arith.constant 1 : i32
      %get3A_730 = arith.index_cast %get3A_729 : i32 to index
      %get3A_731 = arith.index_cast %add3A_728 : i32 to index
      %get3A_732 = tpu.vector_load %arg5[%get3A_730, %get3A_731] {strides = array<i32>} : memref<4x8736xf32, #tpu.memory_space<vmem>>, vector<1x16xf32>,
      %get3A_733 = vector.shape_cast %get3A_732 : vector<1x16xf32> to vector<16xf32>
      %max3A_734 = arith.maximumf %scan3A_724, %get3A_733 : vector<16xf32>
      %add3A_735 = arith.constant 16 : i32
      %add3A_736 = arith.addi %mul3A_726, %add3A_735 : i32
      %get3A_737 = arith.constant 1 : i32
      %get3A_738 = arith.index_cast %get3A_737 : i32 to index
      %get3A_739 = arith.index_cast %add3A_736 : i32 to index
      %get3A_740 = tpu.vector_load %arg5[%get3A_738, %get3A_739] {strides = array<i32>} : memref<4x8736xf32, #tpu.memory_space<vmem>>, vector<1x16xf32>,
      %get3A_741 = vector.shape_cast %get3A_740 : vector<1x16xf32> to vector<16xf32>
      %max3A_742 = arith.maximumf %max3A_734, %get3A_741 : vector<16xf32>
      %add3A_743 = arith.constant 32 : i32
      %add3A_744 = arith.addi %mul3A_726, %add3A_743 : i32
      %get3A_745 = arith.constant 1 : i32
      %get3A_746 = arith.index_cast %get3A_745 : i32 to index
      %get3A_747 = arith.index_cast %add3A_744 : i32 to index
      %get3A_748 = tpu.vector_load %arg5[%get3A_746, %get3A_747] {strides = array<i32>} : memref<4x8736xf32, #tpu.memory_space<vmem>>, vector<1x16xf32>,
      %get3A_749 = vector.shape_cast %get3A_748 : vector<1x16xf32> to vector<16xf32>
      %max3A_750 = arith.maximumf %max3A_742, %get3A_749 : vector<16xf32>
      %add3A_751 = arith.constant 48 : i32
      %add3A_752 = arith.addi %mul3A_726, %add3A_751 : i32
      %get3A_753 = arith.constant 1 : i32
      %get3A_754 = arith.index_cast %get3A_753 : i32 to index
      %get3A_755 = arith.index_cast %add3A_752 : i32 to index
      %get3A_756 = tpu.vector_load %arg5[%get3A_754, %get3A_755] {strides = array<i32>} : memref<4x8736xf32, #tpu.memory_space<vmem>>, vector<1x16xf32>,
      %get3A_757 = vector.shape_cast %get3A_756 : vector<1x16xf32> to vector<16xf32>
      %max3A_758 = arith.maximumf %max3A_750, %get3A_757 : vector<16xf32>
      %add3A_759 = arith.constant 64 : i32
      %add3A_760 = arith.addi %mul3A_726, %add3A_759 : i32
      %get3A_761 = arith.constant 1 : i32
      %get3A_762 = arith.index_cast %get3A_761 : i32 to index
      %get3A_763 = arith.index_cast %add3A_760 : i32 to index
      %get3A_764 = tpu.vector_load %arg5[%get3A_762, %get3A_763] {strides = array<i32>} : memref<4x8736xf32, #tpu.memory_space<vmem>>, vector<1x16xf32>,
      %get3A_765 = vector.shape_cast %get3A_764 : vector<1x16xf32> to vector<16xf32>
      %max3A_766 = arith.maximumf %max3A_758, %get3A_765 : vector<16xf32>
      %add3A_767 = arith.constant 80 : i32
      %add3A_768 = arith.addi %mul3A_726, %add3A_767 : i32
      %get3A_769 = arith.constant 1 : i32
      %get3A_770 = arith.index_cast %get3A_769 : i32 to index
      %get3A_771 = arith.index_cast %add3A_768 : i32 to index
      %get3A_772 = tpu.vector_load %arg5[%get3A_770, %get3A_771] {strides = array<i32>} : memref<4x8736xf32, #tpu.memory_space<vmem>>, vector<1x16xf32>,
      %get3A_773 = vector.shape_cast %get3A_772 : vector<1x16xf32> to vector<16xf32>
      %max3A_774 = arith.maximumf %max3A_766, %get3A_773 : vector<16xf32>
      %add3A_775 = arith.constant 96 : i32
      %add3A_776 = arith.addi %mul3A_726, %add3A_775 : i32
      %get3A_777 = arith.constant 1 : i32
      %get3A_778 = arith.index_cast %get3A_777 : i32 to index
      %get3A_779 = arith.index_cast %add3A_776 : i32 to index
      %get3A_780 = tpu.vector_load %arg5[%get3A_778, %get3A_779] {strides = array<i32>} : memref<4x8736xf32, #tpu.memory_space<vmem>>, vector<1x16xf32>,
      %get3A_781 = vector.shape_cast %get3A_780 : vector<1x16xf32> to vector<16xf32>
      %max3A_782 = arith.maximumf %max3A_774, %get3A_781 : vector<16xf32>
      %add3A_783 = arith.constant 112 : i32
      %add3A_784 = arith.addi %mul3A_726, %add3A_783 : i32
      %get3A_785 = arith.constant 1 : i32
      %get3A_786 = arith.index_cast %get3A_785 : i32 to index
      %get3A_787 = arith.index_cast %add3A_784 : i32 to index
      %get3A_788 = tpu.vector_load %arg5[%get3A_786, %get3A_787] {strides = array<i32>} : memref<4x8736xf32, #tpu.memory_space<vmem>>, vector<1x16xf32>,
      %get3A_789 = vector.shape_cast %get3A_788 : vector<1x16xf32> to vector<16xf32>
      %max3A_790 = arith.maximumf %max3A_782, %get3A_789 : vector<16xf32>
      %add3A_791 = arith.constant 128 : i32
      %add3A_792 = arith.addi %mul3A_726, %add3A_791 : i32
      %get3A_793 = arith.constant 1 : i32
      %get3A_794 = arith.index_cast %get3A_793 : i32 to index
      %get3A_795 = arith.index_cast %add3A_792 : i32 to index
      %get3A_796 = tpu.vector_load %arg5[%get3A_794, %get3A_795] {strides = array<i32>} : memref<4x8736xf32, #tpu.memory_space<vmem>>, vector<1x16xf32>,
      %get3A_797 = vector.shape_cast %get3A_796 : vector<1x16xf32> to vector<16xf32>
      %max3A_798 = arith.maximumf %max3A_790, %get3A_797 : vector<16xf32>
      %add3A_799 = arith.constant 144 : i32
      %add3A_800 = arith.addi %mul3A_726, %add3A_799 : i32
      %get3A_801 = arith.constant 1 : i32
      %get3A_802 = arith.index_cast %get3A_801 : i32 to index
      %get3A_803 = arith.index_cast %add3A_800 : i32 to index
      %get3A_804 = tpu.vector_load %arg5[%get3A_802, %get3A_803] {strides = array<i32>} : memref<4x8736xf32, #tpu.memory_space<vmem>>, vector<1x16xf32>,
      %get3A_805 = vector.shape_cast %get3A_804 : vector<1x16xf32> to vector<16xf32>
      %max3A_806 = arith.maximumf %max3A_798, %get3A_805 : vector<16xf32>
      %add3A_807 = arith.constant 160 : i32
      %add3A_808 = arith.addi %mul3A_726, %add3A_807 : i32
      %get3A_809 = arith.constant 1 : i32
      %get3A_810 = arith.index_cast %get3A_809 : i32 to index
      %get3A_811 = arith.index_cast %add3A_808 : i32 to index
      %get3A_812 = tpu.vector_load %arg5[%get3A_810, %get3A_811] {strides = array<i32>} : memref<4x8736xf32, #tpu.memory_space<vmem>>, vector<1x16xf32>,
      %get3A_813 = vector.shape_cast %get3A_812 : vector<1x16xf32> to vector<16xf32>
      %max3A_814 = arith.maximumf %max3A_806, %get3A_813 : vector<16xf32>
      %add3A_815 = arith.constant 176 : i32
      %add3A_816 = arith.addi %mul3A_726, %add3A_815 : i32
      %get3A_817 = arith.constant 1 : i32
      %get3A_818 = arith.index_cast %get3A_817 : i32 to index
      %get3A_819 = arith.index_cast %add3A_816 : i32 to index
      %get3A_820 = tpu.vector_load %arg5[%get3A_818, %get3A_819] {strides = array<i32>} : memref<4x8736xf32, #tpu.memory_space<vmem>>, vector<1x16xf32>,
      %get3A_821 = vector.shape_cast %get3A_820 : vector<1x16xf32> to vector<16xf32>
      %max3A_822 = arith.maximumf %max3A_814, %get3A_821 : vector<16xf32>
      %add3A_823 = arith.constant 192 : i32
      %add3A_824 = arith.addi %mul3A_726, %add3A_823 : i32
      %get3A_825 = arith.constant 1 : i32
      %get3A_826 = arith.index_cast %get3A_825 : i32 to index
      %get3A_827 = arith.index_cast %add3A_824 : i32 to index
      %get3A_828 = tpu.vector_load %arg5[%get3A_826, %get3A_827] {strides = array<i32>} : memref<4x8736xf32, #tpu.memory_space<vmem>>, vector<1x16xf32>,
      %get3A_829 = vector.shape_cast %get3A_828 : vector<1x16xf32> to vector<16xf32>
      %max3A_830 = arith.maximumf %max3A_822, %get3A_829 : vector<16xf32>
      scf.yield %max3A_830 : vector<16xf32>
    }
    %scan3A_189 = arith.constant 42 : i32
    %swap3A_190 = arith.constant 0 : index
    %swap3A_191 = tpu.vector_load %arg8[%swap3A_190] {strides = array<i32>} : memref<32xf32, #tpu.memory_space<vmem>>, vector<16xf32>,
    %swap3A_192 = vector.shape_cast %swap3A_191 : vector<16xf32> to vector<16xf32>
    %swap3A_193 = vector.shape_cast %scan3A_188 : vector<16xf32> to vector<16xf32>
    tpu.vector_store %arg8[%swap3A_190], %swap3A_193 {strides = array<i32>} : memref<32xf32, #tpu.memory_space<vmem>>, vector<16xf32>,
    %swap3A_194 = arith.constant 16 : index
    %swap3A_195 = tpu.vector_load %arg8[%swap3A_194] {strides = array<i32>} : memref<32xf32, #tpu.memory_space<vmem>>, vector<16xf32>,
    %swap3A_196 = vector.shape_cast %swap3A_195 : vector<16xf32> to vector<16xf32>
    %swap3A_197 = vector.shape_cast %scan3A_188 : vector<16xf32> to vector<16xf32>
    tpu.vector_store %arg8[%swap3A_194], %swap3A_197 {strides = array<i32>} : memref<32xf32, #tpu.memory_space<vmem>>, vector<16xf32>,
    %get3A_198 = arith.constant 8 : index
    %get3A_199 = tpu.vector_load %arg8[%get3A_198] {strides = array<i32>} : memref<32xf32, #tpu.memory_space<vmem>>, vector<16xf32>,
    %get3A_200 = vector.shape_cast %get3A_199 : vector<16xf32> to vector<16xf32>
    %max3A_201 = arith.maximumf %scan3A_188, %get3A_200 : vector<16xf32>
    %swap3A_202 = arith.constant 0 : index
    %swap3A_203 = tpu.vector_load %arg8[%swap3A_202] {strides = array<i32>} : memref<32xf32, #tpu.memory_space<vmem>>, vector<16xf32>,
    %swap3A_204 = vector.shape_cast %swap3A_203 : vector<16xf32> to vector<16xf32>
    %swap3A_205 = vector.shape_cast %max3A_201 : vector<16xf32> to vector<16xf32>
    tpu.vector_store %arg8[%swap3A_202], %swap3A_205 {strides = array<i32>} : memref<32xf32, #tpu.memory_space<vmem>>, vector<16xf32>,
    %swap3A_206 = arith.constant 16 : index
    %swap3A_207 = tpu.vector_load %arg8[%swap3A_206] {strides = array<i32>} : memref<32xf32, #tpu.memory_space<vmem>>, vector<16xf32>,
    %swap3A_208 = vector.shape_cast %swap3A_207 : vector<16xf32> to vector<16xf32>
    %swap3A_209 = vector.shape_cast %max3A_201 : vector<16xf32> to vector<16xf32>
    tpu.vector_store %arg8[%swap3A_206], %swap3A_209 {strides = array<i32>} : memref<32xf32, #tpu.memory_space<vmem>>, vector<16xf32>,
    %get3A_210 = arith.constant 4 : index
    %get3A_211 = tpu.vector_load %arg8[%get3A_210] {strides = array<i32>} : memref<32xf32, #tpu.memory_space<vmem>>, vector<16xf32>,
    %get3A_212 = vector.shape_cast %get3A_211 : vector<16xf32> to vector<16xf32>
    %max3A_213 = arith.maximumf %max3A_201, %get3A_212 : vector<16xf32>
    %swap3A_214 = arith.constant 0 : index
    %swap3A_215 = tpu.vector_load %arg8[%swap3A_214] {strides = array<i32>} : memref<32xf32, #tpu.memory_space<vmem>>, vector<16xf32>,
    %swap3A_216 = vector.shape_cast %swap3A_215 : vector<16xf32> to vector<16xf32>
    %swap3A_217 = vector.shape_cast %max3A_213 : vector<16xf32> to vector<16xf32>
    tpu.vector_store %arg8[%swap3A_214], %swap3A_217 {strides = array<i32>} : memref<32xf32, #tpu.memory_space<vmem>>, vector<16xf32>,
    %swap3A_218 = arith.constant 16 : index
    %swap3A_219 = tpu.vector_load %arg8[%swap3A_218] {strides = array<i32>} : memref<32xf32, #tpu.memory_space<vmem>>, vector<16xf32>,
    %swap3A_220 = vector.shape_cast %swap3A_219 : vector<16xf32> to vector<16xf32>
    %swap3A_221 = vector.shape_cast %max3A_213 : vector<16xf32> to vector<16xf32>
    tpu.vector_store %arg8[%swap3A_218], %swap3A_221 {strides = array<i32>} : memref<32xf32, #tpu.memory_space<vmem>>, vector<16xf32>,
    %get3A_222 = arith.constant 2 : index
    %get3A_223 = tpu.vector_load %arg8[%get3A_222] {strides = array<i32>} : memref<32xf32, #tpu.memory_space<vmem>>, vector<16xf32>,
    %get3A_224 = vector.shape_cast %get3A_223 : vector<16xf32> to vector<16xf32>
    %max3A_225 = arith.maximumf %max3A_213, %get3A_224 : vector<16xf32>
    %swap3A_226 = arith.constant 0 : index
    %swap3A_227 = tpu.vector_load %arg8[%swap3A_226] {strides = array<i32>} : memref<32xf32, #tpu.memory_space<vmem>>, vector<16xf32>,
    %swap3A_228 = vector.shape_cast %swap3A_227 : vector<16xf32> to vector<16xf32>
    %swap3A_229 = vector.shape_cast %max3A_225 : vector<16xf32> to vector<16xf32>
    tpu.vector_store %arg8[%swap3A_226], %swap3A_229 {strides = array<i32>} : memref<32xf32, #tpu.memory_space<vmem>>, vector<16xf32>,
    %swap3A_230 = arith.constant 16 : index
    %swap3A_231 = tpu.vector_load %arg8[%swap3A_230] {strides = array<i32>} : memref<32xf32, #tpu.memory_space<vmem>>, vector<16xf32>,
    %swap3A_232 = vector.shape_cast %swap3A_231 : vector<16xf32> to vector<16xf32>
    %swap3A_233 = vector.shape_cast %max3A_225 : vector<16xf32> to vector<16xf32>
    tpu.vector_store %arg8[%swap3A_230], %swap3A_233 {strides = array<i32>} : memref<32xf32, #tpu.memory_space<vmem>>, vector<16xf32>,
    %get3A_234 = arith.constant 1 : index
    %get3A_235 = tpu.vector_load %arg8[%get3A_234] {strides = array<i32>} : memref<32xf32, #tpu.memory_space<vmem>>, vector<16xf32>,
    %get3A_236 = vector.shape_cast %get3A_235 : vector<16xf32> to vector<16xf32>
    %max3A_237 = arith.maximumf %max3A_225, %get3A_236 : vector<16xf32>
    %mul3A_238 = arith.constant 1.00000095 : f32
    %mul3A_239 = vector.broadcast %mul3A_238 : f32 to vector<16xf32>
    %mul3A_240 = arith.mulf %max3A_237, %mul3A_239 : vector<16xf32>
    %add3A_241 = arith.constant 1.000000e-30 : f32
    %add3A_242 = vector.broadcast %add3A_241 : f32 to vector<16xf32>
    %add3A_243 = arith.addf %mul3A_240, %add3A_242 : vector<16xf32>
    %scan3A_244 = arith.constant 0 : i32
    %scan3A_245 = arith.constant 20 : i32
    %scan3A_246 = arith.addi %scan3A_244, %scan3A_245 : i32
    %scan3A_247 = arith.constant 1 : i32
    %scan3A_248:2 = scf.for %scan3A_723 = %scan3A_244 to %scan3A_246 step %scan3A_247 iter_args(%scan3A_724 = %broadcast_in_dim3A_5, %scan3A_725 = %add3A_243) -> (vector<16xf32>, vector<16xf32>)  : i32 {
      %add3A_726 = arith.addf %scan3A_724, %scan3A_725 : vector<16xf32>
      %mul3A_727 = arith.constant 5.000000e-01 : f32
      %mul3A_728 = vector.broadcast %mul3A_727 : f32 to vector<16xf32>
      %mul3A_729 = arith.mulf %mul3A_728, %add3A_726 : vector<16xf32>
      %scan3A_730 = arith.constant 0 : i32
      %scan3A_731 = arith.constant 42 : i32
      %scan3A_732 = arith.addi %scan3A_730, %scan3A_731 : i32
      %scan3A_733 = arith.constant 1 : i32
      %scan3A_734 = scf.for %scan3A_786 = %scan3A_730 to %scan3A_732 step %scan3A_733 iter_args(%scan3A_787 = %broadcast_in_dim3A_5) -> (vector<16xf32>)  : i32 {
        %mul3A_788 = arith.constant 208 : i32
        %mul3A_789 = arith.muli %scan3A_786, %mul3A_788 : i32
        %add3A_790 = arith.constant 0 : i32
        %add3A_791 = arith.addi %mul3A_789, %add3A_790 : i32
        %get3A_792 = arith.constant 1 : i32
        %get3A_793 = arith.index_cast %get3A_792 : i32 to index
        %get3A_794 = arith.index_cast %add3A_791 : i32 to index
        %get3A_795 = tpu.vector_load %arg5[%get3A_793, %get3A_794] {strides = array<i32>} : memref<4x8736xf32, #tpu.memory_space<vmem>>, vector<1x16xf32>,
        %get3A_796 = vector.shape_cast %get3A_795 : vector<1x16xf32> to vector<16xf32>
        %ge3A_797 = arith.cmpf oge, %get3A_796, %mul3A_729 : vector<16xf32>
        %select_n3A_798 = arith.select %ge3A_797, %broadcast_in_dim3A_3, %broadcast_in_dim3A_5 : vector<16xi1>, vector<16xf32>
        %add3A_799 = arith.addf %scan3A_787, %select_n3A_798 : vector<16xf32>
        %add3A_800 = arith.constant 16 : i32
        %add3A_801 = arith.addi %mul3A_789, %add3A_800 : i32
        %get3A_802 = arith.constant 1 : i32
        %get3A_803 = arith.index_cast %get3A_802 : i32 to index
        %get3A_804 = arith.index_cast %add3A_801 : i32 to index
        %get3A_805 = tpu.vector_load %arg5[%get3A_803, %get3A_804] {strides = array<i32>} : memref<4x8736xf32, #tpu.memory_space<vmem>>, vector<1x16xf32>,
        %get3A_806 = vector.shape_cast %get3A_805 : vector<1x16xf32> to vector<16xf32>
        %ge3A_807 = arith.cmpf oge, %get3A_806, %mul3A_729 : vector<16xf32>
        %select_n3A_808 = arith.select %ge3A_807, %broadcast_in_dim3A_3, %broadcast_in_dim3A_5 : vector<16xi1>, vector<16xf32>
        %add3A_809 = arith.addf %add3A_799, %select_n3A_808 : vector<16xf32>
        %add3A_810 = arith.constant 32 : i32
        %add3A_811 = arith.addi %mul3A_789, %add3A_810 : i32
        %get3A_812 = arith.constant 1 : i32
        %get3A_813 = arith.index_cast %get3A_812 : i32 to index
        %get3A_814 = arith.index_cast %add3A_811 : i32 to index
        %get3A_815 = tpu.vector_load %arg5[%get3A_813, %get3A_814] {strides = array<i32>} : memref<4x8736xf32, #tpu.memory_space<vmem>>, vector<1x16xf32>,
        %get3A_816 = vector.shape_cast %get3A_815 : vector<1x16xf32> to vector<16xf32>
        %ge3A_817 = arith.cmpf oge, %get3A_816, %mul3A_729 : vector<16xf32>
        %select_n3A_818 = arith.select %ge3A_817, %broadcast_in_dim3A_3, %broadcast_in_dim3A_5 : vector<16xi1>, vector<16xf32>
        %add3A_819 = arith.addf %add3A_809, %select_n3A_818 : vector<16xf32>
        %add3A_820 = arith.constant 48 : i32
        %add3A_821 = arith.addi %mul3A_789, %add3A_820 : i32
        %get3A_822 = arith.constant 1 : i32
        %get3A_823 = arith.index_cast %get3A_822 : i32 to index
        %get3A_824 = arith.index_cast %add3A_821 : i32 to index
        %get3A_825 = tpu.vector_load %arg5[%get3A_823, %get3A_824] {strides = array<i32>} : memref<4x8736xf32, #tpu.memory_space<vmem>>, vector<1x16xf32>,
        %get3A_826 = vector.shape_cast %get3A_825 : vector<1x16xf32> to vector<16xf32>
        %ge3A_827 = arith.cmpf oge, %get3A_826, %mul3A_729 : vector<16xf32>
        %select_n3A_828 = arith.select %ge3A_827, %broadcast_in_dim3A_3, %broadcast_in_dim3A_5 : vector<16xi1>, vector<16xf32>
        %add3A_829 = arith.addf %add3A_819, %select_n3A_828 : vector<16xf32>
        %add3A_830 = arith.constant 64 : i32
        %add3A_831 = arith.addi %mul3A_789, %add3A_830 : i32
        %get3A_832 = arith.constant 1 : i32
        %get3A_833 = arith.index_cast %get3A_832 : i32 to index
        %get3A_834 = arith.index_cast %add3A_831 : i32 to index
        %get3A_835 = tpu.vector_load %arg5[%get3A_833, %get3A_834] {strides = array<i32>} : memref<4x8736xf32, #tpu.memory_space<vmem>>, vector<1x16xf32>,
        %get3A_836 = vector.shape_cast %get3A_835 : vector<1x16xf32> to vector<16xf32>
        %ge3A_837 = arith.cmpf oge, %get3A_836, %mul3A_729 : vector<16xf32>
        %select_n3A_838 = arith.select %ge3A_837, %broadcast_in_dim3A_3, %broadcast_in_dim3A_5 : vector<16xi1>, vector<16xf32>
        %add3A_839 = arith.addf %add3A_829, %select_n3A_838 : vector<16xf32>
        %add3A_840 = arith.constant 80 : i32
        %add3A_841 = arith.addi %mul3A_789, %add3A_840 : i32
        %get3A_842 = arith.constant 1 : i32
        %get3A_843 = arith.index_cast %get3A_842 : i32 to index
        %get3A_844 = arith.index_cast %add3A_841 : i32 to index
        %get3A_845 = tpu.vector_load %arg5[%get3A_843, %get3A_844] {strides = array<i32>} : memref<4x8736xf32, #tpu.memory_space<vmem>>, vector<1x16xf32>,
        %get3A_846 = vector.shape_cast %get3A_845 : vector<1x16xf32> to vector<16xf32>
        %ge3A_847 = arith.cmpf oge, %get3A_846, %mul3A_729 : vector<16xf32>
        %select_n3A_848 = arith.select %ge3A_847, %broadcast_in_dim3A_3, %broadcast_in_dim3A_5 : vector<16xi1>, vector<16xf32>
        %add3A_849 = arith.addf %add3A_839, %select_n3A_848 : vector<16xf32>
        %add3A_850 = arith.constant 96 : i32
        %add3A_851 = arith.addi %mul3A_789, %add3A_850 : i32
        %get3A_852 = arith.constant 1 : i32
        %get3A_853 = arith.index_cast %get3A_852 : i32 to index
        %get3A_854 = arith.index_cast %add3A_851 : i32 to index
        %get3A_855 = tpu.vector_load %arg5[%get3A_853, %get3A_854] {strides = array<i32>} : memref<4x8736xf32, #tpu.memory_space<vmem>>, vector<1x16xf32>,
        %get3A_856 = vector.shape_cast %get3A_855 : vector<1x16xf32> to vector<16xf32>
        %ge3A_857 = arith.cmpf oge, %get3A_856, %mul3A_729 : vector<16xf32>
        %select_n3A_858 = arith.select %ge3A_857, %broadcast_in_dim3A_3, %broadcast_in_dim3A_5 : vector<16xi1>, vector<16xf32>
        %add3A_859 = arith.addf %add3A_849, %select_n3A_858 : vector<16xf32>
        %add3A_860 = arith.constant 112 : i32
        %add3A_861 = arith.addi %mul3A_789, %add3A_860 : i32
        %get3A_862 = arith.constant 1 : i32
        %get3A_863 = arith.index_cast %get3A_862 : i32 to index
        %get3A_864 = arith.index_cast %add3A_861 : i32 to index
        %get3A_865 = tpu.vector_load %arg5[%get3A_863, %get3A_864] {strides = array<i32>} : memref<4x8736xf32, #tpu.memory_space<vmem>>, vector<1x16xf32>,
        %get3A_866 = vector.shape_cast %get3A_865 : vector<1x16xf32> to vector<16xf32>
        %ge3A_867 = arith.cmpf oge, %get3A_866, %mul3A_729 : vector<16xf32>
        %select_n3A_868 = arith.select %ge3A_867, %broadcast_in_dim3A_3, %broadcast_in_dim3A_5 : vector<16xi1>, vector<16xf32>
        %add3A_869 = arith.addf %add3A_859, %select_n3A_868 : vector<16xf32>
        %add3A_870 = arith.constant 128 : i32
        %add3A_871 = arith.addi %mul3A_789, %add3A_870 : i32
        %get3A_872 = arith.constant 1 : i32
        %get3A_873 = arith.index_cast %get3A_872 : i32 to index
        %get3A_874 = arith.index_cast %add3A_871 : i32 to index
        %get3A_875 = tpu.vector_load %arg5[%get3A_873, %get3A_874] {strides = array<i32>} : memref<4x8736xf32, #tpu.memory_space<vmem>>, vector<1x16xf32>,
        %get3A_876 = vector.shape_cast %get3A_875 : vector<1x16xf32> to vector<16xf32>
        %ge3A_877 = arith.cmpf oge, %get3A_876, %mul3A_729 : vector<16xf32>
        %select_n3A_878 = arith.select %ge3A_877, %broadcast_in_dim3A_3, %broadcast_in_dim3A_5 : vector<16xi1>, vector<16xf32>
        %add3A_879 = arith.addf %add3A_869, %select_n3A_878 : vector<16xf32>
        %add3A_880 = arith.constant 144 : i32
        %add3A_881 = arith.addi %mul3A_789, %add3A_880 : i32
        %get3A_882 = arith.constant 1 : i32
        %get3A_883 = arith.index_cast %get3A_882 : i32 to index
        %get3A_884 = arith.index_cast %add3A_881 : i32 to index
        %get3A_885 = tpu.vector_load %arg5[%get3A_883, %get3A_884] {strides = array<i32>} : memref<4x8736xf32, #tpu.memory_space<vmem>>, vector<1x16xf32>,
        %get3A_886 = vector.shape_cast %get3A_885 : vector<1x16xf32> to vector<16xf32>
        %ge3A_887 = arith.cmpf oge, %get3A_886, %mul3A_729 : vector<16xf32>
        %select_n3A_888 = arith.select %ge3A_887, %broadcast_in_dim3A_3, %broadcast_in_dim3A_5 : vector<16xi1>, vector<16xf32>
        %add3A_889 = arith.addf %add3A_879, %select_n3A_888 : vector<16xf32>
        %add3A_890 = arith.constant 160 : i32
        %add3A_891 = arith.addi %mul3A_789, %add3A_890 : i32
        %get3A_892 = arith.constant 1 : i32
        %get3A_893 = arith.index_cast %get3A_892 : i32 to index
        %get3A_894 = arith.index_cast %add3A_891 : i32 to index
        %get3A_895 = tpu.vector_load %arg5[%get3A_893, %get3A_894] {strides = array<i32>} : memref<4x8736xf32, #tpu.memory_space<vmem>>, vector<1x16xf32>,
        %get3A_896 = vector.shape_cast %get3A_895 : vector<1x16xf32> to vector<16xf32>
        %ge3A_897 = arith.cmpf oge, %get3A_896, %mul3A_729 : vector<16xf32>
        %select_n3A_898 = arith.select %ge3A_897, %broadcast_in_dim3A_3, %broadcast_in_dim3A_5 : vector<16xi1>, vector<16xf32>
        %add3A_899 = arith.addf %add3A_889, %select_n3A_898 : vector<16xf32>
        %add3A_900 = arith.constant 176 : i32
        %add3A_901 = arith.addi %mul3A_789, %add3A_900 : i32
        %get3A_902 = arith.constant 1 : i32
        %get3A_903 = arith.index_cast %get3A_902 : i32 to index
        %get3A_904 = arith.index_cast %add3A_901 : i32 to index
        %get3A_905 = tpu.vector_load %arg5[%get3A_903, %get3A_904] {strides = array<i32>} : memref<4x8736xf32, #tpu.memory_space<vmem>>, vector<1x16xf32>,
        %get3A_906 = vector.shape_cast %get3A_905 : vector<1x16xf32> to vector<16xf32>
        %ge3A_907 = arith.cmpf oge, %get3A_906, %mul3A_729 : vector<16xf32>
        %select_n3A_908 = arith.select %ge3A_907, %broadcast_in_dim3A_3, %broadcast_in_dim3A_5 : vector<16xi1>, vector<16xf32>
        %add3A_909 = arith.addf %add3A_899, %select_n3A_908 : vector<16xf32>
        %add3A_910 = arith.constant 192 : i32
        %add3A_911 = arith.addi %mul3A_789, %add3A_910 : i32
        %get3A_912 = arith.constant 1 : i32
        %get3A_913 = arith.index_cast %get3A_912 : i32 to index
        %get3A_914 = arith.index_cast %add3A_911 : i32 to index
        %get3A_915 = tpu.vector_load %arg5[%get3A_913, %get3A_914] {strides = array<i32>} : memref<4x8736xf32, #tpu.memory_space<vmem>>, vector<1x16xf32>,
        %get3A_916 = vector.shape_cast %get3A_915 : vector<1x16xf32> to vector<16xf32>
        %ge3A_917 = arith.cmpf oge, %get3A_916, %mul3A_729 : vector<16xf32>
        %select_n3A_918 = arith.select %ge3A_917, %broadcast_in_dim3A_3, %broadcast_in_dim3A_5 : vector<16xi1>, vector<16xf32>
        %add3A_919 = arith.addf %add3A_909, %select_n3A_918 : vector<16xf32>
        scf.yield %add3A_919 : vector<16xf32>
      }
      %scan3A_735 = arith.constant 42 : i32
      %swap3A_736 = arith.constant 0 : index
      %swap3A_737 = tpu.vector_load %arg8[%swap3A_736] {strides = array<i32>} : memref<32xf32, #tpu.memory_space<vmem>>, vector<16xf32>,
      %swap3A_738 = vector.shape_cast %swap3A_737 : vector<16xf32> to vector<16xf32>
      %swap3A_739 = vector.shape_cast %scan3A_734 : vector<16xf32> to vector<16xf32>
      tpu.vector_store %arg8[%swap3A_736], %swap3A_739 {strides = array<i32>} : memref<32xf32, #tpu.memory_space<vmem>>, vector<16xf32>,
      %swap3A_740 = arith.constant 16 : index
      %swap3A_741 = tpu.vector_load %arg8[%swap3A_740] {strides = array<i32>} : memref<32xf32, #tpu.memory_space<vmem>>, vector<16xf32>,
      %swap3A_742 = vector.shape_cast %swap3A_741 : vector<16xf32> to vector<16xf32>
      %swap3A_743 = vector.shape_cast %scan3A_734 : vector<16xf32> to vector<16xf32>
      tpu.vector_store %arg8[%swap3A_740], %swap3A_743 {strides = array<i32>} : memref<32xf32, #tpu.memory_space<vmem>>, vector<16xf32>,
      %get3A_744 = arith.constant 8 : index
      %get3A_745 = tpu.vector_load %arg8[%get3A_744] {strides = array<i32>} : memref<32xf32, #tpu.memory_space<vmem>>, vector<16xf32>,
      %get3A_746 = vector.shape_cast %get3A_745 : vector<16xf32> to vector<16xf32>
      %add3A_747 = arith.addf %scan3A_734, %get3A_746 : vector<16xf32>
      %swap3A_748 = arith.constant 0 : index
      %swap3A_749 = tpu.vector_load %arg8[%swap3A_748] {strides = array<i32>} : memref<32xf32, #tpu.memory_space<vmem>>, vector<16xf32>,
      %swap3A_750 = vector.shape_cast %swap3A_749 : vector<16xf32> to vector<16xf32>
      %swap3A_751 = vector.shape_cast %add3A_747 : vector<16xf32> to vector<16xf32>
      tpu.vector_store %arg8[%swap3A_748], %swap3A_751 {strides = array<i32>} : memref<32xf32, #tpu.memory_space<vmem>>, vector<16xf32>,
      %swap3A_752 = arith.constant 16 : index
      %swap3A_753 = tpu.vector_load %arg8[%swap3A_752] {strides = array<i32>} : memref<32xf32, #tpu.memory_space<vmem>>, vector<16xf32>,
      %swap3A_754 = vector.shape_cast %swap3A_753 : vector<16xf32> to vector<16xf32>
      %swap3A_755 = vector.shape_cast %add3A_747 : vector<16xf32> to vector<16xf32>
      tpu.vector_store %arg8[%swap3A_752], %swap3A_755 {strides = array<i32>} : memref<32xf32, #tpu.memory_space<vmem>>, vector<16xf32>,
      %get3A_756 = arith.constant 4 : index
      %get3A_757 = tpu.vector_load %arg8[%get3A_756] {strides = array<i32>} : memref<32xf32, #tpu.memory_space<vmem>>, vector<16xf32>,
      %get3A_758 = vector.shape_cast %get3A_757 : vector<16xf32> to vector<16xf32>
      %add3A_759 = arith.addf %add3A_747, %get3A_758 : vector<16xf32>
      %swap3A_760 = arith.constant 0 : index
      %swap3A_761 = tpu.vector_load %arg8[%swap3A_760] {strides = array<i32>} : memref<32xf32, #tpu.memory_space<vmem>>, vector<16xf32>,
      %swap3A_762 = vector.shape_cast %swap3A_761 : vector<16xf32> to vector<16xf32>
      %swap3A_763 = vector.shape_cast %add3A_759 : vector<16xf32> to vector<16xf32>
      tpu.vector_store %arg8[%swap3A_760], %swap3A_763 {strides = array<i32>} : memref<32xf32, #tpu.memory_space<vmem>>, vector<16xf32>,
      %swap3A_764 = arith.constant 16 : index
      %swap3A_765 = tpu.vector_load %arg8[%swap3A_764] {strides = array<i32>} : memref<32xf32, #tpu.memory_space<vmem>>, vector<16xf32>,
      %swap3A_766 = vector.shape_cast %swap3A_765 : vector<16xf32> to vector<16xf32>
      %swap3A_767 = vector.shape_cast %add3A_759 : vector<16xf32> to vector<16xf32>
      tpu.vector_store %arg8[%swap3A_764], %swap3A_767 {strides = array<i32>} : memref<32xf32, #tpu.memory_space<vmem>>, vector<16xf32>,
      %get3A_768 = arith.constant 2 : index
      %get3A_769 = tpu.vector_load %arg8[%get3A_768] {strides = array<i32>} : memref<32xf32, #tpu.memory_space<vmem>>, vector<16xf32>,
      %get3A_770 = vector.shape_cast %get3A_769 : vector<16xf32> to vector<16xf32>
      %add3A_771 = arith.addf %add3A_759, %get3A_770 : vector<16xf32>
      %swap3A_772 = arith.constant 0 : index
      %swap3A_773 = tpu.vector_load %arg8[%swap3A_772] {strides = array<i32>} : memref<32xf32, #tpu.memory_space<vmem>>, vector<16xf32>,
      %swap3A_774 = vector.shape_cast %swap3A_773 : vector<16xf32> to vector<16xf32>
      %swap3A_775 = vector.shape_cast %add3A_771 : vector<16xf32> to vector<16xf32>
      tpu.vector_store %arg8[%swap3A_772], %swap3A_775 {strides = array<i32>} : memref<32xf32, #tpu.memory_space<vmem>>, vector<16xf32>,
      %swap3A_776 = arith.constant 16 : index
      %swap3A_777 = tpu.vector_load %arg8[%swap3A_776] {strides = array<i32>} : memref<32xf32, #tpu.memory_space<vmem>>, vector<16xf32>,
      %swap3A_778 = vector.shape_cast %swap3A_777 : vector<16xf32> to vector<16xf32>
      %swap3A_779 = vector.shape_cast %add3A_771 : vector<16xf32> to vector<16xf32>
      tpu.vector_store %arg8[%swap3A_776], %swap3A_779 {strides = array<i32>} : memref<32xf32, #tpu.memory_space<vmem>>, vector<16xf32>,
      %get3A_780 = arith.constant 1 : index
      %get3A_781 = tpu.vector_load %arg8[%get3A_780] {strides = array<i32>} : memref<32xf32, #tpu.memory_space<vmem>>, vector<16xf32>,
      %get3A_782 = vector.shape_cast %get3A_781 : vector<16xf32> to vector<16xf32>
      %add3A_783 = arith.addf %add3A_771, %get3A_782 : vector<16xf32>
      %ge3A = arith.cmpf oge, %add3A_783, %get3A_183 : vector<16xf32>
      %select_n3A_784 = arith.select %ge3A, %mul3A_729, %scan3A_724 : vector<16xi1>, vector<16xf32>
      %select_n3A_785 = arith.select %ge3A, %scan3A_725, %mul3A_729 : vector<16xi1>, vector<16xf32>
      scf.yield %select_n3A_784, %select_n3A_785 : vector<16xf32>, vector<16xf32>
    }
    %scan3A_249 = arith.constant 20 : i32
    %scan3A_250 = arith.constant 0 : i32
    %scan3A_251 = arith.constant 42 : i32
    %scan3A_252 = arith.addi %scan3A_250, %scan3A_251 : i32
    %scan3A_253 = arith.constant 1 : i32
    %scan3A_254:2 = scf.for %scan3A_723 = %scan3A_250 to %scan3A_252 step %scan3A_253 iter_args(%scan3A_724 = %broadcast_in_dim3A_5, %scan3A_725 = %broadcast_in_dim3A_5) -> (vector<16xf32>, vector<16xf32>)  : i32 {
      %mul3A_726 = arith.constant 208 : i32
      %mul3A_727 = arith.muli %scan3A_723, %mul3A_726 : i32
      %add3A_728 = arith.constant 0 : i32
      %add3A_729 = arith.addi %mul3A_727, %add3A_728 : i32
      %get3A_730 = arith.constant 1 : i32
      %get3A_731 = arith.index_cast %get3A_730 : i32 to index
      %get3A_732 = arith.index_cast %add3A_729 : i32 to index
      %get3A_733 = tpu.vector_load %arg5[%get3A_731, %get3A_732] {strides = array<i32>} : memref<4x8736xf32, #tpu.memory_space<vmem>>, vector<1x16xf32>,
      %get3A_734 = vector.shape_cast %get3A_733 : vector<1x16xf32> to vector<16xf32>
      %gt3A = arith.cmpf ogt, %get3A_734, %scan3A_248#0 : vector<16xf32>
      %select_n3A_735 = arith.select %gt3A, %broadcast_in_dim3A_3, %broadcast_in_dim3A_5 : vector<16xi1>, vector<16xf32>
      %add3A_736 = arith.addf %scan3A_724, %select_n3A_735 : vector<16xf32>
      %select_n3A_737 = arith.select %gt3A, %get3A_734, %broadcast_in_dim3A_5 : vector<16xi1>, vector<16xf32>
      %add3A_738 = arith.addf %scan3A_725, %select_n3A_737 : vector<16xf32>
      %add3A_739 = arith.constant 16 : i32
      %add3A_740 = arith.addi %mul3A_727, %add3A_739 : i32
      %get3A_741 = arith.constant 1 : i32
      %get3A_742 = arith.index_cast %get3A_741 : i32 to index
      %get3A_743 = arith.index_cast %add3A_740 : i32 to index
      %get3A_744 = tpu.vector_load %arg5[%get3A_742, %get3A_743] {strides = array<i32>} : memref<4x8736xf32, #tpu.memory_space<vmem>>, vector<1x16xf32>,
      %get3A_745 = vector.shape_cast %get3A_744 : vector<1x16xf32> to vector<16xf32>
      %gt3A_746 = arith.cmpf ogt, %get3A_745, %scan3A_248#0 : vector<16xf32>
      %select_n3A_747 = arith.select %gt3A_746, %broadcast_in_dim3A_3, %broadcast_in_dim3A_5 : vector<16xi1>, vector<16xf32>
      %add3A_748 = arith.addf %add3A_736, %select_n3A_747 : vector<16xf32>
      %select_n3A_749 = arith.select %gt3A_746, %get3A_745, %broadcast_in_dim3A_5 : vector<16xi1>, vector<16xf32>
      %add3A_750 = arith.addf %add3A_738, %select_n3A_749 : vector<16xf32>
      %add3A_751 = arith.constant 32 : i32
      %add3A_752 = arith.addi %mul3A_727, %add3A_751 : i32
      %get3A_753 = arith.constant 1 : i32
      %get3A_754 = arith.index_cast %get3A_753 : i32 to index
      %get3A_755 = arith.index_cast %add3A_752 : i32 to index
      %get3A_756 = tpu.vector_load %arg5[%get3A_754, %get3A_755] {strides = array<i32>} : memref<4x8736xf32, #tpu.memory_space<vmem>>, vector<1x16xf32>,
      %get3A_757 = vector.shape_cast %get3A_756 : vector<1x16xf32> to vector<16xf32>
      %gt3A_758 = arith.cmpf ogt, %get3A_757, %scan3A_248#0 : vector<16xf32>
      %select_n3A_759 = arith.select %gt3A_758, %broadcast_in_dim3A_3, %broadcast_in_dim3A_5 : vector<16xi1>, vector<16xf32>
      %add3A_760 = arith.addf %add3A_748, %select_n3A_759 : vector<16xf32>
      %select_n3A_761 = arith.select %gt3A_758, %get3A_757, %broadcast_in_dim3A_5 : vector<16xi1>, vector<16xf32>
      %add3A_762 = arith.addf %add3A_750, %select_n3A_761 : vector<16xf32>
      %add3A_763 = arith.constant 48 : i32
      %add3A_764 = arith.addi %mul3A_727, %add3A_763 : i32
      %get3A_765 = arith.constant 1 : i32
      %get3A_766 = arith.index_cast %get3A_765 : i32 to index
      %get3A_767 = arith.index_cast %add3A_764 : i32 to index
      %get3A_768 = tpu.vector_load %arg5[%get3A_766, %get3A_767] {strides = array<i32>} : memref<4x8736xf32, #tpu.memory_space<vmem>>, vector<1x16xf32>,
      %get3A_769 = vector.shape_cast %get3A_768 : vector<1x16xf32> to vector<16xf32>
      %gt3A_770 = arith.cmpf ogt, %get3A_769, %scan3A_248#0 : vector<16xf32>
      %select_n3A_771 = arith.select %gt3A_770, %broadcast_in_dim3A_3, %broadcast_in_dim3A_5 : vector<16xi1>, vector<16xf32>
      %add3A_772 = arith.addf %add3A_760, %select_n3A_771 : vector<16xf32>
      %select_n3A_773 = arith.select %gt3A_770, %get3A_769, %broadcast_in_dim3A_5 : vector<16xi1>, vector<16xf32>
      %add3A_774 = arith.addf %add3A_762, %select_n3A_773 : vector<16xf32>
      %add3A_775 = arith.constant 64 : i32
      %add3A_776 = arith.addi %mul3A_727, %add3A_775 : i32
      %get3A_777 = arith.constant 1 : i32
      %get3A_778 = arith.index_cast %get3A_777 : i32 to index
      %get3A_779 = arith.index_cast %add3A_776 : i32 to index
      %get3A_780 = tpu.vector_load %arg5[%get3A_778, %get3A_779] {strides = array<i32>} : memref<4x8736xf32, #tpu.memory_space<vmem>>, vector<1x16xf32>,
      %get3A_781 = vector.shape_cast %get3A_780 : vector<1x16xf32> to vector<16xf32>
      %gt3A_782 = arith.cmpf ogt, %get3A_781, %scan3A_248#0 : vector<16xf32>
      %select_n3A_783 = arith.select %gt3A_782, %broadcast_in_dim3A_3, %broadcast_in_dim3A_5 : vector<16xi1>, vector<16xf32>
      %add3A_784 = arith.addf %add3A_772, %select_n3A_783 : vector<16xf32>
      %select_n3A_785 = arith.select %gt3A_782, %get3A_781, %broadcast_in_dim3A_5 : vector<16xi1>, vector<16xf32>
      %add3A_786 = arith.addf %add3A_774, %select_n3A_785 : vector<16xf32>
      %add3A_787 = arith.constant 80 : i32
      %add3A_788 = arith.addi %mul3A_727, %add3A_787 : i32
      %get3A_789 = arith.constant 1 : i32
      %get3A_790 = arith.index_cast %get3A_789 : i32 to index
      %get3A_791 = arith.index_cast %add3A_788 : i32 to index
      %get3A_792 = tpu.vector_load %arg5[%get3A_790, %get3A_791] {strides = array<i32>} : memref<4x8736xf32, #tpu.memory_space<vmem>>, vector<1x16xf32>,
      %get3A_793 = vector.shape_cast %get3A_792 : vector<1x16xf32> to vector<16xf32>
      %gt3A_794 = arith.cmpf ogt, %get3A_793, %scan3A_248#0 : vector<16xf32>
      %select_n3A_795 = arith.select %gt3A_794, %broadcast_in_dim3A_3, %broadcast_in_dim3A_5 : vector<16xi1>, vector<16xf32>
      %add3A_796 = arith.addf %add3A_784, %select_n3A_795 : vector<16xf32>
      %select_n3A_797 = arith.select %gt3A_794, %get3A_793, %broadcast_in_dim3A_5 : vector<16xi1>, vector<16xf32>
      %add3A_798 = arith.addf %add3A_786, %select_n3A_797 : vector<16xf32>
      %add3A_799 = arith.constant 96 : i32
      %add3A_800 = arith.addi %mul3A_727, %add3A_799 : i32
      %get3A_801 = arith.constant 1 : i32
      %get3A_802 = arith.index_cast %get3A_801 : i32 to index
      %get3A_803 = arith.index_cast %add3A_800 : i32 to index
      %get3A_804 = tpu.vector_load %arg5[%get3A_802, %get3A_803] {strides = array<i32>} : memref<4x8736xf32, #tpu.memory_space<vmem>>, vector<1x16xf32>,
      %get3A_805 = vector.shape_cast %get3A_804 : vector<1x16xf32> to vector<16xf32>
      %gt3A_806 = arith.cmpf ogt, %get3A_805, %scan3A_248#0 : vector<16xf32>
      %select_n3A_807 = arith.select %gt3A_806, %broadcast_in_dim3A_3, %broadcast_in_dim3A_5 : vector<16xi1>, vector<16xf32>
      %add3A_808 = arith.addf %add3A_796, %select_n3A_807 : vector<16xf32>
      %select_n3A_809 = arith.select %gt3A_806, %get3A_805, %broadcast_in_dim3A_5 : vector<16xi1>, vector<16xf32>
      %add3A_810 = arith.addf %add3A_798, %select_n3A_809 : vector<16xf32>
      %add3A_811 = arith.constant 112 : i32
      %add3A_812 = arith.addi %mul3A_727, %add3A_811 : i32
      %get3A_813 = arith.constant 1 : i32
      %get3A_814 = arith.index_cast %get3A_813 : i32 to index
      %get3A_815 = arith.index_cast %add3A_812 : i32 to index
      %get3A_816 = tpu.vector_load %arg5[%get3A_814, %get3A_815] {strides = array<i32>} : memref<4x8736xf32, #tpu.memory_space<vmem>>, vector<1x16xf32>,
      %get3A_817 = vector.shape_cast %get3A_816 : vector<1x16xf32> to vector<16xf32>
      %gt3A_818 = arith.cmpf ogt, %get3A_817, %scan3A_248#0 : vector<16xf32>
      %select_n3A_819 = arith.select %gt3A_818, %broadcast_in_dim3A_3, %broadcast_in_dim3A_5 : vector<16xi1>, vector<16xf32>
      %add3A_820 = arith.addf %add3A_808, %select_n3A_819 : vector<16xf32>
      %select_n3A_821 = arith.select %gt3A_818, %get3A_817, %broadcast_in_dim3A_5 : vector<16xi1>, vector<16xf32>
      %add3A_822 = arith.addf %add3A_810, %select_n3A_821 : vector<16xf32>
      %add3A_823 = arith.constant 128 : i32
      %add3A_824 = arith.addi %mul3A_727, %add3A_823 : i32
      %get3A_825 = arith.constant 1 : i32
      %get3A_826 = arith.index_cast %get3A_825 : i32 to index
      %get3A_827 = arith.index_cast %add3A_824 : i32 to index
      %get3A_828 = tpu.vector_load %arg5[%get3A_826, %get3A_827] {strides = array<i32>} : memref<4x8736xf32, #tpu.memory_space<vmem>>, vector<1x16xf32>,
      %get3A_829 = vector.shape_cast %get3A_828 : vector<1x16xf32> to vector<16xf32>
      %gt3A_830 = arith.cmpf ogt, %get3A_829, %scan3A_248#0 : vector<16xf32>
      %select_n3A_831 = arith.select %gt3A_830, %broadcast_in_dim3A_3, %broadcast_in_dim3A_5 : vector<16xi1>, vector<16xf32>
      %add3A_832 = arith.addf %add3A_820, %select_n3A_831 : vector<16xf32>
      %select_n3A_833 = arith.select %gt3A_830, %get3A_829, %broadcast_in_dim3A_5 : vector<16xi1>, vector<16xf32>
      %add3A_834 = arith.addf %add3A_822, %select_n3A_833 : vector<16xf32>
      %add3A_835 = arith.constant 144 : i32
      %add3A_836 = arith.addi %mul3A_727, %add3A_835 : i32
      %get3A_837 = arith.constant 1 : i32
      %get3A_838 = arith.index_cast %get3A_837 : i32 to index
      %get3A_839 = arith.index_cast %add3A_836 : i32 to index
      %get3A_840 = tpu.vector_load %arg5[%get3A_838, %get3A_839] {strides = array<i32>} : memref<4x8736xf32, #tpu.memory_space<vmem>>, vector<1x16xf32>,
      %get3A_841 = vector.shape_cast %get3A_840 : vector<1x16xf32> to vector<16xf32>
      %gt3A_842 = arith.cmpf ogt, %get3A_841, %scan3A_248#0 : vector<16xf32>
      %select_n3A_843 = arith.select %gt3A_842, %broadcast_in_dim3A_3, %broadcast_in_dim3A_5 : vector<16xi1>, vector<16xf32>
      %add3A_844 = arith.addf %add3A_832, %select_n3A_843 : vector<16xf32>
      %select_n3A_845 = arith.select %gt3A_842, %get3A_841, %broadcast_in_dim3A_5 : vector<16xi1>, vector<16xf32>
      %add3A_846 = arith.addf %add3A_834, %select_n3A_845 : vector<16xf32>
      %add3A_847 = arith.constant 160 : i32
      %add3A_848 = arith.addi %mul3A_727, %add3A_847 : i32
      %get3A_849 = arith.constant 1 : i32
      %get3A_850 = arith.index_cast %get3A_849 : i32 to index
      %get3A_851 = arith.index_cast %add3A_848 : i32 to index
      %get3A_852 = tpu.vector_load %arg5[%get3A_850, %get3A_851] {strides = array<i32>} : memref<4x8736xf32, #tpu.memory_space<vmem>>, vector<1x16xf32>,
      %get3A_853 = vector.shape_cast %get3A_852 : vector<1x16xf32> to vector<16xf32>
      %gt3A_854 = arith.cmpf ogt, %get3A_853, %scan3A_248#0 : vector<16xf32>
      %select_n3A_855 = arith.select %gt3A_854, %broadcast_in_dim3A_3, %broadcast_in_dim3A_5 : vector<16xi1>, vector<16xf32>
      %add3A_856 = arith.addf %add3A_844, %select_n3A_855 : vector<16xf32>
      %select_n3A_857 = arith.select %gt3A_854, %get3A_853, %broadcast_in_dim3A_5 : vector<16xi1>, vector<16xf32>
      %add3A_858 = arith.addf %add3A_846, %select_n3A_857 : vector<16xf32>
      %add3A_859 = arith.constant 176 : i32
      %add3A_860 = arith.addi %mul3A_727, %add3A_859 : i32
      %get3A_861 = arith.constant 1 : i32
      %get3A_862 = arith.index_cast %get3A_861 : i32 to index
      %get3A_863 = arith.index_cast %add3A_860 : i32 to index
      %get3A_864 = tpu.vector_load %arg5[%get3A_862, %get3A_863] {strides = array<i32>} : memref<4x8736xf32, #tpu.memory_space<vmem>>, vector<1x16xf32>,
      %get3A_865 = vector.shape_cast %get3A_864 : vector<1x16xf32> to vector<16xf32>
      %gt3A_866 = arith.cmpf ogt, %get3A_865, %scan3A_248#0 : vector<16xf32>
      %select_n3A_867 = arith.select %gt3A_866, %broadcast_in_dim3A_3, %broadcast_in_dim3A_5 : vector<16xi1>, vector<16xf32>
      %add3A_868 = arith.addf %add3A_856, %select_n3A_867 : vector<16xf32>
      %select_n3A_869 = arith.select %gt3A_866, %get3A_865, %broadcast_in_dim3A_5 : vector<16xi1>, vector<16xf32>
      %add3A_870 = arith.addf %add3A_858, %select_n3A_869 : vector<16xf32>
      %add3A_871 = arith.constant 192 : i32
      %add3A_872 = arith.addi %mul3A_727, %add3A_871 : i32
      %get3A_873 = arith.constant 1 : i32
      %get3A_874 = arith.index_cast %get3A_873 : i32 to index
      %get3A_875 = arith.index_cast %add3A_872 : i32 to index
      %get3A_876 = tpu.vector_load %arg5[%get3A_874, %get3A_875] {strides = array<i32>} : memref<4x8736xf32, #tpu.memory_space<vmem>>, vector<1x16xf32>,
      %get3A_877 = vector.shape_cast %get3A_876 : vector<1x16xf32> to vector<16xf32>
      %gt3A_878 = arith.cmpf ogt, %get3A_877, %scan3A_248#0 : vector<16xf32>
      %select_n3A_879 = arith.select %gt3A_878, %broadcast_in_dim3A_3, %broadcast_in_dim3A_5 : vector<16xi1>, vector<16xf32>
      %add3A_880 = arith.addf %add3A_868, %select_n3A_879 : vector<16xf32>
      %select_n3A_881 = arith.select %gt3A_878, %get3A_877, %broadcast_in_dim3A_5 : vector<16xi1>, vector<16xf32>
      %add3A_882 = arith.addf %add3A_870, %select_n3A_881 : vector<16xf32>
      scf.yield %add3A_880, %add3A_882 : vector<16xf32>, vector<16xf32>
    }
    %scan3A_255 = arith.constant 42 : i32
    %swap3A_256 = arith.constant 0 : index
    %swap3A_257 = tpu.vector_load %arg8[%swap3A_256] {strides = array<i32>} : memref<32xf32, #tpu.memory_space<vmem>>, vector<16xf32>,
    %swap3A_258 = vector.shape_cast %swap3A_257 : vector<16xf32> to vector<16xf32>
    %swap3A_259 = vector.shape_cast %scan3A_254#0 : vector<16xf32> to vector<16xf32>
    tpu.vector_store %arg8[%swap3A_256], %swap3A_259 {strides = array<i32>} : memref<32xf32, #tpu.memory_space<vmem>>, vector<16xf32>,
    %swap3A_260 = arith.constant 16 : index
    %swap3A_261 = tpu.vector_load %arg8[%swap3A_260] {strides = array<i32>} : memref<32xf32, #tpu.memory_space<vmem>>, vector<16xf32>,
    %swap3A_262 = vector.shape_cast %swap3A_261 : vector<16xf32> to vector<16xf32>
    %swap3A_263 = vector.shape_cast %scan3A_254#0 : vector<16xf32> to vector<16xf32>
    tpu.vector_store %arg8[%swap3A_260], %swap3A_263 {strides = array<i32>} : memref<32xf32, #tpu.memory_space<vmem>>, vector<16xf32>,
    %get3A_264 = arith.constant 8 : index
    %get3A_265 = tpu.vector_load %arg8[%get3A_264] {strides = array<i32>} : memref<32xf32, #tpu.memory_space<vmem>>, vector<16xf32>,
    %get3A_266 = vector.shape_cast %get3A_265 : vector<16xf32> to vector<16xf32>
    %add3A_267 = arith.addf %scan3A_254#0, %get3A_266 : vector<16xf32>
    %swap3A_268 = arith.constant 0 : index
    %swap3A_269 = tpu.vector_load %arg8[%swap3A_268] {strides = array<i32>} : memref<32xf32, #tpu.memory_space<vmem>>, vector<16xf32>,
    %swap3A_270 = vector.shape_cast %swap3A_269 : vector<16xf32> to vector<16xf32>
    %swap3A_271 = vector.shape_cast %add3A_267 : vector<16xf32> to vector<16xf32>
    tpu.vector_store %arg8[%swap3A_268], %swap3A_271 {strides = array<i32>} : memref<32xf32, #tpu.memory_space<vmem>>, vector<16xf32>,
    %swap3A_272 = arith.constant 16 : index
    %swap3A_273 = tpu.vector_load %arg8[%swap3A_272] {strides = array<i32>} : memref<32xf32, #tpu.memory_space<vmem>>, vector<16xf32>,
    %swap3A_274 = vector.shape_cast %swap3A_273 : vector<16xf32> to vector<16xf32>
    %swap3A_275 = vector.shape_cast %add3A_267 : vector<16xf32> to vector<16xf32>
    tpu.vector_store %arg8[%swap3A_272], %swap3A_275 {strides = array<i32>} : memref<32xf32, #tpu.memory_space<vmem>>, vector<16xf32>,
    %get3A_276 = arith.constant 4 : index
    %get3A_277 = tpu.vector_load %arg8[%get3A_276] {strides = array<i32>} : memref<32xf32, #tpu.memory_space<vmem>>, vector<16xf32>,
    %get3A_278 = vector.shape_cast %get3A_277 : vector<16xf32> to vector<16xf32>
    %add3A_279 = arith.addf %add3A_267, %get3A_278 : vector<16xf32>
    %swap3A_280 = arith.constant 0 : index
    %swap3A_281 = tpu.vector_load %arg8[%swap3A_280] {strides = array<i32>} : memref<32xf32, #tpu.memory_space<vmem>>, vector<16xf32>,
    %swap3A_282 = vector.shape_cast %swap3A_281 : vector<16xf32> to vector<16xf32>
    %swap3A_283 = vector.shape_cast %add3A_279 : vector<16xf32> to vector<16xf32>
    tpu.vector_store %arg8[%swap3A_280], %swap3A_283 {strides = array<i32>} : memref<32xf32, #tpu.memory_space<vmem>>, vector<16xf32>,
    %swap3A_284 = arith.constant 16 : index
    %swap3A_285 = tpu.vector_load %arg8[%swap3A_284] {strides = array<i32>} : memref<32xf32, #tpu.memory_space<vmem>>, vector<16xf32>,
    %swap3A_286 = vector.shape_cast %swap3A_285 : vector<16xf32> to vector<16xf32>
    %swap3A_287 = vector.shape_cast %add3A_279 : vector<16xf32> to vector<16xf32>
    tpu.vector_store %arg8[%swap3A_284], %swap3A_287 {strides = array<i32>} : memref<32xf32, #tpu.memory_space<vmem>>, vector<16xf32>,
    %get3A_288 = arith.constant 2 : index
    %get3A_289 = tpu.vector_load %arg8[%get3A_288] {strides = array<i32>} : memref<32xf32, #tpu.memory_space<vmem>>, vector<16xf32>,
    %get3A_290 = vector.shape_cast %get3A_289 : vector<16xf32> to vector<16xf32>
    %add3A_291 = arith.addf %add3A_279, %get3A_290 : vector<16xf32>
    %swap3A_292 = arith.constant 0 : index
    %swap3A_293 = tpu.vector_load %arg8[%swap3A_292] {strides = array<i32>} : memref<32xf32, #tpu.memory_space<vmem>>, vector<16xf32>,
    %swap3A_294 = vector.shape_cast %swap3A_293 : vector<16xf32> to vector<16xf32>
    %swap3A_295 = vector.shape_cast %add3A_291 : vector<16xf32> to vector<16xf32>
    tpu.vector_store %arg8[%swap3A_292], %swap3A_295 {strides = array<i32>} : memref<32xf32, #tpu.memory_space<vmem>>, vector<16xf32>,
    %swap3A_296 = arith.constant 16 : index
    %swap3A_297 = tpu.vector_load %arg8[%swap3A_296] {strides = array<i32>} : memref<32xf32, #tpu.memory_space<vmem>>, vector<16xf32>,
    %swap3A_298 = vector.shape_cast %swap3A_297 : vector<16xf32> to vector<16xf32>
    %swap3A_299 = vector.shape_cast %add3A_291 : vector<16xf32> to vector<16xf32>
    tpu.vector_store %arg8[%swap3A_296], %swap3A_299 {strides = array<i32>} : memref<32xf32, #tpu.memory_space<vmem>>, vector<16xf32>,
    %get3A_300 = arith.constant 1 : index
    %get3A_301 = tpu.vector_load %arg8[%get3A_300] {strides = array<i32>} : memref<32xf32, #tpu.memory_space<vmem>>, vector<16xf32>,
    %get3A_302 = vector.shape_cast %get3A_301 : vector<16xf32> to vector<16xf32>
    %add3A_303 = arith.addf %add3A_291, %get3A_302 : vector<16xf32>
    %swap3A_304 = arith.constant 0 : index
    %swap3A_305 = tpu.vector_load %arg8[%swap3A_304] {strides = array<i32>} : memref<32xf32, #tpu.memory_space<vmem>>, vector<16xf32>,
    %swap3A_306 = vector.shape_cast %swap3A_305 : vector<16xf32> to vector<16xf32>
    %swap3A_307 = vector.shape_cast %scan3A_254#1 : vector<16xf32> to vector<16xf32>
    tpu.vector_store %arg8[%swap3A_304], %swap3A_307 {strides = array<i32>} : memref<32xf32, #tpu.memory_space<vmem>>, vector<16xf32>,
    %swap3A_308 = arith.constant 16 : index
    %swap3A_309 = tpu.vector_load %arg8[%swap3A_308] {strides = array<i32>} : memref<32xf32, #tpu.memory_space<vmem>>, vector<16xf32>,
    %swap3A_310 = vector.shape_cast %swap3A_309 : vector<16xf32> to vector<16xf32>
    %swap3A_311 = vector.shape_cast %scan3A_254#1 : vector<16xf32> to vector<16xf32>
    tpu.vector_store %arg8[%swap3A_308], %swap3A_311 {strides = array<i32>} : memref<32xf32, #tpu.memory_space<vmem>>, vector<16xf32>,
    %get3A_312 = arith.constant 8 : index
    %get3A_313 = tpu.vector_load %arg8[%get3A_312] {strides = array<i32>} : memref<32xf32, #tpu.memory_space<vmem>>, vector<16xf32>,
    %get3A_314 = vector.shape_cast %get3A_313 : vector<16xf32> to vector<16xf32>
    %add3A_315 = arith.addf %scan3A_254#1, %get3A_314 : vector<16xf32>
    %swap3A_316 = arith.constant 0 : index
    %swap3A_317 = tpu.vector_load %arg8[%swap3A_316] {strides = array<i32>} : memref<32xf32, #tpu.memory_space<vmem>>, vector<16xf32>,
    %swap3A_318 = vector.shape_cast %swap3A_317 : vector<16xf32> to vector<16xf32>
    %swap3A_319 = vector.shape_cast %add3A_315 : vector<16xf32> to vector<16xf32>
    tpu.vector_store %arg8[%swap3A_316], %swap3A_319 {strides = array<i32>} : memref<32xf32, #tpu.memory_space<vmem>>, vector<16xf32>,
    %swap3A_320 = arith.constant 16 : index
    %swap3A_321 = tpu.vector_load %arg8[%swap3A_320] {strides = array<i32>} : memref<32xf32, #tpu.memory_space<vmem>>, vector<16xf32>,
    %swap3A_322 = vector.shape_cast %swap3A_321 : vector<16xf32> to vector<16xf32>
    %swap3A_323 = vector.shape_cast %add3A_315 : vector<16xf32> to vector<16xf32>
    tpu.vector_store %arg8[%swap3A_320], %swap3A_323 {strides = array<i32>} : memref<32xf32, #tpu.memory_space<vmem>>, vector<16xf32>,
    %get3A_324 = arith.constant 4 : index
    %get3A_325 = tpu.vector_load %arg8[%get3A_324] {strides = array<i32>} : memref<32xf32, #tpu.memory_space<vmem>>, vector<16xf32>,
    %get3A_326 = vector.shape_cast %get3A_325 : vector<16xf32> to vector<16xf32>
    %add3A_327 = arith.addf %add3A_315, %get3A_326 : vector<16xf32>
    %swap3A_328 = arith.constant 0 : index
    %swap3A_329 = tpu.vector_load %arg8[%swap3A_328] {strides = array<i32>} : memref<32xf32, #tpu.memory_space<vmem>>, vector<16xf32>,
    %swap3A_330 = vector.shape_cast %swap3A_329 : vector<16xf32> to vector<16xf32>
    %swap3A_331 = vector.shape_cast %add3A_327 : vector<16xf32> to vector<16xf32>
    tpu.vector_store %arg8[%swap3A_328], %swap3A_331 {strides = array<i32>} : memref<32xf32, #tpu.memory_space<vmem>>, vector<16xf32>,
    %swap3A_332 = arith.constant 16 : index
    %swap3A_333 = tpu.vector_load %arg8[%swap3A_332] {strides = array<i32>} : memref<32xf32, #tpu.memory_space<vmem>>, vector<16xf32>,
    %swap3A_334 = vector.shape_cast %swap3A_333 : vector<16xf32> to vector<16xf32>
    %swap3A_335 = vector.shape_cast %add3A_327 : vector<16xf32> to vector<16xf32>
    tpu.vector_store %arg8[%swap3A_332], %swap3A_335 {strides = array<i32>} : memref<32xf32, #tpu.memory_space<vmem>>, vector<16xf32>,
    %get3A_336 = arith.constant 2 : index
    %get3A_337 = tpu.vector_load %arg8[%get3A_336] {strides = array<i32>} : memref<32xf32, #tpu.memory_space<vmem>>, vector<16xf32>,
    %get3A_338 = vector.shape_cast %get3A_337 : vector<16xf32> to vector<16xf32>
    %add3A_339 = arith.addf %add3A_327, %get3A_338 : vector<16xf32>
    %swap3A_340 = arith.constant 0 : index
    %swap3A_341 = tpu.vector_load %arg8[%swap3A_340] {strides = array<i32>} : memref<32xf32, #tpu.memory_space<vmem>>, vector<16xf32>,
    %swap3A_342 = vector.shape_cast %swap3A_341 : vector<16xf32> to vector<16xf32>
    %swap3A_343 = vector.shape_cast %add3A_339 : vector<16xf32> to vector<16xf32>
    tpu.vector_store %arg8[%swap3A_340], %swap3A_343 {strides = array<i32>} : memref<32xf32, #tpu.memory_space<vmem>>, vector<16xf32>,
    %swap3A_344 = arith.constant 16 : index
    %swap3A_345 = tpu.vector_load %arg8[%swap3A_344] {strides = array<i32>} : memref<32xf32, #tpu.memory_space<vmem>>, vector<16xf32>,
    %swap3A_346 = vector.shape_cast %swap3A_345 : vector<16xf32> to vector<16xf32>
    %swap3A_347 = vector.shape_cast %add3A_339 : vector<16xf32> to vector<16xf32>
    tpu.vector_store %arg8[%swap3A_344], %swap3A_347 {strides = array<i32>} : memref<32xf32, #tpu.memory_space<vmem>>, vector<16xf32>,
    %get3A_348 = arith.constant 1 : index
    %get3A_349 = tpu.vector_load %arg8[%get3A_348] {strides = array<i32>} : memref<32xf32, #tpu.memory_space<vmem>>, vector<16xf32>,
    %get3A_350 = vector.shape_cast %get3A_349 : vector<16xf32> to vector<16xf32>
    %add3A_351 = arith.addf %add3A_339, %get3A_350 : vector<16xf32>
    %eq3A_352 = arith.constant 1 : i32
    %eq3A_353 = vector.broadcast %eq3A_352 : i32 to vector<16xi32>
    %eq3A_354 = arith.cmpi eq, %iota3A, %eq3A_353 : vector<16xi32>
    %sub3A_355 = arith.subf %get3A_183, %add3A_303 : vector<16xf32>
    %mul3A_356 = arith.mulf %sub3A_355, %scan3A_248#0 : vector<16xf32>
    %add3A_357 = arith.addf %add3A_351, %mul3A_356 : vector<16xf32>
    %select_n3A_358 = arith.select %eq3A_354, %add3A_357, %select_n3A : vector<16xi1>, vector<16xf32>
    %get3A_359 = arith.constant 2 : i32
    %get3A_360 = arith.index_cast %get3A_359 : i32 to index
    %get3A_361 = arith.constant 0 : index
    %get3A_362 = tpu.vector_load %arg6[%get3A_360, %get3A_361] {strides = array<i32>} : memref<4x16xf32, #tpu.memory_space<vmem>>, vector<1x16xf32>,
    %get3A_363 = vector.shape_cast %get3A_362 : vector<1x16xf32> to vector<16xf32>
    %scan3A_364 = arith.constant 0 : i32
    %scan3A_365 = arith.constant 42 : i32
    %scan3A_366 = arith.addi %scan3A_364, %scan3A_365 : i32
    %scan3A_367 = arith.constant 1 : i32
    %scan3A_368 = scf.for %scan3A_723 = %scan3A_364 to %scan3A_366 step %scan3A_367 iter_args(%scan3A_724 = %broadcast_in_dim3A_5) -> (vector<16xf32>)  : i32 {
      %mul3A_725 = arith.constant 208 : i32
      %mul3A_726 = arith.muli %scan3A_723, %mul3A_725 : i32
      %add3A_727 = arith.constant 0 : i32
      %add3A_728 = arith.addi %mul3A_726, %add3A_727 : i32
      %get3A_729 = arith.constant 2 : i32
      %get3A_730 = arith.index_cast %get3A_729 : i32 to index
      %get3A_731 = arith.index_cast %add3A_728 : i32 to index
      %get3A_732 = tpu.vector_load %arg5[%get3A_730, %get3A_731] {strides = array<i32>} : memref<4x8736xf32, #tpu.memory_space<vmem>>, vector<1x16xf32>,
      %get3A_733 = vector.shape_cast %get3A_732 : vector<1x16xf32> to vector<16xf32>
      %max3A_734 = arith.maximumf %scan3A_724, %get3A_733 : vector<16xf32>
      %add3A_735 = arith.constant 16 : i32
      %add3A_736 = arith.addi %mul3A_726, %add3A_735 : i32
      %get3A_737 = arith.constant 2 : i32
      %get3A_738 = arith.index_cast %get3A_737 : i32 to index
      %get3A_739 = arith.index_cast %add3A_736 : i32 to index
      %get3A_740 = tpu.vector_load %arg5[%get3A_738, %get3A_739] {strides = array<i32>} : memref<4x8736xf32, #tpu.memory_space<vmem>>, vector<1x16xf32>,
      %get3A_741 = vector.shape_cast %get3A_740 : vector<1x16xf32> to vector<16xf32>
      %max3A_742 = arith.maximumf %max3A_734, %get3A_741 : vector<16xf32>
      %add3A_743 = arith.constant 32 : i32
      %add3A_744 = arith.addi %mul3A_726, %add3A_743 : i32
      %get3A_745 = arith.constant 2 : i32
      %get3A_746 = arith.index_cast %get3A_745 : i32 to index
      %get3A_747 = arith.index_cast %add3A_744 : i32 to index
      %get3A_748 = tpu.vector_load %arg5[%get3A_746, %get3A_747] {strides = array<i32>} : memref<4x8736xf32, #tpu.memory_space<vmem>>, vector<1x16xf32>,
      %get3A_749 = vector.shape_cast %get3A_748 : vector<1x16xf32> to vector<16xf32>
      %max3A_750 = arith.maximumf %max3A_742, %get3A_749 : vector<16xf32>
      %add3A_751 = arith.constant 48 : i32
      %add3A_752 = arith.addi %mul3A_726, %add3A_751 : i32
      %get3A_753 = arith.constant 2 : i32
      %get3A_754 = arith.index_cast %get3A_753 : i32 to index
      %get3A_755 = arith.index_cast %add3A_752 : i32 to index
      %get3A_756 = tpu.vector_load %arg5[%get3A_754, %get3A_755] {strides = array<i32>} : memref<4x8736xf32, #tpu.memory_space<vmem>>, vector<1x16xf32>,
      %get3A_757 = vector.shape_cast %get3A_756 : vector<1x16xf32> to vector<16xf32>
      %max3A_758 = arith.maximumf %max3A_750, %get3A_757 : vector<16xf32>
      %add3A_759 = arith.constant 64 : i32
      %add3A_760 = arith.addi %mul3A_726, %add3A_759 : i32
      %get3A_761 = arith.constant 2 : i32
      %get3A_762 = arith.index_cast %get3A_761 : i32 to index
      %get3A_763 = arith.index_cast %add3A_760 : i32 to index
      %get3A_764 = tpu.vector_load %arg5[%get3A_762, %get3A_763] {strides = array<i32>} : memref<4x8736xf32, #tpu.memory_space<vmem>>, vector<1x16xf32>,
      %get3A_765 = vector.shape_cast %get3A_764 : vector<1x16xf32> to vector<16xf32>
      %max3A_766 = arith.maximumf %max3A_758, %get3A_765 : vector<16xf32>
      %add3A_767 = arith.constant 80 : i32
      %add3A_768 = arith.addi %mul3A_726, %add3A_767 : i32
      %get3A_769 = arith.constant 2 : i32
      %get3A_770 = arith.index_cast %get3A_769 : i32 to index
      %get3A_771 = arith.index_cast %add3A_768 : i32 to index
      %get3A_772 = tpu.vector_load %arg5[%get3A_770, %get3A_771] {strides = array<i32>} : memref<4x8736xf32, #tpu.memory_space<vmem>>, vector<1x16xf32>,
      %get3A_773 = vector.shape_cast %get3A_772 : vector<1x16xf32> to vector<16xf32>
      %max3A_774 = arith.maximumf %max3A_766, %get3A_773 : vector<16xf32>
      %add3A_775 = arith.constant 96 : i32
      %add3A_776 = arith.addi %mul3A_726, %add3A_775 : i32
      %get3A_777 = arith.constant 2 : i32
      %get3A_778 = arith.index_cast %get3A_777 : i32 to index
      %get3A_779 = arith.index_cast %add3A_776 : i32 to index
      %get3A_780 = tpu.vector_load %arg5[%get3A_778, %get3A_779] {strides = array<i32>} : memref<4x8736xf32, #tpu.memory_space<vmem>>, vector<1x16xf32>,
      %get3A_781 = vector.shape_cast %get3A_780 : vector<1x16xf32> to vector<16xf32>
      %max3A_782 = arith.maximumf %max3A_774, %get3A_781 : vector<16xf32>
      %add3A_783 = arith.constant 112 : i32
      %add3A_784 = arith.addi %mul3A_726, %add3A_783 : i32
      %get3A_785 = arith.constant 2 : i32
      %get3A_786 = arith.index_cast %get3A_785 : i32 to index
      %get3A_787 = arith.index_cast %add3A_784 : i32 to index
      %get3A_788 = tpu.vector_load %arg5[%get3A_786, %get3A_787] {strides = array<i32>} : memref<4x8736xf32, #tpu.memory_space<vmem>>, vector<1x16xf32>,
      %get3A_789 = vector.shape_cast %get3A_788 : vector<1x16xf32> to vector<16xf32>
      %max3A_790 = arith.maximumf %max3A_782, %get3A_789 : vector<16xf32>
      %add3A_791 = arith.constant 128 : i32
      %add3A_792 = arith.addi %mul3A_726, %add3A_791 : i32
      %get3A_793 = arith.constant 2 : i32
      %get3A_794 = arith.index_cast %get3A_793 : i32 to index
      %get3A_795 = arith.index_cast %add3A_792 : i32 to index
      %get3A_796 = tpu.vector_load %arg5[%get3A_794, %get3A_795] {strides = array<i32>} : memref<4x8736xf32, #tpu.memory_space<vmem>>, vector<1x16xf32>,
      %get3A_797 = vector.shape_cast %get3A_796 : vector<1x16xf32> to vector<16xf32>
      %max3A_798 = arith.maximumf %max3A_790, %get3A_797 : vector<16xf32>
      %add3A_799 = arith.constant 144 : i32
      %add3A_800 = arith.addi %mul3A_726, %add3A_799 : i32
      %get3A_801 = arith.constant 2 : i32
      %get3A_802 = arith.index_cast %get3A_801 : i32 to index
      %get3A_803 = arith.index_cast %add3A_800 : i32 to index
      %get3A_804 = tpu.vector_load %arg5[%get3A_802, %get3A_803] {strides = array<i32>} : memref<4x8736xf32, #tpu.memory_space<vmem>>, vector<1x16xf32>,
      %get3A_805 = vector.shape_cast %get3A_804 : vector<1x16xf32> to vector<16xf32>
      %max3A_806 = arith.maximumf %max3A_798, %get3A_805 : vector<16xf32>
      %add3A_807 = arith.constant 160 : i32
      %add3A_808 = arith.addi %mul3A_726, %add3A_807 : i32
      %get3A_809 = arith.constant 2 : i32
      %get3A_810 = arith.index_cast %get3A_809 : i32 to index
      %get3A_811 = arith.index_cast %add3A_808 : i32 to index
      %get3A_812 = tpu.vector_load %arg5[%get3A_810, %get3A_811] {strides = array<i32>} : memref<4x8736xf32, #tpu.memory_space<vmem>>, vector<1x16xf32>,
      %get3A_813 = vector.shape_cast %get3A_812 : vector<1x16xf32> to vector<16xf32>
      %max3A_814 = arith.maximumf %max3A_806, %get3A_813 : vector<16xf32>
      %add3A_815 = arith.constant 176 : i32
      %add3A_816 = arith.addi %mul3A_726, %add3A_815 : i32
      %get3A_817 = arith.constant 2 : i32
      %get3A_818 = arith.index_cast %get3A_817 : i32 to index
      %get3A_819 = arith.index_cast %add3A_816 : i32 to index
      %get3A_820 = tpu.vector_load %arg5[%get3A_818, %get3A_819] {strides = array<i32>} : memref<4x8736xf32, #tpu.memory_space<vmem>>, vector<1x16xf32>,
      %get3A_821 = vector.shape_cast %get3A_820 : vector<1x16xf32> to vector<16xf32>
      %max3A_822 = arith.maximumf %max3A_814, %get3A_821 : vector<16xf32>
      %add3A_823 = arith.constant 192 : i32
      %add3A_824 = arith.addi %mul3A_726, %add3A_823 : i32
      %get3A_825 = arith.constant 2 : i32
      %get3A_826 = arith.index_cast %get3A_825 : i32 to index
      %get3A_827 = arith.index_cast %add3A_824 : i32 to index
      %get3A_828 = tpu.vector_load %arg5[%get3A_826, %get3A_827] {strides = array<i32>} : memref<4x8736xf32, #tpu.memory_space<vmem>>, vector<1x16xf32>,
      %get3A_829 = vector.shape_cast %get3A_828 : vector<1x16xf32> to vector<16xf32>
      %max3A_830 = arith.maximumf %max3A_822, %get3A_829 : vector<16xf32>
      scf.yield %max3A_830 : vector<16xf32>
    }
    %scan3A_369 = arith.constant 42 : i32
    %swap3A_370 = arith.constant 0 : index
    %swap3A_371 = tpu.vector_load %arg8[%swap3A_370] {strides = array<i32>} : memref<32xf32, #tpu.memory_space<vmem>>, vector<16xf32>,
    %swap3A_372 = vector.shape_cast %swap3A_371 : vector<16xf32> to vector<16xf32>
    %swap3A_373 = vector.shape_cast %scan3A_368 : vector<16xf32> to vector<16xf32>
    tpu.vector_store %arg8[%swap3A_370], %swap3A_373 {strides = array<i32>} : memref<32xf32, #tpu.memory_space<vmem>>, vector<16xf32>,
    %swap3A_374 = arith.constant 16 : index
    %swap3A_375 = tpu.vector_load %arg8[%swap3A_374] {strides = array<i32>} : memref<32xf32, #tpu.memory_space<vmem>>, vector<16xf32>,
    %swap3A_376 = vector.shape_cast %swap3A_375 : vector<16xf32> to vector<16xf32>
    %swap3A_377 = vector.shape_cast %scan3A_368 : vector<16xf32> to vector<16xf32>
    tpu.vector_store %arg8[%swap3A_374], %swap3A_377 {strides = array<i32>} : memref<32xf32, #tpu.memory_space<vmem>>, vector<16xf32>,
    %get3A_378 = arith.constant 8 : index
    %get3A_379 = tpu.vector_load %arg8[%get3A_378] {strides = array<i32>} : memref<32xf32, #tpu.memory_space<vmem>>, vector<16xf32>,
    %get3A_380 = vector.shape_cast %get3A_379 : vector<16xf32> to vector<16xf32>
    %max3A_381 = arith.maximumf %scan3A_368, %get3A_380 : vector<16xf32>
    %swap3A_382 = arith.constant 0 : index
    %swap3A_383 = tpu.vector_load %arg8[%swap3A_382] {strides = array<i32>} : memref<32xf32, #tpu.memory_space<vmem>>, vector<16xf32>,
    %swap3A_384 = vector.shape_cast %swap3A_383 : vector<16xf32> to vector<16xf32>
    %swap3A_385 = vector.shape_cast %max3A_381 : vector<16xf32> to vector<16xf32>
    tpu.vector_store %arg8[%swap3A_382], %swap3A_385 {strides = array<i32>} : memref<32xf32, #tpu.memory_space<vmem>>, vector<16xf32>,
    %swap3A_386 = arith.constant 16 : index
    %swap3A_387 = tpu.vector_load %arg8[%swap3A_386] {strides = array<i32>} : memref<32xf32, #tpu.memory_space<vmem>>, vector<16xf32>,
    %swap3A_388 = vector.shape_cast %swap3A_387 : vector<16xf32> to vector<16xf32>
    %swap3A_389 = vector.shape_cast %max3A_381 : vector<16xf32> to vector<16xf32>
    tpu.vector_store %arg8[%swap3A_386], %swap3A_389 {strides = array<i32>} : memref<32xf32, #tpu.memory_space<vmem>>, vector<16xf32>,
    %get3A_390 = arith.constant 4 : index
    %get3A_391 = tpu.vector_load %arg8[%get3A_390] {strides = array<i32>} : memref<32xf32, #tpu.memory_space<vmem>>, vector<16xf32>,
    %get3A_392 = vector.shape_cast %get3A_391 : vector<16xf32> to vector<16xf32>
    %max3A_393 = arith.maximumf %max3A_381, %get3A_392 : vector<16xf32>
    %swap3A_394 = arith.constant 0 : index
    %swap3A_395 = tpu.vector_load %arg8[%swap3A_394] {strides = array<i32>} : memref<32xf32, #tpu.memory_space<vmem>>, vector<16xf32>,
    %swap3A_396 = vector.shape_cast %swap3A_395 : vector<16xf32> to vector<16xf32>
    %swap3A_397 = vector.shape_cast %max3A_393 : vector<16xf32> to vector<16xf32>
    tpu.vector_store %arg8[%swap3A_394], %swap3A_397 {strides = array<i32>} : memref<32xf32, #tpu.memory_space<vmem>>, vector<16xf32>,
    %swap3A_398 = arith.constant 16 : index
    %swap3A_399 = tpu.vector_load %arg8[%swap3A_398] {strides = array<i32>} : memref<32xf32, #tpu.memory_space<vmem>>, vector<16xf32>,
    %swap3A_400 = vector.shape_cast %swap3A_399 : vector<16xf32> to vector<16xf32>
    %swap3A_401 = vector.shape_cast %max3A_393 : vector<16xf32> to vector<16xf32>
    tpu.vector_store %arg8[%swap3A_398], %swap3A_401 {strides = array<i32>} : memref<32xf32, #tpu.memory_space<vmem>>, vector<16xf32>,
    %get3A_402 = arith.constant 2 : index
    %get3A_403 = tpu.vector_load %arg8[%get3A_402] {strides = array<i32>} : memref<32xf32, #tpu.memory_space<vmem>>, vector<16xf32>,
    %get3A_404 = vector.shape_cast %get3A_403 : vector<16xf32> to vector<16xf32>
    %max3A_405 = arith.maximumf %max3A_393, %get3A_404 : vector<16xf32>
    %swap3A_406 = arith.constant 0 : index
    %swap3A_407 = tpu.vector_load %arg8[%swap3A_406] {strides = array<i32>} : memref<32xf32, #tpu.memory_space<vmem>>, vector<16xf32>,
    %swap3A_408 = vector.shape_cast %swap3A_407 : vector<16xf32> to vector<16xf32>
    %swap3A_409 = vector.shape_cast %max3A_405 : vector<16xf32> to vector<16xf32>
    tpu.vector_store %arg8[%swap3A_406], %swap3A_409 {strides = array<i32>} : memref<32xf32, #tpu.memory_space<vmem>>, vector<16xf32>,
    %swap3A_410 = arith.constant 16 : index
    %swap3A_411 = tpu.vector_load %arg8[%swap3A_410] {strides = array<i32>} : memref<32xf32, #tpu.memory_space<vmem>>, vector<16xf32>,
    %swap3A_412 = vector.shape_cast %swap3A_411 : vector<16xf32> to vector<16xf32>
    %swap3A_413 = vector.shape_cast %max3A_405 : vector<16xf32> to vector<16xf32>
    tpu.vector_store %arg8[%swap3A_410], %swap3A_413 {strides = array<i32>} : memref<32xf32, #tpu.memory_space<vmem>>, vector<16xf32>,
    %get3A_414 = arith.constant 1 : index
    %get3A_415 = tpu.vector_load %arg8[%get3A_414] {strides = array<i32>} : memref<32xf32, #tpu.memory_space<vmem>>, vector<16xf32>,
    %get3A_416 = vector.shape_cast %get3A_415 : vector<16xf32> to vector<16xf32>
    %max3A_417 = arith.maximumf %max3A_405, %get3A_416 : vector<16xf32>
    %mul3A_418 = arith.constant 1.00000095 : f32
    %mul3A_419 = vector.broadcast %mul3A_418 : f32 to vector<16xf32>
    %mul3A_420 = arith.mulf %max3A_417, %mul3A_419 : vector<16xf32>
    %add3A_421 = arith.constant 1.000000e-30 : f32
    %add3A_422 = vector.broadcast %add3A_421 : f32 to vector<16xf32>
    %add3A_423 = arith.addf %mul3A_420, %add3A_422 : vector<16xf32>
    %scan3A_424 = arith.constant 0 : i32
    %scan3A_425 = arith.constant 20 : i32
    %scan3A_426 = arith.addi %scan3A_424, %scan3A_425 : i32
    %scan3A_427 = arith.constant 1 : i32
    %scan3A_428:2 = scf.for %scan3A_723 = %scan3A_424 to %scan3A_426 step %scan3A_427 iter_args(%scan3A_724 = %broadcast_in_dim3A_5, %scan3A_725 = %add3A_423) -> (vector<16xf32>, vector<16xf32>)  : i32 {
      %add3A_726 = arith.addf %scan3A_724, %scan3A_725 : vector<16xf32>
      %mul3A_727 = arith.constant 5.000000e-01 : f32
      %mul3A_728 = vector.broadcast %mul3A_727 : f32 to vector<16xf32>
      %mul3A_729 = arith.mulf %mul3A_728, %add3A_726 : vector<16xf32>
      %scan3A_730 = arith.constant 0 : i32
      %scan3A_731 = arith.constant 42 : i32
      %scan3A_732 = arith.addi %scan3A_730, %scan3A_731 : i32
      %scan3A_733 = arith.constant 1 : i32
      %scan3A_734 = scf.for %scan3A_786 = %scan3A_730 to %scan3A_732 step %scan3A_733 iter_args(%scan3A_787 = %broadcast_in_dim3A_5) -> (vector<16xf32>)  : i32 {
        %mul3A_788 = arith.constant 208 : i32
        %mul3A_789 = arith.muli %scan3A_786, %mul3A_788 : i32
        %add3A_790 = arith.constant 0 : i32
        %add3A_791 = arith.addi %mul3A_789, %add3A_790 : i32
        %get3A_792 = arith.constant 2 : i32
        %get3A_793 = arith.index_cast %get3A_792 : i32 to index
        %get3A_794 = arith.index_cast %add3A_791 : i32 to index
        %get3A_795 = tpu.vector_load %arg5[%get3A_793, %get3A_794] {strides = array<i32>} : memref<4x8736xf32, #tpu.memory_space<vmem>>, vector<1x16xf32>,
        %get3A_796 = vector.shape_cast %get3A_795 : vector<1x16xf32> to vector<16xf32>
        %ge3A_797 = arith.cmpf oge, %get3A_796, %mul3A_729 : vector<16xf32>
        %select_n3A_798 = arith.select %ge3A_797, %broadcast_in_dim3A_3, %broadcast_in_dim3A_5 : vector<16xi1>, vector<16xf32>
        %add3A_799 = arith.addf %scan3A_787, %select_n3A_798 : vector<16xf32>
        %add3A_800 = arith.constant 16 : i32
        %add3A_801 = arith.addi %mul3A_789, %add3A_800 : i32
        %get3A_802 = arith.constant 2 : i32
        %get3A_803 = arith.index_cast %get3A_802 : i32 to index
        %get3A_804 = arith.index_cast %add3A_801 : i32 to index
        %get3A_805 = tpu.vector_load %arg5[%get3A_803, %get3A_804] {strides = array<i32>} : memref<4x8736xf32, #tpu.memory_space<vmem>>, vector<1x16xf32>,
        %get3A_806 = vector.shape_cast %get3A_805 : vector<1x16xf32> to vector<16xf32>
        %ge3A_807 = arith.cmpf oge, %get3A_806, %mul3A_729 : vector<16xf32>
        %select_n3A_808 = arith.select %ge3A_807, %broadcast_in_dim3A_3, %broadcast_in_dim3A_5 : vector<16xi1>, vector<16xf32>
        %add3A_809 = arith.addf %add3A_799, %select_n3A_808 : vector<16xf32>
        %add3A_810 = arith.constant 32 : i32
        %add3A_811 = arith.addi %mul3A_789, %add3A_810 : i32
        %get3A_812 = arith.constant 2 : i32
        %get3A_813 = arith.index_cast %get3A_812 : i32 to index
        %get3A_814 = arith.index_cast %add3A_811 : i32 to index
        %get3A_815 = tpu.vector_load %arg5[%get3A_813, %get3A_814] {strides = array<i32>} : memref<4x8736xf32, #tpu.memory_space<vmem>>, vector<1x16xf32>,
        %get3A_816 = vector.shape_cast %get3A_815 : vector<1x16xf32> to vector<16xf32>
        %ge3A_817 = arith.cmpf oge, %get3A_816, %mul3A_729 : vector<16xf32>
        %select_n3A_818 = arith.select %ge3A_817, %broadcast_in_dim3A_3, %broadcast_in_dim3A_5 : vector<16xi1>, vector<16xf32>
        %add3A_819 = arith.addf %add3A_809, %select_n3A_818 : vector<16xf32>
        %add3A_820 = arith.constant 48 : i32
        %add3A_821 = arith.addi %mul3A_789, %add3A_820 : i32
        %get3A_822 = arith.constant 2 : i32
        %get3A_823 = arith.index_cast %get3A_822 : i32 to index
        %get3A_824 = arith.index_cast %add3A_821 : i32 to index
        %get3A_825 = tpu.vector_load %arg5[%get3A_823, %get3A_824] {strides = array<i32>} : memref<4x8736xf32, #tpu.memory_space<vmem>>, vector<1x16xf32>,
        %get3A_826 = vector.shape_cast %get3A_825 : vector<1x16xf32> to vector<16xf32>
        %ge3A_827 = arith.cmpf oge, %get3A_826, %mul3A_729 : vector<16xf32>
        %select_n3A_828 = arith.select %ge3A_827, %broadcast_in_dim3A_3, %broadcast_in_dim3A_5 : vector<16xi1>, vector<16xf32>
        %add3A_829 = arith.addf %add3A_819, %select_n3A_828 : vector<16xf32>
        %add3A_830 = arith.constant 64 : i32
        %add3A_831 = arith.addi %mul3A_789, %add3A_830 : i32
        %get3A_832 = arith.constant 2 : i32
        %get3A_833 = arith.index_cast %get3A_832 : i32 to index
        %get3A_834 = arith.index_cast %add3A_831 : i32 to index
        %get3A_835 = tpu.vector_load %arg5[%get3A_833, %get3A_834] {strides = array<i32>} : memref<4x8736xf32, #tpu.memory_space<vmem>>, vector<1x16xf32>,
        %get3A_836 = vector.shape_cast %get3A_835 : vector<1x16xf32> to vector<16xf32>
        %ge3A_837 = arith.cmpf oge, %get3A_836, %mul3A_729 : vector<16xf32>
        %select_n3A_838 = arith.select %ge3A_837, %broadcast_in_dim3A_3, %broadcast_in_dim3A_5 : vector<16xi1>, vector<16xf32>
        %add3A_839 = arith.addf %add3A_829, %select_n3A_838 : vector<16xf32>
        %add3A_840 = arith.constant 80 : i32
        %add3A_841 = arith.addi %mul3A_789, %add3A_840 : i32
        %get3A_842 = arith.constant 2 : i32
        %get3A_843 = arith.index_cast %get3A_842 : i32 to index
        %get3A_844 = arith.index_cast %add3A_841 : i32 to index
        %get3A_845 = tpu.vector_load %arg5[%get3A_843, %get3A_844] {strides = array<i32>} : memref<4x8736xf32, #tpu.memory_space<vmem>>, vector<1x16xf32>,
        %get3A_846 = vector.shape_cast %get3A_845 : vector<1x16xf32> to vector<16xf32>
        %ge3A_847 = arith.cmpf oge, %get3A_846, %mul3A_729 : vector<16xf32>
        %select_n3A_848 = arith.select %ge3A_847, %broadcast_in_dim3A_3, %broadcast_in_dim3A_5 : vector<16xi1>, vector<16xf32>
        %add3A_849 = arith.addf %add3A_839, %select_n3A_848 : vector<16xf32>
        %add3A_850 = arith.constant 96 : i32
        %add3A_851 = arith.addi %mul3A_789, %add3A_850 : i32
        %get3A_852 = arith.constant 2 : i32
        %get3A_853 = arith.index_cast %get3A_852 : i32 to index
        %get3A_854 = arith.index_cast %add3A_851 : i32 to index
        %get3A_855 = tpu.vector_load %arg5[%get3A_853, %get3A_854] {strides = array<i32>} : memref<4x8736xf32, #tpu.memory_space<vmem>>, vector<1x16xf32>,
        %get3A_856 = vector.shape_cast %get3A_855 : vector<1x16xf32> to vector<16xf32>
        %ge3A_857 = arith.cmpf oge, %get3A_856, %mul3A_729 : vector<16xf32>
        %select_n3A_858 = arith.select %ge3A_857, %broadcast_in_dim3A_3, %broadcast_in_dim3A_5 : vector<16xi1>, vector<16xf32>
        %add3A_859 = arith.addf %add3A_849, %select_n3A_858 : vector<16xf32>
        %add3A_860 = arith.constant 112 : i32
        %add3A_861 = arith.addi %mul3A_789, %add3A_860 : i32
        %get3A_862 = arith.constant 2 : i32
        %get3A_863 = arith.index_cast %get3A_862 : i32 to index
        %get3A_864 = arith.index_cast %add3A_861 : i32 to index
        %get3A_865 = tpu.vector_load %arg5[%get3A_863, %get3A_864] {strides = array<i32>} : memref<4x8736xf32, #tpu.memory_space<vmem>>, vector<1x16xf32>,
        %get3A_866 = vector.shape_cast %get3A_865 : vector<1x16xf32> to vector<16xf32>
        %ge3A_867 = arith.cmpf oge, %get3A_866, %mul3A_729 : vector<16xf32>
        %select_n3A_868 = arith.select %ge3A_867, %broadcast_in_dim3A_3, %broadcast_in_dim3A_5 : vector<16xi1>, vector<16xf32>
        %add3A_869 = arith.addf %add3A_859, %select_n3A_868 : vector<16xf32>
        %add3A_870 = arith.constant 128 : i32
        %add3A_871 = arith.addi %mul3A_789, %add3A_870 : i32
        %get3A_872 = arith.constant 2 : i32
        %get3A_873 = arith.index_cast %get3A_872 : i32 to index
        %get3A_874 = arith.index_cast %add3A_871 : i32 to index
        %get3A_875 = tpu.vector_load %arg5[%get3A_873, %get3A_874] {strides = array<i32>} : memref<4x8736xf32, #tpu.memory_space<vmem>>, vector<1x16xf32>,
        %get3A_876 = vector.shape_cast %get3A_875 : vector<1x16xf32> to vector<16xf32>
        %ge3A_877 = arith.cmpf oge, %get3A_876, %mul3A_729 : vector<16xf32>
        %select_n3A_878 = arith.select %ge3A_877, %broadcast_in_dim3A_3, %broadcast_in_dim3A_5 : vector<16xi1>, vector<16xf32>
        %add3A_879 = arith.addf %add3A_869, %select_n3A_878 : vector<16xf32>
        %add3A_880 = arith.constant 144 : i32
        %add3A_881 = arith.addi %mul3A_789, %add3A_880 : i32
        %get3A_882 = arith.constant 2 : i32
        %get3A_883 = arith.index_cast %get3A_882 : i32 to index
        %get3A_884 = arith.index_cast %add3A_881 : i32 to index
        %get3A_885 = tpu.vector_load %arg5[%get3A_883, %get3A_884] {strides = array<i32>} : memref<4x8736xf32, #tpu.memory_space<vmem>>, vector<1x16xf32>,
        %get3A_886 = vector.shape_cast %get3A_885 : vector<1x16xf32> to vector<16xf32>
        %ge3A_887 = arith.cmpf oge, %get3A_886, %mul3A_729 : vector<16xf32>
        %select_n3A_888 = arith.select %ge3A_887, %broadcast_in_dim3A_3, %broadcast_in_dim3A_5 : vector<16xi1>, vector<16xf32>
        %add3A_889 = arith.addf %add3A_879, %select_n3A_888 : vector<16xf32>
        %add3A_890 = arith.constant 160 : i32
        %add3A_891 = arith.addi %mul3A_789, %add3A_890 : i32
        %get3A_892 = arith.constant 2 : i32
        %get3A_893 = arith.index_cast %get3A_892 : i32 to index
        %get3A_894 = arith.index_cast %add3A_891 : i32 to index
        %get3A_895 = tpu.vector_load %arg5[%get3A_893, %get3A_894] {strides = array<i32>} : memref<4x8736xf32, #tpu.memory_space<vmem>>, vector<1x16xf32>,
        %get3A_896 = vector.shape_cast %get3A_895 : vector<1x16xf32> to vector<16xf32>
        %ge3A_897 = arith.cmpf oge, %get3A_896, %mul3A_729 : vector<16xf32>
        %select_n3A_898 = arith.select %ge3A_897, %broadcast_in_dim3A_3, %broadcast_in_dim3A_5 : vector<16xi1>, vector<16xf32>
        %add3A_899 = arith.addf %add3A_889, %select_n3A_898 : vector<16xf32>
        %add3A_900 = arith.constant 176 : i32
        %add3A_901 = arith.addi %mul3A_789, %add3A_900 : i32
        %get3A_902 = arith.constant 2 : i32
        %get3A_903 = arith.index_cast %get3A_902 : i32 to index
        %get3A_904 = arith.index_cast %add3A_901 : i32 to index
        %get3A_905 = tpu.vector_load %arg5[%get3A_903, %get3A_904] {strides = array<i32>} : memref<4x8736xf32, #tpu.memory_space<vmem>>, vector<1x16xf32>,
        %get3A_906 = vector.shape_cast %get3A_905 : vector<1x16xf32> to vector<16xf32>
        %ge3A_907 = arith.cmpf oge, %get3A_906, %mul3A_729 : vector<16xf32>
        %select_n3A_908 = arith.select %ge3A_907, %broadcast_in_dim3A_3, %broadcast_in_dim3A_5 : vector<16xi1>, vector<16xf32>
        %add3A_909 = arith.addf %add3A_899, %select_n3A_908 : vector<16xf32>
        %add3A_910 = arith.constant 192 : i32
        %add3A_911 = arith.addi %mul3A_789, %add3A_910 : i32
        %get3A_912 = arith.constant 2 : i32
        %get3A_913 = arith.index_cast %get3A_912 : i32 to index
        %get3A_914 = arith.index_cast %add3A_911 : i32 to index
        %get3A_915 = tpu.vector_load %arg5[%get3A_913, %get3A_914] {strides = array<i32>} : memref<4x8736xf32, #tpu.memory_space<vmem>>, vector<1x16xf32>,
        %get3A_916 = vector.shape_cast %get3A_915 : vector<1x16xf32> to vector<16xf32>
        %ge3A_917 = arith.cmpf oge, %get3A_916, %mul3A_729 : vector<16xf32>
        %select_n3A_918 = arith.select %ge3A_917, %broadcast_in_dim3A_3, %broadcast_in_dim3A_5 : vector<16xi1>, vector<16xf32>
        %add3A_919 = arith.addf %add3A_909, %select_n3A_918 : vector<16xf32>
        scf.yield %add3A_919 : vector<16xf32>
      }
      %scan3A_735 = arith.constant 42 : i32
      %swap3A_736 = arith.constant 0 : index
      %swap3A_737 = tpu.vector_load %arg8[%swap3A_736] {strides = array<i32>} : memref<32xf32, #tpu.memory_space<vmem>>, vector<16xf32>,
      %swap3A_738 = vector.shape_cast %swap3A_737 : vector<16xf32> to vector<16xf32>
      %swap3A_739 = vector.shape_cast %scan3A_734 : vector<16xf32> to vector<16xf32>
      tpu.vector_store %arg8[%swap3A_736], %swap3A_739 {strides = array<i32>} : memref<32xf32, #tpu.memory_space<vmem>>, vector<16xf32>,
      %swap3A_740 = arith.constant 16 : index
      %swap3A_741 = tpu.vector_load %arg8[%swap3A_740] {strides = array<i32>} : memref<32xf32, #tpu.memory_space<vmem>>, vector<16xf32>,
      %swap3A_742 = vector.shape_cast %swap3A_741 : vector<16xf32> to vector<16xf32>
      %swap3A_743 = vector.shape_cast %scan3A_734 : vector<16xf32> to vector<16xf32>
      tpu.vector_store %arg8[%swap3A_740], %swap3A_743 {strides = array<i32>} : memref<32xf32, #tpu.memory_space<vmem>>, vector<16xf32>,
      %get3A_744 = arith.constant 8 : index
      %get3A_745 = tpu.vector_load %arg8[%get3A_744] {strides = array<i32>} : memref<32xf32, #tpu.memory_space<vmem>>, vector<16xf32>,
      %get3A_746 = vector.shape_cast %get3A_745 : vector<16xf32> to vector<16xf32>
      %add3A_747 = arith.addf %scan3A_734, %get3A_746 : vector<16xf32>
      %swap3A_748 = arith.constant 0 : index
      %swap3A_749 = tpu.vector_load %arg8[%swap3A_748] {strides = array<i32>} : memref<32xf32, #tpu.memory_space<vmem>>, vector<16xf32>,
      %swap3A_750 = vector.shape_cast %swap3A_749 : vector<16xf32> to vector<16xf32>
      %swap3A_751 = vector.shape_cast %add3A_747 : vector<16xf32> to vector<16xf32>
      tpu.vector_store %arg8[%swap3A_748], %swap3A_751 {strides = array<i32>} : memref<32xf32, #tpu.memory_space<vmem>>, vector<16xf32>,
      %swap3A_752 = arith.constant 16 : index
      %swap3A_753 = tpu.vector_load %arg8[%swap3A_752] {strides = array<i32>} : memref<32xf32, #tpu.memory_space<vmem>>, vector<16xf32>,
      %swap3A_754 = vector.shape_cast %swap3A_753 : vector<16xf32> to vector<16xf32>
      %swap3A_755 = vector.shape_cast %add3A_747 : vector<16xf32> to vector<16xf32>
      tpu.vector_store %arg8[%swap3A_752], %swap3A_755 {strides = array<i32>} : memref<32xf32, #tpu.memory_space<vmem>>, vector<16xf32>,
      %get3A_756 = arith.constant 4 : index
      %get3A_757 = tpu.vector_load %arg8[%get3A_756] {strides = array<i32>} : memref<32xf32, #tpu.memory_space<vmem>>, vector<16xf32>,
      %get3A_758 = vector.shape_cast %get3A_757 : vector<16xf32> to vector<16xf32>
      %add3A_759 = arith.addf %add3A_747, %get3A_758 : vector<16xf32>
      %swap3A_760 = arith.constant 0 : index
      %swap3A_761 = tpu.vector_load %arg8[%swap3A_760] {strides = array<i32>} : memref<32xf32, #tpu.memory_space<vmem>>, vector<16xf32>,
      %swap3A_762 = vector.shape_cast %swap3A_761 : vector<16xf32> to vector<16xf32>
      %swap3A_763 = vector.shape_cast %add3A_759 : vector<16xf32> to vector<16xf32>
      tpu.vector_store %arg8[%swap3A_760], %swap3A_763 {strides = array<i32>} : memref<32xf32, #tpu.memory_space<vmem>>, vector<16xf32>,
      %swap3A_764 = arith.constant 16 : index
      %swap3A_765 = tpu.vector_load %arg8[%swap3A_764] {strides = array<i32>} : memref<32xf32, #tpu.memory_space<vmem>>, vector<16xf32>,
      %swap3A_766 = vector.shape_cast %swap3A_765 : vector<16xf32> to vector<16xf32>
      %swap3A_767 = vector.shape_cast %add3A_759 : vector<16xf32> to vector<16xf32>
      tpu.vector_store %arg8[%swap3A_764], %swap3A_767 {strides = array<i32>} : memref<32xf32, #tpu.memory_space<vmem>>, vector<16xf32>,
      %get3A_768 = arith.constant 2 : index
      %get3A_769 = tpu.vector_load %arg8[%get3A_768] {strides = array<i32>} : memref<32xf32, #tpu.memory_space<vmem>>, vector<16xf32>,
      %get3A_770 = vector.shape_cast %get3A_769 : vector<16xf32> to vector<16xf32>
      %add3A_771 = arith.addf %add3A_759, %get3A_770 : vector<16xf32>
      %swap3A_772 = arith.constant 0 : index
      %swap3A_773 = tpu.vector_load %arg8[%swap3A_772] {strides = array<i32>} : memref<32xf32, #tpu.memory_space<vmem>>, vector<16xf32>,
      %swap3A_774 = vector.shape_cast %swap3A_773 : vector<16xf32> to vector<16xf32>
      %swap3A_775 = vector.shape_cast %add3A_771 : vector<16xf32> to vector<16xf32>
      tpu.vector_store %arg8[%swap3A_772], %swap3A_775 {strides = array<i32>} : memref<32xf32, #tpu.memory_space<vmem>>, vector<16xf32>,
      %swap3A_776 = arith.constant 16 : index
      %swap3A_777 = tpu.vector_load %arg8[%swap3A_776] {strides = array<i32>} : memref<32xf32, #tpu.memory_space<vmem>>, vector<16xf32>,
      %swap3A_778 = vector.shape_cast %swap3A_777 : vector<16xf32> to vector<16xf32>
      %swap3A_779 = vector.shape_cast %add3A_771 : vector<16xf32> to vector<16xf32>
      tpu.vector_store %arg8[%swap3A_776], %swap3A_779 {strides = array<i32>} : memref<32xf32, #tpu.memory_space<vmem>>, vector<16xf32>,
      %get3A_780 = arith.constant 1 : index
      %get3A_781 = tpu.vector_load %arg8[%get3A_780] {strides = array<i32>} : memref<32xf32, #tpu.memory_space<vmem>>, vector<16xf32>,
      %get3A_782 = vector.shape_cast %get3A_781 : vector<16xf32> to vector<16xf32>
      %add3A_783 = arith.addf %add3A_771, %get3A_782 : vector<16xf32>
      %ge3A = arith.cmpf oge, %add3A_783, %get3A_363 : vector<16xf32>
      %select_n3A_784 = arith.select %ge3A, %mul3A_729, %scan3A_724 : vector<16xi1>, vector<16xf32>
      %select_n3A_785 = arith.select %ge3A, %scan3A_725, %mul3A_729 : vector<16xi1>, vector<16xf32>
      scf.yield %select_n3A_784, %select_n3A_785 : vector<16xf32>, vector<16xf32>
    }
    %scan3A_429 = arith.constant 20 : i32
    %scan3A_430 = arith.constant 0 : i32
    %scan3A_431 = arith.constant 42 : i32
    %scan3A_432 = arith.addi %scan3A_430, %scan3A_431 : i32
    %scan3A_433 = arith.constant 1 : i32
    %scan3A_434:2 = scf.for %scan3A_723 = %scan3A_430 to %scan3A_432 step %scan3A_433 iter_args(%scan3A_724 = %broadcast_in_dim3A_5, %scan3A_725 = %broadcast_in_dim3A_5) -> (vector<16xf32>, vector<16xf32>)  : i32 {
      %mul3A_726 = arith.constant 208 : i32
      %mul3A_727 = arith.muli %scan3A_723, %mul3A_726 : i32
      %add3A_728 = arith.constant 0 : i32
      %add3A_729 = arith.addi %mul3A_727, %add3A_728 : i32
      %get3A_730 = arith.constant 2 : i32
      %get3A_731 = arith.index_cast %get3A_730 : i32 to index
      %get3A_732 = arith.index_cast %add3A_729 : i32 to index
      %get3A_733 = tpu.vector_load %arg5[%get3A_731, %get3A_732] {strides = array<i32>} : memref<4x8736xf32, #tpu.memory_space<vmem>>, vector<1x16xf32>,
      %get3A_734 = vector.shape_cast %get3A_733 : vector<1x16xf32> to vector<16xf32>
      %gt3A = arith.cmpf ogt, %get3A_734, %scan3A_428#0 : vector<16xf32>
      %select_n3A_735 = arith.select %gt3A, %broadcast_in_dim3A_3, %broadcast_in_dim3A_5 : vector<16xi1>, vector<16xf32>
      %add3A_736 = arith.addf %scan3A_724, %select_n3A_735 : vector<16xf32>
      %select_n3A_737 = arith.select %gt3A, %get3A_734, %broadcast_in_dim3A_5 : vector<16xi1>, vector<16xf32>
      %add3A_738 = arith.addf %scan3A_725, %select_n3A_737 : vector<16xf32>
      %add3A_739 = arith.constant 16 : i32
      %add3A_740 = arith.addi %mul3A_727, %add3A_739 : i32
      %get3A_741 = arith.constant 2 : i32
      %get3A_742 = arith.index_cast %get3A_741 : i32 to index
      %get3A_743 = arith.index_cast %add3A_740 : i32 to index
      %get3A_744 = tpu.vector_load %arg5[%get3A_742, %get3A_743] {strides = array<i32>} : memref<4x8736xf32, #tpu.memory_space<vmem>>, vector<1x16xf32>,
      %get3A_745 = vector.shape_cast %get3A_744 : vector<1x16xf32> to vector<16xf32>
      %gt3A_746 = arith.cmpf ogt, %get3A_745, %scan3A_428#0 : vector<16xf32>
      %select_n3A_747 = arith.select %gt3A_746, %broadcast_in_dim3A_3, %broadcast_in_dim3A_5 : vector<16xi1>, vector<16xf32>
      %add3A_748 = arith.addf %add3A_736, %select_n3A_747 : vector<16xf32>
      %select_n3A_749 = arith.select %gt3A_746, %get3A_745, %broadcast_in_dim3A_5 : vector<16xi1>, vector<16xf32>
      %add3A_750 = arith.addf %add3A_738, %select_n3A_749 : vector<16xf32>
      %add3A_751 = arith.constant 32 : i32
      %add3A_752 = arith.addi %mul3A_727, %add3A_751 : i32
      %get3A_753 = arith.constant 2 : i32
      %get3A_754 = arith.index_cast %get3A_753 : i32 to index
      %get3A_755 = arith.index_cast %add3A_752 : i32 to index
      %get3A_756 = tpu.vector_load %arg5[%get3A_754, %get3A_755] {strides = array<i32>} : memref<4x8736xf32, #tpu.memory_space<vmem>>, vector<1x16xf32>,
      %get3A_757 = vector.shape_cast %get3A_756 : vector<1x16xf32> to vector<16xf32>
      %gt3A_758 = arith.cmpf ogt, %get3A_757, %scan3A_428#0 : vector<16xf32>
      %select_n3A_759 = arith.select %gt3A_758, %broadcast_in_dim3A_3, %broadcast_in_dim3A_5 : vector<16xi1>, vector<16xf32>
      %add3A_760 = arith.addf %add3A_748, %select_n3A_759 : vector<16xf32>
      %select_n3A_761 = arith.select %gt3A_758, %get3A_757, %broadcast_in_dim3A_5 : vector<16xi1>, vector<16xf32>
      %add3A_762 = arith.addf %add3A_750, %select_n3A_761 : vector<16xf32>
      %add3A_763 = arith.constant 48 : i32
      %add3A_764 = arith.addi %mul3A_727, %add3A_763 : i32
      %get3A_765 = arith.constant 2 : i32
      %get3A_766 = arith.index_cast %get3A_765 : i32 to index
      %get3A_767 = arith.index_cast %add3A_764 : i32 to index
      %get3A_768 = tpu.vector_load %arg5[%get3A_766, %get3A_767] {strides = array<i32>} : memref<4x8736xf32, #tpu.memory_space<vmem>>, vector<1x16xf32>,
      %get3A_769 = vector.shape_cast %get3A_768 : vector<1x16xf32> to vector<16xf32>
      %gt3A_770 = arith.cmpf ogt, %get3A_769, %scan3A_428#0 : vector<16xf32>
      %select_n3A_771 = arith.select %gt3A_770, %broadcast_in_dim3A_3, %broadcast_in_dim3A_5 : vector<16xi1>, vector<16xf32>
      %add3A_772 = arith.addf %add3A_760, %select_n3A_771 : vector<16xf32>
      %select_n3A_773 = arith.select %gt3A_770, %get3A_769, %broadcast_in_dim3A_5 : vector<16xi1>, vector<16xf32>
      %add3A_774 = arith.addf %add3A_762, %select_n3A_773 : vector<16xf32>
      %add3A_775 = arith.constant 64 : i32
      %add3A_776 = arith.addi %mul3A_727, %add3A_775 : i32
      %get3A_777 = arith.constant 2 : i32
      %get3A_778 = arith.index_cast %get3A_777 : i32 to index
      %get3A_779 = arith.index_cast %add3A_776 : i32 to index
      %get3A_780 = tpu.vector_load %arg5[%get3A_778, %get3A_779] {strides = array<i32>} : memref<4x8736xf32, #tpu.memory_space<vmem>>, vector<1x16xf32>,
      %get3A_781 = vector.shape_cast %get3A_780 : vector<1x16xf32> to vector<16xf32>
      %gt3A_782 = arith.cmpf ogt, %get3A_781, %scan3A_428#0 : vector<16xf32>
      %select_n3A_783 = arith.select %gt3A_782, %broadcast_in_dim3A_3, %broadcast_in_dim3A_5 : vector<16xi1>, vector<16xf32>
      %add3A_784 = arith.addf %add3A_772, %select_n3A_783 : vector<16xf32>
      %select_n3A_785 = arith.select %gt3A_782, %get3A_781, %broadcast_in_dim3A_5 : vector<16xi1>, vector<16xf32>
      %add3A_786 = arith.addf %add3A_774, %select_n3A_785 : vector<16xf32>
      %add3A_787 = arith.constant 80 : i32
      %add3A_788 = arith.addi %mul3A_727, %add3A_787 : i32
      %get3A_789 = arith.constant 2 : i32
      %get3A_790 = arith.index_cast %get3A_789 : i32 to index
      %get3A_791 = arith.index_cast %add3A_788 : i32 to index
      %get3A_792 = tpu.vector_load %arg5[%get3A_790, %get3A_791] {strides = array<i32>} : memref<4x8736xf32, #tpu.memory_space<vmem>>, vector<1x16xf32>,
      %get3A_793 = vector.shape_cast %get3A_792 : vector<1x16xf32> to vector<16xf32>
      %gt3A_794 = arith.cmpf ogt, %get3A_793, %scan3A_428#0 : vector<16xf32>
      %select_n3A_795 = arith.select %gt3A_794, %broadcast_in_dim3A_3, %broadcast_in_dim3A_5 : vector<16xi1>, vector<16xf32>
      %add3A_796 = arith.addf %add3A_784, %select_n3A_795 : vector<16xf32>
      %select_n3A_797 = arith.select %gt3A_794, %get3A_793, %broadcast_in_dim3A_5 : vector<16xi1>, vector<16xf32>
      %add3A_798 = arith.addf %add3A_786, %select_n3A_797 : vector<16xf32>
      %add3A_799 = arith.constant 96 : i32
      %add3A_800 = arith.addi %mul3A_727, %add3A_799 : i32
      %get3A_801 = arith.constant 2 : i32
      %get3A_802 = arith.index_cast %get3A_801 : i32 to index
      %get3A_803 = arith.index_cast %add3A_800 : i32 to index
      %get3A_804 = tpu.vector_load %arg5[%get3A_802, %get3A_803] {strides = array<i32>} : memref<4x8736xf32, #tpu.memory_space<vmem>>, vector<1x16xf32>,
      %get3A_805 = vector.shape_cast %get3A_804 : vector<1x16xf32> to vector<16xf32>
      %gt3A_806 = arith.cmpf ogt, %get3A_805, %scan3A_428#0 : vector<16xf32>
      %select_n3A_807 = arith.select %gt3A_806, %broadcast_in_dim3A_3, %broadcast_in_dim3A_5 : vector<16xi1>, vector<16xf32>
      %add3A_808 = arith.addf %add3A_796, %select_n3A_807 : vector<16xf32>
      %select_n3A_809 = arith.select %gt3A_806, %get3A_805, %broadcast_in_dim3A_5 : vector<16xi1>, vector<16xf32>
      %add3A_810 = arith.addf %add3A_798, %select_n3A_809 : vector<16xf32>
      %add3A_811 = arith.constant 112 : i32
      %add3A_812 = arith.addi %mul3A_727, %add3A_811 : i32
      %get3A_813 = arith.constant 2 : i32
      %get3A_814 = arith.index_cast %get3A_813 : i32 to index
      %get3A_815 = arith.index_cast %add3A_812 : i32 to index
      %get3A_816 = tpu.vector_load %arg5[%get3A_814, %get3A_815] {strides = array<i32>} : memref<4x8736xf32, #tpu.memory_space<vmem>>, vector<1x16xf32>,
      %get3A_817 = vector.shape_cast %get3A_816 : vector<1x16xf32> to vector<16xf32>
      %gt3A_818 = arith.cmpf ogt, %get3A_817, %scan3A_428#0 : vector<16xf32>
      %select_n3A_819 = arith.select %gt3A_818, %broadcast_in_dim3A_3, %broadcast_in_dim3A_5 : vector<16xi1>, vector<16xf32>
      %add3A_820 = arith.addf %add3A_808, %select_n3A_819 : vector<16xf32>
      %select_n3A_821 = arith.select %gt3A_818, %get3A_817, %broadcast_in_dim3A_5 : vector<16xi1>, vector<16xf32>
      %add3A_822 = arith.addf %add3A_810, %select_n3A_821 : vector<16xf32>
      %add3A_823 = arith.constant 128 : i32
      %add3A_824 = arith.addi %mul3A_727, %add3A_823 : i32
      %get3A_825 = arith.constant 2 : i32
      %get3A_826 = arith.index_cast %get3A_825 : i32 to index
      %get3A_827 = arith.index_cast %add3A_824 : i32 to index
      %get3A_828 = tpu.vector_load %arg5[%get3A_826, %get3A_827] {strides = array<i32>} : memref<4x8736xf32, #tpu.memory_space<vmem>>, vector<1x16xf32>,
      %get3A_829 = vector.shape_cast %get3A_828 : vector<1x16xf32> to vector<16xf32>
      %gt3A_830 = arith.cmpf ogt, %get3A_829, %scan3A_428#0 : vector<16xf32>
      %select_n3A_831 = arith.select %gt3A_830, %broadcast_in_dim3A_3, %broadcast_in_dim3A_5 : vector<16xi1>, vector<16xf32>
      %add3A_832 = arith.addf %add3A_820, %select_n3A_831 : vector<16xf32>
      %select_n3A_833 = arith.select %gt3A_830, %get3A_829, %broadcast_in_dim3A_5 : vector<16xi1>, vector<16xf32>
      %add3A_834 = arith.addf %add3A_822, %select_n3A_833 : vector<16xf32>
      %add3A_835 = arith.constant 144 : i32
      %add3A_836 = arith.addi %mul3A_727, %add3A_835 : i32
      %get3A_837 = arith.constant 2 : i32
      %get3A_838 = arith.index_cast %get3A_837 : i32 to index
      %get3A_839 = arith.index_cast %add3A_836 : i32 to index
      %get3A_840 = tpu.vector_load %arg5[%get3A_838, %get3A_839] {strides = array<i32>} : memref<4x8736xf32, #tpu.memory_space<vmem>>, vector<1x16xf32>,
      %get3A_841 = vector.shape_cast %get3A_840 : vector<1x16xf32> to vector<16xf32>
      %gt3A_842 = arith.cmpf ogt, %get3A_841, %scan3A_428#0 : vector<16xf32>
      %select_n3A_843 = arith.select %gt3A_842, %broadcast_in_dim3A_3, %broadcast_in_dim3A_5 : vector<16xi1>, vector<16xf32>
      %add3A_844 = arith.addf %add3A_832, %select_n3A_843 : vector<16xf32>
      %select_n3A_845 = arith.select %gt3A_842, %get3A_841, %broadcast_in_dim3A_5 : vector<16xi1>, vector<16xf32>
      %add3A_846 = arith.addf %add3A_834, %select_n3A_845 : vector<16xf32>
      %add3A_847 = arith.constant 160 : i32
      %add3A_848 = arith.addi %mul3A_727, %add3A_847 : i32
      %get3A_849 = arith.constant 2 : i32
      %get3A_850 = arith.index_cast %get3A_849 : i32 to index
      %get3A_851 = arith.index_cast %add3A_848 : i32 to index
      %get3A_852 = tpu.vector_load %arg5[%get3A_850, %get3A_851] {strides = array<i32>} : memref<4x8736xf32, #tpu.memory_space<vmem>>, vector<1x16xf32>,
      %get3A_853 = vector.shape_cast %get3A_852 : vector<1x16xf32> to vector<16xf32>
      %gt3A_854 = arith.cmpf ogt, %get3A_853, %scan3A_428#0 : vector<16xf32>
      %select_n3A_855 = arith.select %gt3A_854, %broadcast_in_dim3A_3, %broadcast_in_dim3A_5 : vector<16xi1>, vector<16xf32>
      %add3A_856 = arith.addf %add3A_844, %select_n3A_855 : vector<16xf32>
      %select_n3A_857 = arith.select %gt3A_854, %get3A_853, %broadcast_in_dim3A_5 : vector<16xi1>, vector<16xf32>
      %add3A_858 = arith.addf %add3A_846, %select_n3A_857 : vector<16xf32>
      %add3A_859 = arith.constant 176 : i32
      %add3A_860 = arith.addi %mul3A_727, %add3A_859 : i32
      %get3A_861 = arith.constant 2 : i32
      %get3A_862 = arith.index_cast %get3A_861 : i32 to index
      %get3A_863 = arith.index_cast %add3A_860 : i32 to index
      %get3A_864 = tpu.vector_load %arg5[%get3A_862, %get3A_863] {strides = array<i32>} : memref<4x8736xf32, #tpu.memory_space<vmem>>, vector<1x16xf32>,
      %get3A_865 = vector.shape_cast %get3A_864 : vector<1x16xf32> to vector<16xf32>
      %gt3A_866 = arith.cmpf ogt, %get3A_865, %scan3A_428#0 : vector<16xf32>
      %select_n3A_867 = arith.select %gt3A_866, %broadcast_in_dim3A_3, %broadcast_in_dim3A_5 : vector<16xi1>, vector<16xf32>
      %add3A_868 = arith.addf %add3A_856, %select_n3A_867 : vector<16xf32>
      %select_n3A_869 = arith.select %gt3A_866, %get3A_865, %broadcast_in_dim3A_5 : vector<16xi1>, vector<16xf32>
      %add3A_870 = arith.addf %add3A_858, %select_n3A_869 : vector<16xf32>
      %add3A_871 = arith.constant 192 : i32
      %add3A_872 = arith.addi %mul3A_727, %add3A_871 : i32
      %get3A_873 = arith.constant 2 : i32
      %get3A_874 = arith.index_cast %get3A_873 : i32 to index
      %get3A_875 = arith.index_cast %add3A_872 : i32 to index
      %get3A_876 = tpu.vector_load %arg5[%get3A_874, %get3A_875] {strides = array<i32>} : memref<4x8736xf32, #tpu.memory_space<vmem>>, vector<1x16xf32>,
      %get3A_877 = vector.shape_cast %get3A_876 : vector<1x16xf32> to vector<16xf32>
      %gt3A_878 = arith.cmpf ogt, %get3A_877, %scan3A_428#0 : vector<16xf32>
      %select_n3A_879 = arith.select %gt3A_878, %broadcast_in_dim3A_3, %broadcast_in_dim3A_5 : vector<16xi1>, vector<16xf32>
      %add3A_880 = arith.addf %add3A_868, %select_n3A_879 : vector<16xf32>
      %select_n3A_881 = arith.select %gt3A_878, %get3A_877, %broadcast_in_dim3A_5 : vector<16xi1>, vector<16xf32>
      %add3A_882 = arith.addf %add3A_870, %select_n3A_881 : vector<16xf32>
      scf.yield %add3A_880, %add3A_882 : vector<16xf32>, vector<16xf32>
    }
    %scan3A_435 = arith.constant 42 : i32
    %swap3A_436 = arith.constant 0 : index
    %swap3A_437 = tpu.vector_load %arg8[%swap3A_436] {strides = array<i32>} : memref<32xf32, #tpu.memory_space<vmem>>, vector<16xf32>,
    %swap3A_438 = vector.shape_cast %swap3A_437 : vector<16xf32> to vector<16xf32>
    %swap3A_439 = vector.shape_cast %scan3A_434#0 : vector<16xf32> to vector<16xf32>
    tpu.vector_store %arg8[%swap3A_436], %swap3A_439 {strides = array<i32>} : memref<32xf32, #tpu.memory_space<vmem>>, vector<16xf32>,
    %swap3A_440 = arith.constant 16 : index
    %swap3A_441 = tpu.vector_load %arg8[%swap3A_440] {strides = array<i32>} : memref<32xf32, #tpu.memory_space<vmem>>, vector<16xf32>,
    %swap3A_442 = vector.shape_cast %swap3A_441 : vector<16xf32> to vector<16xf32>
    %swap3A_443 = vector.shape_cast %scan3A_434#0 : vector<16xf32> to vector<16xf32>
    tpu.vector_store %arg8[%swap3A_440], %swap3A_443 {strides = array<i32>} : memref<32xf32, #tpu.memory_space<vmem>>, vector<16xf32>,
    %get3A_444 = arith.constant 8 : index
    %get3A_445 = tpu.vector_load %arg8[%get3A_444] {strides = array<i32>} : memref<32xf32, #tpu.memory_space<vmem>>, vector<16xf32>,
    %get3A_446 = vector.shape_cast %get3A_445 : vector<16xf32> to vector<16xf32>
    %add3A_447 = arith.addf %scan3A_434#0, %get3A_446 : vector<16xf32>
    %swap3A_448 = arith.constant 0 : index
    %swap3A_449 = tpu.vector_load %arg8[%swap3A_448] {strides = array<i32>} : memref<32xf32, #tpu.memory_space<vmem>>, vector<16xf32>,
    %swap3A_450 = vector.shape_cast %swap3A_449 : vector<16xf32> to vector<16xf32>
    %swap3A_451 = vector.shape_cast %add3A_447 : vector<16xf32> to vector<16xf32>
    tpu.vector_store %arg8[%swap3A_448], %swap3A_451 {strides = array<i32>} : memref<32xf32, #tpu.memory_space<vmem>>, vector<16xf32>,
    %swap3A_452 = arith.constant 16 : index
    %swap3A_453 = tpu.vector_load %arg8[%swap3A_452] {strides = array<i32>} : memref<32xf32, #tpu.memory_space<vmem>>, vector<16xf32>,
    %swap3A_454 = vector.shape_cast %swap3A_453 : vector<16xf32> to vector<16xf32>
    %swap3A_455 = vector.shape_cast %add3A_447 : vector<16xf32> to vector<16xf32>
    tpu.vector_store %arg8[%swap3A_452], %swap3A_455 {strides = array<i32>} : memref<32xf32, #tpu.memory_space<vmem>>, vector<16xf32>,
    %get3A_456 = arith.constant 4 : index
    %get3A_457 = tpu.vector_load %arg8[%get3A_456] {strides = array<i32>} : memref<32xf32, #tpu.memory_space<vmem>>, vector<16xf32>,
    %get3A_458 = vector.shape_cast %get3A_457 : vector<16xf32> to vector<16xf32>
    %add3A_459 = arith.addf %add3A_447, %get3A_458 : vector<16xf32>
    %swap3A_460 = arith.constant 0 : index
    %swap3A_461 = tpu.vector_load %arg8[%swap3A_460] {strides = array<i32>} : memref<32xf32, #tpu.memory_space<vmem>>, vector<16xf32>,
    %swap3A_462 = vector.shape_cast %swap3A_461 : vector<16xf32> to vector<16xf32>
    %swap3A_463 = vector.shape_cast %add3A_459 : vector<16xf32> to vector<16xf32>
    tpu.vector_store %arg8[%swap3A_460], %swap3A_463 {strides = array<i32>} : memref<32xf32, #tpu.memory_space<vmem>>, vector<16xf32>,
    %swap3A_464 = arith.constant 16 : index
    %swap3A_465 = tpu.vector_load %arg8[%swap3A_464] {strides = array<i32>} : memref<32xf32, #tpu.memory_space<vmem>>, vector<16xf32>,
    %swap3A_466 = vector.shape_cast %swap3A_465 : vector<16xf32> to vector<16xf32>
    %swap3A_467 = vector.shape_cast %add3A_459 : vector<16xf32> to vector<16xf32>
    tpu.vector_store %arg8[%swap3A_464], %swap3A_467 {strides = array<i32>} : memref<32xf32, #tpu.memory_space<vmem>>, vector<16xf32>,
    %get3A_468 = arith.constant 2 : index
    %get3A_469 = tpu.vector_load %arg8[%get3A_468] {strides = array<i32>} : memref<32xf32, #tpu.memory_space<vmem>>, vector<16xf32>,
    %get3A_470 = vector.shape_cast %get3A_469 : vector<16xf32> to vector<16xf32>
    %add3A_471 = arith.addf %add3A_459, %get3A_470 : vector<16xf32>
    %swap3A_472 = arith.constant 0 : index
    %swap3A_473 = tpu.vector_load %arg8[%swap3A_472] {strides = array<i32>} : memref<32xf32, #tpu.memory_space<vmem>>, vector<16xf32>,
    %swap3A_474 = vector.shape_cast %swap3A_473 : vector<16xf32> to vector<16xf32>
    %swap3A_475 = vector.shape_cast %add3A_471 : vector<16xf32> to vector<16xf32>
    tpu.vector_store %arg8[%swap3A_472], %swap3A_475 {strides = array<i32>} : memref<32xf32, #tpu.memory_space<vmem>>, vector<16xf32>,
    %swap3A_476 = arith.constant 16 : index
    %swap3A_477 = tpu.vector_load %arg8[%swap3A_476] {strides = array<i32>} : memref<32xf32, #tpu.memory_space<vmem>>, vector<16xf32>,
    %swap3A_478 = vector.shape_cast %swap3A_477 : vector<16xf32> to vector<16xf32>
    %swap3A_479 = vector.shape_cast %add3A_471 : vector<16xf32> to vector<16xf32>
    tpu.vector_store %arg8[%swap3A_476], %swap3A_479 {strides = array<i32>} : memref<32xf32, #tpu.memory_space<vmem>>, vector<16xf32>,
    %get3A_480 = arith.constant 1 : index
    %get3A_481 = tpu.vector_load %arg8[%get3A_480] {strides = array<i32>} : memref<32xf32, #tpu.memory_space<vmem>>, vector<16xf32>,
    %get3A_482 = vector.shape_cast %get3A_481 : vector<16xf32> to vector<16xf32>
    %add3A_483 = arith.addf %add3A_471, %get3A_482 : vector<16xf32>
    %swap3A_484 = arith.constant 0 : index
    %swap3A_485 = tpu.vector_load %arg8[%swap3A_484] {strides = array<i32>} : memref<32xf32, #tpu.memory_space<vmem>>, vector<16xf32>,
    %swap3A_486 = vector.shape_cast %swap3A_485 : vector<16xf32> to vector<16xf32>
    %swap3A_487 = vector.shape_cast %scan3A_434#1 : vector<16xf32> to vector<16xf32>
    tpu.vector_store %arg8[%swap3A_484], %swap3A_487 {strides = array<i32>} : memref<32xf32, #tpu.memory_space<vmem>>, vector<16xf32>,
    %swap3A_488 = arith.constant 16 : index
    %swap3A_489 = tpu.vector_load %arg8[%swap3A_488] {strides = array<i32>} : memref<32xf32, #tpu.memory_space<vmem>>, vector<16xf32>,
    %swap3A_490 = vector.shape_cast %swap3A_489 : vector<16xf32> to vector<16xf32>
    %swap3A_491 = vector.shape_cast %scan3A_434#1 : vector<16xf32> to vector<16xf32>
    tpu.vector_store %arg8[%swap3A_488], %swap3A_491 {strides = array<i32>} : memref<32xf32, #tpu.memory_space<vmem>>, vector<16xf32>,
    %get3A_492 = arith.constant 8 : index
    %get3A_493 = tpu.vector_load %arg8[%get3A_492] {strides = array<i32>} : memref<32xf32, #tpu.memory_space<vmem>>, vector<16xf32>,
    %get3A_494 = vector.shape_cast %get3A_493 : vector<16xf32> to vector<16xf32>
    %add3A_495 = arith.addf %scan3A_434#1, %get3A_494 : vector<16xf32>
    %swap3A_496 = arith.constant 0 : index
    %swap3A_497 = tpu.vector_load %arg8[%swap3A_496] {strides = array<i32>} : memref<32xf32, #tpu.memory_space<vmem>>, vector<16xf32>,
    %swap3A_498 = vector.shape_cast %swap3A_497 : vector<16xf32> to vector<16xf32>
    %swap3A_499 = vector.shape_cast %add3A_495 : vector<16xf32> to vector<16xf32>
    tpu.vector_store %arg8[%swap3A_496], %swap3A_499 {strides = array<i32>} : memref<32xf32, #tpu.memory_space<vmem>>, vector<16xf32>,
    %swap3A_500 = arith.constant 16 : index
    %swap3A_501 = tpu.vector_load %arg8[%swap3A_500] {strides = array<i32>} : memref<32xf32, #tpu.memory_space<vmem>>, vector<16xf32>,
    %swap3A_502 = vector.shape_cast %swap3A_501 : vector<16xf32> to vector<16xf32>
    %swap3A_503 = vector.shape_cast %add3A_495 : vector<16xf32> to vector<16xf32>
    tpu.vector_store %arg8[%swap3A_500], %swap3A_503 {strides = array<i32>} : memref<32xf32, #tpu.memory_space<vmem>>, vector<16xf32>,
    %get3A_504 = arith.constant 4 : index
    %get3A_505 = tpu.vector_load %arg8[%get3A_504] {strides = array<i32>} : memref<32xf32, #tpu.memory_space<vmem>>, vector<16xf32>,
    %get3A_506 = vector.shape_cast %get3A_505 : vector<16xf32> to vector<16xf32>
    %add3A_507 = arith.addf %add3A_495, %get3A_506 : vector<16xf32>
    %swap3A_508 = arith.constant 0 : index
    %swap3A_509 = tpu.vector_load %arg8[%swap3A_508] {strides = array<i32>} : memref<32xf32, #tpu.memory_space<vmem>>, vector<16xf32>,
    %swap3A_510 = vector.shape_cast %swap3A_509 : vector<16xf32> to vector<16xf32>
    %swap3A_511 = vector.shape_cast %add3A_507 : vector<16xf32> to vector<16xf32>
    tpu.vector_store %arg8[%swap3A_508], %swap3A_511 {strides = array<i32>} : memref<32xf32, #tpu.memory_space<vmem>>, vector<16xf32>,
    %swap3A_512 = arith.constant 16 : index
    %swap3A_513 = tpu.vector_load %arg8[%swap3A_512] {strides = array<i32>} : memref<32xf32, #tpu.memory_space<vmem>>, vector<16xf32>,
    %swap3A_514 = vector.shape_cast %swap3A_513 : vector<16xf32> to vector<16xf32>
    %swap3A_515 = vector.shape_cast %add3A_507 : vector<16xf32> to vector<16xf32>
    tpu.vector_store %arg8[%swap3A_512], %swap3A_515 {strides = array<i32>} : memref<32xf32, #tpu.memory_space<vmem>>, vector<16xf32>,
    %get3A_516 = arith.constant 2 : index
    %get3A_517 = tpu.vector_load %arg8[%get3A_516] {strides = array<i32>} : memref<32xf32, #tpu.memory_space<vmem>>, vector<16xf32>,
    %get3A_518 = vector.shape_cast %get3A_517 : vector<16xf32> to vector<16xf32>
    %add3A_519 = arith.addf %add3A_507, %get3A_518 : vector<16xf32>
    %swap3A_520 = arith.constant 0 : index
    %swap3A_521 = tpu.vector_load %arg8[%swap3A_520] {strides = array<i32>} : memref<32xf32, #tpu.memory_space<vmem>>, vector<16xf32>,
    %swap3A_522 = vector.shape_cast %swap3A_521 : vector<16xf32> to vector<16xf32>
    %swap3A_523 = vector.shape_cast %add3A_519 : vector<16xf32> to vector<16xf32>
    tpu.vector_store %arg8[%swap3A_520], %swap3A_523 {strides = array<i32>} : memref<32xf32, #tpu.memory_space<vmem>>, vector<16xf32>,
    %swap3A_524 = arith.constant 16 : index
    %swap3A_525 = tpu.vector_load %arg8[%swap3A_524] {strides = array<i32>} : memref<32xf32, #tpu.memory_space<vmem>>, vector<16xf32>,
    %swap3A_526 = vector.shape_cast %swap3A_525 : vector<16xf32> to vector<16xf32>
    %swap3A_527 = vector.shape_cast %add3A_519 : vector<16xf32> to vector<16xf32>
    tpu.vector_store %arg8[%swap3A_524], %swap3A_527 {strides = array<i32>} : memref<32xf32, #tpu.memory_space<vmem>>, vector<16xf32>,
    %get3A_528 = arith.constant 1 : index
    %get3A_529 = tpu.vector_load %arg8[%get3A_528] {strides = array<i32>} : memref<32xf32, #tpu.memory_space<vmem>>, vector<16xf32>,
    %get3A_530 = vector.shape_cast %get3A_529 : vector<16xf32> to vector<16xf32>
    %add3A_531 = arith.addf %add3A_519, %get3A_530 : vector<16xf32>
    %eq3A_532 = arith.constant 2 : i32
    %eq3A_533 = vector.broadcast %eq3A_532 : i32 to vector<16xi32>
    %eq3A_534 = arith.cmpi eq, %iota3A, %eq3A_533 : vector<16xi32>
    %sub3A_535 = arith.subf %get3A_363, %add3A_483 : vector<16xf32>
    %mul3A_536 = arith.mulf %sub3A_535, %scan3A_428#0 : vector<16xf32>
    %add3A_537 = arith.addf %add3A_531, %mul3A_536 : vector<16xf32>
    %select_n3A_538 = arith.select %eq3A_534, %add3A_537, %select_n3A_358 : vector<16xi1>, vector<16xf32>
    %get3A_539 = arith.constant 3 : i32
    %get3A_540 = arith.index_cast %get3A_539 : i32 to index
    %get3A_541 = arith.constant 0 : index
    %get3A_542 = tpu.vector_load %arg6[%get3A_540, %get3A_541] {strides = array<i32>} : memref<4x16xf32, #tpu.memory_space<vmem>>, vector<1x16xf32>,
    %get3A_543 = vector.shape_cast %get3A_542 : vector<1x16xf32> to vector<16xf32>
    %scan3A_544 = arith.constant 0 : i32
    %scan3A_545 = arith.constant 42 : i32
    %scan3A_546 = arith.addi %scan3A_544, %scan3A_545 : i32
    %scan3A_547 = arith.constant 1 : i32
    %scan3A_548 = scf.for %scan3A_723 = %scan3A_544 to %scan3A_546 step %scan3A_547 iter_args(%scan3A_724 = %broadcast_in_dim3A_5) -> (vector<16xf32>)  : i32 {
      %mul3A_725 = arith.constant 208 : i32
      %mul3A_726 = arith.muli %scan3A_723, %mul3A_725 : i32
      %add3A_727 = arith.constant 0 : i32
      %add3A_728 = arith.addi %mul3A_726, %add3A_727 : i32
      %get3A_729 = arith.constant 3 : i32
      %get3A_730 = arith.index_cast %get3A_729 : i32 to index
      %get3A_731 = arith.index_cast %add3A_728 : i32 to index
      %get3A_732 = tpu.vector_load %arg5[%get3A_730, %get3A_731] {strides = array<i32>} : memref<4x8736xf32, #tpu.memory_space<vmem>>, vector<1x16xf32>,
      %get3A_733 = vector.shape_cast %get3A_732 : vector<1x16xf32> to vector<16xf32>
      %max3A_734 = arith.maximumf %scan3A_724, %get3A_733 : vector<16xf32>
      %add3A_735 = arith.constant 16 : i32
      %add3A_736 = arith.addi %mul3A_726, %add3A_735 : i32
      %get3A_737 = arith.constant 3 : i32
      %get3A_738 = arith.index_cast %get3A_737 : i32 to index
      %get3A_739 = arith.index_cast %add3A_736 : i32 to index
      %get3A_740 = tpu.vector_load %arg5[%get3A_738, %get3A_739] {strides = array<i32>} : memref<4x8736xf32, #tpu.memory_space<vmem>>, vector<1x16xf32>,
      %get3A_741 = vector.shape_cast %get3A_740 : vector<1x16xf32> to vector<16xf32>
      %max3A_742 = arith.maximumf %max3A_734, %get3A_741 : vector<16xf32>
      %add3A_743 = arith.constant 32 : i32
      %add3A_744 = arith.addi %mul3A_726, %add3A_743 : i32
      %get3A_745 = arith.constant 3 : i32
      %get3A_746 = arith.index_cast %get3A_745 : i32 to index
      %get3A_747 = arith.index_cast %add3A_744 : i32 to index
      %get3A_748 = tpu.vector_load %arg5[%get3A_746, %get3A_747] {strides = array<i32>} : memref<4x8736xf32, #tpu.memory_space<vmem>>, vector<1x16xf32>,
      %get3A_749 = vector.shape_cast %get3A_748 : vector<1x16xf32> to vector<16xf32>
      %max3A_750 = arith.maximumf %max3A_742, %get3A_749 : vector<16xf32>
      %add3A_751 = arith.constant 48 : i32
      %add3A_752 = arith.addi %mul3A_726, %add3A_751 : i32
      %get3A_753 = arith.constant 3 : i32
      %get3A_754 = arith.index_cast %get3A_753 : i32 to index
      %get3A_755 = arith.index_cast %add3A_752 : i32 to index
      %get3A_756 = tpu.vector_load %arg5[%get3A_754, %get3A_755] {strides = array<i32>} : memref<4x8736xf32, #tpu.memory_space<vmem>>, vector<1x16xf32>,
      %get3A_757 = vector.shape_cast %get3A_756 : vector<1x16xf32> to vector<16xf32>
      %max3A_758 = arith.maximumf %max3A_750, %get3A_757 : vector<16xf32>
      %add3A_759 = arith.constant 64 : i32
      %add3A_760 = arith.addi %mul3A_726, %add3A_759 : i32
      %get3A_761 = arith.constant 3 : i32
      %get3A_762 = arith.index_cast %get3A_761 : i32 to index
      %get3A_763 = arith.index_cast %add3A_760 : i32 to index
      %get3A_764 = tpu.vector_load %arg5[%get3A_762, %get3A_763] {strides = array<i32>} : memref<4x8736xf32, #tpu.memory_space<vmem>>, vector<1x16xf32>,
      %get3A_765 = vector.shape_cast %get3A_764 : vector<1x16xf32> to vector<16xf32>
      %max3A_766 = arith.maximumf %max3A_758, %get3A_765 : vector<16xf32>
      %add3A_767 = arith.constant 80 : i32
      %add3A_768 = arith.addi %mul3A_726, %add3A_767 : i32
      %get3A_769 = arith.constant 3 : i32
      %get3A_770 = arith.index_cast %get3A_769 : i32 to index
      %get3A_771 = arith.index_cast %add3A_768 : i32 to index
      %get3A_772 = tpu.vector_load %arg5[%get3A_770, %get3A_771] {strides = array<i32>} : memref<4x8736xf32, #tpu.memory_space<vmem>>, vector<1x16xf32>,
      %get3A_773 = vector.shape_cast %get3A_772 : vector<1x16xf32> to vector<16xf32>
      %max3A_774 = arith.maximumf %max3A_766, %get3A_773 : vector<16xf32>
      %add3A_775 = arith.constant 96 : i32
      %add3A_776 = arith.addi %mul3A_726, %add3A_775 : i32
      %get3A_777 = arith.constant 3 : i32
      %get3A_778 = arith.index_cast %get3A_777 : i32 to index
      %get3A_779 = arith.index_cast %add3A_776 : i32 to index
      %get3A_780 = tpu.vector_load %arg5[%get3A_778, %get3A_779] {strides = array<i32>} : memref<4x8736xf32, #tpu.memory_space<vmem>>, vector<1x16xf32>,
      %get3A_781 = vector.shape_cast %get3A_780 : vector<1x16xf32> to vector<16xf32>
      %max3A_782 = arith.maximumf %max3A_774, %get3A_781 : vector<16xf32>
      %add3A_783 = arith.constant 112 : i32
      %add3A_784 = arith.addi %mul3A_726, %add3A_783 : i32
      %get3A_785 = arith.constant 3 : i32
      %get3A_786 = arith.index_cast %get3A_785 : i32 to index
      %get3A_787 = arith.index_cast %add3A_784 : i32 to index
      %get3A_788 = tpu.vector_load %arg5[%get3A_786, %get3A_787] {strides = array<i32>} : memref<4x8736xf32, #tpu.memory_space<vmem>>, vector<1x16xf32>,
      %get3A_789 = vector.shape_cast %get3A_788 : vector<1x16xf32> to vector<16xf32>
      %max3A_790 = arith.maximumf %max3A_782, %get3A_789 : vector<16xf32>
      %add3A_791 = arith.constant 128 : i32
      %add3A_792 = arith.addi %mul3A_726, %add3A_791 : i32
      %get3A_793 = arith.constant 3 : i32
      %get3A_794 = arith.index_cast %get3A_793 : i32 to index
      %get3A_795 = arith.index_cast %add3A_792 : i32 to index
      %get3A_796 = tpu.vector_load %arg5[%get3A_794, %get3A_795] {strides = array<i32>} : memref<4x8736xf32, #tpu.memory_space<vmem>>, vector<1x16xf32>,
      %get3A_797 = vector.shape_cast %get3A_796 : vector<1x16xf32> to vector<16xf32>
      %max3A_798 = arith.maximumf %max3A_790, %get3A_797 : vector<16xf32>
      %add3A_799 = arith.constant 144 : i32
      %add3A_800 = arith.addi %mul3A_726, %add3A_799 : i32
      %get3A_801 = arith.constant 3 : i32
      %get3A_802 = arith.index_cast %get3A_801 : i32 to index
      %get3A_803 = arith.index_cast %add3A_800 : i32 to index
      %get3A_804 = tpu.vector_load %arg5[%get3A_802, %get3A_803] {strides = array<i32>} : memref<4x8736xf32, #tpu.memory_space<vmem>>, vector<1x16xf32>,
      %get3A_805 = vector.shape_cast %get3A_804 : vector<1x16xf32> to vector<16xf32>
      %max3A_806 = arith.maximumf %max3A_798, %get3A_805 : vector<16xf32>
      %add3A_807 = arith.constant 160 : i32
      %add3A_808 = arith.addi %mul3A_726, %add3A_807 : i32
      %get3A_809 = arith.constant 3 : i32
      %get3A_810 = arith.index_cast %get3A_809 : i32 to index
      %get3A_811 = arith.index_cast %add3A_808 : i32 to index
      %get3A_812 = tpu.vector_load %arg5[%get3A_810, %get3A_811] {strides = array<i32>} : memref<4x8736xf32, #tpu.memory_space<vmem>>, vector<1x16xf32>,
      %get3A_813 = vector.shape_cast %get3A_812 : vector<1x16xf32> to vector<16xf32>
      %max3A_814 = arith.maximumf %max3A_806, %get3A_813 : vector<16xf32>
      %add3A_815 = arith.constant 176 : i32
      %add3A_816 = arith.addi %mul3A_726, %add3A_815 : i32
      %get3A_817 = arith.constant 3 : i32
      %get3A_818 = arith.index_cast %get3A_817 : i32 to index
      %get3A_819 = arith.index_cast %add3A_816 : i32 to index
      %get3A_820 = tpu.vector_load %arg5[%get3A_818, %get3A_819] {strides = array<i32>} : memref<4x8736xf32, #tpu.memory_space<vmem>>, vector<1x16xf32>,
      %get3A_821 = vector.shape_cast %get3A_820 : vector<1x16xf32> to vector<16xf32>
      %max3A_822 = arith.maximumf %max3A_814, %get3A_821 : vector<16xf32>
      %add3A_823 = arith.constant 192 : i32
      %add3A_824 = arith.addi %mul3A_726, %add3A_823 : i32
      %get3A_825 = arith.constant 3 : i32
      %get3A_826 = arith.index_cast %get3A_825 : i32 to index
      %get3A_827 = arith.index_cast %add3A_824 : i32 to index
      %get3A_828 = tpu.vector_load %arg5[%get3A_826, %get3A_827] {strides = array<i32>} : memref<4x8736xf32, #tpu.memory_space<vmem>>, vector<1x16xf32>,
      %get3A_829 = vector.shape_cast %get3A_828 : vector<1x16xf32> to vector<16xf32>
      %max3A_830 = arith.maximumf %max3A_822, %get3A_829 : vector<16xf32>
      scf.yield %max3A_830 : vector<16xf32>
    }
    %scan3A_549 = arith.constant 42 : i32
    %swap3A_550 = arith.constant 0 : index
    %swap3A_551 = tpu.vector_load %arg8[%swap3A_550] {strides = array<i32>} : memref<32xf32, #tpu.memory_space<vmem>>, vector<16xf32>,
    %swap3A_552 = vector.shape_cast %swap3A_551 : vector<16xf32> to vector<16xf32>
    %swap3A_553 = vector.shape_cast %scan3A_548 : vector<16xf32> to vector<16xf32>
    tpu.vector_store %arg8[%swap3A_550], %swap3A_553 {strides = array<i32>} : memref<32xf32, #tpu.memory_space<vmem>>, vector<16xf32>,
    %swap3A_554 = arith.constant 16 : index
    %swap3A_555 = tpu.vector_load %arg8[%swap3A_554] {strides = array<i32>} : memref<32xf32, #tpu.memory_space<vmem>>, vector<16xf32>,
    %swap3A_556 = vector.shape_cast %swap3A_555 : vector<16xf32> to vector<16xf32>
    %swap3A_557 = vector.shape_cast %scan3A_548 : vector<16xf32> to vector<16xf32>
    tpu.vector_store %arg8[%swap3A_554], %swap3A_557 {strides = array<i32>} : memref<32xf32, #tpu.memory_space<vmem>>, vector<16xf32>,
    %get3A_558 = arith.constant 8 : index
    %get3A_559 = tpu.vector_load %arg8[%get3A_558] {strides = array<i32>} : memref<32xf32, #tpu.memory_space<vmem>>, vector<16xf32>,
    %get3A_560 = vector.shape_cast %get3A_559 : vector<16xf32> to vector<16xf32>
    %max3A_561 = arith.maximumf %scan3A_548, %get3A_560 : vector<16xf32>
    %swap3A_562 = arith.constant 0 : index
    %swap3A_563 = tpu.vector_load %arg8[%swap3A_562] {strides = array<i32>} : memref<32xf32, #tpu.memory_space<vmem>>, vector<16xf32>,
    %swap3A_564 = vector.shape_cast %swap3A_563 : vector<16xf32> to vector<16xf32>
    %swap3A_565 = vector.shape_cast %max3A_561 : vector<16xf32> to vector<16xf32>
    tpu.vector_store %arg8[%swap3A_562], %swap3A_565 {strides = array<i32>} : memref<32xf32, #tpu.memory_space<vmem>>, vector<16xf32>,
    %swap3A_566 = arith.constant 16 : index
    %swap3A_567 = tpu.vector_load %arg8[%swap3A_566] {strides = array<i32>} : memref<32xf32, #tpu.memory_space<vmem>>, vector<16xf32>,
    %swap3A_568 = vector.shape_cast %swap3A_567 : vector<16xf32> to vector<16xf32>
    %swap3A_569 = vector.shape_cast %max3A_561 : vector<16xf32> to vector<16xf32>
    tpu.vector_store %arg8[%swap3A_566], %swap3A_569 {strides = array<i32>} : memref<32xf32, #tpu.memory_space<vmem>>, vector<16xf32>,
    %get3A_570 = arith.constant 4 : index
    %get3A_571 = tpu.vector_load %arg8[%get3A_570] {strides = array<i32>} : memref<32xf32, #tpu.memory_space<vmem>>, vector<16xf32>,
    %get3A_572 = vector.shape_cast %get3A_571 : vector<16xf32> to vector<16xf32>
    %max3A_573 = arith.maximumf %max3A_561, %get3A_572 : vector<16xf32>
    %swap3A_574 = arith.constant 0 : index
    %swap3A_575 = tpu.vector_load %arg8[%swap3A_574] {strides = array<i32>} : memref<32xf32, #tpu.memory_space<vmem>>, vector<16xf32>,
    %swap3A_576 = vector.shape_cast %swap3A_575 : vector<16xf32> to vector<16xf32>
    %swap3A_577 = vector.shape_cast %max3A_573 : vector<16xf32> to vector<16xf32>
    tpu.vector_store %arg8[%swap3A_574], %swap3A_577 {strides = array<i32>} : memref<32xf32, #tpu.memory_space<vmem>>, vector<16xf32>,
    %swap3A_578 = arith.constant 16 : index
    %swap3A_579 = tpu.vector_load %arg8[%swap3A_578] {strides = array<i32>} : memref<32xf32, #tpu.memory_space<vmem>>, vector<16xf32>,
    %swap3A_580 = vector.shape_cast %swap3A_579 : vector<16xf32> to vector<16xf32>
    %swap3A_581 = vector.shape_cast %max3A_573 : vector<16xf32> to vector<16xf32>
    tpu.vector_store %arg8[%swap3A_578], %swap3A_581 {strides = array<i32>} : memref<32xf32, #tpu.memory_space<vmem>>, vector<16xf32>,
    %get3A_582 = arith.constant 2 : index
    %get3A_583 = tpu.vector_load %arg8[%get3A_582] {strides = array<i32>} : memref<32xf32, #tpu.memory_space<vmem>>, vector<16xf32>,
    %get3A_584 = vector.shape_cast %get3A_583 : vector<16xf32> to vector<16xf32>
    %max3A_585 = arith.maximumf %max3A_573, %get3A_584 : vector<16xf32>
    %swap3A_586 = arith.constant 0 : index
    %swap3A_587 = tpu.vector_load %arg8[%swap3A_586] {strides = array<i32>} : memref<32xf32, #tpu.memory_space<vmem>>, vector<16xf32>,
    %swap3A_588 = vector.shape_cast %swap3A_587 : vector<16xf32> to vector<16xf32>
    %swap3A_589 = vector.shape_cast %max3A_585 : vector<16xf32> to vector<16xf32>
    tpu.vector_store %arg8[%swap3A_586], %swap3A_589 {strides = array<i32>} : memref<32xf32, #tpu.memory_space<vmem>>, vector<16xf32>,
    %swap3A_590 = arith.constant 16 : index
    %swap3A_591 = tpu.vector_load %arg8[%swap3A_590] {strides = array<i32>} : memref<32xf32, #tpu.memory_space<vmem>>, vector<16xf32>,
    %swap3A_592 = vector.shape_cast %swap3A_591 : vector<16xf32> to vector<16xf32>
    %swap3A_593 = vector.shape_cast %max3A_585 : vector<16xf32> to vector<16xf32>
    tpu.vector_store %arg8[%swap3A_590], %swap3A_593 {strides = array<i32>} : memref<32xf32, #tpu.memory_space<vmem>>, vector<16xf32>,
    %get3A_594 = arith.constant 1 : index
    %get3A_595 = tpu.vector_load %arg8[%get3A_594] {strides = array<i32>} : memref<32xf32, #tpu.memory_space<vmem>>, vector<16xf32>,
    %get3A_596 = vector.shape_cast %get3A_595 : vector<16xf32> to vector<16xf32>
    %max3A_597 = arith.maximumf %max3A_585, %get3A_596 : vector<16xf32>
    %mul3A_598 = arith.constant 1.00000095 : f32
    %mul3A_599 = vector.broadcast %mul3A_598 : f32 to vector<16xf32>
    %mul3A_600 = arith.mulf %max3A_597, %mul3A_599 : vector<16xf32>
    %add3A_601 = arith.constant 1.000000e-30 : f32
    %add3A_602 = vector.broadcast %add3A_601 : f32 to vector<16xf32>
    %add3A_603 = arith.addf %mul3A_600, %add3A_602 : vector<16xf32>
    %scan3A_604 = arith.constant 0 : i32
    %scan3A_605 = arith.constant 20 : i32
    %scan3A_606 = arith.addi %scan3A_604, %scan3A_605 : i32
    %scan3A_607 = arith.constant 1 : i32
    %scan3A_608:2 = scf.for %scan3A_723 = %scan3A_604 to %scan3A_606 step %scan3A_607 iter_args(%scan3A_724 = %broadcast_in_dim3A_5, %scan3A_725 = %add3A_603) -> (vector<16xf32>, vector<16xf32>)  : i32 {
      %add3A_726 = arith.addf %scan3A_724, %scan3A_725 : vector<16xf32>
      %mul3A_727 = arith.constant 5.000000e-01 : f32
      %mul3A_728 = vector.broadcast %mul3A_727 : f32 to vector<16xf32>
      %mul3A_729 = arith.mulf %mul3A_728, %add3A_726 : vector<16xf32>
      %scan3A_730 = arith.constant 0 : i32
      %scan3A_731 = arith.constant 42 : i32
      %scan3A_732 = arith.addi %scan3A_730, %scan3A_731 : i32
      %scan3A_733 = arith.constant 1 : i32
      %scan3A_734 = scf.for %scan3A_786 = %scan3A_730 to %scan3A_732 step %scan3A_733 iter_args(%scan3A_787 = %broadcast_in_dim3A_5) -> (vector<16xf32>)  : i32 {
        %mul3A_788 = arith.constant 208 : i32
        %mul3A_789 = arith.muli %scan3A_786, %mul3A_788 : i32
        %add3A_790 = arith.constant 0 : i32
        %add3A_791 = arith.addi %mul3A_789, %add3A_790 : i32
        %get3A_792 = arith.constant 3 : i32
        %get3A_793 = arith.index_cast %get3A_792 : i32 to index
        %get3A_794 = arith.index_cast %add3A_791 : i32 to index
        %get3A_795 = tpu.vector_load %arg5[%get3A_793, %get3A_794] {strides = array<i32>} : memref<4x8736xf32, #tpu.memory_space<vmem>>, vector<1x16xf32>,
        %get3A_796 = vector.shape_cast %get3A_795 : vector<1x16xf32> to vector<16xf32>
        %ge3A_797 = arith.cmpf oge, %get3A_796, %mul3A_729 : vector<16xf32>
        %select_n3A_798 = arith.select %ge3A_797, %broadcast_in_dim3A_3, %broadcast_in_dim3A_5 : vector<16xi1>, vector<16xf32>
        %add3A_799 = arith.addf %scan3A_787, %select_n3A_798 : vector<16xf32>
        %add3A_800 = arith.constant 16 : i32
        %add3A_801 = arith.addi %mul3A_789, %add3A_800 : i32
        %get3A_802 = arith.constant 3 : i32
        %get3A_803 = arith.index_cast %get3A_802 : i32 to index
        %get3A_804 = arith.index_cast %add3A_801 : i32 to index
        %get3A_805 = tpu.vector_load %arg5[%get3A_803, %get3A_804] {strides = array<i32>} : memref<4x8736xf32, #tpu.memory_space<vmem>>, vector<1x16xf32>,
        %get3A_806 = vector.shape_cast %get3A_805 : vector<1x16xf32> to vector<16xf32>
        %ge3A_807 = arith.cmpf oge, %get3A_806, %mul3A_729 : vector<16xf32>
        %select_n3A_808 = arith.select %ge3A_807, %broadcast_in_dim3A_3, %broadcast_in_dim3A_5 : vector<16xi1>, vector<16xf32>
        %add3A_809 = arith.addf %add3A_799, %select_n3A_808 : vector<16xf32>
        %add3A_810 = arith.constant 32 : i32
        %add3A_811 = arith.addi %mul3A_789, %add3A_810 : i32
        %get3A_812 = arith.constant 3 : i32
        %get3A_813 = arith.index_cast %get3A_812 : i32 to index
        %get3A_814 = arith.index_cast %add3A_811 : i32 to index
        %get3A_815 = tpu.vector_load %arg5[%get3A_813, %get3A_814] {strides = array<i32>} : memref<4x8736xf32, #tpu.memory_space<vmem>>, vector<1x16xf32>,
        %get3A_816 = vector.shape_cast %get3A_815 : vector<1x16xf32> to vector<16xf32>
        %ge3A_817 = arith.cmpf oge, %get3A_816, %mul3A_729 : vector<16xf32>
        %select_n3A_818 = arith.select %ge3A_817, %broadcast_in_dim3A_3, %broadcast_in_dim3A_5 : vector<16xi1>, vector<16xf32>
        %add3A_819 = arith.addf %add3A_809, %select_n3A_818 : vector<16xf32>
        %add3A_820 = arith.constant 48 : i32
        %add3A_821 = arith.addi %mul3A_789, %add3A_820 : i32
        %get3A_822 = arith.constant 3 : i32
        %get3A_823 = arith.index_cast %get3A_822 : i32 to index
        %get3A_824 = arith.index_cast %add3A_821 : i32 to index
        %get3A_825 = tpu.vector_load %arg5[%get3A_823, %get3A_824] {strides = array<i32>} : memref<4x8736xf32, #tpu.memory_space<vmem>>, vector<1x16xf32>,
        %get3A_826 = vector.shape_cast %get3A_825 : vector<1x16xf32> to vector<16xf32>
        %ge3A_827 = arith.cmpf oge, %get3A_826, %mul3A_729 : vector<16xf32>
        %select_n3A_828 = arith.select %ge3A_827, %broadcast_in_dim3A_3, %broadcast_in_dim3A_5 : vector<16xi1>, vector<16xf32>
        %add3A_829 = arith.addf %add3A_819, %select_n3A_828 : vector<16xf32>
        %add3A_830 = arith.constant 64 : i32
        %add3A_831 = arith.addi %mul3A_789, %add3A_830 : i32
        %get3A_832 = arith.constant 3 : i32
        %get3A_833 = arith.index_cast %get3A_832 : i32 to index
        %get3A_834 = arith.index_cast %add3A_831 : i32 to index
        %get3A_835 = tpu.vector_load %arg5[%get3A_833, %get3A_834] {strides = array<i32>} : memref<4x8736xf32, #tpu.memory_space<vmem>>, vector<1x16xf32>,
        %get3A_836 = vector.shape_cast %get3A_835 : vector<1x16xf32> to vector<16xf32>
        %ge3A_837 = arith.cmpf oge, %get3A_836, %mul3A_729 : vector<16xf32>
        %select_n3A_838 = arith.select %ge3A_837, %broadcast_in_dim3A_3, %broadcast_in_dim3A_5 : vector<16xi1>, vector<16xf32>
        %add3A_839 = arith.addf %add3A_829, %select_n3A_838 : vector<16xf32>
        %add3A_840 = arith.constant 80 : i32
        %add3A_841 = arith.addi %mul3A_789, %add3A_840 : i32
        %get3A_842 = arith.constant 3 : i32
        %get3A_843 = arith.index_cast %get3A_842 : i32 to index
        %get3A_844 = arith.index_cast %add3A_841 : i32 to index
        %get3A_845 = tpu.vector_load %arg5[%get3A_843, %get3A_844] {strides = array<i32>} : memref<4x8736xf32, #tpu.memory_space<vmem>>, vector<1x16xf32>,
        %get3A_846 = vector.shape_cast %get3A_845 : vector<1x16xf32> to vector<16xf32>
        %ge3A_847 = arith.cmpf oge, %get3A_846, %mul3A_729 : vector<16xf32>
        %select_n3A_848 = arith.select %ge3A_847, %broadcast_in_dim3A_3, %broadcast_in_dim3A_5 : vector<16xi1>, vector<16xf32>
        %add3A_849 = arith.addf %add3A_839, %select_n3A_848 : vector<16xf32>
        %add3A_850 = arith.constant 96 : i32
        %add3A_851 = arith.addi %mul3A_789, %add3A_850 : i32
        %get3A_852 = arith.constant 3 : i32
        %get3A_853 = arith.index_cast %get3A_852 : i32 to index
        %get3A_854 = arith.index_cast %add3A_851 : i32 to index
        %get3A_855 = tpu.vector_load %arg5[%get3A_853, %get3A_854] {strides = array<i32>} : memref<4x8736xf32, #tpu.memory_space<vmem>>, vector<1x16xf32>,
        %get3A_856 = vector.shape_cast %get3A_855 : vector<1x16xf32> to vector<16xf32>
        %ge3A_857 = arith.cmpf oge, %get3A_856, %mul3A_729 : vector<16xf32>
        %select_n3A_858 = arith.select %ge3A_857, %broadcast_in_dim3A_3, %broadcast_in_dim3A_5 : vector<16xi1>, vector<16xf32>
        %add3A_859 = arith.addf %add3A_849, %select_n3A_858 : vector<16xf32>
        %add3A_860 = arith.constant 112 : i32
        %add3A_861 = arith.addi %mul3A_789, %add3A_860 : i32
        %get3A_862 = arith.constant 3 : i32
        %get3A_863 = arith.index_cast %get3A_862 : i32 to index
        %get3A_864 = arith.index_cast %add3A_861 : i32 to index
        %get3A_865 = tpu.vector_load %arg5[%get3A_863, %get3A_864] {strides = array<i32>} : memref<4x8736xf32, #tpu.memory_space<vmem>>, vector<1x16xf32>,
        %get3A_866 = vector.shape_cast %get3A_865 : vector<1x16xf32> to vector<16xf32>
        %ge3A_867 = arith.cmpf oge, %get3A_866, %mul3A_729 : vector<16xf32>
        %select_n3A_868 = arith.select %ge3A_867, %broadcast_in_dim3A_3, %broadcast_in_dim3A_5 : vector<16xi1>, vector<16xf32>
        %add3A_869 = arith.addf %add3A_859, %select_n3A_868 : vector<16xf32>
        %add3A_870 = arith.constant 128 : i32
        %add3A_871 = arith.addi %mul3A_789, %add3A_870 : i32
        %get3A_872 = arith.constant 3 : i32
        %get3A_873 = arith.index_cast %get3A_872 : i32 to index
        %get3A_874 = arith.index_cast %add3A_871 : i32 to index
        %get3A_875 = tpu.vector_load %arg5[%get3A_873, %get3A_874] {strides = array<i32>} : memref<4x8736xf32, #tpu.memory_space<vmem>>, vector<1x16xf32>,
        %get3A_876 = vector.shape_cast %get3A_875 : vector<1x16xf32> to vector<16xf32>
        %ge3A_877 = arith.cmpf oge, %get3A_876, %mul3A_729 : vector<16xf32>
        %select_n3A_878 = arith.select %ge3A_877, %broadcast_in_dim3A_3, %broadcast_in_dim3A_5 : vector<16xi1>, vector<16xf32>
        %add3A_879 = arith.addf %add3A_869, %select_n3A_878 : vector<16xf32>
        %add3A_880 = arith.constant 144 : i32
        %add3A_881 = arith.addi %mul3A_789, %add3A_880 : i32
        %get3A_882 = arith.constant 3 : i32
        %get3A_883 = arith.index_cast %get3A_882 : i32 to index
        %get3A_884 = arith.index_cast %add3A_881 : i32 to index
        %get3A_885 = tpu.vector_load %arg5[%get3A_883, %get3A_884] {strides = array<i32>} : memref<4x8736xf32, #tpu.memory_space<vmem>>, vector<1x16xf32>,
        %get3A_886 = vector.shape_cast %get3A_885 : vector<1x16xf32> to vector<16xf32>
        %ge3A_887 = arith.cmpf oge, %get3A_886, %mul3A_729 : vector<16xf32>
        %select_n3A_888 = arith.select %ge3A_887, %broadcast_in_dim3A_3, %broadcast_in_dim3A_5 : vector<16xi1>, vector<16xf32>
        %add3A_889 = arith.addf %add3A_879, %select_n3A_888 : vector<16xf32>
        %add3A_890 = arith.constant 160 : i32
        %add3A_891 = arith.addi %mul3A_789, %add3A_890 : i32
        %get3A_892 = arith.constant 3 : i32
        %get3A_893 = arith.index_cast %get3A_892 : i32 to index
        %get3A_894 = arith.index_cast %add3A_891 : i32 to index
        %get3A_895 = tpu.vector_load %arg5[%get3A_893, %get3A_894] {strides = array<i32>} : memref<4x8736xf32, #tpu.memory_space<vmem>>, vector<1x16xf32>,
        %get3A_896 = vector.shape_cast %get3A_895 : vector<1x16xf32> to vector<16xf32>
        %ge3A_897 = arith.cmpf oge, %get3A_896, %mul3A_729 : vector<16xf32>
        %select_n3A_898 = arith.select %ge3A_897, %broadcast_in_dim3A_3, %broadcast_in_dim3A_5 : vector<16xi1>, vector<16xf32>
        %add3A_899 = arith.addf %add3A_889, %select_n3A_898 : vector<16xf32>
        %add3A_900 = arith.constant 176 : i32
        %add3A_901 = arith.addi %mul3A_789, %add3A_900 : i32
        %get3A_902 = arith.constant 3 : i32
        %get3A_903 = arith.index_cast %get3A_902 : i32 to index
        %get3A_904 = arith.index_cast %add3A_901 : i32 to index
        %get3A_905 = tpu.vector_load %arg5[%get3A_903, %get3A_904] {strides = array<i32>} : memref<4x8736xf32, #tpu.memory_space<vmem>>, vector<1x16xf32>,
        %get3A_906 = vector.shape_cast %get3A_905 : vector<1x16xf32> to vector<16xf32>
        %ge3A_907 = arith.cmpf oge, %get3A_906, %mul3A_729 : vector<16xf32>
        %select_n3A_908 = arith.select %ge3A_907, %broadcast_in_dim3A_3, %broadcast_in_dim3A_5 : vector<16xi1>, vector<16xf32>
        %add3A_909 = arith.addf %add3A_899, %select_n3A_908 : vector<16xf32>
        %add3A_910 = arith.constant 192 : i32
        %add3A_911 = arith.addi %mul3A_789, %add3A_910 : i32
        %get3A_912 = arith.constant 3 : i32
        %get3A_913 = arith.index_cast %get3A_912 : i32 to index
        %get3A_914 = arith.index_cast %add3A_911 : i32 to index
        %get3A_915 = tpu.vector_load %arg5[%get3A_913, %get3A_914] {strides = array<i32>} : memref<4x8736xf32, #tpu.memory_space<vmem>>, vector<1x16xf32>,
        %get3A_916 = vector.shape_cast %get3A_915 : vector<1x16xf32> to vector<16xf32>
        %ge3A_917 = arith.cmpf oge, %get3A_916, %mul3A_729 : vector<16xf32>
        %select_n3A_918 = arith.select %ge3A_917, %broadcast_in_dim3A_3, %broadcast_in_dim3A_5 : vector<16xi1>, vector<16xf32>
        %add3A_919 = arith.addf %add3A_909, %select_n3A_918 : vector<16xf32>
        scf.yield %add3A_919 : vector<16xf32>
      }
      %scan3A_735 = arith.constant 42 : i32
      %swap3A_736 = arith.constant 0 : index
      %swap3A_737 = tpu.vector_load %arg8[%swap3A_736] {strides = array<i32>} : memref<32xf32, #tpu.memory_space<vmem>>, vector<16xf32>,
      %swap3A_738 = vector.shape_cast %swap3A_737 : vector<16xf32> to vector<16xf32>
      %swap3A_739 = vector.shape_cast %scan3A_734 : vector<16xf32> to vector<16xf32>
      tpu.vector_store %arg8[%swap3A_736], %swap3A_739 {strides = array<i32>} : memref<32xf32, #tpu.memory_space<vmem>>, vector<16xf32>,
      %swap3A_740 = arith.constant 16 : index
      %swap3A_741 = tpu.vector_load %arg8[%swap3A_740] {strides = array<i32>} : memref<32xf32, #tpu.memory_space<vmem>>, vector<16xf32>,
      %swap3A_742 = vector.shape_cast %swap3A_741 : vector<16xf32> to vector<16xf32>
      %swap3A_743 = vector.shape_cast %scan3A_734 : vector<16xf32> to vector<16xf32>
      tpu.vector_store %arg8[%swap3A_740], %swap3A_743 {strides = array<i32>} : memref<32xf32, #tpu.memory_space<vmem>>, vector<16xf32>,
      %get3A_744 = arith.constant 8 : index
      %get3A_745 = tpu.vector_load %arg8[%get3A_744] {strides = array<i32>} : memref<32xf32, #tpu.memory_space<vmem>>, vector<16xf32>,
      %get3A_746 = vector.shape_cast %get3A_745 : vector<16xf32> to vector<16xf32>
      %add3A_747 = arith.addf %scan3A_734, %get3A_746 : vector<16xf32>
      %swap3A_748 = arith.constant 0 : index
      %swap3A_749 = tpu.vector_load %arg8[%swap3A_748] {strides = array<i32>} : memref<32xf32, #tpu.memory_space<vmem>>, vector<16xf32>,
      %swap3A_750 = vector.shape_cast %swap3A_749 : vector<16xf32> to vector<16xf32>
      %swap3A_751 = vector.shape_cast %add3A_747 : vector<16xf32> to vector<16xf32>
      tpu.vector_store %arg8[%swap3A_748], %swap3A_751 {strides = array<i32>} : memref<32xf32, #tpu.memory_space<vmem>>, vector<16xf32>,
      %swap3A_752 = arith.constant 16 : index
      %swap3A_753 = tpu.vector_load %arg8[%swap3A_752] {strides = array<i32>} : memref<32xf32, #tpu.memory_space<vmem>>, vector<16xf32>,
      %swap3A_754 = vector.shape_cast %swap3A_753 : vector<16xf32> to vector<16xf32>
      %swap3A_755 = vector.shape_cast %add3A_747 : vector<16xf32> to vector<16xf32>
      tpu.vector_store %arg8[%swap3A_752], %swap3A_755 {strides = array<i32>} : memref<32xf32, #tpu.memory_space<vmem>>, vector<16xf32>,
      %get3A_756 = arith.constant 4 : index
      %get3A_757 = tpu.vector_load %arg8[%get3A_756] {strides = array<i32>} : memref<32xf32, #tpu.memory_space<vmem>>, vector<16xf32>,
      %get3A_758 = vector.shape_cast %get3A_757 : vector<16xf32> to vector<16xf32>
      %add3A_759 = arith.addf %add3A_747, %get3A_758 : vector<16xf32>
      %swap3A_760 = arith.constant 0 : index
      %swap3A_761 = tpu.vector_load %arg8[%swap3A_760] {strides = array<i32>} : memref<32xf32, #tpu.memory_space<vmem>>, vector<16xf32>,
      %swap3A_762 = vector.shape_cast %swap3A_761 : vector<16xf32> to vector<16xf32>
      %swap3A_763 = vector.shape_cast %add3A_759 : vector<16xf32> to vector<16xf32>
      tpu.vector_store %arg8[%swap3A_760], %swap3A_763 {strides = array<i32>} : memref<32xf32, #tpu.memory_space<vmem>>, vector<16xf32>,
      %swap3A_764 = arith.constant 16 : index
      %swap3A_765 = tpu.vector_load %arg8[%swap3A_764] {strides = array<i32>} : memref<32xf32, #tpu.memory_space<vmem>>, vector<16xf32>,
      %swap3A_766 = vector.shape_cast %swap3A_765 : vector<16xf32> to vector<16xf32>
      %swap3A_767 = vector.shape_cast %add3A_759 : vector<16xf32> to vector<16xf32>
      tpu.vector_store %arg8[%swap3A_764], %swap3A_767 {strides = array<i32>} : memref<32xf32, #tpu.memory_space<vmem>>, vector<16xf32>,
      %get3A_768 = arith.constant 2 : index
      %get3A_769 = tpu.vector_load %arg8[%get3A_768] {strides = array<i32>} : memref<32xf32, #tpu.memory_space<vmem>>, vector<16xf32>,
      %get3A_770 = vector.shape_cast %get3A_769 : vector<16xf32> to vector<16xf32>
      %add3A_771 = arith.addf %add3A_759, %get3A_770 : vector<16xf32>
      %swap3A_772 = arith.constant 0 : index
      %swap3A_773 = tpu.vector_load %arg8[%swap3A_772] {strides = array<i32>} : memref<32xf32, #tpu.memory_space<vmem>>, vector<16xf32>,
      %swap3A_774 = vector.shape_cast %swap3A_773 : vector<16xf32> to vector<16xf32>
      %swap3A_775 = vector.shape_cast %add3A_771 : vector<16xf32> to vector<16xf32>
      tpu.vector_store %arg8[%swap3A_772], %swap3A_775 {strides = array<i32>} : memref<32xf32, #tpu.memory_space<vmem>>, vector<16xf32>,
      %swap3A_776 = arith.constant 16 : index
      %swap3A_777 = tpu.vector_load %arg8[%swap3A_776] {strides = array<i32>} : memref<32xf32, #tpu.memory_space<vmem>>, vector<16xf32>,
      %swap3A_778 = vector.shape_cast %swap3A_777 : vector<16xf32> to vector<16xf32>
      %swap3A_779 = vector.shape_cast %add3A_771 : vector<16xf32> to vector<16xf32>
      tpu.vector_store %arg8[%swap3A_776], %swap3A_779 {strides = array<i32>} : memref<32xf32, #tpu.memory_space<vmem>>, vector<16xf32>,
      %get3A_780 = arith.constant 1 : index
      %get3A_781 = tpu.vector_load %arg8[%get3A_780] {strides = array<i32>} : memref<32xf32, #tpu.memory_space<vmem>>, vector<16xf32>,
      %get3A_782 = vector.shape_cast %get3A_781 : vector<16xf32> to vector<16xf32>
      %add3A_783 = arith.addf %add3A_771, %get3A_782 : vector<16xf32>
      %ge3A = arith.cmpf oge, %add3A_783, %get3A_543 : vector<16xf32>
      %select_n3A_784 = arith.select %ge3A, %mul3A_729, %scan3A_724 : vector<16xi1>, vector<16xf32>
      %select_n3A_785 = arith.select %ge3A, %scan3A_725, %mul3A_729 : vector<16xi1>, vector<16xf32>
      scf.yield %select_n3A_784, %select_n3A_785 : vector<16xf32>, vector<16xf32>
    }
    %scan3A_609 = arith.constant 20 : i32
    %scan3A_610 = arith.constant 0 : i32
    %scan3A_611 = arith.constant 42 : i32
    %scan3A_612 = arith.addi %scan3A_610, %scan3A_611 : i32
    %scan3A_613 = arith.constant 1 : i32
    %scan3A_614:2 = scf.for %scan3A_723 = %scan3A_610 to %scan3A_612 step %scan3A_613 iter_args(%scan3A_724 = %broadcast_in_dim3A_5, %scan3A_725 = %broadcast_in_dim3A_5) -> (vector<16xf32>, vector<16xf32>)  : i32 {
      %mul3A_726 = arith.constant 208 : i32
      %mul3A_727 = arith.muli %scan3A_723, %mul3A_726 : i32
      %add3A_728 = arith.constant 0 : i32
      %add3A_729 = arith.addi %mul3A_727, %add3A_728 : i32
      %get3A_730 = arith.constant 3 : i32
      %get3A_731 = arith.index_cast %get3A_730 : i32 to index
      %get3A_732 = arith.index_cast %add3A_729 : i32 to index
      %get3A_733 = tpu.vector_load %arg5[%get3A_731, %get3A_732] {strides = array<i32>} : memref<4x8736xf32, #tpu.memory_space<vmem>>, vector<1x16xf32>,
      %get3A_734 = vector.shape_cast %get3A_733 : vector<1x16xf32> to vector<16xf32>
      %gt3A = arith.cmpf ogt, %get3A_734, %scan3A_608#0 : vector<16xf32>
      %select_n3A_735 = arith.select %gt3A, %broadcast_in_dim3A_3, %broadcast_in_dim3A_5 : vector<16xi1>, vector<16xf32>
      %add3A_736 = arith.addf %scan3A_724, %select_n3A_735 : vector<16xf32>
      %select_n3A_737 = arith.select %gt3A, %get3A_734, %broadcast_in_dim3A_5 : vector<16xi1>, vector<16xf32>
      %add3A_738 = arith.addf %scan3A_725, %select_n3A_737 : vector<16xf32>
      %add3A_739 = arith.constant 16 : i32
      %add3A_740 = arith.addi %mul3A_727, %add3A_739 : i32
      %get3A_741 = arith.constant 3 : i32
      %get3A_742 = arith.index_cast %get3A_741 : i32 to index
      %get3A_743 = arith.index_cast %add3A_740 : i32 to index
      %get3A_744 = tpu.vector_load %arg5[%get3A_742, %get3A_743] {strides = array<i32>} : memref<4x8736xf32, #tpu.memory_space<vmem>>, vector<1x16xf32>,
      %get3A_745 = vector.shape_cast %get3A_744 : vector<1x16xf32> to vector<16xf32>
      %gt3A_746 = arith.cmpf ogt, %get3A_745, %scan3A_608#0 : vector<16xf32>
      %select_n3A_747 = arith.select %gt3A_746, %broadcast_in_dim3A_3, %broadcast_in_dim3A_5 : vector<16xi1>, vector<16xf32>
      %add3A_748 = arith.addf %add3A_736, %select_n3A_747 : vector<16xf32>
      %select_n3A_749 = arith.select %gt3A_746, %get3A_745, %broadcast_in_dim3A_5 : vector<16xi1>, vector<16xf32>
      %add3A_750 = arith.addf %add3A_738, %select_n3A_749 : vector<16xf32>
      %add3A_751 = arith.constant 32 : i32
      %add3A_752 = arith.addi %mul3A_727, %add3A_751 : i32
      %get3A_753 = arith.constant 3 : i32
      %get3A_754 = arith.index_cast %get3A_753 : i32 to index
      %get3A_755 = arith.index_cast %add3A_752 : i32 to index
      %get3A_756 = tpu.vector_load %arg5[%get3A_754, %get3A_755] {strides = array<i32>} : memref<4x8736xf32, #tpu.memory_space<vmem>>, vector<1x16xf32>,
      %get3A_757 = vector.shape_cast %get3A_756 : vector<1x16xf32> to vector<16xf32>
      %gt3A_758 = arith.cmpf ogt, %get3A_757, %scan3A_608#0 : vector<16xf32>
      %select_n3A_759 = arith.select %gt3A_758, %broadcast_in_dim3A_3, %broadcast_in_dim3A_5 : vector<16xi1>, vector<16xf32>
      %add3A_760 = arith.addf %add3A_748, %select_n3A_759 : vector<16xf32>
      %select_n3A_761 = arith.select %gt3A_758, %get3A_757, %broadcast_in_dim3A_5 : vector<16xi1>, vector<16xf32>
      %add3A_762 = arith.addf %add3A_750, %select_n3A_761 : vector<16xf32>
      %add3A_763 = arith.constant 48 : i32
      %add3A_764 = arith.addi %mul3A_727, %add3A_763 : i32
      %get3A_765 = arith.constant 3 : i32
      %get3A_766 = arith.index_cast %get3A_765 : i32 to index
      %get3A_767 = arith.index_cast %add3A_764 : i32 to index
      %get3A_768 = tpu.vector_load %arg5[%get3A_766, %get3A_767] {strides = array<i32>} : memref<4x8736xf32, #tpu.memory_space<vmem>>, vector<1x16xf32>,
      %get3A_769 = vector.shape_cast %get3A_768 : vector<1x16xf32> to vector<16xf32>
      %gt3A_770 = arith.cmpf ogt, %get3A_769, %scan3A_608#0 : vector<16xf32>
      %select_n3A_771 = arith.select %gt3A_770, %broadcast_in_dim3A_3, %broadcast_in_dim3A_5 : vector<16xi1>, vector<16xf32>
      %add3A_772 = arith.addf %add3A_760, %select_n3A_771 : vector<16xf32>
      %select_n3A_773 = arith.select %gt3A_770, %get3A_769, %broadcast_in_dim3A_5 : vector<16xi1>, vector<16xf32>
      %add3A_774 = arith.addf %add3A_762, %select_n3A_773 : vector<16xf32>
      %add3A_775 = arith.constant 64 : i32
      %add3A_776 = arith.addi %mul3A_727, %add3A_775 : i32
      %get3A_777 = arith.constant 3 : i32
      %get3A_778 = arith.index_cast %get3A_777 : i32 to index
      %get3A_779 = arith.index_cast %add3A_776 : i32 to index
      %get3A_780 = tpu.vector_load %arg5[%get3A_778, %get3A_779] {strides = array<i32>} : memref<4x8736xf32, #tpu.memory_space<vmem>>, vector<1x16xf32>,
      %get3A_781 = vector.shape_cast %get3A_780 : vector<1x16xf32> to vector<16xf32>
      %gt3A_782 = arith.cmpf ogt, %get3A_781, %scan3A_608#0 : vector<16xf32>
      %select_n3A_783 = arith.select %gt3A_782, %broadcast_in_dim3A_3, %broadcast_in_dim3A_5 : vector<16xi1>, vector<16xf32>
      %add3A_784 = arith.addf %add3A_772, %select_n3A_783 : vector<16xf32>
      %select_n3A_785 = arith.select %gt3A_782, %get3A_781, %broadcast_in_dim3A_5 : vector<16xi1>, vector<16xf32>
      %add3A_786 = arith.addf %add3A_774, %select_n3A_785 : vector<16xf32>
      %add3A_787 = arith.constant 80 : i32
      %add3A_788 = arith.addi %mul3A_727, %add3A_787 : i32
      %get3A_789 = arith.constant 3 : i32
      %get3A_790 = arith.index_cast %get3A_789 : i32 to index
      %get3A_791 = arith.index_cast %add3A_788 : i32 to index
      %get3A_792 = tpu.vector_load %arg5[%get3A_790, %get3A_791] {strides = array<i32>} : memref<4x8736xf32, #tpu.memory_space<vmem>>, vector<1x16xf32>,
      %get3A_793 = vector.shape_cast %get3A_792 : vector<1x16xf32> to vector<16xf32>
      %gt3A_794 = arith.cmpf ogt, %get3A_793, %scan3A_608#0 : vector<16xf32>
      %select_n3A_795 = arith.select %gt3A_794, %broadcast_in_dim3A_3, %broadcast_in_dim3A_5 : vector<16xi1>, vector<16xf32>
      %add3A_796 = arith.addf %add3A_784, %select_n3A_795 : vector<16xf32>
      %select_n3A_797 = arith.select %gt3A_794, %get3A_793, %broadcast_in_dim3A_5 : vector<16xi1>, vector<16xf32>
      %add3A_798 = arith.addf %add3A_786, %select_n3A_797 : vector<16xf32>
      %add3A_799 = arith.constant 96 : i32
      %add3A_800 = arith.addi %mul3A_727, %add3A_799 : i32
      %get3A_801 = arith.constant 3 : i32
      %get3A_802 = arith.index_cast %get3A_801 : i32 to index
      %get3A_803 = arith.index_cast %add3A_800 : i32 to index
      %get3A_804 = tpu.vector_load %arg5[%get3A_802, %get3A_803] {strides = array<i32>} : memref<4x8736xf32, #tpu.memory_space<vmem>>, vector<1x16xf32>,
      %get3A_805 = vector.shape_cast %get3A_804 : vector<1x16xf32> to vector<16xf32>
      %gt3A_806 = arith.cmpf ogt, %get3A_805, %scan3A_608#0 : vector<16xf32>
      %select_n3A_807 = arith.select %gt3A_806, %broadcast_in_dim3A_3, %broadcast_in_dim3A_5 : vector<16xi1>, vector<16xf32>
      %add3A_808 = arith.addf %add3A_796, %select_n3A_807 : vector<16xf32>
      %select_n3A_809 = arith.select %gt3A_806, %get3A_805, %broadcast_in_dim3A_5 : vector<16xi1>, vector<16xf32>
      %add3A_810 = arith.addf %add3A_798, %select_n3A_809 : vector<16xf32>
      %add3A_811 = arith.constant 112 : i32
      %add3A_812 = arith.addi %mul3A_727, %add3A_811 : i32
      %get3A_813 = arith.constant 3 : i32
      %get3A_814 = arith.index_cast %get3A_813 : i32 to index
      %get3A_815 = arith.index_cast %add3A_812 : i32 to index
      %get3A_816 = tpu.vector_load %arg5[%get3A_814, %get3A_815] {strides = array<i32>} : memref<4x8736xf32, #tpu.memory_space<vmem>>, vector<1x16xf32>,
      %get3A_817 = vector.shape_cast %get3A_816 : vector<1x16xf32> to vector<16xf32>
      %gt3A_818 = arith.cmpf ogt, %get3A_817, %scan3A_608#0 : vector<16xf32>
      %select_n3A_819 = arith.select %gt3A_818, %broadcast_in_dim3A_3, %broadcast_in_dim3A_5 : vector<16xi1>, vector<16xf32>
      %add3A_820 = arith.addf %add3A_808, %select_n3A_819 : vector<16xf32>
      %select_n3A_821 = arith.select %gt3A_818, %get3A_817, %broadcast_in_dim3A_5 : vector<16xi1>, vector<16xf32>
      %add3A_822 = arith.addf %add3A_810, %select_n3A_821 : vector<16xf32>
      %add3A_823 = arith.constant 128 : i32
      %add3A_824 = arith.addi %mul3A_727, %add3A_823 : i32
      %get3A_825 = arith.constant 3 : i32
      %get3A_826 = arith.index_cast %get3A_825 : i32 to index
      %get3A_827 = arith.index_cast %add3A_824 : i32 to index
      %get3A_828 = tpu.vector_load %arg5[%get3A_826, %get3A_827] {strides = array<i32>} : memref<4x8736xf32, #tpu.memory_space<vmem>>, vector<1x16xf32>,
      %get3A_829 = vector.shape_cast %get3A_828 : vector<1x16xf32> to vector<16xf32>
      %gt3A_830 = arith.cmpf ogt, %get3A_829, %scan3A_608#0 : vector<16xf32>
      %select_n3A_831 = arith.select %gt3A_830, %broadcast_in_dim3A_3, %broadcast_in_dim3A_5 : vector<16xi1>, vector<16xf32>
      %add3A_832 = arith.addf %add3A_820, %select_n3A_831 : vector<16xf32>
      %select_n3A_833 = arith.select %gt3A_830, %get3A_829, %broadcast_in_dim3A_5 : vector<16xi1>, vector<16xf32>
      %add3A_834 = arith.addf %add3A_822, %select_n3A_833 : vector<16xf32>
      %add3A_835 = arith.constant 144 : i32
      %add3A_836 = arith.addi %mul3A_727, %add3A_835 : i32
      %get3A_837 = arith.constant 3 : i32
      %get3A_838 = arith.index_cast %get3A_837 : i32 to index
      %get3A_839 = arith.index_cast %add3A_836 : i32 to index
      %get3A_840 = tpu.vector_load %arg5[%get3A_838, %get3A_839] {strides = array<i32>} : memref<4x8736xf32, #tpu.memory_space<vmem>>, vector<1x16xf32>,
      %get3A_841 = vector.shape_cast %get3A_840 : vector<1x16xf32> to vector<16xf32>
      %gt3A_842 = arith.cmpf ogt, %get3A_841, %scan3A_608#0 : vector<16xf32>
      %select_n3A_843 = arith.select %gt3A_842, %broadcast_in_dim3A_3, %broadcast_in_dim3A_5 : vector<16xi1>, vector<16xf32>
      %add3A_844 = arith.addf %add3A_832, %select_n3A_843 : vector<16xf32>
      %select_n3A_845 = arith.select %gt3A_842, %get3A_841, %broadcast_in_dim3A_5 : vector<16xi1>, vector<16xf32>
      %add3A_846 = arith.addf %add3A_834, %select_n3A_845 : vector<16xf32>
      %add3A_847 = arith.constant 160 : i32
      %add3A_848 = arith.addi %mul3A_727, %add3A_847 : i32
      %get3A_849 = arith.constant 3 : i32
      %get3A_850 = arith.index_cast %get3A_849 : i32 to index
      %get3A_851 = arith.index_cast %add3A_848 : i32 to index
      %get3A_852 = tpu.vector_load %arg5[%get3A_850, %get3A_851] {strides = array<i32>} : memref<4x8736xf32, #tpu.memory_space<vmem>>, vector<1x16xf32>,
      %get3A_853 = vector.shape_cast %get3A_852 : vector<1x16xf32> to vector<16xf32>
      %gt3A_854 = arith.cmpf ogt, %get3A_853, %scan3A_608#0 : vector<16xf32>
      %select_n3A_855 = arith.select %gt3A_854, %broadcast_in_dim3A_3, %broadcast_in_dim3A_5 : vector<16xi1>, vector<16xf32>
      %add3A_856 = arith.addf %add3A_844, %select_n3A_855 : vector<16xf32>
      %select_n3A_857 = arith.select %gt3A_854, %get3A_853, %broadcast_in_dim3A_5 : vector<16xi1>, vector<16xf32>
      %add3A_858 = arith.addf %add3A_846, %select_n3A_857 : vector<16xf32>
      %add3A_859 = arith.constant 176 : i32
      %add3A_860 = arith.addi %mul3A_727, %add3A_859 : i32
      %get3A_861 = arith.constant 3 : i32
      %get3A_862 = arith.index_cast %get3A_861 : i32 to index
      %get3A_863 = arith.index_cast %add3A_860 : i32 to index
      %get3A_864 = tpu.vector_load %arg5[%get3A_862, %get3A_863] {strides = array<i32>} : memref<4x8736xf32, #tpu.memory_space<vmem>>, vector<1x16xf32>,
      %get3A_865 = vector.shape_cast %get3A_864 : vector<1x16xf32> to vector<16xf32>
      %gt3A_866 = arith.cmpf ogt, %get3A_865, %scan3A_608#0 : vector<16xf32>
      %select_n3A_867 = arith.select %gt3A_866, %broadcast_in_dim3A_3, %broadcast_in_dim3A_5 : vector<16xi1>, vector<16xf32>
      %add3A_868 = arith.addf %add3A_856, %select_n3A_867 : vector<16xf32>
      %select_n3A_869 = arith.select %gt3A_866, %get3A_865, %broadcast_in_dim3A_5 : vector<16xi1>, vector<16xf32>
      %add3A_870 = arith.addf %add3A_858, %select_n3A_869 : vector<16xf32>
      %add3A_871 = arith.constant 192 : i32
      %add3A_872 = arith.addi %mul3A_727, %add3A_871 : i32
      %get3A_873 = arith.constant 3 : i32
      %get3A_874 = arith.index_cast %get3A_873 : i32 to index
      %get3A_875 = arith.index_cast %add3A_872 : i32 to index
      %get3A_876 = tpu.vector_load %arg5[%get3A_874, %get3A_875] {strides = array<i32>} : memref<4x8736xf32, #tpu.memory_space<vmem>>, vector<1x16xf32>,
      %get3A_877 = vector.shape_cast %get3A_876 : vector<1x16xf32> to vector<16xf32>
      %gt3A_878 = arith.cmpf ogt, %get3A_877, %scan3A_608#0 : vector<16xf32>
      %select_n3A_879 = arith.select %gt3A_878, %broadcast_in_dim3A_3, %broadcast_in_dim3A_5 : vector<16xi1>, vector<16xf32>
      %add3A_880 = arith.addf %add3A_868, %select_n3A_879 : vector<16xf32>
      %select_n3A_881 = arith.select %gt3A_878, %get3A_877, %broadcast_in_dim3A_5 : vector<16xi1>, vector<16xf32>
      %add3A_882 = arith.addf %add3A_870, %select_n3A_881 : vector<16xf32>
      scf.yield %add3A_880, %add3A_882 : vector<16xf32>, vector<16xf32>
    }
    %scan3A_615 = arith.constant 42 : i32
    %swap3A_616 = arith.constant 0 : index
    %swap3A_617 = tpu.vector_load %arg8[%swap3A_616] {strides = array<i32>} : memref<32xf32, #tpu.memory_space<vmem>>, vector<16xf32>,
    %swap3A_618 = vector.shape_cast %swap3A_617 : vector<16xf32> to vector<16xf32>
    %swap3A_619 = vector.shape_cast %scan3A_614#0 : vector<16xf32> to vector<16xf32>
    tpu.vector_store %arg8[%swap3A_616], %swap3A_619 {strides = array<i32>} : memref<32xf32, #tpu.memory_space<vmem>>, vector<16xf32>,
    %swap3A_620 = arith.constant 16 : index
    %swap3A_621 = tpu.vector_load %arg8[%swap3A_620] {strides = array<i32>} : memref<32xf32, #tpu.memory_space<vmem>>, vector<16xf32>,
    %swap3A_622 = vector.shape_cast %swap3A_621 : vector<16xf32> to vector<16xf32>
    %swap3A_623 = vector.shape_cast %scan3A_614#0 : vector<16xf32> to vector<16xf32>
    tpu.vector_store %arg8[%swap3A_620], %swap3A_623 {strides = array<i32>} : memref<32xf32, #tpu.memory_space<vmem>>, vector<16xf32>,
    %get3A_624 = arith.constant 8 : index
    %get3A_625 = tpu.vector_load %arg8[%get3A_624] {strides = array<i32>} : memref<32xf32, #tpu.memory_space<vmem>>, vector<16xf32>,
    %get3A_626 = vector.shape_cast %get3A_625 : vector<16xf32> to vector<16xf32>
    %add3A_627 = arith.addf %scan3A_614#0, %get3A_626 : vector<16xf32>
    %swap3A_628 = arith.constant 0 : index
    %swap3A_629 = tpu.vector_load %arg8[%swap3A_628] {strides = array<i32>} : memref<32xf32, #tpu.memory_space<vmem>>, vector<16xf32>,
    %swap3A_630 = vector.shape_cast %swap3A_629 : vector<16xf32> to vector<16xf32>
    %swap3A_631 = vector.shape_cast %add3A_627 : vector<16xf32> to vector<16xf32>
    tpu.vector_store %arg8[%swap3A_628], %swap3A_631 {strides = array<i32>} : memref<32xf32, #tpu.memory_space<vmem>>, vector<16xf32>,
    %swap3A_632 = arith.constant 16 : index
    %swap3A_633 = tpu.vector_load %arg8[%swap3A_632] {strides = array<i32>} : memref<32xf32, #tpu.memory_space<vmem>>, vector<16xf32>,
    %swap3A_634 = vector.shape_cast %swap3A_633 : vector<16xf32> to vector<16xf32>
    %swap3A_635 = vector.shape_cast %add3A_627 : vector<16xf32> to vector<16xf32>
    tpu.vector_store %arg8[%swap3A_632], %swap3A_635 {strides = array<i32>} : memref<32xf32, #tpu.memory_space<vmem>>, vector<16xf32>,
    %get3A_636 = arith.constant 4 : index
    %get3A_637 = tpu.vector_load %arg8[%get3A_636] {strides = array<i32>} : memref<32xf32, #tpu.memory_space<vmem>>, vector<16xf32>,
    %get3A_638 = vector.shape_cast %get3A_637 : vector<16xf32> to vector<16xf32>
    %add3A_639 = arith.addf %add3A_627, %get3A_638 : vector<16xf32>
    %swap3A_640 = arith.constant 0 : index
    %swap3A_641 = tpu.vector_load %arg8[%swap3A_640] {strides = array<i32>} : memref<32xf32, #tpu.memory_space<vmem>>, vector<16xf32>,
    %swap3A_642 = vector.shape_cast %swap3A_641 : vector<16xf32> to vector<16xf32>
    %swap3A_643 = vector.shape_cast %add3A_639 : vector<16xf32> to vector<16xf32>
    tpu.vector_store %arg8[%swap3A_640], %swap3A_643 {strides = array<i32>} : memref<32xf32, #tpu.memory_space<vmem>>, vector<16xf32>,
    %swap3A_644 = arith.constant 16 : index
    %swap3A_645 = tpu.vector_load %arg8[%swap3A_644] {strides = array<i32>} : memref<32xf32, #tpu.memory_space<vmem>>, vector<16xf32>,
    %swap3A_646 = vector.shape_cast %swap3A_645 : vector<16xf32> to vector<16xf32>
    %swap3A_647 = vector.shape_cast %add3A_639 : vector<16xf32> to vector<16xf32>
    tpu.vector_store %arg8[%swap3A_644], %swap3A_647 {strides = array<i32>} : memref<32xf32, #tpu.memory_space<vmem>>, vector<16xf32>,
    %get3A_648 = arith.constant 2 : index
    %get3A_649 = tpu.vector_load %arg8[%get3A_648] {strides = array<i32>} : memref<32xf32, #tpu.memory_space<vmem>>, vector<16xf32>,
    %get3A_650 = vector.shape_cast %get3A_649 : vector<16xf32> to vector<16xf32>
    %add3A_651 = arith.addf %add3A_639, %get3A_650 : vector<16xf32>
    %swap3A_652 = arith.constant 0 : index
    %swap3A_653 = tpu.vector_load %arg8[%swap3A_652] {strides = array<i32>} : memref<32xf32, #tpu.memory_space<vmem>>, vector<16xf32>,
    %swap3A_654 = vector.shape_cast %swap3A_653 : vector<16xf32> to vector<16xf32>
    %swap3A_655 = vector.shape_cast %add3A_651 : vector<16xf32> to vector<16xf32>
    tpu.vector_store %arg8[%swap3A_652], %swap3A_655 {strides = array<i32>} : memref<32xf32, #tpu.memory_space<vmem>>, vector<16xf32>,
    %swap3A_656 = arith.constant 16 : index
    %swap3A_657 = tpu.vector_load %arg8[%swap3A_656] {strides = array<i32>} : memref<32xf32, #tpu.memory_space<vmem>>, vector<16xf32>,
    %swap3A_658 = vector.shape_cast %swap3A_657 : vector<16xf32> to vector<16xf32>
    %swap3A_659 = vector.shape_cast %add3A_651 : vector<16xf32> to vector<16xf32>
    tpu.vector_store %arg8[%swap3A_656], %swap3A_659 {strides = array<i32>} : memref<32xf32, #tpu.memory_space<vmem>>, vector<16xf32>,
    %get3A_660 = arith.constant 1 : index
    %get3A_661 = tpu.vector_load %arg8[%get3A_660] {strides = array<i32>} : memref<32xf32, #tpu.memory_space<vmem>>, vector<16xf32>,
    %get3A_662 = vector.shape_cast %get3A_661 : vector<16xf32> to vector<16xf32>
    %add3A_663 = arith.addf %add3A_651, %get3A_662 : vector<16xf32>
    %swap3A_664 = arith.constant 0 : index
    %swap3A_665 = tpu.vector_load %arg8[%swap3A_664] {strides = array<i32>} : memref<32xf32, #tpu.memory_space<vmem>>, vector<16xf32>,
    %swap3A_666 = vector.shape_cast %swap3A_665 : vector<16xf32> to vector<16xf32>
    %swap3A_667 = vector.shape_cast %scan3A_614#1 : vector<16xf32> to vector<16xf32>
    tpu.vector_store %arg8[%swap3A_664], %swap3A_667 {strides = array<i32>} : memref<32xf32, #tpu.memory_space<vmem>>, vector<16xf32>,
    %swap3A_668 = arith.constant 16 : index
    %swap3A_669 = tpu.vector_load %arg8[%swap3A_668] {strides = array<i32>} : memref<32xf32, #tpu.memory_space<vmem>>, vector<16xf32>,
    %swap3A_670 = vector.shape_cast %swap3A_669 : vector<16xf32> to vector<16xf32>
    %swap3A_671 = vector.shape_cast %scan3A_614#1 : vector<16xf32> to vector<16xf32>
    tpu.vector_store %arg8[%swap3A_668], %swap3A_671 {strides = array<i32>} : memref<32xf32, #tpu.memory_space<vmem>>, vector<16xf32>,
    %get3A_672 = arith.constant 8 : index
    %get3A_673 = tpu.vector_load %arg8[%get3A_672] {strides = array<i32>} : memref<32xf32, #tpu.memory_space<vmem>>, vector<16xf32>,
    %get3A_674 = vector.shape_cast %get3A_673 : vector<16xf32> to vector<16xf32>
    %add3A_675 = arith.addf %scan3A_614#1, %get3A_674 : vector<16xf32>
    %swap3A_676 = arith.constant 0 : index
    %swap3A_677 = tpu.vector_load %arg8[%swap3A_676] {strides = array<i32>} : memref<32xf32, #tpu.memory_space<vmem>>, vector<16xf32>,
    %swap3A_678 = vector.shape_cast %swap3A_677 : vector<16xf32> to vector<16xf32>
    %swap3A_679 = vector.shape_cast %add3A_675 : vector<16xf32> to vector<16xf32>
    tpu.vector_store %arg8[%swap3A_676], %swap3A_679 {strides = array<i32>} : memref<32xf32, #tpu.memory_space<vmem>>, vector<16xf32>,
    %swap3A_680 = arith.constant 16 : index
    %swap3A_681 = tpu.vector_load %arg8[%swap3A_680] {strides = array<i32>} : memref<32xf32, #tpu.memory_space<vmem>>, vector<16xf32>,
    %swap3A_682 = vector.shape_cast %swap3A_681 : vector<16xf32> to vector<16xf32>
    %swap3A_683 = vector.shape_cast %add3A_675 : vector<16xf32> to vector<16xf32>
    tpu.vector_store %arg8[%swap3A_680], %swap3A_683 {strides = array<i32>} : memref<32xf32, #tpu.memory_space<vmem>>, vector<16xf32>,
    %get3A_684 = arith.constant 4 : index
    %get3A_685 = tpu.vector_load %arg8[%get3A_684] {strides = array<i32>} : memref<32xf32, #tpu.memory_space<vmem>>, vector<16xf32>,
    %get3A_686 = vector.shape_cast %get3A_685 : vector<16xf32> to vector<16xf32>
    %add3A_687 = arith.addf %add3A_675, %get3A_686 : vector<16xf32>
    %swap3A_688 = arith.constant 0 : index
    %swap3A_689 = tpu.vector_load %arg8[%swap3A_688] {strides = array<i32>} : memref<32xf32, #tpu.memory_space<vmem>>, vector<16xf32>,
    %swap3A_690 = vector.shape_cast %swap3A_689 : vector<16xf32> to vector<16xf32>
    %swap3A_691 = vector.shape_cast %add3A_687 : vector<16xf32> to vector<16xf32>
    tpu.vector_store %arg8[%swap3A_688], %swap3A_691 {strides = array<i32>} : memref<32xf32, #tpu.memory_space<vmem>>, vector<16xf32>,
    %swap3A_692 = arith.constant 16 : index
    %swap3A_693 = tpu.vector_load %arg8[%swap3A_692] {strides = array<i32>} : memref<32xf32, #tpu.memory_space<vmem>>, vector<16xf32>,
    %swap3A_694 = vector.shape_cast %swap3A_693 : vector<16xf32> to vector<16xf32>
    %swap3A_695 = vector.shape_cast %add3A_687 : vector<16xf32> to vector<16xf32>
    tpu.vector_store %arg8[%swap3A_692], %swap3A_695 {strides = array<i32>} : memref<32xf32, #tpu.memory_space<vmem>>, vector<16xf32>,
    %get3A_696 = arith.constant 2 : index
    %get3A_697 = tpu.vector_load %arg8[%get3A_696] {strides = array<i32>} : memref<32xf32, #tpu.memory_space<vmem>>, vector<16xf32>,
    %get3A_698 = vector.shape_cast %get3A_697 : vector<16xf32> to vector<16xf32>
    %add3A_699 = arith.addf %add3A_687, %get3A_698 : vector<16xf32>
    %swap3A_700 = arith.constant 0 : index
    %swap3A_701 = tpu.vector_load %arg8[%swap3A_700] {strides = array<i32>} : memref<32xf32, #tpu.memory_space<vmem>>, vector<16xf32>,
    %swap3A_702 = vector.shape_cast %swap3A_701 : vector<16xf32> to vector<16xf32>
    %swap3A_703 = vector.shape_cast %add3A_699 : vector<16xf32> to vector<16xf32>
    tpu.vector_store %arg8[%swap3A_700], %swap3A_703 {strides = array<i32>} : memref<32xf32, #tpu.memory_space<vmem>>, vector<16xf32>,
    %swap3A_704 = arith.constant 16 : index
    %swap3A_705 = tpu.vector_load %arg8[%swap3A_704] {strides = array<i32>} : memref<32xf32, #tpu.memory_space<vmem>>, vector<16xf32>,
    %swap3A_706 = vector.shape_cast %swap3A_705 : vector<16xf32> to vector<16xf32>
    %swap3A_707 = vector.shape_cast %add3A_699 : vector<16xf32> to vector<16xf32>
    tpu.vector_store %arg8[%swap3A_704], %swap3A_707 {strides = array<i32>} : memref<32xf32, #tpu.memory_space<vmem>>, vector<16xf32>,
    %get3A_708 = arith.constant 1 : index
    %get3A_709 = tpu.vector_load %arg8[%get3A_708] {strides = array<i32>} : memref<32xf32, #tpu.memory_space<vmem>>, vector<16xf32>,
    %get3A_710 = vector.shape_cast %get3A_709 : vector<16xf32> to vector<16xf32>
    %add3A_711 = arith.addf %add3A_699, %get3A_710 : vector<16xf32>
    %eq3A_712 = arith.constant 3 : i32
    %eq3A_713 = vector.broadcast %eq3A_712 : i32 to vector<16xi32>
    %eq3A_714 = arith.cmpi eq, %iota3A, %eq3A_713 : vector<16xi32>
    %sub3A_715 = arith.subf %get3A_543, %add3A_663 : vector<16xf32>
    %mul3A_716 = arith.mulf %sub3A_715, %scan3A_608#0 : vector<16xf32>
    %add3A_717 = arith.addf %add3A_711, %mul3A_716 : vector<16xf32>
    %select_n3A_718 = arith.select %eq3A_714, %add3A_717, %select_n3A_538 : vector<16xi1>, vector<16xf32>
    %swap3A_719 = arith.constant 0 : index
    %swap3A_720 = tpu.vector_load %arg7[%swap3A_719] {strides = array<i32>} : memref<16xf32, #tpu.memory_space<vmem>>, vector<16xf32>,
    %swap3A_721 = vector.shape_cast %swap3A_720 : vector<16xf32> to vector<16xf32>
    %swap3A_722 = vector.shape_cast %select_n3A_718 : vector<16xf32> to vector<16xf32>
    tpu.vector_store %arg7[%swap3A_719], %swap3A_722 {strides = array<i32>} : memref<16xf32, #tpu.memory_space<vmem>>, vector<16xf32>,
    "tpu.region"() ({
      %run_scoped3A = tpu.sem_alloc : memref<!tpu.dma_semaphore, #tpu.memory_space<semaphore_mem>>
      %dma_start3A = arith.constant 0 : i32
      %dma_start3A_723 = tpu.memref_slice %arg4[%add3A, %dma_start3A] : memref<32x16xf32, #tpu.memory_space<hbm>> -> memref<1x16xf32, #tpu.memory_space<hbm>>
      %dma_start3A_724 = tpu.memref_squeeze %dma_start3A_723 : memref<1x16xf32, #tpu.memory_space<hbm>> -> memref<16xf32, #tpu.memory_space<hbm>>
      %dma_start3A_725 = arith.constant 0 : i32
      %dma_start3A_726 = tpu.memref_slice %arg4[%add3A, %dma_start3A_725] : memref<32x16xf32, #tpu.memory_space<hbm>> -> memref<1x16xf32, #tpu.memory_space<hbm>>
      %dma_start3A_727 = tpu.memref_squeeze %dma_start3A_726 : memref<1x16xf32, #tpu.memory_space<hbm>> -> memref<16xf32, #tpu.memory_space<hbm>>
      tpu.enqueue_dma source(%arg7 : memref<16xf32, #tpu.memory_space<vmem>>) target(%dma_start3A_727 : memref<16xf32, #tpu.memory_space<hbm>>) target_semaphore(%run_scoped3A : memref<!tpu.dma_semaphore, #tpu.memory_space<semaphore_mem>>)
      %dma_wait3A = arith.constant 0 : i32
      %dma_wait3A_728 = tpu.memref_slice %arg4[%add3A, %dma_wait3A] : memref<32x16xf32, #tpu.memory_space<hbm>> -> memref<1x16xf32, #tpu.memory_space<hbm>>
      %dma_wait3A_729 = tpu.memref_squeeze %dma_wait3A_728 : memref<1x16xf32, #tpu.memory_space<hbm>> -> memref<16xf32, #tpu.memory_space<hbm>>
      %dma_wait3A_730 = arith.constant 0 : i32
      %dma_wait3A_731 = tpu.memref_slice %arg4[%add3A, %dma_wait3A_730] : memref<32x16xf32, #tpu.memory_space<hbm>> -> memref<1x16xf32, #tpu.memory_space<hbm>>
      %dma_wait3A_732 = tpu.memref_squeeze %dma_wait3A_731 : memref<1x16xf32, #tpu.memory_space<hbm>> -> memref<16xf32, #tpu.memory_space<hbm>>
      tpu.wait_dma2 semaphore(%run_scoped3A : memref<!tpu.dma_semaphore, #tpu.memory_space<semaphore_mem>>) src(%arg7 : memref<16xf32, #tpu.memory_space<vmem>>) dst(%dma_wait3A_732 : memref<16xf32, #tpu.memory_space<hbm>>)
      tpu.yield
    }) : () -> ()
    return
  }
}

module attributes {stable_mosaic.version = 14 : i64} {
  func.func @_stage1_body(%arg0: i32, %arg1: memref<8x21x8732xf32, #tpu.memory_space<vmem>>, %arg2: memref<8x1x8732xi32, #tpu.memory_space<vmem>>, %arg3: memref<8x1x8736xf32, #tpu.memory_space<vmem>>, %arg4: memref<8x1x128xf32, #tpu.memory_space<vmem>>, %arg5: memref<8x1x16xf32, #tpu.memory_space<vmem>>) attributes {dimension_semantics = [#tpu.dimension_semantics<arbitrary>], iteration_bounds = array<i64: 16>, scalar_prefetch = 0 : i64, scratch_operands = 0 : i64, tpu.core_type = #tpu.core_type<tc>, window_params = [{transform_indices = @transform_0, window_bounds = array<i64: 8, 21, 8732>}, {transform_indices = @transform_1, window_bounds = array<i64: 8, 1, 8732>}, {transform_indices = @transform_2, window_bounds = array<i64: 8, 1, 8736>}, {transform_indices = @transform_3, window_bounds = array<i64: 8, 1, 128>}, {transform_indices = @transform_4, window_bounds = array<i64: 8, 1, 16>}]} {
    %iota3A = tpu.iota {dimensions = array<i32: 1>} : vector<1x128xi32>
    %iota3A_0 = vector.shape_cast %iota3A : vector<1x128xi32> to vector<128xi32>
    %iota3A_1 = tpu.iota {dimensions = array<i32: 0>} : vector<21x8732xi32>
    %get3A = arith.constant 0 : index
    %get3A_2 = arith.constant 0 : index
    %get3A_3 = arith.constant 0 : index
    %get3A_4 = vector.load %arg1[%get3A, %get3A_2, %get3A_3] : memref<8x21x8732xf32, #tpu.memory_space<vmem>>, vector<1x21x8732xf32>
    %get3A_5 = vector.shape_cast %get3A_4 : vector<1x21x8732xf32> to vector<21x8732xf32>
    %get3A_6 = arith.constant 0 : index
    %get3A_7 = arith.constant 0 : index
    %get3A_8 = arith.constant 0 : index
    %get3A_9 = vector.load %arg2[%get3A_6, %get3A_7, %get3A_8] : memref<8x1x8732xi32, #tpu.memory_space<vmem>>, vector<1x1x8732xi32>
    %get3A_10 = vector.shape_cast %get3A_9 : vector<1x1x8732xi32> to vector<8732xi32>
    %exp3A = math.exp %get3A_5 : vector<21x8732xf32>
    %reduce_sum3A = arith.constant dense<0.000000e+00> : vector<8732xf32>
    %reduce_sum3A_11 = vector.multi_reduction <add>, %exp3A, %reduce_sum3A [0] : vector<21x8732xf32> to vector<8732xf32>
    %log3A = math.log %reduce_sum3A_11 : vector<8732xf32>
    %broadcast_in_dim3A = vector.shape_cast %get3A_10 : vector<8732xi32> to vector<1x8732xi32>
    %eq3A = vector.broadcast %broadcast_in_dim3A : vector<1x8732xi32> to vector<21x8732xi32>
    %eq3A_12 = arith.cmpi eq, %iota3A_1, %eq3A : vector<21x8732xi32>
    %jit3A = arith.constant 0.000000e+00 : f32
    %broadcast_in_dim3A_13 = vector.broadcast %jit3A : f32 to vector<21x8732xf32>
    %select_n3A = arith.select %eq3A_12, %get3A_5, %broadcast_in_dim3A_13 : vector<21x8732xi1>, vector<21x8732xf32>
    %reduce_sum3A_14 = arith.constant dense<0.000000e+00> : vector<8732xf32>
    %reduce_sum3A_15 = vector.multi_reduction <add>, %select_n3A, %reduce_sum3A_14 [0] : vector<21x8732xf32> to vector<8732xf32>
    %sub3A = arith.subf %log3A, %reduce_sum3A_15 : vector<8732xf32>
    %eq3A_16 = arith.constant 1 : i32
    %eq3A_17 = vector.broadcast %eq3A_16 : i32 to vector<8732xi32>
    %eq3A_18 = arith.cmpi eq, %get3A_10, %eq3A_17 : vector<8732xi32>
    %convert_element_type3A = arith.extui %eq3A_18 : vector<8732xi1> to vector<8732xi32>
    %convert_element_type3A_19 = arith.sitofp %convert_element_type3A : vector<8732xi32> to vector<8732xf32>
    %jit3A_20 = arith.constant 0.000000e+00 : f32
    %broadcast_in_dim3A_21 = vector.broadcast %jit3A_20 : f32 to vector<8732xf32>
    %select_n3A_22 = arith.select %eq3A_18, %broadcast_in_dim3A_21, %sub3A : vector<8732xi1>, vector<8732xf32>
    %max3A = arith.constant 0.000000e+00 : f32
    %max3A_23 = vector.broadcast %max3A : f32 to vector<8732xf32>
    %max3A_24 = arith.maximumf %select_n3A_22, %max3A_23 : vector<8732xf32>
    %reduce_sum3A_25 = vector.shape_cast %convert_element_type3A_19 : vector<8732xf32> to vector<1x8732xf32>
    %reduce_sum3A_26 = arith.constant dense<0.000000e+00> : vector<1xf32>
    %reduce_sum3A_27 = vector.multi_reduction <add>, %reduce_sum3A_25, %reduce_sum3A_26 [1] : vector<1x8732xf32> to vector<1xf32>
    %reduce_sum3A_28 = vector.shape_cast %reduce_sum3A_27 : vector<1xf32> to vector<1x1xf32>
    %reduce_sum3A_29 = vector.extract %reduce_sum3A_28[0, 0] : f32 from vector<1x1xf32>
    %mul3A = arith.mulf %sub3A, %convert_element_type3A_19 : vector<8732xf32>
    %reduce_sum3A_30 = vector.shape_cast %mul3A : vector<8732xf32> to vector<1x8732xf32>
    %reduce_sum3A_31 = arith.constant dense<0.000000e+00> : vector<1xf32>
    %reduce_sum3A_32 = vector.multi_reduction <add>, %reduce_sum3A_30, %reduce_sum3A_31 [1] : vector<1x8732xf32> to vector<1xf32>
    %reduce_sum3A_33 = vector.shape_cast %reduce_sum3A_32 : vector<1xf32> to vector<1x1xf32>
    %reduce_sum3A_34 = vector.extract %reduce_sum3A_33[0, 0] : f32 from vector<1x1xf32>
    %mul3A_35 = arith.constant 3.000000e+00 : f32
    %mul3A_36 = arith.mulf %mul3A_35, %reduce_sum3A_29 : f32
    %min3A = arith.constant 8.731000e+03 : f32
    %min3A_37 = arith.minimumf %mul3A_36, %min3A : f32
    %broadcast_in_dim3A_38 = arith.constant 0.000000e+00 : f32
    %broadcast_in_dim3A_39 = vector.broadcast %broadcast_in_dim3A_38 : f32 to vector<4xf32>
    %concatenate3A = tpu.concatenate %max3A_24, %broadcast_in_dim3A_39 in 0 : vector<8732xf32>, vector<4xf32> -> vector<8736xf32>
    %swap3A = arith.constant 0 : index
    %swap3A_40 = arith.constant 0 : index
    %swap3A_41 = arith.constant 0 : index
    %swap3A_42 = vector.load %arg3[%swap3A, %swap3A_40, %swap3A_41] : memref<8x1x8736xf32, #tpu.memory_space<vmem>>, vector<1x1x8736xf32>
    %swap3A_43 = vector.shape_cast %swap3A_42 : vector<1x1x8736xf32> to vector<8736xf32>
    %swap3A_44 = vector.shape_cast %concatenate3A : vector<8736xf32> to vector<1x1x8736xf32>
    tpu.vector_store %arg3[%swap3A, %swap3A_40, %swap3A_41], %swap3A_44 {strides = array<i32>} : memref<8x1x8736xf32, #tpu.memory_space<vmem>>, vector<1x1x8736xf32>,
    %eq3A_45 = arith.constant 0 : i32
    %eq3A_46 = vector.broadcast %eq3A_45 : i32 to vector<128xi32>
    %eq3A_47 = arith.cmpi eq, %iota3A_0, %eq3A_46 : vector<128xi32>
    %jit3A_48 = arith.constant 0.000000e+00 : f32
    %broadcast_in_dim3A_49 = vector.broadcast %reduce_sum3A_34 : f32 to vector<128xf32>
    %broadcast_in_dim3A_50 = vector.broadcast %jit3A_48 : f32 to vector<128xf32>
    %select_n3A_51 = arith.select %eq3A_47, %broadcast_in_dim3A_49, %broadcast_in_dim3A_50 : vector<128xi1>, vector<128xf32>
    %eq3A_52 = arith.constant 1 : i32
    %eq3A_53 = vector.broadcast %eq3A_52 : i32 to vector<128xi32>
    %eq3A_54 = arith.cmpi eq, %iota3A_0, %eq3A_53 : vector<128xi32>
    %jit3A_55 = arith.constant 0.000000e+00 : f32
    %broadcast_in_dim3A_56 = vector.broadcast %reduce_sum3A_29 : f32 to vector<128xf32>
    %broadcast_in_dim3A_57 = vector.broadcast %jit3A_55 : f32 to vector<128xf32>
    %select_n3A_58 = arith.select %eq3A_54, %broadcast_in_dim3A_56, %broadcast_in_dim3A_57 : vector<128xi1>, vector<128xf32>
    %add3A = arith.addf %select_n3A_51, %select_n3A_58 : vector<128xf32>
    %swap3A_59 = arith.constant 0 : index
    %swap3A_60 = arith.constant 0 : index
    %swap3A_61 = arith.constant 0 : index
    %swap3A_62 = vector.load %arg4[%swap3A_59, %swap3A_60, %swap3A_61] : memref<8x1x128xf32, #tpu.memory_space<vmem>>, vector<1x1x128xf32>
    %swap3A_63 = vector.shape_cast %swap3A_62 : vector<1x1x128xf32> to vector<128xf32>
    %swap3A_64 = vector.shape_cast %add3A : vector<128xf32> to vector<1x1x128xf32>
    tpu.vector_store %arg4[%swap3A_59, %swap3A_60, %swap3A_61], %swap3A_64 {strides = array<i32>} : memref<8x1x128xf32, #tpu.memory_space<vmem>>, vector<1x1x128xf32>,
    %broadcast_in_dim3A_65 = vector.broadcast %min3A_37 : f32 to vector<16xf32>
    %swap3A_66 = arith.constant 0 : index
    %swap3A_67 = arith.constant 0 : index
    %swap3A_68 = arith.constant 0 : index
    %swap3A_69 = vector.load %arg5[%swap3A_66, %swap3A_67, %swap3A_68] : memref<8x1x16xf32, #tpu.memory_space<vmem>>, vector<1x1x16xf32>
    %swap3A_70 = vector.shape_cast %swap3A_69 : vector<1x1x16xf32> to vector<16xf32>
    %swap3A_71 = vector.shape_cast %broadcast_in_dim3A_65 : vector<16xf32> to vector<1x1x16xf32>
    tpu.vector_store %arg5[%swap3A_66, %swap3A_67, %swap3A_68], %swap3A_71 {strides = array<i32>} : memref<8x1x16xf32, #tpu.memory_space<vmem>>, vector<1x1x16xf32>,
    %get3A_72 = arith.constant 1 : index
    %get3A_73 = arith.constant 0 : index
    %get3A_74 = arith.constant 0 : index
    %get3A_75 = vector.load %arg1[%get3A_72, %get3A_73, %get3A_74] : memref<8x21x8732xf32, #tpu.memory_space<vmem>>, vector<1x21x8732xf32>
    %get3A_76 = vector.shape_cast %get3A_75 : vector<1x21x8732xf32> to vector<21x8732xf32>
    %get3A_77 = arith.constant 1 : index
    %get3A_78 = arith.constant 0 : index
    %get3A_79 = arith.constant 0 : index
    %get3A_80 = vector.load %arg2[%get3A_77, %get3A_78, %get3A_79] : memref<8x1x8732xi32, #tpu.memory_space<vmem>>, vector<1x1x8732xi32>
    %get3A_81 = vector.shape_cast %get3A_80 : vector<1x1x8732xi32> to vector<8732xi32>
    %exp3A_82 = math.exp %get3A_76 : vector<21x8732xf32>
    %reduce_sum3A_83 = arith.constant dense<0.000000e+00> : vector<8732xf32>
    %reduce_sum3A_84 = vector.multi_reduction <add>, %exp3A_82, %reduce_sum3A_83 [0] : vector<21x8732xf32> to vector<8732xf32>
    %log3A_85 = math.log %reduce_sum3A_84 : vector<8732xf32>
    %broadcast_in_dim3A_86 = vector.shape_cast %get3A_81 : vector<8732xi32> to vector<1x8732xi32>
    %eq3A_87 = vector.broadcast %broadcast_in_dim3A_86 : vector<1x8732xi32> to vector<21x8732xi32>
    %eq3A_88 = arith.cmpi eq, %iota3A_1, %eq3A_87 : vector<21x8732xi32>
    %jit3A_89 = arith.constant 0.000000e+00 : f32
    %broadcast_in_dim3A_90 = vector.broadcast %jit3A_89 : f32 to vector<21x8732xf32>
    %select_n3A_91 = arith.select %eq3A_88, %get3A_76, %broadcast_in_dim3A_90 : vector<21x8732xi1>, vector<21x8732xf32>
    %reduce_sum3A_92 = arith.constant dense<0.000000e+00> : vector<8732xf32>
    %reduce_sum3A_93 = vector.multi_reduction <add>, %select_n3A_91, %reduce_sum3A_92 [0] : vector<21x8732xf32> to vector<8732xf32>
    %sub3A_94 = arith.subf %log3A_85, %reduce_sum3A_93 : vector<8732xf32>
    %eq3A_95 = arith.constant 1 : i32
    %eq3A_96 = vector.broadcast %eq3A_95 : i32 to vector<8732xi32>
    %eq3A_97 = arith.cmpi eq, %get3A_81, %eq3A_96 : vector<8732xi32>
    %convert_element_type3A_98 = arith.extui %eq3A_97 : vector<8732xi1> to vector<8732xi32>
    %convert_element_type3A_99 = arith.sitofp %convert_element_type3A_98 : vector<8732xi32> to vector<8732xf32>
    %jit3A_100 = arith.constant 0.000000e+00 : f32
    %broadcast_in_dim3A_101 = vector.broadcast %jit3A_100 : f32 to vector<8732xf32>
    %select_n3A_102 = arith.select %eq3A_97, %broadcast_in_dim3A_101, %sub3A_94 : vector<8732xi1>, vector<8732xf32>
    %max3A_103 = arith.constant 0.000000e+00 : f32
    %max3A_104 = vector.broadcast %max3A_103 : f32 to vector<8732xf32>
    %max3A_105 = arith.maximumf %select_n3A_102, %max3A_104 : vector<8732xf32>
    %reduce_sum3A_106 = vector.shape_cast %convert_element_type3A_99 : vector<8732xf32> to vector<1x8732xf32>
    %reduce_sum3A_107 = arith.constant dense<0.000000e+00> : vector<1xf32>
    %reduce_sum3A_108 = vector.multi_reduction <add>, %reduce_sum3A_106, %reduce_sum3A_107 [1] : vector<1x8732xf32> to vector<1xf32>
    %reduce_sum3A_109 = vector.shape_cast %reduce_sum3A_108 : vector<1xf32> to vector<1x1xf32>
    %reduce_sum3A_110 = vector.extract %reduce_sum3A_109[0, 0] : f32 from vector<1x1xf32>
    %mul3A_111 = arith.mulf %sub3A_94, %convert_element_type3A_99 : vector<8732xf32>
    %reduce_sum3A_112 = vector.shape_cast %mul3A_111 : vector<8732xf32> to vector<1x8732xf32>
    %reduce_sum3A_113 = arith.constant dense<0.000000e+00> : vector<1xf32>
    %reduce_sum3A_114 = vector.multi_reduction <add>, %reduce_sum3A_112, %reduce_sum3A_113 [1] : vector<1x8732xf32> to vector<1xf32>
    %reduce_sum3A_115 = vector.shape_cast %reduce_sum3A_114 : vector<1xf32> to vector<1x1xf32>
    %reduce_sum3A_116 = vector.extract %reduce_sum3A_115[0, 0] : f32 from vector<1x1xf32>
    %mul3A_117 = arith.constant 3.000000e+00 : f32
    %mul3A_118 = arith.mulf %mul3A_117, %reduce_sum3A_110 : f32
    %min3A_119 = arith.constant 8.731000e+03 : f32
    %min3A_120 = arith.minimumf %mul3A_118, %min3A_119 : f32
    %broadcast_in_dim3A_121 = arith.constant 0.000000e+00 : f32
    %broadcast_in_dim3A_122 = vector.broadcast %broadcast_in_dim3A_121 : f32 to vector<4xf32>
    %concatenate3A_123 = tpu.concatenate %max3A_105, %broadcast_in_dim3A_122 in 0 : vector<8732xf32>, vector<4xf32> -> vector<8736xf32>
    %swap3A_124 = arith.constant 1 : index
    %swap3A_125 = arith.constant 0 : index
    %swap3A_126 = arith.constant 0 : index
    %swap3A_127 = vector.load %arg3[%swap3A_124, %swap3A_125, %swap3A_126] : memref<8x1x8736xf32, #tpu.memory_space<vmem>>, vector<1x1x8736xf32>
    %swap3A_128 = vector.shape_cast %swap3A_127 : vector<1x1x8736xf32> to vector<8736xf32>
    %swap3A_129 = vector.shape_cast %concatenate3A_123 : vector<8736xf32> to vector<1x1x8736xf32>
    tpu.vector_store %arg3[%swap3A_124, %swap3A_125, %swap3A_126], %swap3A_129 {strides = array<i32>} : memref<8x1x8736xf32, #tpu.memory_space<vmem>>, vector<1x1x8736xf32>,
    %eq3A_130 = arith.constant 0 : i32
    %eq3A_131 = vector.broadcast %eq3A_130 : i32 to vector<128xi32>
    %eq3A_132 = arith.cmpi eq, %iota3A_0, %eq3A_131 : vector<128xi32>
    %jit3A_133 = arith.constant 0.000000e+00 : f32
    %broadcast_in_dim3A_134 = vector.broadcast %reduce_sum3A_116 : f32 to vector<128xf32>
    %broadcast_in_dim3A_135 = vector.broadcast %jit3A_133 : f32 to vector<128xf32>
    %select_n3A_136 = arith.select %eq3A_132, %broadcast_in_dim3A_134, %broadcast_in_dim3A_135 : vector<128xi1>, vector<128xf32>
    %eq3A_137 = arith.constant 1 : i32
    %eq3A_138 = vector.broadcast %eq3A_137 : i32 to vector<128xi32>
    %eq3A_139 = arith.cmpi eq, %iota3A_0, %eq3A_138 : vector<128xi32>
    %jit3A_140 = arith.constant 0.000000e+00 : f32
    %broadcast_in_dim3A_141 = vector.broadcast %reduce_sum3A_110 : f32 to vector<128xf32>
    %broadcast_in_dim3A_142 = vector.broadcast %jit3A_140 : f32 to vector<128xf32>
    %select_n3A_143 = arith.select %eq3A_139, %broadcast_in_dim3A_141, %broadcast_in_dim3A_142 : vector<128xi1>, vector<128xf32>
    %add3A_144 = arith.addf %select_n3A_136, %select_n3A_143 : vector<128xf32>
    %swap3A_145 = arith.constant 1 : index
    %swap3A_146 = arith.constant 0 : index
    %swap3A_147 = arith.constant 0 : index
    %swap3A_148 = vector.load %arg4[%swap3A_145, %swap3A_146, %swap3A_147] : memref<8x1x128xf32, #tpu.memory_space<vmem>>, vector<1x1x128xf32>
    %swap3A_149 = vector.shape_cast %swap3A_148 : vector<1x1x128xf32> to vector<128xf32>
    %swap3A_150 = vector.shape_cast %add3A_144 : vector<128xf32> to vector<1x1x128xf32>
    tpu.vector_store %arg4[%swap3A_145, %swap3A_146, %swap3A_147], %swap3A_150 {strides = array<i32>} : memref<8x1x128xf32, #tpu.memory_space<vmem>>, vector<1x1x128xf32>,
    %broadcast_in_dim3A_151 = vector.broadcast %min3A_120 : f32 to vector<16xf32>
    %swap3A_152 = arith.constant 1 : index
    %swap3A_153 = arith.constant 0 : index
    %swap3A_154 = arith.constant 0 : index
    %swap3A_155 = vector.load %arg5[%swap3A_152, %swap3A_153, %swap3A_154] : memref<8x1x16xf32, #tpu.memory_space<vmem>>, vector<1x1x16xf32>
    %swap3A_156 = vector.shape_cast %swap3A_155 : vector<1x1x16xf32> to vector<16xf32>
    %swap3A_157 = vector.shape_cast %broadcast_in_dim3A_151 : vector<16xf32> to vector<1x1x16xf32>
    tpu.vector_store %arg5[%swap3A_152, %swap3A_153, %swap3A_154], %swap3A_157 {strides = array<i32>} : memref<8x1x16xf32, #tpu.memory_space<vmem>>, vector<1x1x16xf32>,
    %get3A_158 = arith.constant 2 : index
    %get3A_159 = arith.constant 0 : index
    %get3A_160 = arith.constant 0 : index
    %get3A_161 = vector.load %arg1[%get3A_158, %get3A_159, %get3A_160] : memref<8x21x8732xf32, #tpu.memory_space<vmem>>, vector<1x21x8732xf32>
    %get3A_162 = vector.shape_cast %get3A_161 : vector<1x21x8732xf32> to vector<21x8732xf32>
    %get3A_163 = arith.constant 2 : index
    %get3A_164 = arith.constant 0 : index
    %get3A_165 = arith.constant 0 : index
    %get3A_166 = vector.load %arg2[%get3A_163, %get3A_164, %get3A_165] : memref<8x1x8732xi32, #tpu.memory_space<vmem>>, vector<1x1x8732xi32>
    %get3A_167 = vector.shape_cast %get3A_166 : vector<1x1x8732xi32> to vector<8732xi32>
    %exp3A_168 = math.exp %get3A_162 : vector<21x8732xf32>
    %reduce_sum3A_169 = arith.constant dense<0.000000e+00> : vector<8732xf32>
    %reduce_sum3A_170 = vector.multi_reduction <add>, %exp3A_168, %reduce_sum3A_169 [0] : vector<21x8732xf32> to vector<8732xf32>
    %log3A_171 = math.log %reduce_sum3A_170 : vector<8732xf32>
    %broadcast_in_dim3A_172 = vector.shape_cast %get3A_167 : vector<8732xi32> to vector<1x8732xi32>
    %eq3A_173 = vector.broadcast %broadcast_in_dim3A_172 : vector<1x8732xi32> to vector<21x8732xi32>
    %eq3A_174 = arith.cmpi eq, %iota3A_1, %eq3A_173 : vector<21x8732xi32>
    %jit3A_175 = arith.constant 0.000000e+00 : f32
    %broadcast_in_dim3A_176 = vector.broadcast %jit3A_175 : f32 to vector<21x8732xf32>
    %select_n3A_177 = arith.select %eq3A_174, %get3A_162, %broadcast_in_dim3A_176 : vector<21x8732xi1>, vector<21x8732xf32>
    %reduce_sum3A_178 = arith.constant dense<0.000000e+00> : vector<8732xf32>
    %reduce_sum3A_179 = vector.multi_reduction <add>, %select_n3A_177, %reduce_sum3A_178 [0] : vector<21x8732xf32> to vector<8732xf32>
    %sub3A_180 = arith.subf %log3A_171, %reduce_sum3A_179 : vector<8732xf32>
    %eq3A_181 = arith.constant 1 : i32
    %eq3A_182 = vector.broadcast %eq3A_181 : i32 to vector<8732xi32>
    %eq3A_183 = arith.cmpi eq, %get3A_167, %eq3A_182 : vector<8732xi32>
    %convert_element_type3A_184 = arith.extui %eq3A_183 : vector<8732xi1> to vector<8732xi32>
    %convert_element_type3A_185 = arith.sitofp %convert_element_type3A_184 : vector<8732xi32> to vector<8732xf32>
    %jit3A_186 = arith.constant 0.000000e+00 : f32
    %broadcast_in_dim3A_187 = vector.broadcast %jit3A_186 : f32 to vector<8732xf32>
    %select_n3A_188 = arith.select %eq3A_183, %broadcast_in_dim3A_187, %sub3A_180 : vector<8732xi1>, vector<8732xf32>
    %max3A_189 = arith.constant 0.000000e+00 : f32
    %max3A_190 = vector.broadcast %max3A_189 : f32 to vector<8732xf32>
    %max3A_191 = arith.maximumf %select_n3A_188, %max3A_190 : vector<8732xf32>
    %reduce_sum3A_192 = vector.shape_cast %convert_element_type3A_185 : vector<8732xf32> to vector<1x8732xf32>
    %reduce_sum3A_193 = arith.constant dense<0.000000e+00> : vector<1xf32>
    %reduce_sum3A_194 = vector.multi_reduction <add>, %reduce_sum3A_192, %reduce_sum3A_193 [1] : vector<1x8732xf32> to vector<1xf32>
    %reduce_sum3A_195 = vector.shape_cast %reduce_sum3A_194 : vector<1xf32> to vector<1x1xf32>
    %reduce_sum3A_196 = vector.extract %reduce_sum3A_195[0, 0] : f32 from vector<1x1xf32>
    %mul3A_197 = arith.mulf %sub3A_180, %convert_element_type3A_185 : vector<8732xf32>
    %reduce_sum3A_198 = vector.shape_cast %mul3A_197 : vector<8732xf32> to vector<1x8732xf32>
    %reduce_sum3A_199 = arith.constant dense<0.000000e+00> : vector<1xf32>
    %reduce_sum3A_200 = vector.multi_reduction <add>, %reduce_sum3A_198, %reduce_sum3A_199 [1] : vector<1x8732xf32> to vector<1xf32>
    %reduce_sum3A_201 = vector.shape_cast %reduce_sum3A_200 : vector<1xf32> to vector<1x1xf32>
    %reduce_sum3A_202 = vector.extract %reduce_sum3A_201[0, 0] : f32 from vector<1x1xf32>
    %mul3A_203 = arith.constant 3.000000e+00 : f32
    %mul3A_204 = arith.mulf %mul3A_203, %reduce_sum3A_196 : f32
    %min3A_205 = arith.constant 8.731000e+03 : f32
    %min3A_206 = arith.minimumf %mul3A_204, %min3A_205 : f32
    %broadcast_in_dim3A_207 = arith.constant 0.000000e+00 : f32
    %broadcast_in_dim3A_208 = vector.broadcast %broadcast_in_dim3A_207 : f32 to vector<4xf32>
    %concatenate3A_209 = tpu.concatenate %max3A_191, %broadcast_in_dim3A_208 in 0 : vector<8732xf32>, vector<4xf32> -> vector<8736xf32>
    %swap3A_210 = arith.constant 2 : index
    %swap3A_211 = arith.constant 0 : index
    %swap3A_212 = arith.constant 0 : index
    %swap3A_213 = vector.load %arg3[%swap3A_210, %swap3A_211, %swap3A_212] : memref<8x1x8736xf32, #tpu.memory_space<vmem>>, vector<1x1x8736xf32>
    %swap3A_214 = vector.shape_cast %swap3A_213 : vector<1x1x8736xf32> to vector<8736xf32>
    %swap3A_215 = vector.shape_cast %concatenate3A_209 : vector<8736xf32> to vector<1x1x8736xf32>
    tpu.vector_store %arg3[%swap3A_210, %swap3A_211, %swap3A_212], %swap3A_215 {strides = array<i32>} : memref<8x1x8736xf32, #tpu.memory_space<vmem>>, vector<1x1x8736xf32>,
    %eq3A_216 = arith.constant 0 : i32
    %eq3A_217 = vector.broadcast %eq3A_216 : i32 to vector<128xi32>
    %eq3A_218 = arith.cmpi eq, %iota3A_0, %eq3A_217 : vector<128xi32>
    %jit3A_219 = arith.constant 0.000000e+00 : f32
    %broadcast_in_dim3A_220 = vector.broadcast %reduce_sum3A_202 : f32 to vector<128xf32>
    %broadcast_in_dim3A_221 = vector.broadcast %jit3A_219 : f32 to vector<128xf32>
    %select_n3A_222 = arith.select %eq3A_218, %broadcast_in_dim3A_220, %broadcast_in_dim3A_221 : vector<128xi1>, vector<128xf32>
    %eq3A_223 = arith.constant 1 : i32
    %eq3A_224 = vector.broadcast %eq3A_223 : i32 to vector<128xi32>
    %eq3A_225 = arith.cmpi eq, %iota3A_0, %eq3A_224 : vector<128xi32>
    %jit3A_226 = arith.constant 0.000000e+00 : f32
    %broadcast_in_dim3A_227 = vector.broadcast %reduce_sum3A_196 : f32 to vector<128xf32>
    %broadcast_in_dim3A_228 = vector.broadcast %jit3A_226 : f32 to vector<128xf32>
    %select_n3A_229 = arith.select %eq3A_225, %broadcast_in_dim3A_227, %broadcast_in_dim3A_228 : vector<128xi1>, vector<128xf32>
    %add3A_230 = arith.addf %select_n3A_222, %select_n3A_229 : vector<128xf32>
    %swap3A_231 = arith.constant 2 : index
    %swap3A_232 = arith.constant 0 : index
    %swap3A_233 = arith.constant 0 : index
    %swap3A_234 = vector.load %arg4[%swap3A_231, %swap3A_232, %swap3A_233] : memref<8x1x128xf32, #tpu.memory_space<vmem>>, vector<1x1x128xf32>
    %swap3A_235 = vector.shape_cast %swap3A_234 : vector<1x1x128xf32> to vector<128xf32>
    %swap3A_236 = vector.shape_cast %add3A_230 : vector<128xf32> to vector<1x1x128xf32>
    tpu.vector_store %arg4[%swap3A_231, %swap3A_232, %swap3A_233], %swap3A_236 {strides = array<i32>} : memref<8x1x128xf32, #tpu.memory_space<vmem>>, vector<1x1x128xf32>,
    %broadcast_in_dim3A_237 = vector.broadcast %min3A_206 : f32 to vector<16xf32>
    %swap3A_238 = arith.constant 2 : index
    %swap3A_239 = arith.constant 0 : index
    %swap3A_240 = arith.constant 0 : index
    %swap3A_241 = vector.load %arg5[%swap3A_238, %swap3A_239, %swap3A_240] : memref<8x1x16xf32, #tpu.memory_space<vmem>>, vector<1x1x16xf32>
    %swap3A_242 = vector.shape_cast %swap3A_241 : vector<1x1x16xf32> to vector<16xf32>
    %swap3A_243 = vector.shape_cast %broadcast_in_dim3A_237 : vector<16xf32> to vector<1x1x16xf32>
    tpu.vector_store %arg5[%swap3A_238, %swap3A_239, %swap3A_240], %swap3A_243 {strides = array<i32>} : memref<8x1x16xf32, #tpu.memory_space<vmem>>, vector<1x1x16xf32>,
    %get3A_244 = arith.constant 3 : index
    %get3A_245 = arith.constant 0 : index
    %get3A_246 = arith.constant 0 : index
    %get3A_247 = vector.load %arg1[%get3A_244, %get3A_245, %get3A_246] : memref<8x21x8732xf32, #tpu.memory_space<vmem>>, vector<1x21x8732xf32>
    %get3A_248 = vector.shape_cast %get3A_247 : vector<1x21x8732xf32> to vector<21x8732xf32>
    %get3A_249 = arith.constant 3 : index
    %get3A_250 = arith.constant 0 : index
    %get3A_251 = arith.constant 0 : index
    %get3A_252 = vector.load %arg2[%get3A_249, %get3A_250, %get3A_251] : memref<8x1x8732xi32, #tpu.memory_space<vmem>>, vector<1x1x8732xi32>
    %get3A_253 = vector.shape_cast %get3A_252 : vector<1x1x8732xi32> to vector<8732xi32>
    %exp3A_254 = math.exp %get3A_248 : vector<21x8732xf32>
    %reduce_sum3A_255 = arith.constant dense<0.000000e+00> : vector<8732xf32>
    %reduce_sum3A_256 = vector.multi_reduction <add>, %exp3A_254, %reduce_sum3A_255 [0] : vector<21x8732xf32> to vector<8732xf32>
    %log3A_257 = math.log %reduce_sum3A_256 : vector<8732xf32>
    %broadcast_in_dim3A_258 = vector.shape_cast %get3A_253 : vector<8732xi32> to vector<1x8732xi32>
    %eq3A_259 = vector.broadcast %broadcast_in_dim3A_258 : vector<1x8732xi32> to vector<21x8732xi32>
    %eq3A_260 = arith.cmpi eq, %iota3A_1, %eq3A_259 : vector<21x8732xi32>
    %jit3A_261 = arith.constant 0.000000e+00 : f32
    %broadcast_in_dim3A_262 = vector.broadcast %jit3A_261 : f32 to vector<21x8732xf32>
    %select_n3A_263 = arith.select %eq3A_260, %get3A_248, %broadcast_in_dim3A_262 : vector<21x8732xi1>, vector<21x8732xf32>
    %reduce_sum3A_264 = arith.constant dense<0.000000e+00> : vector<8732xf32>
    %reduce_sum3A_265 = vector.multi_reduction <add>, %select_n3A_263, %reduce_sum3A_264 [0] : vector<21x8732xf32> to vector<8732xf32>
    %sub3A_266 = arith.subf %log3A_257, %reduce_sum3A_265 : vector<8732xf32>
    %eq3A_267 = arith.constant 1 : i32
    %eq3A_268 = vector.broadcast %eq3A_267 : i32 to vector<8732xi32>
    %eq3A_269 = arith.cmpi eq, %get3A_253, %eq3A_268 : vector<8732xi32>
    %convert_element_type3A_270 = arith.extui %eq3A_269 : vector<8732xi1> to vector<8732xi32>
    %convert_element_type3A_271 = arith.sitofp %convert_element_type3A_270 : vector<8732xi32> to vector<8732xf32>
    %jit3A_272 = arith.constant 0.000000e+00 : f32
    %broadcast_in_dim3A_273 = vector.broadcast %jit3A_272 : f32 to vector<8732xf32>
    %select_n3A_274 = arith.select %eq3A_269, %broadcast_in_dim3A_273, %sub3A_266 : vector<8732xi1>, vector<8732xf32>
    %max3A_275 = arith.constant 0.000000e+00 : f32
    %max3A_276 = vector.broadcast %max3A_275 : f32 to vector<8732xf32>
    %max3A_277 = arith.maximumf %select_n3A_274, %max3A_276 : vector<8732xf32>
    %reduce_sum3A_278 = vector.shape_cast %convert_element_type3A_271 : vector<8732xf32> to vector<1x8732xf32>
    %reduce_sum3A_279 = arith.constant dense<0.000000e+00> : vector<1xf32>
    %reduce_sum3A_280 = vector.multi_reduction <add>, %reduce_sum3A_278, %reduce_sum3A_279 [1] : vector<1x8732xf32> to vector<1xf32>
    %reduce_sum3A_281 = vector.shape_cast %reduce_sum3A_280 : vector<1xf32> to vector<1x1xf32>
    %reduce_sum3A_282 = vector.extract %reduce_sum3A_281[0, 0] : f32 from vector<1x1xf32>
    %mul3A_283 = arith.mulf %sub3A_266, %convert_element_type3A_271 : vector<8732xf32>
    %reduce_sum3A_284 = vector.shape_cast %mul3A_283 : vector<8732xf32> to vector<1x8732xf32>
    %reduce_sum3A_285 = arith.constant dense<0.000000e+00> : vector<1xf32>
    %reduce_sum3A_286 = vector.multi_reduction <add>, %reduce_sum3A_284, %reduce_sum3A_285 [1] : vector<1x8732xf32> to vector<1xf32>
    %reduce_sum3A_287 = vector.shape_cast %reduce_sum3A_286 : vector<1xf32> to vector<1x1xf32>
    %reduce_sum3A_288 = vector.extract %reduce_sum3A_287[0, 0] : f32 from vector<1x1xf32>
    %mul3A_289 = arith.constant 3.000000e+00 : f32
    %mul3A_290 = arith.mulf %mul3A_289, %reduce_sum3A_282 : f32
    %min3A_291 = arith.constant 8.731000e+03 : f32
    %min3A_292 = arith.minimumf %mul3A_290, %min3A_291 : f32
    %broadcast_in_dim3A_293 = arith.constant 0.000000e+00 : f32
    %broadcast_in_dim3A_294 = vector.broadcast %broadcast_in_dim3A_293 : f32 to vector<4xf32>
    %concatenate3A_295 = tpu.concatenate %max3A_277, %broadcast_in_dim3A_294 in 0 : vector<8732xf32>, vector<4xf32> -> vector<8736xf32>
    %swap3A_296 = arith.constant 3 : index
    %swap3A_297 = arith.constant 0 : index
    %swap3A_298 = arith.constant 0 : index
    %swap3A_299 = vector.load %arg3[%swap3A_296, %swap3A_297, %swap3A_298] : memref<8x1x8736xf32, #tpu.memory_space<vmem>>, vector<1x1x8736xf32>
    %swap3A_300 = vector.shape_cast %swap3A_299 : vector<1x1x8736xf32> to vector<8736xf32>
    %swap3A_301 = vector.shape_cast %concatenate3A_295 : vector<8736xf32> to vector<1x1x8736xf32>
    tpu.vector_store %arg3[%swap3A_296, %swap3A_297, %swap3A_298], %swap3A_301 {strides = array<i32>} : memref<8x1x8736xf32, #tpu.memory_space<vmem>>, vector<1x1x8736xf32>,
    %eq3A_302 = arith.constant 0 : i32
    %eq3A_303 = vector.broadcast %eq3A_302 : i32 to vector<128xi32>
    %eq3A_304 = arith.cmpi eq, %iota3A_0, %eq3A_303 : vector<128xi32>
    %jit3A_305 = arith.constant 0.000000e+00 : f32
    %broadcast_in_dim3A_306 = vector.broadcast %reduce_sum3A_288 : f32 to vector<128xf32>
    %broadcast_in_dim3A_307 = vector.broadcast %jit3A_305 : f32 to vector<128xf32>
    %select_n3A_308 = arith.select %eq3A_304, %broadcast_in_dim3A_306, %broadcast_in_dim3A_307 : vector<128xi1>, vector<128xf32>
    %eq3A_309 = arith.constant 1 : i32
    %eq3A_310 = vector.broadcast %eq3A_309 : i32 to vector<128xi32>
    %eq3A_311 = arith.cmpi eq, %iota3A_0, %eq3A_310 : vector<128xi32>
    %jit3A_312 = arith.constant 0.000000e+00 : f32
    %broadcast_in_dim3A_313 = vector.broadcast %reduce_sum3A_282 : f32 to vector<128xf32>
    %broadcast_in_dim3A_314 = vector.broadcast %jit3A_312 : f32 to vector<128xf32>
    %select_n3A_315 = arith.select %eq3A_311, %broadcast_in_dim3A_313, %broadcast_in_dim3A_314 : vector<128xi1>, vector<128xf32>
    %add3A_316 = arith.addf %select_n3A_308, %select_n3A_315 : vector<128xf32>
    %swap3A_317 = arith.constant 3 : index
    %swap3A_318 = arith.constant 0 : index
    %swap3A_319 = arith.constant 0 : index
    %swap3A_320 = vector.load %arg4[%swap3A_317, %swap3A_318, %swap3A_319] : memref<8x1x128xf32, #tpu.memory_space<vmem>>, vector<1x1x128xf32>
    %swap3A_321 = vector.shape_cast %swap3A_320 : vector<1x1x128xf32> to vector<128xf32>
    %swap3A_322 = vector.shape_cast %add3A_316 : vector<128xf32> to vector<1x1x128xf32>
    tpu.vector_store %arg4[%swap3A_317, %swap3A_318, %swap3A_319], %swap3A_322 {strides = array<i32>} : memref<8x1x128xf32, #tpu.memory_space<vmem>>, vector<1x1x128xf32>,
    %broadcast_in_dim3A_323 = vector.broadcast %min3A_292 : f32 to vector<16xf32>
    %swap3A_324 = arith.constant 3 : index
    %swap3A_325 = arith.constant 0 : index
    %swap3A_326 = arith.constant 0 : index
    %swap3A_327 = vector.load %arg5[%swap3A_324, %swap3A_325, %swap3A_326] : memref<8x1x16xf32, #tpu.memory_space<vmem>>, vector<1x1x16xf32>
    %swap3A_328 = vector.shape_cast %swap3A_327 : vector<1x1x16xf32> to vector<16xf32>
    %swap3A_329 = vector.shape_cast %broadcast_in_dim3A_323 : vector<16xf32> to vector<1x1x16xf32>
    tpu.vector_store %arg5[%swap3A_324, %swap3A_325, %swap3A_326], %swap3A_329 {strides = array<i32>} : memref<8x1x16xf32, #tpu.memory_space<vmem>>, vector<1x1x16xf32>,
    %get3A_330 = arith.constant 4 : index
    %get3A_331 = arith.constant 0 : index
    %get3A_332 = arith.constant 0 : index
    %get3A_333 = vector.load %arg1[%get3A_330, %get3A_331, %get3A_332] : memref<8x21x8732xf32, #tpu.memory_space<vmem>>, vector<1x21x8732xf32>
    %get3A_334 = vector.shape_cast %get3A_333 : vector<1x21x8732xf32> to vector<21x8732xf32>
    %get3A_335 = arith.constant 4 : index
    %get3A_336 = arith.constant 0 : index
    %get3A_337 = arith.constant 0 : index
    %get3A_338 = vector.load %arg2[%get3A_335, %get3A_336, %get3A_337] : memref<8x1x8732xi32, #tpu.memory_space<vmem>>, vector<1x1x8732xi32>
    %get3A_339 = vector.shape_cast %get3A_338 : vector<1x1x8732xi32> to vector<8732xi32>
    %exp3A_340 = math.exp %get3A_334 : vector<21x8732xf32>
    %reduce_sum3A_341 = arith.constant dense<0.000000e+00> : vector<8732xf32>
    %reduce_sum3A_342 = vector.multi_reduction <add>, %exp3A_340, %reduce_sum3A_341 [0] : vector<21x8732xf32> to vector<8732xf32>
    %log3A_343 = math.log %reduce_sum3A_342 : vector<8732xf32>
    %broadcast_in_dim3A_344 = vector.shape_cast %get3A_339 : vector<8732xi32> to vector<1x8732xi32>
    %eq3A_345 = vector.broadcast %broadcast_in_dim3A_344 : vector<1x8732xi32> to vector<21x8732xi32>
    %eq3A_346 = arith.cmpi eq, %iota3A_1, %eq3A_345 : vector<21x8732xi32>
    %jit3A_347 = arith.constant 0.000000e+00 : f32
    %broadcast_in_dim3A_348 = vector.broadcast %jit3A_347 : f32 to vector<21x8732xf32>
    %select_n3A_349 = arith.select %eq3A_346, %get3A_334, %broadcast_in_dim3A_348 : vector<21x8732xi1>, vector<21x8732xf32>
    %reduce_sum3A_350 = arith.constant dense<0.000000e+00> : vector<8732xf32>
    %reduce_sum3A_351 = vector.multi_reduction <add>, %select_n3A_349, %reduce_sum3A_350 [0] : vector<21x8732xf32> to vector<8732xf32>
    %sub3A_352 = arith.subf %log3A_343, %reduce_sum3A_351 : vector<8732xf32>
    %eq3A_353 = arith.constant 1 : i32
    %eq3A_354 = vector.broadcast %eq3A_353 : i32 to vector<8732xi32>
    %eq3A_355 = arith.cmpi eq, %get3A_339, %eq3A_354 : vector<8732xi32>
    %convert_element_type3A_356 = arith.extui %eq3A_355 : vector<8732xi1> to vector<8732xi32>
    %convert_element_type3A_357 = arith.sitofp %convert_element_type3A_356 : vector<8732xi32> to vector<8732xf32>
    %jit3A_358 = arith.constant 0.000000e+00 : f32
    %broadcast_in_dim3A_359 = vector.broadcast %jit3A_358 : f32 to vector<8732xf32>
    %select_n3A_360 = arith.select %eq3A_355, %broadcast_in_dim3A_359, %sub3A_352 : vector<8732xi1>, vector<8732xf32>
    %max3A_361 = arith.constant 0.000000e+00 : f32
    %max3A_362 = vector.broadcast %max3A_361 : f32 to vector<8732xf32>
    %max3A_363 = arith.maximumf %select_n3A_360, %max3A_362 : vector<8732xf32>
    %reduce_sum3A_364 = vector.shape_cast %convert_element_type3A_357 : vector<8732xf32> to vector<1x8732xf32>
    %reduce_sum3A_365 = arith.constant dense<0.000000e+00> : vector<1xf32>
    %reduce_sum3A_366 = vector.multi_reduction <add>, %reduce_sum3A_364, %reduce_sum3A_365 [1] : vector<1x8732xf32> to vector<1xf32>
    %reduce_sum3A_367 = vector.shape_cast %reduce_sum3A_366 : vector<1xf32> to vector<1x1xf32>
    %reduce_sum3A_368 = vector.extract %reduce_sum3A_367[0, 0] : f32 from vector<1x1xf32>
    %mul3A_369 = arith.mulf %sub3A_352, %convert_element_type3A_357 : vector<8732xf32>
    %reduce_sum3A_370 = vector.shape_cast %mul3A_369 : vector<8732xf32> to vector<1x8732xf32>
    %reduce_sum3A_371 = arith.constant dense<0.000000e+00> : vector<1xf32>
    %reduce_sum3A_372 = vector.multi_reduction <add>, %reduce_sum3A_370, %reduce_sum3A_371 [1] : vector<1x8732xf32> to vector<1xf32>
    %reduce_sum3A_373 = vector.shape_cast %reduce_sum3A_372 : vector<1xf32> to vector<1x1xf32>
    %reduce_sum3A_374 = vector.extract %reduce_sum3A_373[0, 0] : f32 from vector<1x1xf32>
    %mul3A_375 = arith.constant 3.000000e+00 : f32
    %mul3A_376 = arith.mulf %mul3A_375, %reduce_sum3A_368 : f32
    %min3A_377 = arith.constant 8.731000e+03 : f32
    %min3A_378 = arith.minimumf %mul3A_376, %min3A_377 : f32
    %broadcast_in_dim3A_379 = arith.constant 0.000000e+00 : f32
    %broadcast_in_dim3A_380 = vector.broadcast %broadcast_in_dim3A_379 : f32 to vector<4xf32>
    %concatenate3A_381 = tpu.concatenate %max3A_363, %broadcast_in_dim3A_380 in 0 : vector<8732xf32>, vector<4xf32> -> vector<8736xf32>
    %swap3A_382 = arith.constant 4 : index
    %swap3A_383 = arith.constant 0 : index
    %swap3A_384 = arith.constant 0 : index
    %swap3A_385 = vector.load %arg3[%swap3A_382, %swap3A_383, %swap3A_384] : memref<8x1x8736xf32, #tpu.memory_space<vmem>>, vector<1x1x8736xf32>
    %swap3A_386 = vector.shape_cast %swap3A_385 : vector<1x1x8736xf32> to vector<8736xf32>
    %swap3A_387 = vector.shape_cast %concatenate3A_381 : vector<8736xf32> to vector<1x1x8736xf32>
    tpu.vector_store %arg3[%swap3A_382, %swap3A_383, %swap3A_384], %swap3A_387 {strides = array<i32>} : memref<8x1x8736xf32, #tpu.memory_space<vmem>>, vector<1x1x8736xf32>,
    %eq3A_388 = arith.constant 0 : i32
    %eq3A_389 = vector.broadcast %eq3A_388 : i32 to vector<128xi32>
    %eq3A_390 = arith.cmpi eq, %iota3A_0, %eq3A_389 : vector<128xi32>
    %jit3A_391 = arith.constant 0.000000e+00 : f32
    %broadcast_in_dim3A_392 = vector.broadcast %reduce_sum3A_374 : f32 to vector<128xf32>
    %broadcast_in_dim3A_393 = vector.broadcast %jit3A_391 : f32 to vector<128xf32>
    %select_n3A_394 = arith.select %eq3A_390, %broadcast_in_dim3A_392, %broadcast_in_dim3A_393 : vector<128xi1>, vector<128xf32>
    %eq3A_395 = arith.constant 1 : i32
    %eq3A_396 = vector.broadcast %eq3A_395 : i32 to vector<128xi32>
    %eq3A_397 = arith.cmpi eq, %iota3A_0, %eq3A_396 : vector<128xi32>
    %jit3A_398 = arith.constant 0.000000e+00 : f32
    %broadcast_in_dim3A_399 = vector.broadcast %reduce_sum3A_368 : f32 to vector<128xf32>
    %broadcast_in_dim3A_400 = vector.broadcast %jit3A_398 : f32 to vector<128xf32>
    %select_n3A_401 = arith.select %eq3A_397, %broadcast_in_dim3A_399, %broadcast_in_dim3A_400 : vector<128xi1>, vector<128xf32>
    %add3A_402 = arith.addf %select_n3A_394, %select_n3A_401 : vector<128xf32>
    %swap3A_403 = arith.constant 4 : index
    %swap3A_404 = arith.constant 0 : index
    %swap3A_405 = arith.constant 0 : index
    %swap3A_406 = vector.load %arg4[%swap3A_403, %swap3A_404, %swap3A_405] : memref<8x1x128xf32, #tpu.memory_space<vmem>>, vector<1x1x128xf32>
    %swap3A_407 = vector.shape_cast %swap3A_406 : vector<1x1x128xf32> to vector<128xf32>
    %swap3A_408 = vector.shape_cast %add3A_402 : vector<128xf32> to vector<1x1x128xf32>
    tpu.vector_store %arg4[%swap3A_403, %swap3A_404, %swap3A_405], %swap3A_408 {strides = array<i32>} : memref<8x1x128xf32, #tpu.memory_space<vmem>>, vector<1x1x128xf32>,
    %broadcast_in_dim3A_409 = vector.broadcast %min3A_378 : f32 to vector<16xf32>
    %swap3A_410 = arith.constant 4 : index
    %swap3A_411 = arith.constant 0 : index
    %swap3A_412 = arith.constant 0 : index
    %swap3A_413 = vector.load %arg5[%swap3A_410, %swap3A_411, %swap3A_412] : memref<8x1x16xf32, #tpu.memory_space<vmem>>, vector<1x1x16xf32>
    %swap3A_414 = vector.shape_cast %swap3A_413 : vector<1x1x16xf32> to vector<16xf32>
    %swap3A_415 = vector.shape_cast %broadcast_in_dim3A_409 : vector<16xf32> to vector<1x1x16xf32>
    tpu.vector_store %arg5[%swap3A_410, %swap3A_411, %swap3A_412], %swap3A_415 {strides = array<i32>} : memref<8x1x16xf32, #tpu.memory_space<vmem>>, vector<1x1x16xf32>,
    %get3A_416 = arith.constant 5 : index
    %get3A_417 = arith.constant 0 : index
    %get3A_418 = arith.constant 0 : index
    %get3A_419 = vector.load %arg1[%get3A_416, %get3A_417, %get3A_418] : memref<8x21x8732xf32, #tpu.memory_space<vmem>>, vector<1x21x8732xf32>
    %get3A_420 = vector.shape_cast %get3A_419 : vector<1x21x8732xf32> to vector<21x8732xf32>
    %get3A_421 = arith.constant 5 : index
    %get3A_422 = arith.constant 0 : index
    %get3A_423 = arith.constant 0 : index
    %get3A_424 = vector.load %arg2[%get3A_421, %get3A_422, %get3A_423] : memref<8x1x8732xi32, #tpu.memory_space<vmem>>, vector<1x1x8732xi32>
    %get3A_425 = vector.shape_cast %get3A_424 : vector<1x1x8732xi32> to vector<8732xi32>
    %exp3A_426 = math.exp %get3A_420 : vector<21x8732xf32>
    %reduce_sum3A_427 = arith.constant dense<0.000000e+00> : vector<8732xf32>
    %reduce_sum3A_428 = vector.multi_reduction <add>, %exp3A_426, %reduce_sum3A_427 [0] : vector<21x8732xf32> to vector<8732xf32>
    %log3A_429 = math.log %reduce_sum3A_428 : vector<8732xf32>
    %broadcast_in_dim3A_430 = vector.shape_cast %get3A_425 : vector<8732xi32> to vector<1x8732xi32>
    %eq3A_431 = vector.broadcast %broadcast_in_dim3A_430 : vector<1x8732xi32> to vector<21x8732xi32>
    %eq3A_432 = arith.cmpi eq, %iota3A_1, %eq3A_431 : vector<21x8732xi32>
    %jit3A_433 = arith.constant 0.000000e+00 : f32
    %broadcast_in_dim3A_434 = vector.broadcast %jit3A_433 : f32 to vector<21x8732xf32>
    %select_n3A_435 = arith.select %eq3A_432, %get3A_420, %broadcast_in_dim3A_434 : vector<21x8732xi1>, vector<21x8732xf32>
    %reduce_sum3A_436 = arith.constant dense<0.000000e+00> : vector<8732xf32>
    %reduce_sum3A_437 = vector.multi_reduction <add>, %select_n3A_435, %reduce_sum3A_436 [0] : vector<21x8732xf32> to vector<8732xf32>
    %sub3A_438 = arith.subf %log3A_429, %reduce_sum3A_437 : vector<8732xf32>
    %eq3A_439 = arith.constant 1 : i32
    %eq3A_440 = vector.broadcast %eq3A_439 : i32 to vector<8732xi32>
    %eq3A_441 = arith.cmpi eq, %get3A_425, %eq3A_440 : vector<8732xi32>
    %convert_element_type3A_442 = arith.extui %eq3A_441 : vector<8732xi1> to vector<8732xi32>
    %convert_element_type3A_443 = arith.sitofp %convert_element_type3A_442 : vector<8732xi32> to vector<8732xf32>
    %jit3A_444 = arith.constant 0.000000e+00 : f32
    %broadcast_in_dim3A_445 = vector.broadcast %jit3A_444 : f32 to vector<8732xf32>
    %select_n3A_446 = arith.select %eq3A_441, %broadcast_in_dim3A_445, %sub3A_438 : vector<8732xi1>, vector<8732xf32>
    %max3A_447 = arith.constant 0.000000e+00 : f32
    %max3A_448 = vector.broadcast %max3A_447 : f32 to vector<8732xf32>
    %max3A_449 = arith.maximumf %select_n3A_446, %max3A_448 : vector<8732xf32>
    %reduce_sum3A_450 = vector.shape_cast %convert_element_type3A_443 : vector<8732xf32> to vector<1x8732xf32>
    %reduce_sum3A_451 = arith.constant dense<0.000000e+00> : vector<1xf32>
    %reduce_sum3A_452 = vector.multi_reduction <add>, %reduce_sum3A_450, %reduce_sum3A_451 [1] : vector<1x8732xf32> to vector<1xf32>
    %reduce_sum3A_453 = vector.shape_cast %reduce_sum3A_452 : vector<1xf32> to vector<1x1xf32>
    %reduce_sum3A_454 = vector.extract %reduce_sum3A_453[0, 0] : f32 from vector<1x1xf32>
    %mul3A_455 = arith.mulf %sub3A_438, %convert_element_type3A_443 : vector<8732xf32>
    %reduce_sum3A_456 = vector.shape_cast %mul3A_455 : vector<8732xf32> to vector<1x8732xf32>
    %reduce_sum3A_457 = arith.constant dense<0.000000e+00> : vector<1xf32>
    %reduce_sum3A_458 = vector.multi_reduction <add>, %reduce_sum3A_456, %reduce_sum3A_457 [1] : vector<1x8732xf32> to vector<1xf32>
    %reduce_sum3A_459 = vector.shape_cast %reduce_sum3A_458 : vector<1xf32> to vector<1x1xf32>
    %reduce_sum3A_460 = vector.extract %reduce_sum3A_459[0, 0] : f32 from vector<1x1xf32>
    %mul3A_461 = arith.constant 3.000000e+00 : f32
    %mul3A_462 = arith.mulf %mul3A_461, %reduce_sum3A_454 : f32
    %min3A_463 = arith.constant 8.731000e+03 : f32
    %min3A_464 = arith.minimumf %mul3A_462, %min3A_463 : f32
    %broadcast_in_dim3A_465 = arith.constant 0.000000e+00 : f32
    %broadcast_in_dim3A_466 = vector.broadcast %broadcast_in_dim3A_465 : f32 to vector<4xf32>
    %concatenate3A_467 = tpu.concatenate %max3A_449, %broadcast_in_dim3A_466 in 0 : vector<8732xf32>, vector<4xf32> -> vector<8736xf32>
    %swap3A_468 = arith.constant 5 : index
    %swap3A_469 = arith.constant 0 : index
    %swap3A_470 = arith.constant 0 : index
    %swap3A_471 = vector.load %arg3[%swap3A_468, %swap3A_469, %swap3A_470] : memref<8x1x8736xf32, #tpu.memory_space<vmem>>, vector<1x1x8736xf32>
    %swap3A_472 = vector.shape_cast %swap3A_471 : vector<1x1x8736xf32> to vector<8736xf32>
    %swap3A_473 = vector.shape_cast %concatenate3A_467 : vector<8736xf32> to vector<1x1x8736xf32>
    tpu.vector_store %arg3[%swap3A_468, %swap3A_469, %swap3A_470], %swap3A_473 {strides = array<i32>} : memref<8x1x8736xf32, #tpu.memory_space<vmem>>, vector<1x1x8736xf32>,
    %eq3A_474 = arith.constant 0 : i32
    %eq3A_475 = vector.broadcast %eq3A_474 : i32 to vector<128xi32>
    %eq3A_476 = arith.cmpi eq, %iota3A_0, %eq3A_475 : vector<128xi32>
    %jit3A_477 = arith.constant 0.000000e+00 : f32
    %broadcast_in_dim3A_478 = vector.broadcast %reduce_sum3A_460 : f32 to vector<128xf32>
    %broadcast_in_dim3A_479 = vector.broadcast %jit3A_477 : f32 to vector<128xf32>
    %select_n3A_480 = arith.select %eq3A_476, %broadcast_in_dim3A_478, %broadcast_in_dim3A_479 : vector<128xi1>, vector<128xf32>
    %eq3A_481 = arith.constant 1 : i32
    %eq3A_482 = vector.broadcast %eq3A_481 : i32 to vector<128xi32>
    %eq3A_483 = arith.cmpi eq, %iota3A_0, %eq3A_482 : vector<128xi32>
    %jit3A_484 = arith.constant 0.000000e+00 : f32
    %broadcast_in_dim3A_485 = vector.broadcast %reduce_sum3A_454 : f32 to vector<128xf32>
    %broadcast_in_dim3A_486 = vector.broadcast %jit3A_484 : f32 to vector<128xf32>
    %select_n3A_487 = arith.select %eq3A_483, %broadcast_in_dim3A_485, %broadcast_in_dim3A_486 : vector<128xi1>, vector<128xf32>
    %add3A_488 = arith.addf %select_n3A_480, %select_n3A_487 : vector<128xf32>
    %swap3A_489 = arith.constant 5 : index
    %swap3A_490 = arith.constant 0 : index
    %swap3A_491 = arith.constant 0 : index
    %swap3A_492 = vector.load %arg4[%swap3A_489, %swap3A_490, %swap3A_491] : memref<8x1x128xf32, #tpu.memory_space<vmem>>, vector<1x1x128xf32>
    %swap3A_493 = vector.shape_cast %swap3A_492 : vector<1x1x128xf32> to vector<128xf32>
    %swap3A_494 = vector.shape_cast %add3A_488 : vector<128xf32> to vector<1x1x128xf32>
    tpu.vector_store %arg4[%swap3A_489, %swap3A_490, %swap3A_491], %swap3A_494 {strides = array<i32>} : memref<8x1x128xf32, #tpu.memory_space<vmem>>, vector<1x1x128xf32>,
    %broadcast_in_dim3A_495 = vector.broadcast %min3A_464 : f32 to vector<16xf32>
    %swap3A_496 = arith.constant 5 : index
    %swap3A_497 = arith.constant 0 : index
    %swap3A_498 = arith.constant 0 : index
    %swap3A_499 = vector.load %arg5[%swap3A_496, %swap3A_497, %swap3A_498] : memref<8x1x16xf32, #tpu.memory_space<vmem>>, vector<1x1x16xf32>
    %swap3A_500 = vector.shape_cast %swap3A_499 : vector<1x1x16xf32> to vector<16xf32>
    %swap3A_501 = vector.shape_cast %broadcast_in_dim3A_495 : vector<16xf32> to vector<1x1x16xf32>
    tpu.vector_store %arg5[%swap3A_496, %swap3A_497, %swap3A_498], %swap3A_501 {strides = array<i32>} : memref<8x1x16xf32, #tpu.memory_space<vmem>>, vector<1x1x16xf32>,
    %get3A_502 = arith.constant 6 : index
    %get3A_503 = arith.constant 0 : index
    %get3A_504 = arith.constant 0 : index
    %get3A_505 = vector.load %arg1[%get3A_502, %get3A_503, %get3A_504] : memref<8x21x8732xf32, #tpu.memory_space<vmem>>, vector<1x21x8732xf32>
    %get3A_506 = vector.shape_cast %get3A_505 : vector<1x21x8732xf32> to vector<21x8732xf32>
    %get3A_507 = arith.constant 6 : index
    %get3A_508 = arith.constant 0 : index
    %get3A_509 = arith.constant 0 : index
    %get3A_510 = vector.load %arg2[%get3A_507, %get3A_508, %get3A_509] : memref<8x1x8732xi32, #tpu.memory_space<vmem>>, vector<1x1x8732xi32>
    %get3A_511 = vector.shape_cast %get3A_510 : vector<1x1x8732xi32> to vector<8732xi32>
    %exp3A_512 = math.exp %get3A_506 : vector<21x8732xf32>
    %reduce_sum3A_513 = arith.constant dense<0.000000e+00> : vector<8732xf32>
    %reduce_sum3A_514 = vector.multi_reduction <add>, %exp3A_512, %reduce_sum3A_513 [0] : vector<21x8732xf32> to vector<8732xf32>
    %log3A_515 = math.log %reduce_sum3A_514 : vector<8732xf32>
    %broadcast_in_dim3A_516 = vector.shape_cast %get3A_511 : vector<8732xi32> to vector<1x8732xi32>
    %eq3A_517 = vector.broadcast %broadcast_in_dim3A_516 : vector<1x8732xi32> to vector<21x8732xi32>
    %eq3A_518 = arith.cmpi eq, %iota3A_1, %eq3A_517 : vector<21x8732xi32>
    %jit3A_519 = arith.constant 0.000000e+00 : f32
    %broadcast_in_dim3A_520 = vector.broadcast %jit3A_519 : f32 to vector<21x8732xf32>
    %select_n3A_521 = arith.select %eq3A_518, %get3A_506, %broadcast_in_dim3A_520 : vector<21x8732xi1>, vector<21x8732xf32>
    %reduce_sum3A_522 = arith.constant dense<0.000000e+00> : vector<8732xf32>
    %reduce_sum3A_523 = vector.multi_reduction <add>, %select_n3A_521, %reduce_sum3A_522 [0] : vector<21x8732xf32> to vector<8732xf32>
    %sub3A_524 = arith.subf %log3A_515, %reduce_sum3A_523 : vector<8732xf32>
    %eq3A_525 = arith.constant 1 : i32
    %eq3A_526 = vector.broadcast %eq3A_525 : i32 to vector<8732xi32>
    %eq3A_527 = arith.cmpi eq, %get3A_511, %eq3A_526 : vector<8732xi32>
    %convert_element_type3A_528 = arith.extui %eq3A_527 : vector<8732xi1> to vector<8732xi32>
    %convert_element_type3A_529 = arith.sitofp %convert_element_type3A_528 : vector<8732xi32> to vector<8732xf32>
    %jit3A_530 = arith.constant 0.000000e+00 : f32
    %broadcast_in_dim3A_531 = vector.broadcast %jit3A_530 : f32 to vector<8732xf32>
    %select_n3A_532 = arith.select %eq3A_527, %broadcast_in_dim3A_531, %sub3A_524 : vector<8732xi1>, vector<8732xf32>
    %max3A_533 = arith.constant 0.000000e+00 : f32
    %max3A_534 = vector.broadcast %max3A_533 : f32 to vector<8732xf32>
    %max3A_535 = arith.maximumf %select_n3A_532, %max3A_534 : vector<8732xf32>
    %reduce_sum3A_536 = vector.shape_cast %convert_element_type3A_529 : vector<8732xf32> to vector<1x8732xf32>
    %reduce_sum3A_537 = arith.constant dense<0.000000e+00> : vector<1xf32>
    %reduce_sum3A_538 = vector.multi_reduction <add>, %reduce_sum3A_536, %reduce_sum3A_537 [1] : vector<1x8732xf32> to vector<1xf32>
    %reduce_sum3A_539 = vector.shape_cast %reduce_sum3A_538 : vector<1xf32> to vector<1x1xf32>
    %reduce_sum3A_540 = vector.extract %reduce_sum3A_539[0, 0] : f32 from vector<1x1xf32>
    %mul3A_541 = arith.mulf %sub3A_524, %convert_element_type3A_529 : vector<8732xf32>
    %reduce_sum3A_542 = vector.shape_cast %mul3A_541 : vector<8732xf32> to vector<1x8732xf32>
    %reduce_sum3A_543 = arith.constant dense<0.000000e+00> : vector<1xf32>
    %reduce_sum3A_544 = vector.multi_reduction <add>, %reduce_sum3A_542, %reduce_sum3A_543 [1] : vector<1x8732xf32> to vector<1xf32>
    %reduce_sum3A_545 = vector.shape_cast %reduce_sum3A_544 : vector<1xf32> to vector<1x1xf32>
    %reduce_sum3A_546 = vector.extract %reduce_sum3A_545[0, 0] : f32 from vector<1x1xf32>
    %mul3A_547 = arith.constant 3.000000e+00 : f32
    %mul3A_548 = arith.mulf %mul3A_547, %reduce_sum3A_540 : f32
    %min3A_549 = arith.constant 8.731000e+03 : f32
    %min3A_550 = arith.minimumf %mul3A_548, %min3A_549 : f32
    %broadcast_in_dim3A_551 = arith.constant 0.000000e+00 : f32
    %broadcast_in_dim3A_552 = vector.broadcast %broadcast_in_dim3A_551 : f32 to vector<4xf32>
    %concatenate3A_553 = tpu.concatenate %max3A_535, %broadcast_in_dim3A_552 in 0 : vector<8732xf32>, vector<4xf32> -> vector<8736xf32>
    %swap3A_554 = arith.constant 6 : index
    %swap3A_555 = arith.constant 0 : index
    %swap3A_556 = arith.constant 0 : index
    %swap3A_557 = vector.load %arg3[%swap3A_554, %swap3A_555, %swap3A_556] : memref<8x1x8736xf32, #tpu.memory_space<vmem>>, vector<1x1x8736xf32>
    %swap3A_558 = vector.shape_cast %swap3A_557 : vector<1x1x8736xf32> to vector<8736xf32>
    %swap3A_559 = vector.shape_cast %concatenate3A_553 : vector<8736xf32> to vector<1x1x8736xf32>
    tpu.vector_store %arg3[%swap3A_554, %swap3A_555, %swap3A_556], %swap3A_559 {strides = array<i32>} : memref<8x1x8736xf32, #tpu.memory_space<vmem>>, vector<1x1x8736xf32>,
    %eq3A_560 = arith.constant 0 : i32
    %eq3A_561 = vector.broadcast %eq3A_560 : i32 to vector<128xi32>
    %eq3A_562 = arith.cmpi eq, %iota3A_0, %eq3A_561 : vector<128xi32>
    %jit3A_563 = arith.constant 0.000000e+00 : f32
    %broadcast_in_dim3A_564 = vector.broadcast %reduce_sum3A_546 : f32 to vector<128xf32>
    %broadcast_in_dim3A_565 = vector.broadcast %jit3A_563 : f32 to vector<128xf32>
    %select_n3A_566 = arith.select %eq3A_562, %broadcast_in_dim3A_564, %broadcast_in_dim3A_565 : vector<128xi1>, vector<128xf32>
    %eq3A_567 = arith.constant 1 : i32
    %eq3A_568 = vector.broadcast %eq3A_567 : i32 to vector<128xi32>
    %eq3A_569 = arith.cmpi eq, %iota3A_0, %eq3A_568 : vector<128xi32>
    %jit3A_570 = arith.constant 0.000000e+00 : f32
    %broadcast_in_dim3A_571 = vector.broadcast %reduce_sum3A_540 : f32 to vector<128xf32>
    %broadcast_in_dim3A_572 = vector.broadcast %jit3A_570 : f32 to vector<128xf32>
    %select_n3A_573 = arith.select %eq3A_569, %broadcast_in_dim3A_571, %broadcast_in_dim3A_572 : vector<128xi1>, vector<128xf32>
    %add3A_574 = arith.addf %select_n3A_566, %select_n3A_573 : vector<128xf32>
    %swap3A_575 = arith.constant 6 : index
    %swap3A_576 = arith.constant 0 : index
    %swap3A_577 = arith.constant 0 : index
    %swap3A_578 = vector.load %arg4[%swap3A_575, %swap3A_576, %swap3A_577] : memref<8x1x128xf32, #tpu.memory_space<vmem>>, vector<1x1x128xf32>
    %swap3A_579 = vector.shape_cast %swap3A_578 : vector<1x1x128xf32> to vector<128xf32>
    %swap3A_580 = vector.shape_cast %add3A_574 : vector<128xf32> to vector<1x1x128xf32>
    tpu.vector_store %arg4[%swap3A_575, %swap3A_576, %swap3A_577], %swap3A_580 {strides = array<i32>} : memref<8x1x128xf32, #tpu.memory_space<vmem>>, vector<1x1x128xf32>,
    %broadcast_in_dim3A_581 = vector.broadcast %min3A_550 : f32 to vector<16xf32>
    %swap3A_582 = arith.constant 6 : index
    %swap3A_583 = arith.constant 0 : index
    %swap3A_584 = arith.constant 0 : index
    %swap3A_585 = vector.load %arg5[%swap3A_582, %swap3A_583, %swap3A_584] : memref<8x1x16xf32, #tpu.memory_space<vmem>>, vector<1x1x16xf32>
    %swap3A_586 = vector.shape_cast %swap3A_585 : vector<1x1x16xf32> to vector<16xf32>
    %swap3A_587 = vector.shape_cast %broadcast_in_dim3A_581 : vector<16xf32> to vector<1x1x16xf32>
    tpu.vector_store %arg5[%swap3A_582, %swap3A_583, %swap3A_584], %swap3A_587 {strides = array<i32>} : memref<8x1x16xf32, #tpu.memory_space<vmem>>, vector<1x1x16xf32>,
    %get3A_588 = arith.constant 7 : index
    %get3A_589 = arith.constant 0 : index
    %get3A_590 = arith.constant 0 : index
    %get3A_591 = vector.load %arg1[%get3A_588, %get3A_589, %get3A_590] : memref<8x21x8732xf32, #tpu.memory_space<vmem>>, vector<1x21x8732xf32>
    %get3A_592 = vector.shape_cast %get3A_591 : vector<1x21x8732xf32> to vector<21x8732xf32>
    %get3A_593 = arith.constant 7 : index
    %get3A_594 = arith.constant 0 : index
    %get3A_595 = arith.constant 0 : index
    %get3A_596 = vector.load %arg2[%get3A_593, %get3A_594, %get3A_595] : memref<8x1x8732xi32, #tpu.memory_space<vmem>>, vector<1x1x8732xi32>
    %get3A_597 = vector.shape_cast %get3A_596 : vector<1x1x8732xi32> to vector<8732xi32>
    %exp3A_598 = math.exp %get3A_592 : vector<21x8732xf32>
    %reduce_sum3A_599 = arith.constant dense<0.000000e+00> : vector<8732xf32>
    %reduce_sum3A_600 = vector.multi_reduction <add>, %exp3A_598, %reduce_sum3A_599 [0] : vector<21x8732xf32> to vector<8732xf32>
    %log3A_601 = math.log %reduce_sum3A_600 : vector<8732xf32>
    %broadcast_in_dim3A_602 = vector.shape_cast %get3A_597 : vector<8732xi32> to vector<1x8732xi32>
    %eq3A_603 = vector.broadcast %broadcast_in_dim3A_602 : vector<1x8732xi32> to vector<21x8732xi32>
    %eq3A_604 = arith.cmpi eq, %iota3A_1, %eq3A_603 : vector<21x8732xi32>
    %jit3A_605 = arith.constant 0.000000e+00 : f32
    %broadcast_in_dim3A_606 = vector.broadcast %jit3A_605 : f32 to vector<21x8732xf32>
    %select_n3A_607 = arith.select %eq3A_604, %get3A_592, %broadcast_in_dim3A_606 : vector<21x8732xi1>, vector<21x8732xf32>
    %reduce_sum3A_608 = arith.constant dense<0.000000e+00> : vector<8732xf32>
    %reduce_sum3A_609 = vector.multi_reduction <add>, %select_n3A_607, %reduce_sum3A_608 [0] : vector<21x8732xf32> to vector<8732xf32>
    %sub3A_610 = arith.subf %log3A_601, %reduce_sum3A_609 : vector<8732xf32>
    %eq3A_611 = arith.constant 1 : i32
    %eq3A_612 = vector.broadcast %eq3A_611 : i32 to vector<8732xi32>
    %eq3A_613 = arith.cmpi eq, %get3A_597, %eq3A_612 : vector<8732xi32>
    %convert_element_type3A_614 = arith.extui %eq3A_613 : vector<8732xi1> to vector<8732xi32>
    %convert_element_type3A_615 = arith.sitofp %convert_element_type3A_614 : vector<8732xi32> to vector<8732xf32>
    %jit3A_616 = arith.constant 0.000000e+00 : f32
    %broadcast_in_dim3A_617 = vector.broadcast %jit3A_616 : f32 to vector<8732xf32>
    %select_n3A_618 = arith.select %eq3A_613, %broadcast_in_dim3A_617, %sub3A_610 : vector<8732xi1>, vector<8732xf32>
    %max3A_619 = arith.constant 0.000000e+00 : f32
    %max3A_620 = vector.broadcast %max3A_619 : f32 to vector<8732xf32>
    %max3A_621 = arith.maximumf %select_n3A_618, %max3A_620 : vector<8732xf32>
    %reduce_sum3A_622 = vector.shape_cast %convert_element_type3A_615 : vector<8732xf32> to vector<1x8732xf32>
    %reduce_sum3A_623 = arith.constant dense<0.000000e+00> : vector<1xf32>
    %reduce_sum3A_624 = vector.multi_reduction <add>, %reduce_sum3A_622, %reduce_sum3A_623 [1] : vector<1x8732xf32> to vector<1xf32>
    %reduce_sum3A_625 = vector.shape_cast %reduce_sum3A_624 : vector<1xf32> to vector<1x1xf32>
    %reduce_sum3A_626 = vector.extract %reduce_sum3A_625[0, 0] : f32 from vector<1x1xf32>
    %mul3A_627 = arith.mulf %sub3A_610, %convert_element_type3A_615 : vector<8732xf32>
    %reduce_sum3A_628 = vector.shape_cast %mul3A_627 : vector<8732xf32> to vector<1x8732xf32>
    %reduce_sum3A_629 = arith.constant dense<0.000000e+00> : vector<1xf32>
    %reduce_sum3A_630 = vector.multi_reduction <add>, %reduce_sum3A_628, %reduce_sum3A_629 [1] : vector<1x8732xf32> to vector<1xf32>
    %reduce_sum3A_631 = vector.shape_cast %reduce_sum3A_630 : vector<1xf32> to vector<1x1xf32>
    %reduce_sum3A_632 = vector.extract %reduce_sum3A_631[0, 0] : f32 from vector<1x1xf32>
    %mul3A_633 = arith.constant 3.000000e+00 : f32
    %mul3A_634 = arith.mulf %mul3A_633, %reduce_sum3A_626 : f32
    %min3A_635 = arith.constant 8.731000e+03 : f32
    %min3A_636 = arith.minimumf %mul3A_634, %min3A_635 : f32
    %broadcast_in_dim3A_637 = arith.constant 0.000000e+00 : f32
    %broadcast_in_dim3A_638 = vector.broadcast %broadcast_in_dim3A_637 : f32 to vector<4xf32>
    %concatenate3A_639 = tpu.concatenate %max3A_621, %broadcast_in_dim3A_638 in 0 : vector<8732xf32>, vector<4xf32> -> vector<8736xf32>
    %swap3A_640 = arith.constant 7 : index
    %swap3A_641 = arith.constant 0 : index
    %swap3A_642 = arith.constant 0 : index
    %swap3A_643 = vector.load %arg3[%swap3A_640, %swap3A_641, %swap3A_642] : memref<8x1x8736xf32, #tpu.memory_space<vmem>>, vector<1x1x8736xf32>
    %swap3A_644 = vector.shape_cast %swap3A_643 : vector<1x1x8736xf32> to vector<8736xf32>
    %swap3A_645 = vector.shape_cast %concatenate3A_639 : vector<8736xf32> to vector<1x1x8736xf32>
    tpu.vector_store %arg3[%swap3A_640, %swap3A_641, %swap3A_642], %swap3A_645 {strides = array<i32>} : memref<8x1x8736xf32, #tpu.memory_space<vmem>>, vector<1x1x8736xf32>,
    %eq3A_646 = arith.constant 0 : i32
    %eq3A_647 = vector.broadcast %eq3A_646 : i32 to vector<128xi32>
    %eq3A_648 = arith.cmpi eq, %iota3A_0, %eq3A_647 : vector<128xi32>
    %jit3A_649 = arith.constant 0.000000e+00 : f32
    %broadcast_in_dim3A_650 = vector.broadcast %reduce_sum3A_632 : f32 to vector<128xf32>
    %broadcast_in_dim3A_651 = vector.broadcast %jit3A_649 : f32 to vector<128xf32>
    %select_n3A_652 = arith.select %eq3A_648, %broadcast_in_dim3A_650, %broadcast_in_dim3A_651 : vector<128xi1>, vector<128xf32>
    %eq3A_653 = arith.constant 1 : i32
    %eq3A_654 = vector.broadcast %eq3A_653 : i32 to vector<128xi32>
    %eq3A_655 = arith.cmpi eq, %iota3A_0, %eq3A_654 : vector<128xi32>
    %jit3A_656 = arith.constant 0.000000e+00 : f32
    %broadcast_in_dim3A_657 = vector.broadcast %reduce_sum3A_626 : f32 to vector<128xf32>
    %broadcast_in_dim3A_658 = vector.broadcast %jit3A_656 : f32 to vector<128xf32>
    %select_n3A_659 = arith.select %eq3A_655, %broadcast_in_dim3A_657, %broadcast_in_dim3A_658 : vector<128xi1>, vector<128xf32>
    %add3A_660 = arith.addf %select_n3A_652, %select_n3A_659 : vector<128xf32>
    %swap3A_661 = arith.constant 7 : index
    %swap3A_662 = arith.constant 0 : index
    %swap3A_663 = arith.constant 0 : index
    %swap3A_664 = vector.load %arg4[%swap3A_661, %swap3A_662, %swap3A_663] : memref<8x1x128xf32, #tpu.memory_space<vmem>>, vector<1x1x128xf32>
    %swap3A_665 = vector.shape_cast %swap3A_664 : vector<1x1x128xf32> to vector<128xf32>
    %swap3A_666 = vector.shape_cast %add3A_660 : vector<128xf32> to vector<1x1x128xf32>
    tpu.vector_store %arg4[%swap3A_661, %swap3A_662, %swap3A_663], %swap3A_666 {strides = array<i32>} : memref<8x1x128xf32, #tpu.memory_space<vmem>>, vector<1x1x128xf32>,
    %broadcast_in_dim3A_667 = vector.broadcast %min3A_636 : f32 to vector<16xf32>
    %swap3A_668 = arith.constant 7 : index
    %swap3A_669 = arith.constant 0 : index
    %swap3A_670 = arith.constant 0 : index
    %swap3A_671 = vector.load %arg5[%swap3A_668, %swap3A_669, %swap3A_670] : memref<8x1x16xf32, #tpu.memory_space<vmem>>, vector<1x1x16xf32>
    %swap3A_672 = vector.shape_cast %swap3A_671 : vector<1x1x16xf32> to vector<16xf32>
    %swap3A_673 = vector.shape_cast %broadcast_in_dim3A_667 : vector<16xf32> to vector<1x1x16xf32>
    tpu.vector_store %arg5[%swap3A_668, %swap3A_669, %swap3A_670], %swap3A_673 {strides = array<i32>} : memref<8x1x16xf32, #tpu.memory_space<vmem>>, vector<1x1x16xf32>,
    return
  }
  func.func @transform_0(%arg0: i32) -> (i32, i32, i32) {
    %c0_i32 = arith.constant 0 : i32
    %c0_i32_0 = arith.constant 0 : i32
    %c0_i32_1 = arith.constant 0 : i32
    return %arg0, %c0_i32, %c0_i32_0 : i32, i32, i32
  }
  func.func @transform_1(%arg0: i32) -> (i32, i32, i32) {
    %c0_i32 = arith.constant 0 : i32
    %c0_i32_0 = arith.constant 0 : i32
    %c0_i32_1 = arith.constant 0 : i32
    return %arg0, %c0_i32, %c0_i32_0 : i32, i32, i32
  }
  func.func @transform_2(%arg0: i32) -> (i32, i32, i32) {
    %c0_i32 = arith.constant 0 : i32
    %c0_i32_0 = arith.constant 0 : i32
    %c0_i32_1 = arith.constant 0 : i32
    return %arg0, %c0_i32, %c0_i32_0 : i32, i32, i32
  }
  func.func @transform_3(%arg0: i32) -> (i32, i32, i32) {
    %c0_i32 = arith.constant 0 : i32
    %c0_i32_0 = arith.constant 0 : i32
    %c0_i32_1 = arith.constant 0 : i32
    return %arg0, %c0_i32, %c0_i32_0 : i32, i32, i32
  }
  func.func @transform_4(%arg0: i32) -> (i32, i32, i32) {
    %c0_i32 = arith.constant 0 : i32
    %c0_i32_0 = arith.constant 0 : i32
    %c0_i32_1 = arith.constant 0 : i32
    return %arg0, %c0_i32, %c0_i32_0 : i32, i32, i32
  }
}

module attributes {stable_mosaic.version = 14 : i64} {
  func.func @_finalize_body(%arg0: memref<128x128xf32, #tpu.memory_space<vmem>>, %arg1: memref<32x16xf32, #tpu.memory_space<vmem>>, %arg2: memref<1x1xf32, #tpu.memory_space<smem>>) attributes {dimension_semantics = [], scalar_prefetch = 0 : i64, scratch_operands = 0 : i64, tpu.core_type = #tpu.core_type<tc>} {
    %get3A = arith.constant 0 : index
    %get3A_0 = arith.constant 0 : index
    %get3A_1 = vector.load %arg0[%get3A, %get3A_0] : memref<128x128xf32, #tpu.memory_space<vmem>>, vector<128x128xf32>
    %slice3A = vector.extract_strided_slice %get3A_1 {offsets = [0, 1], sizes = [128, 1], strides = [1, 1]} : vector<128x128xf32> to vector<128x1xf32>
    %squeeze3A = vector.shape_cast %slice3A : vector<128x1xf32> to vector<128xf32>
    %reduce_sum3A = vector.shape_cast %squeeze3A : vector<128xf32> to vector<1x128xf32>
    %reduce_sum3A_2 = arith.constant dense<0.000000e+00> : vector<1xf32>
    %reduce_sum3A_3 = vector.multi_reduction <add>, %reduce_sum3A, %reduce_sum3A_2 [1] : vector<1x128xf32> to vector<1xf32>
    %reduce_sum3A_4 = vector.shape_cast %reduce_sum3A_3 : vector<1xf32> to vector<1x1xf32>
    %reduce_sum3A_5 = vector.extract %reduce_sum3A_4[0, 0] : f32 from vector<1x1xf32>
    %slice3A_6 = vector.extract_strided_slice %get3A_1 {offsets = [0, 0], sizes = [128, 1], strides = [1, 1]} : vector<128x128xf32> to vector<128x1xf32>
    %squeeze3A_7 = vector.shape_cast %slice3A_6 : vector<128x1xf32> to vector<128xf32>
    %reduce_sum3A_8 = vector.shape_cast %squeeze3A_7 : vector<128xf32> to vector<1x128xf32>
    %reduce_sum3A_9 = arith.constant dense<0.000000e+00> : vector<1xf32>
    %reduce_sum3A_10 = vector.multi_reduction <add>, %reduce_sum3A_8, %reduce_sum3A_9 [1] : vector<1x128xf32> to vector<1xf32>
    %reduce_sum3A_11 = vector.shape_cast %reduce_sum3A_10 : vector<1xf32> to vector<1x1xf32>
    %reduce_sum3A_12 = vector.extract %reduce_sum3A_11[0, 0] : f32 from vector<1x1xf32>
    %get3A_13 = arith.constant 0 : index
    %get3A_14 = arith.constant 0 : index
    %get3A_15 = vector.load %arg1[%get3A_13, %get3A_14] : memref<32x16xf32, #tpu.memory_space<vmem>>, vector<32x16xf32>
    %slice3A_16 = vector.extract_strided_slice %get3A_15 {offsets = [0, 0], sizes = [32, 4], strides = [1, 1]} : vector<32x16xf32> to vector<32x4xf32>
    %reduce_sum3A_17 = vector.shape_cast %slice3A_16 : vector<32x4xf32> to vector<1x32x4xf32>
    %reduce_sum3A_18 = arith.constant dense<0.000000e+00> : vector<1xf32>
    %reduce_sum3A_19 = vector.multi_reduction <add>, %reduce_sum3A_17, %reduce_sum3A_18 [1, 2] : vector<1x32x4xf32> to vector<1xf32>
    %reduce_sum3A_20 = vector.shape_cast %reduce_sum3A_19 : vector<1xf32> to vector<1x1x1xf32>
    %reduce_sum3A_21 = vector.extract %reduce_sum3A_20[0, 0, 0] : f32 from vector<1x1x1xf32>
    %add3A = arith.addf %reduce_sum3A_12, %reduce_sum3A_21 : f32
    %max3A = arith.constant 1.000000e+00 : f32
    %max3A_22 = arith.maximumf %reduce_sum3A_5, %max3A : f32
    %div3A = arith.divf %add3A, %max3A_22 : f32
    %swap3A = arith.constant 0 : index
    %swap3A_23 = arith.constant 0 : index
    %swap3A_24 = memref.load %arg2[%swap3A, %swap3A_23] : memref<1x1xf32, #tpu.memory_space<smem>>
    memref.store %div3A, %arg2[%swap3A, %swap3A_23] : memref<1x1xf32, #tpu.memory_space<smem>>
    return
  }
}

</mosaic_0001>

<sc_bundles>
// kernel: kernel.5.cloned.1.call-start
scs
__scs_entry_jumppad:
0x0: {  	(pc) =	sbr.rel $0x88, $3  }
0x1: {  	(tag) =	ssettag $0x0;
	lr =	simm.s32 $0x1  }
0x2: {  	[smem:$0x3F9F] =	sst lr;
	_ =	strace $0xD0000000  }
0x3: {  	_ = 	snop  }
0x4: {  	_ = 	snop  }
0x5: {  	_ = 	snop  }
0x6: {  	_ = 	snop  }
0x7: {  	_ = 	snop  }
__scs_overlays_trampoline_lowered:
0x8: {  	[smem:$0x3FAE] =	sst s0  }
0x9: {  	[smem:$0x3FAF] =	sst s1  }
0xa: {  	[smem:$0x3FB0] =	sst s2  }
0xb: {  	[smem:$0x3FB1] =	sst s3  }
0xc: {  	[smem:$0x3FB2] =	sst s4  }
0xd: {  	[smem:$0x3FB3] =	sst s5  }
0xe: {  	[smem:$0x3FB4] =	sst s6  }
0xf: {  	[smem:$0x3FB5] =	sst s7  }
0x10: {  	[smem:$0x3FB6] =	sst s8  }
0x11: {  	[smem:$0x3FB7] =	sst s9;
	s0 =	simm.s32 @!p0 $0x0  }
0x12: {  	s1 =	sld [smem:$0x3F9D];
	s0 =	simm.s32 @p0 $0x1  }
0x13: {  	[smem:$0x3FB8] =	sst s0;
	s0 =	simm.s32 @!p1 $0x0  }
0x14: {  	s2 =	sld [smem:$0x3F9C];
	s0 =	simm.s32 @p1 $0x1  }
0x15: {  	[smem:$0x3FB9] =	sst s0;
	s0 =	simm.s32 @!p2 $0x0  }
0x16: {  	s3 =	sld [smem:$0x3FDB];
	s0 =	simm.s32 @p2 $0x1  }
0x17: {  	s4 =	simm.s32 $0x1BF5;
	[smem:$0x3FBB] =	sst s0  }
0x18: {  	s0 =	sld [smem:$0x3F9E];
	_ =	swait.ge [sflag:s4], $0x0  }
0x19: {  	s7 =	sld [smem:$0x3F9F]  }
0x1a: {  	s8 =	sadd.s32 $0xFFFFE003, lr  }
0x1b: {  	s9 =	sadd.s32 $0xFFFFFEF7, lr;
	s5 =	simm.s32 $0xFFFFFFFF;
	p2 =	slt.u32 s8, $0xFFFFF086  }
0x1c: {  	p1 =	slt.u32 s9, $0xF7A;
	s5 =	simm.s32 @!p2 $0x0  }
0x1d: {  	s5 =	simm.s32 @p1 $0x1;
	p0 =	seq.s32 s7, s2  }
0x1e: {  	s7 =	smul.u32 @!p0 $0xF7A, s2;
	p2 =	seq.s32 @!p0 s5, $0x0  }
0x1f: {  	s9 =	smul.u32 $0xF7A, s1;
	s8 =	simm.s32 @!p0 $0x1BF5;
	p2 =	por !p2, p0  }
0x20: {  	[sflag:s8] =	ssyncset.s32 @!p0 $0xFFFFF086;
	s6 =	sadd.s32 @!p0 s3, s7;
	s7 =	simm.s32 @!p0 $0x108  }
0x21: {  	s3 =	sadd.s32 s3, s9;
	s6 =	sadd.s32 @!p0 $0x88, s6;
	s7 =	simm.s32 @p2 $0x1082  }
0x22: {  	[simem:s7], [sflag:s8] =	dma.local @!p0 [hbm:s6], $0xF7A  }
0x23: {  	s9 =	sor.u32 $0xD0000000, s2;
	s6 =	simm.s32 $0x108;
	_ =	swait.ge @!p0 [sflag:s8], $0x0  }
0x24: {  	s3 =	sadd.s32 $0x88, s3;
	s6 =	simm.s32 @!p1 $0x1082;
	[sflag:s4] =	ssyncset.s32 $0xFFFFF086  }
0x25: {  	[simem:s6], [sflag:s4] =	dma.local [hbm:s3], $0xF7A  }
0x26: {  	[smem:$0x3F9F] =	sst s1;
	(tag) =	ssettag s2;
	_ =	strace s9  }
0x27: {  	s1 =	sld [smem:$0x3FAF]  }
0x28: {  	s2 =	sld [smem:$0x3FB0]  }
0x29: {  	s4 =	sld [smem:$0x3FB2]  }
0x2a: {  	p0 =	seq.s32 s5, $0x0;
	s5 =	sld [smem:$0x3FB3]  }
0x2b: {  	s6 =	sld [smem:$0x3FB4]  }
0x2c: {  	s7 =	sld [smem:$0x3FB5]  }
0x2d: {  	s3 =	simm.s32 $0x108;
	s8 =	sld [smem:$0x3FB6]  }
0x2e: {  	s3 =	simm.s32 @!p0 $0x1082;
	s9 =	sld [smem:$0x3FB7]  }
0x2f: {  	lr =	sadd.s32 s0, s3;
	s0 =	sld [smem:$0x3FAE]  }
0x30: {  	s3 =	sld [smem:$0x3FB1]  }
0x31: {  	[smem:$0x3FBA] =	sst s10  }
0x32: {  	s10 =	sld [smem:$0x3FB8];
	_ =	sdelay $0x3  }
0x33: {  	p0 =	seq.s32 s10, $0x1;
	s10 =	sld [smem:$0x3FBA];
	_ =	sdelay $0x3  }
0x34: {  	[smem:$0x3FBA] =	sst s10  }
0x35: {  	s10 =	sld [smem:$0x3FB9];
	_ =	sdelay $0x3  }
0x36: {  	p1 =	seq.s32 s10, $0x1;
	s10 =	sld [smem:$0x3FBA];
	_ =	sdelay $0x3  }
0x37: {  	[smem:$0x3FBA] =	sst s10  }
0x38: {  	s10 =	sld [smem:$0x3FBB]  }
0x39: {  	_ = 	snop;
	(pc) =	sbr.ind lr, $3  }
0x3a: {  	_ = 	snop  }
0x3b: {  	_ = 	snop  }
0x3c: {  	p2 =	seq.s32 s10, $0x1;
	s10 =	sld [smem:$0x3FBA]  }
0x3d: {  	_ =	shalt  }
0x3e: {  	_ =	shalt  }
0x3f: {  	_ =	shalt  }
0x40: {  	_ =	shalt  }
0x41: {  	_ =	shalt  }
0x42: {  	_ =	shalt  }
0x43: {  	_ =	shalt  }
0x44: {  	_ =	shalt  }
0x45: {  	_ =	shalt  }
0x46: {  	_ =	shalt  }
0x47: {  	_ =	shalt  }
0x48: {  	_ =	shalt  }
0x49: {  	_ =	shalt  }
0x4a: {  	_ =	shalt  }
0x4b: {  	_ =	shalt  }
0x4c: {  	_ =	shalt  }
0x4d: {  	_ =	shalt  }
0x4e: {  	_ =	shalt  }
0x4f: {  	_ =	shalt  }
0x50: {  	_ =	shalt  }
0x51: {  	_ =	shalt  }
0x52: {  	_ =	shalt  }
0x53: {  	_ =	shalt  }
0x54: {  	_ =	shalt  }
0x55: {  	_ =	shalt  }
0x56: {  	_ =	shalt  }
0x57: {  	_ =	shalt  }
0x58: {  	_ =	shalt  }
0x59: {  	_ =	shalt  }
0x5a: {  	_ =	shalt  }
0x5b: {  	_ =	shalt  }
0x5c: {  	_ =	shalt  }
0x5d: {  	_ =	shalt  }
0x5e: {  	_ =	shalt  }
0x5f: {  	_ =	shalt  }
0x60: {  	_ =	shalt  }
0x61: {  	_ =	shalt  }
0x62: {  	_ =	shalt  }
0x63: {  	_ =	shalt  }
0x64: {  	_ =	shalt  }
0x65: {  	_ =	shalt  }
0x66: {  	_ =	shalt  }
0x67: {  	_ =	shalt  }
0x68: {  	_ =	shalt  }
0x69: {  	_ =	shalt  }
0x6a: {  	_ =	shalt  }
0x6b: {  	_ =	shalt  }
0x6c: {  	_ =	shalt  }
0x6d: {  	_ =	shalt  }
0x6e: {  	_ =	shalt  }
0x6f: {  	_ =	shalt  }
0x70: {  	_ =	shalt  }
0x71: {  	_ =	shalt  }
0x72: {  	_ =	shalt  }
0x73: {  	_ =	shalt  }
0x74: {  	_ =	shalt  }
0x75: {  	_ =	shalt  }
0x76: {  	_ =	shalt  }
0x77: {  	_ =	shalt  }
0x78: {  	_ =	shalt  }
0x79: {  	_ =	shalt  }
0x7a: {  	_ =	shalt  }
0x7b: {  	_ =	shalt  }
0x7c: {  	_ =	shalt  }
0x7d: {  	_ =	shalt  }
0x7e: {  	_ =	shalt  }
0x7f: {  	_ =	shalt  }
0x80: {  	_ =	shalt  }
0x81: {  	_ =	shalt  }
0x82: {  	_ =	shalt  }
0x83: {  	_ =	shalt  }
0x84: {  	_ =	shalt  }
0x85: {  	_ =	shalt  }
0x86: {  	_ =	shalt  }
0x87: {  	_ =	shalt  }
.Lfunc_end0:
.L_simem_size_0:
called_computation_lowered:
.L_overlay_start_0:
0x88: {  	s2 =	sld [smem:$0x3FD9]  }
0x89: {  	s3 =	sld [smem:$0x3FFE];
	_ =	sdelay $0x1  }
0x8a: {  	s1 =	srdreg.scid  }
0x8b: {  	s0 =	sand.u32 $0x1, s1  }
0x8c: {  	s16 =	sshll.u32 s0, $0xA;
	s2 =	sadd.s32 s3, s2  }
0x8d: {  	s2 =	sadd.s32 s2, s16  }
0x8e: {  	[smem:$0x3FC6] =	sst s2  }
0x8f: {  	_ = 	snop  }
0x90: {  	(tm) =	ssettm $0x1  }
0x91: {  	s17 =	sld [smem:$0x3FFB];
	_ =	sdelay $0x3  }
0x92: {  	_ =	strace s17  }
0x93: {  	s2 =	sld [smem:$0x3FFC];
	_ =	sdelay $0x3  }
0x94: {  	_ =	strace s2  }
0x95: {  	s2 =	sld [smem:$0x3FFD];
	_ =	sdelay $0x3  }
0x96: {  	_ =	strace s2  }
0x97: {  	_ =	strace $0x8FFFFFFF  }
0x98: {  	s18 =	sld [smem:$0x3FDB];
	_ =	sdelay $0x1  }
0x99: {  	s19 =	simm.s32 $_scs_section_size  }
0x9a: {  	s4 =	simm.s32 $_size__tile_overlayer_lowered;
	s5 =	simm.s32 $_tile_overlayer_lowered  }
0x9b: {  	s22 =	simm.s32 $0x1BFF;
	s21 =	sshll.u32 s5, $0x1;
	s2 =	sadd.s32 s19, s18  }
0x9c: {  	s6 =	simm.s32 $0x0;
	s20 =	sshll.u32 s4, $0x1;
	s4 =	sadd.s32 s21, s2  }
0x9d: {  	[timem:s6], [sflag:s22] =	dma.local [hbm:s4], s20  }
0x9e: {  	_ =	swait.ge [sflag:s22], s20  }
0x9f: {  	s3 =	ssub.s32 $0x0, s20;
	[sflag:s22] =	ssyncset.done $0x0  }
0xa0: {  	[sflag:s22] =	ssyncadd.s32 s3;
	_ =	sdelay $0x1  }
0xa1: {  	s23 =	simm.s32 $0x1B8B  }
0xa2: {  	_ =	swait.ge [sflag:s23], $0x1  }
0xa3: {  	[sflag:s23] =	ssyncset.done $0x0  }
0xa4: {  	s25 =	simm.s32 $0x1B8E;
	s24 =	sld [smem:$0x3FFE];
	[sflag:s23] =	ssyncadd.s32 $0xFFFFFFFF  }
0xa5: {  	s26 =	simm.s32 $execute0_lowered;
	[smem:$0x3FD2] =	sst s25  }
0xa6: {  	s4 =	sshll.u32 s26, $0x1;
	_ =	strace $0x80000046;
	[dreg:$0x1] =	wrdreg $0xFFFFFFFF  }
0xa7: {  	s28 =	simm.s32 $_size_execute0_lowered;
	s2 =	sadd.s32 s2, s4;
	[dreg:$0x0] =	wrdreg $0x0  }
0xa8: {  	s4 =	sshll.u32 s28, $0x1;
	[dreg:$0x2] =	wrdreg s2  }
0xa9: {  	[dreg:$0x3] =	wrdreg s4  }
0xaa: {  	[dreg:$0x4] =	wrdreg $0xC0  }
0xab: {  	_ =	task [dreg:s6], $0x5FFFF  }
0xac: {  	[dreg:$0x1] =	wrdreg $0xFFFFFFFF  }
0xad: {  	[dreg:$0x0] =	wrdreg $0x60  }
0xae: {  	[dreg:$0x2] =	wrdreg s24  }
0xaf: {  	[dreg:$0x3] =	wrdreg $0x9  }
0xb0: {  	_ =	task.clear_ibuf [dreg:s6], $0x4FFFF;
	_ =	strace $0x90000046  }
0xb1: {  	s29 =	simm.s32 $0x9;
	_ =	strace $0x80000048  }
0xb2: {  	_ =	swait.ge [sflag:s29], $0x1  }
0xb3: {  	[sflag:s29] =	ssyncadd.s32 $0xFFFFFFFF  }
0xb4: {  	_ =	strace $0x90000048  }
0xb5: {  	_ =	sfence  }
0xb6: {  	s30 =	sld [smem:$0x0];
	_ =	sdelay $0x2  }
0xb7: {  	s31 =	sshll.u32 s1, $0xD;
	s1 =	sshrl.u32 s1, $0x2  }
0xb8: {  	s3 =	sand.u32 $0x4000, s31;
	s1 =	sadd.s32 s1, s30  }
0xb9: {  	s0 =	sor.u32 s3, s0;
	s1 =	sshll.u32 s1, $0x11  }
0xba: {  	s0 =	sor.u32 s1, s0  }
0xbb: {  	s0 =	sadd.s32 $0x8F2B, s0  }
0xbc: {  	[sflag:s0] =	ssyncadd.remote.s32 $0x1  }
0xbd: {  	_ =	sfence.sel $0xFFFF  }
0xbe: {  	[dreg:$0x0] =	wrdreg $0xFFFFFFFF;
	(pc) =	sbr.abs _section_cstart, $3  }
0xbf: {  	[dreg:$0x1] =	wrdreg $0xFFFFFFFF  }
0xc0: {  	_ =	task.clear_ibuf [dreg:s6], $0x2FFFF;
	_ =	strace $0x9FFFFFFF  }
0xc1: {  	(tm) =	ssettm $0x7FFFFFFF  }
tec
execute0_lowered:
.L_overlay_start_1:
0x0: {  	(tag) =	ssettag $0x1  }
0x1: {  	s0 =	srdreg.scid  }
0x2: {  	s6 =	stileid.u32;
	s1 =	rddreg [dreg:$0x0]  }
0x3: {  	s2 =	simm.s32 $0x0;
	s9 =	simm.s32 $0x1;
	s11 =	simm.s32 $0x8C00  }
0x4: {  	s12 =	simm.s32 $0x0;
	s0 =	sand.u32 $0x1, s0;
	s3 =	smul.u32 $0x11400, s6  }
0x5: {  	s5 =	sshll.u32 s6, $0xA;
	[smem:$0x7FF] =	sst s2;
	s6 =	sshll.u32 s6, $0x5  }
0x6: {  	s4 =	sshll.u32 s0, $0x9;
	_ =	strace $0x80000047;
	s30 =	sshll.u32 s0, $0x4  }
0x7: {  	s0 =	ssub.s32 $0x2, s0;
	s3 =	sor.u32 s4, s3;
	s4 =	sor.u32 s4, s5  }
0x8: {  	s31 =	sshrl.u32 s0, $0x1;
	s3 =	sshrl.u32 s3, $0x3;
	s4 =	sshrl.u32 s4, $0x3  }
0x9: {  	s3 =	sadd.s32 s3, s1;
	s4 =	sadd.s32 s4, s1;
	s1 =	sadd.s32 s30, s1  }
0xa: {  	s0 =	ssub.s32 s0, s31;
	s3 =	sadd.s32 $0x1200, s3;
	s1 =	sadd.s32 s6, s1  }
0xb: {  	v0 =	vimm.f32 $0.0e+00;
	s4 =	sadd.s32 $0xA00, s4;
	s6 =	smax.u32 s0, $0x1;
	s5 =	sadd.s32 $0x23A00, s1  }
.LBB2_1:
0xc: {  	s0 =	simm.s32 $0x200;
	s1 =	simm.s32 $0x400  }
0xd: {  	s26 =	simm.s32 $0x8A00;
	s14 =	simm.s32 $0x2C0;
	s13 =	simm.s32 $0x300  }
0xe: {  	s19 =	simm.s32 $0x1C0;
	s18 =	simm.s32 $0x240;
	s16 =	simm.s32 $0x280  }
0xf: {  	s24 =	simm.s32 $0x100;
	s23 =	simm.s32 $0x140;
	s21 =	simm.s32 $0x180  }
0x10: {  	[tilespmem:s2], [sflag:$0x1] =	stream.strided.gather [hbm4b:s3+s0], $0x8A00, s1, s0, $0x38;
	[tilespmem:$0x8D00] =	vst v63  }
0x11: {  	s31 =	sand.u32 $0xFE00, s2;
	s30 =	simm.s32 $0x80;
	_ =	swait.ge [sflag:s9], $0x8A00  }
0x12: {  	s28 =	simm.s32 $0xC0;
	s29 =	simm.s32 $0x40;
	[sflag:s9] =	ssyncset.done $0x0  }
0x13: {  	s22 =	simm.s32 $0x70;
	s17 =	simm.s32 $0xC0;
	[sflag:s9] =	ssyncadd.s32 $0xFFFF7600  }
0x14: {  	[tilespmem:s26], [sflag:$0x1] =	stream.linear.gather [hbm4b:s4+s2], $0x200, $0x38;
	[tilespmem:$0x8D00] =	vst v63  }
0x15: {  	s25 =	simm.s32 $0x60;
	s7 =	sand.u32 $0x70, s2;
	_ =	swait.ge [sflag:s9], $0x200  }
0x16: {  	s10 =	simm.s32 $0x10;
	s20 =	simm.s32 $0x340;
	[sflag:s9] =	ssyncset.done $0x0  }
0x17: {  	s15 =	simm.s32 $0x0;
	s0 =	simm.s32 $0x20;
	[sflag:s9] =	ssyncadd.s32 $0xFFFFFE00  }
0x18: {  	v2 =	vimm.f32 $0.0e+00;
	s1 =	simm.s32 $0x30;
	s8 =	sand.u32 $0x1FE00, s29;
	s26 =	simm.s32 $0x50;
	v1 =	vld [tilespmem:$0x8A00]  }
.LBB2_2:
0x19: {  	p0 =	sne.s32 s20, $0x8540;
	s7 =	sor.u32 s7, s31;
	s10 =	sand.u32 $0x70, s10  }
0x1a: {  	s0 =	sand.u32 $0x70, s0;
	v3 =	vld [tilespmem:s7+$0x0];
	s8 =	sor.u32 s10, s8;
	s10 =	sand.u32 $0x1FE00, s30  }
0x1b: {  	s1 =	sand.u32 $0x70, s1;
	v4 =	vld [tilespmem:s8+$0x0];
	s0 =	sor.u32 s0, s10;
	s8 =	sand.u32 $0x1FE00, s28  }
0x1c: {  	v5 =	vld [tilespmem:s0+$0x0];
	s0 =	sor.u32 s1, s8;
	s1 =	sand.u32 $0x70, s29;
	s8 =	sand.u32 $0x1FE00, s24  }
0x1d: {  	v6 =	vld [tilespmem:s0+$0x0];
	s0 =	sor.u32 s1, s8;
	s1 =	sand.u32 $0x70, s26;
	s8 =	sand.u32 $0x1FE00, s23  }
0x1e: {  	v7 =	vld [tilespmem:s0+$0x0];
	s0 =	sor.u32 s1, s8;
	s1 =	sand.u32 $0x70, s25;
	s8 =	sand.u32 $0x1FE00, s21  }
0x1f: {  	v2 =	vmax.f32 v2, v3;
	v3 =	vld [tilespmem:s0+$0x0];
	s0 =	sor.u32 s1, s8;
	s1 =	sand.u32 $0x70, s22;
	s8 =	sand.u32 $0x1FE00, s19  }
0x20: {  	v2 =	vmax.f32 v2, v4;
	v4 =	vld [tilespmem:s0+$0x0];
	s0 =	sor.u32 s1, s8;
	s1 =	sadd.s32 $0x90, s15;
	s8 =	sadd.s32 $0xB0, s15  }
0x21: {  	s10 =	sadd.s32 $0xA0, s15;
	v2 =	vmax.f32 v2, v5;
	v5 =	vld [tilespmem:s0+$0x0];
	s0 =	sand.u32 $0x70, s1;
	s1 =	sand.u32 $0x1FE00, s18  }
0x22: {  	v2 =	vmax.f32 v2, v6;
	v6 =	vld [tilespmem:s7+$0x200];
	s0 =	sor.u32 s0, s1;
	s1 =	sand.u32 $0x70, s10;
	s7 =	sand.u32 $0x1FE00, s16  }
0x23: {  	v2 =	vmax.f32 v2, v7;
	v7 =	vld [tilespmem:s0+$0x0];
	s0 =	sor.u32 s1, s7;
	s1 =	sand.u32 $0x70, s8;
	s7 =	sand.u32 $0x1FE00, s14  }
0x24: {  	v2 =	vmax.f32 v2, v3;
	v3 =	vld [tilespmem:s0+$0x0];
	s0 =	sor.u32 s1, s7;
	s1 =	sand.u32 $0x70, s17;
	s7 =	sand.u32 $0x1FE00, s13  }
0x25: {  	s31 =	sand.u32 $0xFE00, s20;
	v2 =	vmax.f32 v2, v4;
	v4 =	vld [tilespmem:s0+$0x0];
	s0 =	sor.u32 s1, s7  }
0x26: {  	s15 =	sadd.s32 $0xD0, s15;
	s14 =	sadd.s32 $0x2C0, s20;
	s13 =	sadd.s32 $0x300, s20;
	v2 =	vmax.f32 v2, v5;
	v5 =	vld [tilespmem:s0+$0x0]  }
0x27: {  	s19 =	sadd.s32 $0x1C0, s20;
	s18 =	sadd.s32 $0x240, s20;
	s16 =	sadd.s32 $0x280, s20;
	v2 =	vmax.f32 v2, v6  }
0x28: {  	s24 =	sadd.s32 $0x100, s20;
	s23 =	sadd.s32 $0x140, s20;
	s21 =	sadd.s32 $0x180, s20;
	v2 =	vmax.f32 v2, v7  }
.Ltmp0:
0x29: {  	s30 =	sadd.s32 $0x80, s20;
	s28 =	sadd.s32 $0xC0, s20;
	v2 =	vmax.f32 v2, v3;
	(pc) =	sbr.rel @p0 .LBB2_2-.Ltmp0, $4  }
0x2a: {  	s22 =	sadd.s32 $0x70, s15;
	s8 =	sadd.s32 $0x40, s20;
	s17 =	sadd.s32 $0xC0, s15;
	v2 =	vmax.f32 v2, v4  }
0x2b: {  	s29 =	sadd.s32 $0x40, s15;
	s26 =	sadd.s32 $0x50, s15;
	s25 =	sadd.s32 $0x60, s15;
	v2 =	vmax.f32 v2, v5  }
0x2c: {  	s7 =	sand.u32 $0x70, s15;
	s1 =	sadd.s32 $0x30, s15;
	s0 =	sadd.s32 $0x20, s15  }
0x2d: {  	s10 =	sadd.s32 $0x10, s15;
	s8 =	sand.u32 $0x1FE00, s8;
	s20 =	sadd.s32 $0x340, s20  }
0x2e: {  	s7 =	sor.u32 s7, s31;
	s10 =	sand.u32 $0x70, s10  }
0x2f: {  	s0 =	sand.u32 $0x70, s0;
	s31 =	sand.u32 $0x1FE00, s30;
	v3 =	vld [tilespmem:s7+$0x0];
	s8 =	sor.u32 s10, s8  }
0x30: {  	s1 =	sand.u32 $0x70, s1;
	s20 =	sand.u32 $0x1FE00, s28;
	s0 =	sor.u32 s0, s31;
	v4 =	vld [tilespmem:s8+$0x0]  }
0x31: {  	s30 =	sand.u32 $0x70, s29;
	s28 =	sor.u32 s1, s20;
	s31 =	sand.u32 $0x1FE00, s24;
	v5 =	vld [tilespmem:s0+$0x0]  }
0x32: {  	s10 =	sand.u32 $0x1FE00, s23;
	v6 =	vld [tilespmem:s28+$0x0];
	s1 =	sor.u32 s30, s31;
	s8 =	sand.u32 $0x70, s26  }
0x33: {  	s23 =	sand.u32 $0x70, s25;
	s24 =	sand.u32 $0x1FE00, s21;
	v7 =	vld [tilespmem:s1+$0x0];
	s20 =	sor.u32 s8, s10  }
0x34: {  	s25 =	sor.u32 s23, s24;
	s26 =	sand.u32 $0x70, s22;
	s28 =	sand.u32 $0x1FE00, s19;
	v2 =	vmax.f32 v2, v3;
	v3 =	vld [tilespmem:s20+$0x0]  }
0x35: {  	s21 =	sadd.s32 $0xA0, s15;
	s30 =	sadd.s32 $0x90, s15;
	s29 =	sor.u32 s26, s28;
	v2 =	vmax.f32 v2, v4;
	v4 =	vld [tilespmem:s25+$0x0]  }
0x36: {  	s31 =	sadd.s32 $0xB0, s15;
	s19 =	sand.u32 $0x70, s30;
	s20 =	sand.u32 $0x1FE00, s18;
	v2 =	vmax.f32 v2, v5;
	v5 =	vld [tilespmem:s29+$0x0]  }
0x37: {  	s22 =	sand.u32 $0x70, s21;
	s23 =	sand.u32 $0x1FE00, s16;
	s0 =	sor.u32 s19, s20;
	v2 =	vmax.f32 v2, v6;
	v6 =	vld [tilespmem:s7+$0x200]  }
0x38: {  	s24 =	sor.u32 s22, s23;
	s26 =	sand.u32 $0x1FE00, s14;
	s25 =	sand.u32 $0x70, s31;
	v2 =	vmax.f32 v2, v7;
	v7 =	vld [tilespmem:s0+$0x0]  }
0x39: {  	s30 =	sand.u32 $0x1FE00, s13;
	s28 =	sor.u32 s25, s26;
	s29 =	sand.u32 $0x70, s17;
	v2 =	vmax.f32 v2, v3;
	v3 =	vld [tilespmem:s24+$0x0]  }
0x3a: {  	s31 =	sor.u32 s29, s30;
	v2 =	vmax.f32 v2, v4;
	v4 =	vld [tilespmem:s28+$0x0]  }
0x3b: {  	v2 =	vmax.f32 v2, v5;
	v5 =	vld [tilespmem:s31+$0x0]  }
0x3c: {  	v2 =	vmax.f32 v2, v6  }
0x3d: {  	v2 =	vmax.f32 v2, v7  }
0x3e: {  	v2 =	vmax.f32 v2, v3  }
0x3f: {  	v2 =	vmax.f32 v2, v4  }
0x40: {  	v2 =	vmax.f32 v2, v5  }
0x41: {  	[tilespmem:$0x8C80] =	vst v2  }
0x42: {  	[tilespmem:$0x8C90] =	vst v2  }
0x43: {  	v3 =	vld [tilespmem:$0x8C88];
	_ =	sdelay $0x4  }
0x44: {  	v2 =	vmax.f32 v2, v3  }
0x45: {  	[tilespmem:$0x8C80] =	vst v2  }
0x46: {  	[tilespmem:$0x8C90] =	vst v2  }
0x47: {  	v3 =	vld [tilespmem:$0x8C84];
	_ =	sdelay $0x4  }
0x48: {  	v2 =	vmax.f32 v2, v3  }
0x49: {  	[tilespmem:$0x8C80] =	vst v2  }
0x4a: {  	[tilespmem:$0x8C90] =	vst v2  }
0x4b: {  	v3 =	vld [tilespmem:$0x8C82];
	_ =	sdelay $0x4  }
0x4c: {  	v2 =	vmax.f32 v2, v3  }
0x4d: {  	[tilespmem:$0x8C80] =	vst v2  }
0x4e: {  	[tilespmem:$0x8C90] =	vst v2  }
0x4f: {  	v3 =	vld [tilespmem:$0x8C81];
	_ =	sdelay $0x4  }
0x50: {  	v2 =	vmax.f32 v2, v3  }
0x51: {  	v2 =	vmul.f32 $1.000000950e+00, v2;
	_ =	sdelay $0x1  }
0x52: {  	s13 =	simm.s32 $0x0;
	s14 =	simm.s32 $0x0;
	v4 =	vimm.f32 $0.0e+00;
	v3 =	vadd.f32 $1.000000000e-30, v2;
	v2 =	vimm.f32 $0.0e+00  }
.LBB2_4:
0x53: {  	s0 =	sand.u32 $0x70, s13;
	s1 =	sand.u32 $0xFE00, s13  }
0x54: {  	s7 =	simm.s32 $0x40;
	s8 =	simm.s32 $0x10;
	s15 =	sor.u32 s0, s1  }
0x55: {  	s0 =	sand.u32 $0x70, s8;
	s10 =	sand.u32 $0x1FE00, s7;
	v6 =	vld [tilespmem:s15+$0x0]  }
0x56: {  	s16 =	simm.s32 $0x20;
	v5 =	vadd.f32 v3, v2;
	s8 =	simm.s32 $0x80;
	s0 =	sor.u32 s0, s10  }
0x57: {  	s17 =	sand.u32 $0x70, s16;
	s18 =	sand.u32 $0x1FE00, s8;
	v7 =	vld [tilespmem:s0+$0x0]  }
0x58: {  	s19 =	simm.s32 $0x30;
	s20 =	simm.s32 $0xC0;
	v5 =	vmul.f32 $5.000000000e-01, v5;
	s0 =	sor.u32 s17, s18  }
0x59: {  	s21 =	sand.u32 $0x70, s19;
	s22 =	sand.u32 $0x1FE00, s20;
	v8 =	vld [tilespmem:s0+$0x0]  }
0x5a: {  	s23 =	simm.s32 $0x100;
	s0 =	sor.u32 s21, s22;
	vm0 =	vge.f32 v6, v5  }
0x5b: {  	s24 =	sand.u32 $0x70, s7;
	s1 =	sand.u32 $0x1FE00, s23;
	v9 =	vld [tilespmem:s0+$0x0];
	v6 =	vsel vm0, $0x3F800000, v0  }
0x5c: {  	s25 =	simm.s32 $0x50;
	s26 =	simm.s32 $0x140;
	s0 =	sor.u32 s24, s1;
	vm7 =	vge.f32 v7, v5;
	v6 =	vadd.f32 v6, v4  }
0x5d: {  	s28 =	sand.u32 $0x70, s25;
	s29 =	sand.u32 $0x1FE00, s26;
	v10 =	vld [tilespmem:s0+$0x0];
	v7 =	vsel vm7, $0x3F800000, v0  }
0x5e: {  	s30 =	simm.s32 $0x60;
	s31 =	simm.s32 $0x180;
	s0 =	sor.u32 s28, s29;
	vm8 =	vge.f32 v8, v5;
	v6 =	vadd.f32 v7, v6  }
0x5f: {  	s8 =	sand.u32 $0x1FE00, s31;
	s1 =	sand.u32 $0x70, s30;
	v8 =	vld [tilespmem:s0+$0x0];
	v7 =	vsel vm8, $0x3F800000, v0  }
0x60: {  	s16 =	simm.s32 $0x1C0;
	s10 =	simm.s32 $0x70;
	s0 =	sor.u32 s1, s8;
	vm9 =	vge.f32 v9, v5;
	v6 =	vadd.f32 v7, v6  }
0x61: {  	s17 =	sand.u32 $0x70, s10;
	s18 =	sand.u32 $0x1FE00, s16;
	v9 =	vld [tilespmem:s0+$0x0];
	v7 =	vsel vm9, $0x3F800000, v0  }
0x62: {  	s0 =	sor.u32 s17, s18;
	vm10 =	vge.f32 v10, v5;
	v6 =	vadd.f32 v7, v6  }
0x63: {  	v10 =	vld [tilespmem:s0+$0x0];
	v7 =	vsel vm10, $0x3F800000, v0  }
0x64: {  	s19 =	simm.s32 $0x90;
	s20 =	simm.s32 $0x240;
	vm11 =	vge.f32 v8, v5;
	v6 =	vadd.f32 v7, v6  }
0x65: {  	s1 =	sand.u32 $0x1FE00, s20;
	s0 =	sand.u32 $0x70, s19;
	v8 =	vld [tilespmem:s15+$0x200];
	v7 =	vsel vm11, $0x3F800000, v0  }
0x66: {  	s21 =	simm.s32 $0xA0;
	s22 =	simm.s32 $0x280;
	s0 =	sor.u32 s0, s1;
	vm12 =	vge.f32 v9, v5;
	v6 =	vadd.f32 v7, v6  }
0x67: {  	s23 =	sand.u32 $0x70, s21;
	s24 =	sand.u32 $0x1FE00, s22;
	v9 =	vld [tilespmem:s0+$0x0];
	v7 =	vsel vm12, $0x3F800000, v0  }
0x68: {  	s25 =	simm.s32 $0xB0;
	s26 =	simm.s32 $0x2C0;
	s0 =	sor.u32 s23, s24;
	vm13 =	vge.f32 v10, v5;
	v6 =	vadd.f32 v7, v6  }
0x69: {  	s7 =	sand.u32 $0x70, s25;
	s1 =	sand.u32 $0x1FE00, s26;
	v10 =	vsel vm13, $0x3F800000, v0;
	v7 =	vld [tilespmem:s0+$0x0]  }
0x6a: {  	s10 =	simm.s32 $0x300;
	s28 =	simm.s32 $0xC0;
	s29 =	sor.u32 s7, s1;
	vm14 =	vge.f32 v8, v5;
	v10 =	vadd.f32 v10, v6  }
0x6b: {  	s16 =	simm.s32 $0xD0;
	s31 =	sand.u32 $0x1FE00, s10;
	s30 =	sand.u32 $0x70, s28;
	v8 =	vsel vm14, $0x3F800000, v0;
	v6 =	vld [tilespmem:s29+$0x0]  }
0x6c: {  	s17 =	simm.s32 $0x680;
	s7 =	sor.u32 s30, s31;
	s15 =	simm.s32 $0x340;
	vm15 =	vge.f32 v9, v5;
	v9 =	vadd.f32 v8, v10  }
0x6d: {  	s19 =	simm.s32 $0x380;
	s1 =	sand.u32 $0xFE00, s15;
	s0 =	sand.u32 $0x70, s16;
	v10 =	vsel vm15, $0x3F800000, v0;
	v8 =	vld [tilespmem:s7+$0x0]  }
.LBB2_5:
0x6e: {  	p0 =	sne.s32 s17, $0x8540;
	s18 =	sor.u32 s0, s1;
	s0 =	sadd.s32 $0x10, s16;
	v9 =	vadd.f32 v10, v9;
	vm0 =	vge.f32 v7, v5  }
0x6f: {  	s1 =	sand.u32 $0x1FE00, s19;
	v7 =	vld [tilespmem:s18+$0x0];
	s0 =	sand.u32 $0x70, s0;
	v10 =	vsel vm0, $0x3F800000, v0  }
0x70: {  	s7 =	sadd.s32 $0x80, s15;
	s0 =	sor.u32 s0, s1;
	s1 =	sadd.s32 $0x20, s16;
	v9 =	vadd.f32 v10, v9;
	vm0 =	vge.f32 v6, v5  }
0x71: {  	v6 =	vld [tilespmem:s0+$0x0];
	s0 =	sand.u32 $0x70, s1;
	s1 =	sand.u32 $0x1FE00, s7;
	v10 =	vsel vm0, $0x3F800000, v0  }
0x72: {  	s7 =	sadd.s32 $0xC0, s15;
	s0 =	sor.u32 s0, s1;
	s1 =	sadd.s32 $0x30, s16;
	v9 =	vadd.f32 v10, v9;
	vm0 =	vge.f32 v8, v5  }
0x73: {  	v8 =	vld [tilespmem:s0+$0x0];
	s0 =	sand.u32 $0x70, s1;
	s1 =	sand.u32 $0x1FE00, s7;
	v10 =	vsel vm0, $0x3F800000, v0  }
0x74: {  	s7 =	sadd.s32 $0x100, s15;
	vm0 =	vge.f32 v7, v5;
	s0 =	sor.u32 s0, s1;
	s1 =	sadd.s32 $0x40, s16;
	v7 =	vadd.f32 v10, v9  }
0x75: {  	v9 =	vsel vm0, $0x3F800000, v0;
	v10 =	vld [tilespmem:s0+$0x0];
	s0 =	sand.u32 $0x70, s1;
	s1 =	sand.u32 $0x1FE00, s7  }
0x76: {  	s7 =	sadd.s32 $0x140, s15;
	v7 =	vadd.f32 v9, v7;
	vm0 =	vge.f32 v6, v5;
	s0 =	sor.u32 s0, s1;
	s1 =	sadd.s32 $0x50, s16  }
0x77: {  	v6 =	vsel vm0, $0x3F800000, v0;
	v9 =	vld [tilespmem:s0+$0x0];
	s0 =	sand.u32 $0x70, s1;
	s1 =	sand.u32 $0x1FE00, s7  }
0x78: {  	s7 =	sadd.s32 $0x180, s15;
	v6 =	vadd.f32 v6, v7;
	vm0 =	vge.f32 v8, v5;
	s0 =	sor.u32 s0, s1;
	s1 =	sadd.s32 $0x60, s16  }
0x79: {  	v7 =	vsel vm0, $0x3F800000, v0;
	v8 =	vld [tilespmem:s0+$0x0];
	s0 =	sand.u32 $0x70, s1;
	s1 =	sand.u32 $0x1FE00, s7  }
0x7a: {  	s7 =	sadd.s32 $0x1C0, s15;
	v6 =	vadd.f32 v7, v6;
	vm0 =	vge.f32 v10, v5;
	s0 =	sor.u32 s0, s1;
	s1 =	sadd.s32 $0x70, s16  }
0x7b: {  	v7 =	vsel vm0, $0x3F800000, v0;
	v10 =	vld [tilespmem:s0+$0x0];
	s0 =	sand.u32 $0x70, s1;
	s1 =	sand.u32 $0x1FE00, s7  }
0x7c: {  	v6 =	vadd.f32 v7, v6;
	vm0 =	vge.f32 v9, v5;
	s0 =	sor.u32 s0, s1  }
0x7d: {  	v7 =	vsel vm0, $0x3F800000, v0;
	v9 =	vld [tilespmem:s0+$0x0]  }
0x7e: {  	s1 =	sadd.s32 $0x240, s15;
	s0 =	sadd.s32 $0x90, s16;
	v6 =	vadd.f32 v7, v6;
	vm0 =	vge.f32 v8, v5  }
0x7f: {  	s1 =	sand.u32 $0x1FE00, s1;
	s0 =	sand.u32 $0x70, s0;
	v7 =	vsel vm0, $0x3F800000, v0;
	v8 =	vld [tilespmem:s18+$0x200]  }
0x80: {  	s7 =	sadd.s32 $0x280, s15;
	s0 =	sor.u32 s0, s1;
	s1 =	sadd.s32 $0xA0, s16;
	v6 =	vadd.f32 v7, v6;
	vm0 =	vge.f32 v10, v5  }
0x81: {  	v7 =	vsel vm0, $0x3F800000, v0;
	v10 =	vld [tilespmem:s0+$0x0];
	s0 =	sand.u32 $0x70, s1;
	s1 =	sand.u32 $0x1FE00, s7  }
0x82: {  	s7 =	sadd.s32 $0x2C0, s15;
	v6 =	vadd.f32 v7, v6;
	vm0 =	vge.f32 v9, v5;
	s0 =	sor.u32 s0, s1;
	s1 =	sadd.s32 $0xB0, s16  }
.Ltmp1:
0x83: {  	v9 =	vsel vm0, $0x3F800000, v0;
	v7 =	vld [tilespmem:s0+$0x0];
	s0 =	sand.u32 $0x70, s1;
	s1 =	sand.u32 $0x1FE00, s7;
	(pc) =	sbr.rel @p0 .LBB2_5-.Ltmp1, $4  }
0x84: {  	s7 =	sadd.s32 $0x300, s15;
	v9 =	vadd.f32 v9, v6;
	vm0 =	vge.f32 v8, v5;
	s0 =	sor.u32 s0, s1;
	s1 =	sadd.s32 $0xC0, s16  }
0x85: {  	s15 =	smov.u32 s17;
	v8 =	vsel vm0, $0x3F800000, v0;
	v6 =	vld [tilespmem:s0+$0x0];
	s0 =	sand.u32 $0x70, s1;
	s1 =	sand.u32 $0x1FE00, s7  }
0x86: {  	s19 =	sadd.s32 $0x40, s17;
	s16 =	sadd.s32 $0xD0, s16;
	v9 =	vadd.f32 v8, v9;
	vm0 =	vge.f32 v10, v5;
	s7 =	sor.u32 s0, s1  }
0x87: {  	s17 =	sadd.s32 $0x340, s17;
	s0 =	sand.u32 $0x70, s16;
	s1 =	sand.u32 $0xFE00, s15;
	v10 =	vsel vm0, $0x3F800000, v0;
	v8 =	vld [tilespmem:s7+$0x0]  }
0x88: {  	s17 =	sor.u32 s0, s1;
	s24 =	sadd.s32 $0x10, s16;
	v9 =	vadd.f32 v10, v9;
	vm0 =	vge.f32 v7, v5  }
0x89: {  	s25 =	sand.u32 $0x1FE00, s19;
	v7 =	vld [tilespmem:s17+$0x0];
	s0 =	sand.u32 $0x70, s24;
	v49 =	vsel vm0, $0x3F800000, v0  }
0x8a: {  	s26 =	sadd.s32 $0x20, s16;
	s7 =	sadd.s32 $0x80, s15;
	s0 =	sor.u32 s0, s25;
	v9 =	vadd.f32 v49, v9;
	vm12 =	vge.f32 v6, v5  }
0x8b: {  	s28 =	sand.u32 $0x70, s26;
	s29 =	sand.u32 $0x1FE00, s7;
	v6 =	vld [tilespmem:s0+$0x0];
	v50 =	vsel vm12, $0x3F800000, v0  }
0x8c: {  	s30 =	sadd.s32 $0x30, s16;
	s31 =	sadd.s32 $0xC0, s15;
	s0 =	sor.u32 s28, s29;
	v9 =	vadd.f32 v50, v9;
	vm13 =	vge.f32 v8, v5  }
0x8d: {  	s1 =	sand.u32 $0x70, s30;
	s8 =	sand.u32 $0x1FE00, s31;
	v51 =	vld [tilespmem:s0+$0x0];
	v52 =	vsel vm13, $0x3F800000, v0  }
0x8e: {  	s10 =	sadd.s32 $0x40, s16;
	s18 =	sadd.s32 $0x100, s15;
	s0 =	sor.u32 s1, s8;
	vm14 =	vge.f32 v7, v5;
	v7 =	vadd.f32 v52, v9  }
0x8f: {  	s19 =	sand.u32 $0x70, s10;
	s20 =	sand.u32 $0x1FE00, s18;
	v54 =	vld [tilespmem:s0+$0x0];
	v53 =	vsel vm14, $0x3F800000, v0  }
0x90: {  	s21 =	sadd.s32 $0x50, s16;
	s22 =	sadd.s32 $0x140, s15;
	s0 =	sor.u32 s19, s20;
	v7 =	vadd.f32 v53, v7;
	vm15 =	vge.f32 v6, v5  }
0x91: {  	s23 =	sand.u32 $0x70, s21;
	s24 =	sand.u32 $0x1FE00, s22;
	v55 =	vld [tilespmem:s0+$0x0];
	v6 =	vsel vm15, $0x3F800000, v0  }
0x92: {  	s26 =	sadd.s32 $0x180, s15;
	s25 =	sadd.s32 $0x60, s16;
	s0 =	sor.u32 s23, s24;
	vm4 =	vge.f32 v51, v5;
	v6 =	vadd.f32 v6, v7  }
0x93: {  	s28 =	sand.u32 $0x70, s25;
	s29 =	sand.u32 $0x1FE00, s26;
	v56 =	vld [tilespmem:s0+$0x0];
	v7 =	vsel vm4, $0x3F800000, v0  }
0x94: {  	s30 =	sadd.s32 $0x70, s16;
	s31 =	sadd.s32 $0x1C0, s15;
	s0 =	sor.u32 s28, s29;
	vm5 =	vge.f32 v54, v5;
	v6 =	vadd.f32 v7, v6  }
0x95: {  	s1 =	sand.u32 $0x70, s30;
	s8 =	sand.u32 $0x1FE00, s31;
	v57 =	vld [tilespmem:s0+$0x0];
	v7 =	vsel vm5, $0x3F800000, v0  }
0x96: {  	s0 =	sor.u32 s1, s8;
	vm6 =	vge.f32 v55, v5;
	v6 =	vadd.f32 v7, v6  }
0x97: {  	v58 =	vld [tilespmem:s0+$0x0];
	v7 =	vsel vm6, $0x3F800000, v0  }
0x98: {  	s10 =	sadd.s32 $0x90, s16;
	s18 =	sadd.s32 $0x240, s15;
	vm7 =	vge.f32 v56, v5;
	v6 =	vadd.f32 v7, v6  }
0x99: {  	v59 =	vld [tilespmem:s17+$0x200];
	s1 =	sand.u32 $0x1FE00, s18;
	s0 =	sand.u32 $0x70, s10;
	v7 =	vsel vm7, $0x3F800000, v0  }
0x9a: {  	s19 =	sadd.s32 $0xA0, s16;
	s20 =	sadd.s32 $0x280, s15;
	s0 =	sor.u32 s0, s1;
	vm8 =	vge.f32 v57, v5;
	v6 =	vadd.f32 v7, v6  }
0x9b: {  	s21 =	sand.u32 $0x70, s19;
	s22 =	sand.u32 $0x1FE00, s20;
	v60 =	vld [tilespmem:s0+$0x0];
	v7 =	vsel vm8, $0x3F800000, v0  }
0x9c: {  	s23 =	sadd.s32 $0xB0, s16;
	s24 =	sadd.s32 $0x2C0, s15;
	s0 =	sor.u32 s21, s22;
	vm9 =	vge.f32 v58, v5;
	v6 =	vadd.f32 v7, v6  }
0x9d: {  	s25 =	sand.u32 $0x70, s23;
	s26 =	sand.u32 $0x1FE00, s24;
	v61 =	vld [tilespmem:s0+$0x0];
	v7 =	vsel vm9, $0x3F800000, v0  }
0x9e: {  	vm10 =	vge.f32 v59, v5;
	s28 =	sadd.s32 $0xC0, s16;
	s29 =	sadd.s32 $0x300, s15;
	s0 =	sor.u32 s25, s26;
	v6 =	vadd.f32 v7, v6  }
0x9f: {  	s30 =	sand.u32 $0x70, s28;
	s31 =	sand.u32 $0x1FE00, s29;
	v62 =	vld [tilespmem:s0+$0x0];
	v7 =	vsel vm10, $0x3F800000, v0  }
0xa0: {  	s0 =	sor.u32 s30, s31;
	vm11 =	vge.f32 v60, v5;
	v6 =	vadd.f32 v7, v6  }
0xa1: {  	v63 =	vld [tilespmem:s0+$0x0];
	v7 =	vsel vm11, $0x3F800000, v0  }
0xa2: {  	vm12 =	vge.f32 v61, v5;
	v6 =	vadd.f32 v7, v6  }
0xa3: {  	v7 =	vsel vm12, $0x3F800000, v0  }
0xa4: {  	vm13 =	vge.f32 v62, v5;
	v6 =	vadd.f32 v7, v6  }
0xa5: {  	v7 =	vsel vm13, $0x3F800000, v0  }
0xa6: {  	vm14 =	vge.f32 v63, v5;
	v6 =	vadd.f32 v7, v6  }
0xa7: {  	v7 =	vsel vm14, $0x3F800000, v0  }
0xa8: {  	v6 =	vadd.f32 v7, v6;
	_ =	sdelay $0x1  }
0xa9: {  	[tilespmem:$0x8C80] =	vst v6  }
0xaa: {  	[tilespmem:$0x8C90] =	vst v6  }
0xab: {  	v7 =	vld [tilespmem:$0x8C88];
	_ =	sdelay $0x4  }
0xac: {  	v6 =	vadd.f32 v7, v6;
	_ =	sdelay $0x1  }
0xad: {  	[tilespmem:$0x8C80] =	vst v6  }
0xae: {  	[tilespmem:$0x8C90] =	vst v6  }
0xaf: {  	v7 =	vld [tilespmem:$0x8C84];
	_ =	sdelay $0x4  }
0xb0: {  	v6 =	vadd.f32 v7, v6;
	_ =	sdelay $0x1  }
0xb1: {  	[tilespmem:$0x8C80] =	vst v6  }
0xb2: {  	[tilespmem:$0x8C90] =	vst v6  }
0xb3: {  	v7 =	vld [tilespmem:$0x8C82];
	_ =	sdelay $0x4  }
0xb4: {  	v6 =	vadd.f32 v7, v6;
	_ =	sdelay $0x1  }
0xb5: {  	[tilespmem:$0x8C80] =	vst v6  }
0xb6: {  	[tilespmem:$0x8C90] =	vst v6  }
0xb7: {  	v7 =	vld [tilespmem:$0x8C81];
	_ =	sdelay $0x1  }
0xb8: {  	s14 =	sadd.s32 $0x1, s14  }
0xb9: {  	p0 =	sne.s32 s14, $0x14  }
.Ltmp2:
0xba: {  	_ = 	snop;
	(pc) =	sbr.rel @p0 .LBB2_4-.Ltmp2, $3  }
0xbb: {  	v6 =	vadd.f32 v7, v6;
	_ =	sdelay $0x1  }
0xbc: {  	vm15 =	vge.f32 v6, v1  }
0xbd: {  	v2 =	vsel vm15, v5, v2;
	v3 =	vsel vm15, v3, v5  }
0xbe: {  	s0 =	simm.s32 $0x0  }
0xbf: {  	s1 =	sand.u32 $0x70, s0;
	s0 =	sand.u32 $0xFE00, s0  }
0xc0: {  	s7 =	simm.s32 $0x40;
	s16 =	simm.s32 $0x10;
	s13 =	sor.u32 s1, s0  }
0xc1: {  	s17 =	sand.u32 $0x1FE00, s7;
	s0 =	sand.u32 $0x70, s16;
	v3 =	vld [tilespmem:s13+$0x0]  }
0xc2: {  	s18 =	simm.s32 $0x20;
	s8 =	simm.s32 $0x80;
	s0 =	sor.u32 s0, s17  }
0xc3: {  	s19 =	sand.u32 $0x70, s18;
	s20 =	sand.u32 $0x1FE00, s8;
	v4 =	vld [tilespmem:s0+$0x0]  }
0xc4: {  	s21 =	simm.s32 $0x30;
	s22 =	simm.s32 $0xC0;
	s0 =	sor.u32 s19, s20  }
0xc5: {  	s23 =	sand.u32 $0x70, s21;
	s24 =	sand.u32 $0x1FE00, s22;
	v5 =	vld [tilespmem:s0+$0x0]  }
0xc6: {  	s25 =	simm.s32 $0x100;
	s0 =	sor.u32 s23, s24;
	vm0 =	vgt.f32 v3, v2  }
0xc7: {  	v6 =	vimm.f32 $0.0e+00;
	s26 =	sand.u32 $0x70, s7;
	s1 =	sand.u32 $0x1FE00, s25;
	v8 =	vld [tilespmem:s0+$0x0];
	v7 =	vsel vm0, $0x3F800000, v0  }
0xc8: {  	s28 =	simm.s32 $0x50;
	s29 =	simm.s32 $0x140;
	s0 =	sor.u32 s26, s1;
	v3 =	vnsel vm0, $0x0, v3;
	vm7 =	vgt.f32 v4, v2;
	v7 =	vadd.f32 v7, v6  }
0xc9: {  	s30 =	sand.u32 $0x70, s28;
	s31 =	sand.u32 $0x1FE00, s29;
	v9 =	vld [tilespmem:s0+$0x0];
	v3 =	vadd.f32 v3, v6;
	v6 =	vsel vm7, $0x3F800000, v0  }
0xca: {  	s7 =	simm.s32 $0x60;
	s8 =	simm.s32 $0x180;
	s0 =	sor.u32 s30, s31;
	v4 =	vnsel vm7, $0x0, v4;
	vm8 =	vgt.f32 v5, v2;
	v6 =	vadd.f32 v6, v7  }
0xcb: {  	s10 =	sand.u32 $0x70, s7;
	s14 =	sand.u32 $0x1FE00, s8;
	v3 =	vadd.f32 v4, v3;
	v4 =	vsel vm8, $0x3F800000, v0;
	v7 =	vld [tilespmem:s0+$0x0]  }
0xcc: {  	s15 =	simm.s32 $0x70;
	s16 =	simm.s32 $0x1C0;
	v5 =	vnsel vm8, $0x0, v5;
	vm9 =	vgt.f32 v8, v2;
	s0 =	sor.u32 s10, s14;
	v4 =	vadd.f32 v4, v6  }
0xcd: {  	s17 =	sand.u32 $0x70, s15;
	s18 =	sand.u32 $0x1FE00, s16;
	v3 =	vadd.f32 v5, v3;
	v5 =	vsel vm9, $0x3F800000, v0;
	v6 =	vld [tilespmem:s0+$0x0]  }
0xce: {  	v8 =	vnsel vm9, $0x0, v8;
	vm10 =	vgt.f32 v9, v2;
	s0 =	sor.u32 s17, s18;
	v4 =	vadd.f32 v5, v4  }
0xcf: {  	v3 =	vadd.f32 v8, v3;
	v5 =	vsel vm10, $0x3F800000, v0;
	v8 =	vld [tilespmem:s0+$0x0]  }
0xd0: {  	v9 =	vnsel vm10, $0x0, v9;
	vm11 =	vgt.f32 v7, v2;
	v4 =	vadd.f32 v5, v4  }
0xd1: {  	s19 =	simm.s32 $0x90;
	s20 =	simm.s32 $0x240;
	v3 =	vadd.f32 v9, v3;
	v5 =	vsel vm11, $0x3F800000, v0  }
0xd2: {  	s1 =	sand.u32 $0x1FE00, s20;
	s0 =	sand.u32 $0x70, s19;
	v9 =	vld [tilespmem:s13+$0x200];
	v7 =	vnsel vm11, $0x0, v7;
	vm12 =	vgt.f32 v6, v2;
	v4 =	vadd.f32 v5, v4  }
0xd3: {  	s21 =	simm.s32 $0xA0;
	s22 =	simm.s32 $0x280;
	s0 =	sor.u32 s0, s1;
	v3 =	vadd.f32 v7, v3;
	v5 =	vsel vm12, $0x3F800000, v0  }
0xd4: {  	s23 =	sand.u32 $0x70, s21;
	s24 =	sand.u32 $0x1FE00, s22;
	v7 =	vld [tilespmem:s0+$0x0];
	v6 =	vnsel vm12, $0x0, v6;
	vm13 =	vgt.f32 v8, v2;
	v4 =	vadd.f32 v5, v4  }
0xd5: {  	s25 =	simm.s32 $0xB0;
	s26 =	simm.s32 $0x2C0;
	s0 =	sor.u32 s23, s24;
	v5 =	vadd.f32 v6, v3;
	v3 =	vsel vm13, $0x3F800000, v0  }
0xd6: {  	s7 =	sand.u32 $0x70, s25;
	s1 =	sand.u32 $0x1FE00, s26;
	v6 =	vnsel vm13, $0x0, v8;
	v8 =	vadd.f32 v3, v4;
	v3 =	vld [tilespmem:s0+$0x0]  }
0xd7: {  	s28 =	simm.s32 $0xC0;
	s10 =	simm.s32 $0x300;
	s29 =	sor.u32 s7, s1;
	vm14 =	vgt.f32 v9, v2;
	v5 =	vadd.f32 v6, v5  }
0xd8: {  	s15 =	simm.s32 $0x680;
	s30 =	sand.u32 $0x70, s28;
	s31 =	sand.u32 $0x1FE00, s10;
	v6 =	vsel vm14, $0x3F800000, v0;
	v9 =	vnsel vm14, $0x0, v9;
	v4 =	vld [tilespmem:s29+$0x0]  }
0xd9: {  	s14 =	simm.s32 $0xD0;
	s13 =	simm.s32 $0x340;
	s7 =	sor.u32 s30, s31;
	vm15 =	vgt.f32 v7, v2;
	v8 =	vadd.f32 v6, v8;
	v6 =	vadd.f32 v9, v5  }
0xda: {  	s17 =	simm.s32 $0x380;
	s1 =	sand.u32 $0xFE00, s13;
	s0 =	sand.u32 $0x70, s14;
	v9 =	vsel vm15, $0x3F800000, v0;
	v7 =	vnsel vm15, $0x0, v7;
	v5 =	vld [tilespmem:s7+$0x0]  }
.LBB2_8:
0xdb: {  	p0 =	sne.s32 s15, $0x8540;
	s16 =	sor.u32 s0, s1;
	s0 =	sadd.s32 $0x10, s14;
	v8 =	vadd.f32 v9, v8;
	v6 =	vadd.f32 v7, v6;
	vm0 =	vgt.f32 v3, v2  }
0xdc: {  	s1 =	sand.u32 $0x1FE00, s17;
	v7 =	vld [tilespmem:s16+$0x0];
	s0 =	sand.u32 $0x70, s0;
	v9 =	vsel vm0, $0x3F800000, v0;
	v3 =	vnsel vm0, $0x0, v3  }
0xdd: {  	s7 =	sadd.s32 $0x80, s13;
	s0 =	sor.u32 s0, s1;
	s1 =	sadd.s32 $0x20, s14;
	v8 =	vadd.f32 v9, v8;
	v3 =	vadd.f32 v3, v6;
	vm0 =	vgt.f32 v4, v2  }
0xde: {  	v6 =	vld [tilespmem:s0+$0x0];
	s0 =	sand.u32 $0x70, s1;
	s1 =	sand.u32 $0x1FE00, s7;
	v9 =	vsel vm0, $0x3F800000, v0;
	v4 =	vnsel vm0, $0x0, v4  }
0xdf: {  	s7 =	sadd.s32 $0xC0, s13;
	s0 =	sor.u32 s0, s1;
	s1 =	sadd.s32 $0x30, s14;
	v8 =	vadd.f32 v9, v8;
	v3 =	vadd.f32 v4, v3;
	vm0 =	vgt.f32 v5, v2  }
0xe0: {  	v4 =	vld [tilespmem:s0+$0x0];
	s0 =	sand.u32 $0x70, s1;
	s1 =	sand.u32 $0x1FE00, s7;
	v9 =	vsel vm0, $0x3F800000, v0;
	v5 =	vnsel vm0, $0x0, v5  }
0xe1: {  	s7 =	sadd.s32 $0x100, s13;
	vm0 =	vgt.f32 v7, v2;
	s0 =	sor.u32 s0, s1;
	s1 =	sadd.s32 $0x40, s14;
	v8 =	vadd.f32 v9, v8;
	v3 =	vadd.f32 v5, v3  }
0xe2: {  	v5 =	vsel vm0, $0x3F800000, v0;
	v7 =	vnsel vm0, $0x0, v7;
	v9 =	vld [tilespmem:s0+$0x0];
	s0 =	sand.u32 $0x70, s1;
	s1 =	sand.u32 $0x1FE00, s7  }
0xe3: {  	s7 =	sadd.s32 $0x140, s13;
	v5 =	vadd.f32 v5, v8;
	v3 =	vadd.f32 v7, v3;
	vm0 =	vgt.f32 v6, v2;
	s0 =	sor.u32 s0, s1;
	s1 =	sadd.s32 $0x50, s14  }
0xe4: {  	v7 =	vsel vm0, $0x3F800000, v0;
	v6 =	vnsel vm0, $0x0, v6;
	v8 =	vld [tilespmem:s0+$0x0];
	s0 =	sand.u32 $0x70, s1;
	s1 =	sand.u32 $0x1FE00, s7  }
0xe5: {  	s7 =	sadd.s32 $0x180, s13;
	v5 =	vadd.f32 v7, v5;
	v3 =	vadd.f32 v6, v3;
	vm0 =	vgt.f32 v4, v2;
	s0 =	sor.u32 s0, s1;
	s1 =	sadd.s32 $0x60, s14  }
0xe6: {  	v6 =	vsel vm0, $0x3F800000, v0;
	v4 =	vnsel vm0, $0x0, v4;
	v7 =	vld [tilespmem:s0+$0x0];
	s0 =	sand.u32 $0x70, s1;
	s1 =	sand.u32 $0x1FE00, s7  }
0xe7: {  	s7 =	sadd.s32 $0x1C0, s13;
	v5 =	vadd.f32 v6, v5;
	v3 =	vadd.f32 v4, v3;
	vm0 =	vgt.f32 v9, v2;
	s0 =	sor.u32 s0, s1;
	s1 =	sadd.s32 $0x70, s14  }
0xe8: {  	v4 =	vsel vm0, $0x3F800000, v0;
	v6 =	vnsel vm0, $0x0, v9;
	v9 =	vld [tilespmem:s0+$0x0];
	s0 =	sand.u32 $0x70, s1;
	s1 =	sand.u32 $0x1FE00, s7  }
0xe9: {  	v4 =	vadd.f32 v4, v5;
	v3 =	vadd.f32 v6, v3;
	vm0 =	vgt.f32 v8, v2;
	s0 =	sor.u32 s0, s1  }
0xea: {  	v5 =	vsel vm0, $0x3F800000, v0;
	v6 =	vnsel vm0, $0x0, v8;
	v8 =	vld [tilespmem:s0+$0x0]  }
0xeb: {  	s1 =	sadd.s32 $0x240, s13;
	s0 =	sadd.s32 $0x90, s14;
	v4 =	vadd.f32 v5, v4;
	v3 =	vadd.f32 v6, v3;
	vm0 =	vgt.f32 v7, v2  }
0xec: {  	s1 =	sand.u32 $0x1FE00, s1;
	s0 =	sand.u32 $0x70, s0;
	v5 =	vsel vm0, $0x3F800000, v0;
	v6 =	vnsel vm0, $0x0, v7;
	v7 =	vld [tilespmem:s16+$0x200]  }
0xed: {  	s7 =	sadd.s32 $0x280, s13;
	s0 =	sor.u32 s0, s1;
	s1 =	sadd.s32 $0xA0, s14;
	v4 =	vadd.f32 v5, v4;
	v3 =	vadd.f32 v6, v3;
	vm0 =	vgt.f32 v9, v2  }
0xee: {  	v5 =	vsel vm0, $0x3F800000, v0;
	v6 =	vnsel vm0, $0x0, v9;
	v10 =	vld [tilespmem:s0+$0x0];
	s0 =	sand.u32 $0x70, s1;
	s1 =	sand.u32 $0x1FE00, s7  }
0xef: {  	s7 =	sadd.s32 $0x2C0, s13;
	v4 =	vadd.f32 v5, v4;
	v5 =	vadd.f32 v6, v3;
	vm0 =	vgt.f32 v8, v2;
	s0 =	sor.u32 s0, s1;
	s1 =	sadd.s32 $0xB0, s14  }
.Ltmp3:
0xf0: {  	v6 =	vsel vm0, $0x3F800000, v0;
	v8 =	vnsel vm0, $0x0, v8;
	v3 =	vld [tilespmem:s0+$0x0];
	s0 =	sand.u32 $0x70, s1;
	s1 =	sand.u32 $0x1FE00, s7;
	(pc) =	sbr.rel @p0 .LBB2_8-.Ltmp3, $4  }
0xf1: {  	s7 =	sadd.s32 $0x300, s13;
	v6 =	vadd.f32 v6, v4;
	v5 =	vadd.f32 v8, v5;
	vm0 =	vgt.f32 v7, v2;
	s0 =	sor.u32 s0, s1;
	s1 =	sadd.s32 $0xC0, s14  }
0xf2: {  	s13 =	smov.u32 s15;
	v8 =	vsel vm0, $0x3F800000, v0;
	v7 =	vnsel vm0, $0x0, v7;
	v4 =	vld [tilespmem:s0+$0x0];
	s0 =	sand.u32 $0x70, s1;
	s1 =	sand.u32 $0x1FE00, s7  }
0xf3: {  	s17 =	sadd.s32 $0x40, s15;
	s14 =	sadd.s32 $0xD0, s14;
	v8 =	vadd.f32 v8, v6;
	v6 =	vadd.f32 v7, v5;
	vm0 =	vgt.f32 v10, v2;
	s7 =	sor.u32 s0, s1  }
0xf4: {  	s15 =	sadd.s32 $0x340, s15;
	s0 =	sand.u32 $0x70, s14;
	s1 =	sand.u32 $0xFE00, s13;
	v9 =	vsel vm0, $0x3F800000, v0;
	v7 =	vnsel vm0, $0x0, v10;
	v5 =	vld [tilespmem:s7+$0x0]  }
0xf5: {  	s15 =	sor.u32 s0, s1;
	s18 =	sadd.s32 $0x10, s14;
	v8 =	vadd.f32 v9, v8;
	vm3 =	vgt.f32 v3, v2  }
0xf6: {  	s19 =	sand.u32 $0x1FE00, s17;
	v9 =	vld [tilespmem:s15+$0x0];
	s0 =	sand.u32 $0x70, s18;
	v10 =	vsel vm3, $0x3F800000, v0  }
0xf7: {  	s20 =	sadd.s32 $0x20, s14;
	s7 =	sadd.s32 $0x80, s13;
	s0 =	sor.u32 s0, s19;
	v8 =	vadd.f32 v10, v8;
	vm4 =	vgt.f32 v4, v2  }
0xf8: {  	s21 =	sand.u32 $0x70, s20;
	s22 =	sand.u32 $0x1FE00, s7;
	v10 =	vld [tilespmem:s0+$0x0];
	v11 =	vsel vm4, $0x3F800000, v0  }
0xf9: {  	s23 =	sadd.s32 $0x30, s14;
	s24 =	sadd.s32 $0xC0, s13;
	s0 =	sor.u32 s21, s22;
	v8 =	vadd.f32 v11, v8;
	vm5 =	vgt.f32 v5, v2  }
0xfa: {  	s25 =	sand.u32 $0x70, s23;
	s26 =	sand.u32 $0x1FE00, s24;
	v11 =	vld [tilespmem:s0+$0x0];
	v12 =	vsel vm5, $0x3F800000, v0  }
0xfb: {  	s8 =	sadd.s32 $0x100, s13;
	s7 =	sadd.s32 $0x40, s14;
	s0 =	sor.u32 s25, s26;
	vm6 =	vgt.f32 v9, v2;
	v8 =	vadd.f32 v12, v8  }
0xfc: {  	s16 =	sand.u32 $0x1FE00, s8;
	s10 =	sand.u32 $0x70, s7;
	v13 =	vld [tilespmem:s0+$0x0];
	v52 =	vsel vm6, $0x3F800000, v0  }
0xfd: {  	s17 =	sadd.s32 $0x50, s14;
	s18 =	sadd.s32 $0x140, s13;
	s0 =	sor.u32 s10, s16;
	v8 =	vadd.f32 v52, v8;
	vm7 =	vgt.f32 v10, v2  }
0xfe: {  	s19 =	sand.u32 $0x70, s17;
	s20 =	sand.u32 $0x1FE00, s18;
	v14 =	vld [tilespmem:s0+$0x0];
	v53 =	vsel vm7, $0x3F800000, v0  }
0xff: {  	s21 =	sadd.s32 $0x60, s14;
	s22 =	sadd.s32 $0x180, s13;
	s0 =	sor.u32 s19, s20;
	vm8 =	vgt.f32 v11, v2;
	v8 =	vadd.f32 v53, v8  }
0x100: {  	s23 =	sand.u32 $0x70, s21;
	s24 =	sand.u32 $0x1FE00, s22;
	v15 =	vld [tilespmem:s0+$0x0];
	v54 =	vsel vm8, $0x3F800000, v0  }
0x101: {  	s25 =	sadd.s32 $0x70, s14;
	s26 =	sadd.s32 $0x1C0, s13;
	s0 =	sor.u32 s23, s24;
	vm9 =	vgt.f32 v13, v2;
	v8 =	vadd.f32 v54, v8  }
0x102: {  	s1 =	sand.u32 $0x70, s25;
	s7 =	sand.u32 $0x1FE00, s26;
	v16 =	vld [tilespmem:s0+$0x0];
	v55 =	vsel vm9, $0x3F800000, v0  }
0x103: {  	s0 =	sor.u32 s1, s7;
	vm10 =	vgt.f32 v14, v2;
	v8 =	vadd.f32 v55, v8  }
0x104: {  	v17 =	vld [tilespmem:s0+$0x0];
	v56 =	vsel vm10, $0x3F800000, v0  }
0x105: {  	s8 =	sadd.s32 $0x90, s14;
	s10 =	sadd.s32 $0x240, s13;
	vm11 =	vgt.f32 v15, v2;
	v8 =	vadd.f32 v56, v8  }
0x106: {  	v18 =	vld [tilespmem:s15+$0x200];
	s1 =	sand.u32 $0x1FE00, s10;
	s0 =	sand.u32 $0x70, s8;
	v57 =	vsel vm11, $0x3F800000, v0  }
0x107: {  	s15 =	sadd.s32 $0xA0, s14;
	s16 =	sadd.s32 $0x280, s13;
	s0 =	sor.u32 s0, s1;
	vm12 =	vgt.f32 v16, v2;
	v8 =	vadd.f32 v57, v8  }
0x108: {  	s17 =	sand.u32 $0x70, s15;
	s18 =	sand.u32 $0x1FE00, s16;
	v19 =	vld [tilespmem:s0+$0x0];
	v58 =	vsel vm12, $0x3F800000, v0  }
0x109: {  	s19 =	sadd.s32 $0xB0, s14;
	s20 =	sadd.s32 $0x2C0, s13;
	s0 =	sor.u32 s17, s18;
	vm13 =	vgt.f32 v17, v2;
	v8 =	vadd.f32 v58, v8  }
0x10a: {  	s21 =	sand.u32 $0x70, s19;
	s22 =	sand.u32 $0x1FE00, s20;
	v20 =	vld [tilespmem:s0+$0x0];
	v59 =	vsel vm13, $0x3F800000, v0  }
0x10b: {  	vm14 =	vgt.f32 v18, v2;
	s23 =	sadd.s32 $0xC0, s14;
	s24 =	sadd.s32 $0x300, s13;
	s0 =	sor.u32 s21, s22;
	v8 =	vadd.f32 v59, v8  }
0x10c: {  	v60 =	vsel vm14, $0x3F800000, v0;
	s25 =	sand.u32 $0x70, s23;
	s26 =	sand.u32 $0x1FE00, s24;
	v21 =	vld [tilespmem:s0+$0x0]  }
0x10d: {  	s0 =	sor.u32 s25, s26;
	vm15 =	vgt.f32 v19, v2;
	v8 =	vadd.f32 v60, v8  }
0x10e: {  	v22 =	vld [tilespmem:s0+$0x0];
	v61 =	vsel vm15, $0x3F800000, v0  }
0x10f: {  	vm0 =	vgt.f32 v20, v2;
	v8 =	vadd.f32 v61, v8  }
0x110: {  	v62 =	vsel vm0, $0x3F800000, v0  }
0x111: {  	vm1 =	vgt.f32 v21, v2;
	v8 =	vadd.f32 v62, v8  }
0x112: {  	v6 =	vadd.f32 v7, v6;
	v63 =	vsel vm1, $0x3F800000, v0  }
0x113: {  	v3 =	vnsel vm3, $0x0, v3;
	vm2 =	vgt.f32 v22, v2;
	v7 =	vadd.f32 v63, v8  }
0x114: {  	v3 =	vadd.f32 v3, v6;
	v8 =	vsel vm2, $0x3F800000, v0  }
0x115: {  	v4 =	vnsel vm4, $0x0, v4;
	v6 =	vadd.f32 v8, v7  }
0x116: {  	v3 =	vadd.f32 v4, v3  }
0x117: {  	v4 =	vnsel vm5, $0x0, v5;
	[tilespmem:$0x8C80] =	vst v6  }
0x118: {  	v3 =	vadd.f32 v4, v3;
	[tilespmem:$0x8C90] =	vst v6  }
0x119: {  	v5 =	vnsel vm6, $0x0, v9;
	v4 =	vld [tilespmem:$0x8C88]  }
0x11a: {  	v3 =	vadd.f32 v5, v3  }
0x11b: {  	v5 =	vnsel vm7, $0x0, v10  }
0x11c: {  	v3 =	vadd.f32 v5, v3  }
0x11d: {  	v5 =	vnsel vm8, $0x0, v11  }
0x11e: {  	v3 =	vadd.f32 v5, v3;
	v4 =	vadd.f32 v4, v6  }
0x11f: {  	v5 =	vnsel vm9, $0x0, v13  }
0x120: {  	v3 =	vadd.f32 v5, v3;
	[tilespmem:$0x8C80] =	vst v4  }
0x121: {  	v5 =	vnsel vm10, $0x0, v14;
	[tilespmem:$0x8C90] =	vst v4  }
0x122: {  	v3 =	vadd.f32 v5, v3;
	v6 =	vld [tilespmem:$0x8C84]  }
0x123: {  	v5 =	vnsel vm11, $0x0, v15  }
0x124: {  	v3 =	vadd.f32 v5, v3  }
0x125: {  	v5 =	vnsel vm12, $0x0, v16  }
0x126: {  	v3 =	vadd.f32 v5, v3  }
0x127: {  	v5 =	vnsel vm13, $0x0, v17;
	v4 =	vadd.f32 v6, v4  }
0x128: {  	v3 =	vadd.f32 v5, v3  }
0x129: {  	v5 =	vnsel vm14, $0x0, v18;
	[tilespmem:$0x8C80] =	vst v4  }
0x12a: {  	v3 =	vadd.f32 v5, v3;
	[tilespmem:$0x8C90] =	vst v4  }
0x12b: {  	v6 =	vnsel vm15, $0x0, v19;
	v5 =	vld [tilespmem:$0x8C82]  }
0x12c: {  	v3 =	vadd.f32 v6, v3  }
0x12d: {  	v6 =	vnsel vm0, $0x0, v20  }
0x12e: {  	v6 =	vadd.f32 v6, v3  }
0x12f: {  	v7 =	vnsel vm1, $0x0, v21  }
0x130: {  	v3 =	vadd.f32 v5, v4;
	v4 =	vadd.f32 v7, v6  }
0x131: {  	v5 =	vnsel vm2, $0x0, v22  }
0x132: {  	[tilespmem:$0x8C80] =	vst v3;
	v5 =	vadd.f32 v5, v4  }
0x133: {  	[tilespmem:$0x8C90] =	vst v3  }
0x134: {  	v4 =	vld [tilespmem:$0x8C81];
	[tilespmem:$0x8C80] =	vst v5  }
0x135: {  	[tilespmem:$0x8C90] =	vst v5  }
0x136: {  	v6 =	vld [tilespmem:$0x8C88];
	_ =	sdelay $0x4  }
0x137: {  	v5 =	vadd.f32 v6, v5;
	_ =	sdelay $0x1  }
0x138: {  	[tilespmem:$0x8C80] =	vst v5  }
0x139: {  	[tilespmem:$0x8C90] =	vst v5  }
0x13a: {  	v6 =	vld [tilespmem:$0x8C84];
	_ =	sdelay $0x4  }
0x13b: {  	v5 =	vadd.f32 v6, v5;
	_ =	sdelay $0x1  }
0x13c: {  	[tilespmem:$0x8C80] =	vst v5  }
0x13d: {  	[tilespmem:$0x8C90] =	vst v5  }
0x13e: {  	v6 =	vld [tilespmem:$0x8C82];
	_ =	sdelay $0x1  }
0x13f: {  	s30 =	simm.s32 $0x80;
	s28 =	simm.s32 $0xC0  }
0x140: {  	s29 =	simm.s32 $0x40;
	s15 =	simm.s32 $0x2C0;
	s16 =	simm.s32 $0x280  }
0x141: {  	s14 =	simm.s32 $0x0;
	s13 =	simm.s32 $0x300;
	s19 =	simm.s32 $0x1C0  }
0x142: {  	s20 =	simm.s32 $0x340;
	s24 =	simm.s32 $0x100;
	s23 =	simm.s32 $0x140;
	v5 =	vadd.f32 v6, v5  }
0x143: {  	s31 =	sand.u32 $0xFE00, s14;
	s7 =	sand.u32 $0x70, s14;
	s10 =	simm.s32 $0x10  }
0x144: {  	s8 =	sand.u32 $0x1FE00, s29;
	s1 =	simm.s32 $0x30;
	s18 =	simm.s32 $0x240;
	[tilespmem:$0x8C80] =	vst v5  }
0x145: {  	s17 =	simm.s32 $0xC0;
	s21 =	simm.s32 $0x180;
	s22 =	simm.s32 $0x70;
	v7 =	vld [tilespmem:$0x8A80];
	[tilespmem:$0x8C90] =	vst v5  }
0x146: {  	s26 =	simm.s32 $0x50;
	s25 =	simm.s32 $0x60;
	s0 =	simm.s32 $0x20;
	v8 =	vimm.f32 $0.0e+00;
	v6 =	vld [tilespmem:$0x8C81]  }
.LBB2_10:
0x147: {  	p0 =	sne.s32 s20, $0x8540;
	s7 =	sor.u32 s7, s31;
	s10 =	sand.u32 $0x70, s10  }
0x148: {  	s0 =	sand.u32 $0x70, s0;
	v9 =	vld [tilespmem:s7+$0x80];
	s8 =	sor.u32 s10, s8;
	s10 =	sand.u32 $0x1FE00, s30  }
0x149: {  	s1 =	sand.u32 $0x70, s1;
	v10 =	vld [tilespmem:s8+$0x80];
	s0 =	sor.u32 s0, s10;
	s8 =	sand.u32 $0x1FE00, s28  }
0x14a: {  	v11 =	vld [tilespmem:s0+$0x80];
	s0 =	sor.u32 s1, s8;
	s1 =	sand.u32 $0x70, s29;
	s8 =	sand.u32 $0x1FE00, s24  }
0x14b: {  	v12 =	vld [tilespmem:s0+$0x80];
	s0 =	sor.u32 s1, s8;
	s1 =	sand.u32 $0x70, s26;
	s8 =	sand.u32 $0x1FE00, s23  }
0x14c: {  	v13 =	vld [tilespmem:s0+$0x80];
	s0 =	sor.u32 s1, s8;
	s1 =	sand.u32 $0x70, s25;
	s8 =	sand.u32 $0x1FE00, s21  }
0x14d: {  	v8 =	vmax.f32 v8, v9;
	v9 =	vld [tilespmem:s0+$0x80];
	s0 =	sor.u32 s1, s8;
	s1 =	sand.u32 $0x70, s22;
	s8 =	sand.u32 $0x1FE00, s19  }
0x14e: {  	v8 =	vmax.f32 v8, v10;
	v10 =	vld [tilespmem:s0+$0x80];
	s0 =	sor.u32 s1, s8;
	s1 =	sadd.s32 $0x90, s14;
	s8 =	sadd.s32 $0xB0, s14  }
0x14f: {  	s10 =	sadd.s32 $0xA0, s14;
	v8 =	vmax.f32 v8, v11;
	v11 =	vld [tilespmem:s0+$0x80];
	s0 =	sand.u32 $0x70, s1;
	s1 =	sand.u32 $0x1FE00, s18  }
0x150: {  	v8 =	vmax.f32 v8, v12;
	v12 =	vld [tilespmem:s7+$0x280];
	s0 =	sor.u32 s0, s1;
	s1 =	sand.u32 $0x70, s10;
	s7 =	sand.u32 $0x1FE00, s16  }
0x151: {  	v8 =	vmax.f32 v8, v13;
	v13 =	vld [tilespmem:s0+$0x80];
	s0 =	sor.u32 s1, s7;
	s1 =	sand.u32 $0x70, s8;
	s7 =	sand.u32 $0x1FE00, s15  }
0x152: {  	v8 =	vmax.f32 v8, v9;
	v9 =	vld [tilespmem:s0+$0x80];
	s0 =	sor.u32 s1, s7;
	s1 =	sand.u32 $0x70, s17;
	s7 =	sand.u32 $0x1FE00, s13  }
0x153: {  	s31 =	sand.u32 $0xFE00, s20;
	v8 =	vmax.f32 v8, v10;
	v10 =	vld [tilespmem:s0+$0x80];
	s0 =	sor.u32 s1, s7  }
0x154: {  	s14 =	sadd.s32 $0xD0, s14;
	s15 =	sadd.s32 $0x2C0, s20;
	s13 =	sadd.s32 $0x300, s20;
	v8 =	vmax.f32 v8, v11;
	v11 =	vld [tilespmem:s0+$0x80]  }
0x155: {  	s19 =	sadd.s32 $0x1C0, s20;
	s18 =	sadd.s32 $0x240, s20;
	s16 =	sadd.s32 $0x280, s20;
	v8 =	vmax.f32 v8, v12  }
0x156: {  	s24 =	sadd.s32 $0x100, s20;
	s23 =	sadd.s32 $0x140, s20;
	s21 =	sadd.s32 $0x180, s20;
	v8 =	vmax.f32 v8, v13  }
.Ltmp4:
0x157: {  	s30 =	sadd.s32 $0x80, s20;
	s28 =	sadd.s32 $0xC0, s20;
	v8 =	vmax.f32 v8, v9;
	(pc) =	sbr.rel @p0 .LBB2_10-.Ltmp4, $4  }
0x158: {  	s22 =	sadd.s32 $0x70, s14;
	s8 =	sadd.s32 $0x40, s20;
	s17 =	sadd.s32 $0xC0, s14;
	v8 =	vmax.f32 v8, v10  }
0x159: {  	s29 =	sadd.s32 $0x40, s14;
	s26 =	sadd.s32 $0x50, s14;
	s25 =	sadd.s32 $0x60, s14;
	v8 =	vmax.f32 v8, v11  }
0x15a: {  	s7 =	sand.u32 $0x70, s14;
	s1 =	sadd.s32 $0x30, s14;
	s0 =	sadd.s32 $0x20, s14  }
0x15b: {  	s10 =	sadd.s32 $0x10, s14;
	s8 =	sand.u32 $0x1FE00, s8;
	s20 =	sadd.s32 $0x340, s20  }
0x15c: {  	s7 =	sor.u32 s7, s31;
	s10 =	sand.u32 $0x70, s10  }
0x15d: {  	s0 =	sand.u32 $0x70, s0;
	s31 =	sand.u32 $0x1FE00, s30;
	v9 =	vld [tilespmem:s7+$0x80];
	s8 =	sor.u32 s10, s8  }
0x15e: {  	s1 =	sand.u32 $0x70, s1;
	s20 =	sand.u32 $0x1FE00, s28;
	s0 =	sor.u32 s0, s31;
	v10 =	vld [tilespmem:s8+$0x80]  }
0x15f: {  	s30 =	sand.u32 $0x70, s29;
	s28 =	sor.u32 s1, s20;
	s31 =	sand.u32 $0x1FE00, s24;
	v11 =	vld [tilespmem:s0+$0x80]  }
0x160: {  	s10 =	sand.u32 $0x1FE00, s23;
	v12 =	vld [tilespmem:s28+$0x80];
	s1 =	sor.u32 s30, s31;
	s8 =	sand.u32 $0x70, s26  }
0x161: {  	s23 =	sand.u32 $0x70, s25;
	s24 =	sand.u32 $0x1FE00, s21;
	v13 =	vld [tilespmem:s1+$0x80];
	s20 =	sor.u32 s8, s10  }
0x162: {  	s25 =	sor.u32 s23, s24;
	s26 =	sand.u32 $0x70, s22;
	s28 =	sand.u32 $0x1FE00, s19;
	v8 =	vmax.f32 v8, v9;
	v9 =	vld [tilespmem:s20+$0x80]  }
0x163: {  	s21 =	sadd.s32 $0xA0, s14;
	s30 =	sadd.s32 $0x90, s14;
	s29 =	sor.u32 s26, s28;
	v8 =	vmax.f32 v8, v10;
	v10 =	vld [tilespmem:s25+$0x80]  }
0x164: {  	s31 =	sadd.s32 $0xB0, s14;
	s19 =	sand.u32 $0x70, s30;
	s20 =	sand.u32 $0x1FE00, s18;
	v8 =	vmax.f32 v8, v11;
	v11 =	vld [tilespmem:s29+$0x80]  }
0x165: {  	v62 =	vld [tilespmem:s7+$0x280];
	s22 =	sand.u32 $0x70, s21;
	s23 =	sand.u32 $0x1FE00, s16;
	s0 =	sor.u32 s19, s20;
	v8 =	vmax.f32 v8, v12  }
0x166: {  	s24 =	sor.u32 s22, s23;
	s26 =	sand.u32 $0x1FE00, s15;
	s25 =	sand.u32 $0x70, s31;
	v63 =	vld [tilespmem:s0+$0x80];
	v8 =	vmax.f32 v8, v13  }
0x167: {  	s30 =	sand.u32 $0x1FE00, s13;
	s28 =	sor.u32 s25, s26;
	s29 =	sand.u32 $0x70, s17;
	v8 =	vmax.f32 v8, v9;
	v9 =	vld [tilespmem:s24+$0x80]  }
0x168: {  	s31 =	sor.u32 s29, s30;
	v8 =	vmax.f32 v8, v10;
	v10 =	vld [tilespmem:s28+$0x80]  }
0x169: {  	v8 =	vmax.f32 v8, v11;
	v11 =	vld [tilespmem:s31+$0x80]  }
0x16a: {  	v8 =	vmax.f32 v8, v62  }
0x16b: {  	v8 =	vmax.f32 v8, v63  }
0x16c: {  	v8 =	vmax.f32 v8, v9  }
0x16d: {  	v8 =	vmax.f32 v8, v10  }
0x16e: {  	v8 =	vmax.f32 v8, v11  }
0x16f: {  	[tilespmem:$0x8C80] =	vst v8  }
0x170: {  	[tilespmem:$0x8C90] =	vst v8  }
0x171: {  	v9 =	vld [tilespmem:$0x8C88];
	_ =	sdelay $0x4  }
0x172: {  	v8 =	vmax.f32 v8, v9  }
0x173: {  	[tilespmem:$0x8C80] =	vst v8  }
0x174: {  	[tilespmem:$0x8C90] =	vst v8  }
0x175: {  	v9 =	vld [tilespmem:$0x8C84];
	_ =	sdelay $0x4  }
0x176: {  	v8 =	vmax.f32 v8, v9  }
0x177: {  	[tilespmem:$0x8C80] =	vst v8  }
0x178: {  	[tilespmem:$0x8C90] =	vst v8  }
0x179: {  	v9 =	vld [tilespmem:$0x8C82];
	_ =	sdelay $0x4  }
0x17a: {  	v8 =	vmax.f32 v8, v9  }
0x17b: {  	[tilespmem:$0x8C80] =	vst v8  }
0x17c: {  	[tilespmem:$0x8C90] =	vst v8  }
0x17d: {  	v9 =	vld [tilespmem:$0x8C81];
	_ =	sdelay $0x4  }
0x17e: {  	v8 =	vmax.f32 v8, v9  }
0x17f: {  	v8 =	vmul.f32 $1.000000950e+00, v8;
	_ =	sdelay $0x1  }
0x180: {  	s14 =	simm.s32 $0x0;
	s13 =	simm.s32 $0x0;
	v10 =	vimm.f32 $0.0e+00;
	v9 =	vadd.f32 $1.000000000e-30, v8;
	v8 =	vimm.f32 $0.0e+00  }
.LBB2_12:
0x181: {  	s0 =	sand.u32 $0x70, s13;
	s1 =	sand.u32 $0xFE00, s13  }
0x182: {  	s7 =	simm.s32 $0x40;
	s8 =	simm.s32 $0x10;
	s15 =	sor.u32 s0, s1  }
0x183: {  	s0 =	sand.u32 $0x70, s8;
	s10 =	sand.u32 $0x1FE00, s7;
	v12 =	vld [tilespmem:s15+$0x80]  }
0x184: {  	s16 =	simm.s32 $0x20;
	v11 =	vadd.f32 v9, v8;
	s8 =	simm.s32 $0x80;
	s0 =	sor.u32 s0, s10  }
0x185: {  	s17 =	sand.u32 $0x70, s16;
	s18 =	sand.u32 $0x1FE00, s8;
	v13 =	vld [tilespmem:s0+$0x80]  }
0x186: {  	s19 =	simm.s32 $0x30;
	s20 =	simm.s32 $0xC0;
	v11 =	vmul.f32 $5.000000000e-01, v11;
	s0 =	sor.u32 s17, s18  }
0x187: {  	s21 =	sand.u32 $0x70, s19;
	s22 =	sand.u32 $0x1FE00, s20;
	v14 =	vld [tilespmem:s0+$0x80]  }
0x188: {  	s23 =	simm.s32 $0x100;
	s0 =	sor.u32 s21, s22;
	vm0 =	vge.f32 v12, v11  }
0x189: {  	s24 =	sand.u32 $0x70, s7;
	s1 =	sand.u32 $0x1FE00, s23;
	v15 =	vld [tilespmem:s0+$0x80];
	v12 =	vsel vm0, $0x3F800000, v0  }
0x18a: {  	s25 =	simm.s32 $0x50;
	s26 =	simm.s32 $0x140;
	s0 =	sor.u32 s24, s1;
	vm7 =	vge.f32 v13, v11;
	v12 =	vadd.f32 v12, v10  }
0x18b: {  	s28 =	sand.u32 $0x70, s25;
	s29 =	sand.u32 $0x1FE00, s26;
	v16 =	vld [tilespmem:s0+$0x80];
	v13 =	vsel vm7, $0x3F800000, v0  }
0x18c: {  	s30 =	simm.s32 $0x60;
	s31 =	simm.s32 $0x180;
	s0 =	sor.u32 s28, s29;
	vm8 =	vge.f32 v14, v11;
	v12 =	vadd.f32 v13, v12  }
0x18d: {  	s8 =	sand.u32 $0x1FE00, s31;
	s1 =	sand.u32 $0x70, s30;
	v14 =	vld [tilespmem:s0+$0x80];
	v13 =	vsel vm8, $0x3F800000, v0  }
0x18e: {  	s16 =	simm.s32 $0x1C0;
	s10 =	simm.s32 $0x70;
	s0 =	sor.u32 s1, s8;
	vm9 =	vge.f32 v15, v11;
	v12 =	vadd.f32 v13, v12  }
0x18f: {  	s17 =	sand.u32 $0x70, s10;
	s18 =	sand.u32 $0x1FE00, s16;
	v15 =	vld [tilespmem:s0+$0x80];
	v13 =	vsel vm9, $0x3F800000, v0  }
0x190: {  	s0 =	sor.u32 s17, s18;
	vm10 =	vge.f32 v16, v11;
	v12 =	vadd.f32 v13, v12  }
0x191: {  	v16 =	vld [tilespmem:s0+$0x80];
	v13 =	vsel vm10, $0x3F800000, v0  }
0x192: {  	s19 =	simm.s32 $0x90;
	s20 =	simm.s32 $0x240;
	vm11 =	vge.f32 v14, v11;
	v12 =	vadd.f32 v13, v12  }
0x193: {  	s1 =	sand.u32 $0x1FE00, s20;
	s0 =	sand.u32 $0x70, s19;
	v14 =	vld [tilespmem:s15+$0x280];
	v13 =	vsel vm11, $0x3F800000, v0  }
0x194: {  	s21 =	simm.s32 $0xA0;
	s22 =	simm.s32 $0x280;
	s0 =	sor.u32 s0, s1;
	vm12 =	vge.f32 v15, v11;
	v12 =	vadd.f32 v13, v12  }
0x195: {  	s23 =	sand.u32 $0x70, s21;
	s24 =	sand.u32 $0x1FE00, s22;
	v15 =	vld [tilespmem:s0+$0x80];
	v13 =	vsel vm12, $0x3F800000, v0  }
0x196: {  	s25 =	simm.s32 $0xB0;
	s26 =	simm.s32 $0x2C0;
	s0 =	sor.u32 s23, s24;
	vm13 =	vge.f32 v16, v11;
	v12 =	vadd.f32 v13, v12  }
0x197: {  	s7 =	sand.u32 $0x70, s25;
	s1 =	sand.u32 $0x1FE00, s26;
	v16 =	vsel vm13, $0x3F800000, v0;
	v13 =	vld [tilespmem:s0+$0x80]  }
0x198: {  	s10 =	simm.s32 $0x300;
	s28 =	simm.s32 $0xC0;
	s29 =	sor.u32 s7, s1;
	vm14 =	vge.f32 v14, v11;
	v16 =	vadd.f32 v16, v12  }
0x199: {  	s16 =	simm.s32 $0xD0;
	s31 =	sand.u32 $0x1FE00, s10;
	s30 =	sand.u32 $0x70, s28;
	v14 =	vsel vm14, $0x3F800000, v0;
	v12 =	vld [tilespmem:s29+$0x80]  }
0x19a: {  	s17 =	simm.s32 $0x680;
	s7 =	sor.u32 s30, s31;
	s15 =	simm.s32 $0x340;
	vm15 =	vge.f32 v15, v11;
	v15 =	vadd.f32 v14, v16  }
0x19b: {  	s19 =	simm.s32 $0x380;
	s1 =	sand.u32 $0xFE00, s15;
	s0 =	sand.u32 $0x70, s16;
	v16 =	vsel vm15, $0x3F800000, v0;
	v14 =	vld [tilespmem:s7+$0x80]  }
.LBB2_13:
0x19c: {  	p0 =	sne.s32 s17, $0x8540;
	s18 =	sor.u32 s0, s1;
	s0 =	sadd.s32 $0x10, s16;
	v15 =	vadd.f32 v16, v15;
	vm0 =	vge.f32 v13, v11  }
0x19d: {  	s1 =	sand.u32 $0x1FE00, s19;
	v13 =	vld [tilespmem:s18+$0x80];
	s0 =	sand.u32 $0x70, s0;
	v16 =	vsel vm0, $0x3F800000, v0  }
0x19e: {  	s7 =	sadd.s32 $0x80, s15;
	s0 =	sor.u32 s0, s1;
	s1 =	sadd.s32 $0x20, s16;
	v15 =	vadd.f32 v16, v15;
	vm0 =	vge.f32 v12, v11  }
0x19f: {  	v12 =	vld [tilespmem:s0+$0x80];
	s0 =	sand.u32 $0x70, s1;
	s1 =	sand.u32 $0x1FE00, s7;
	v16 =	vsel vm0, $0x3F800000, v0  }
0x1a0: {  	s7 =	sadd.s32 $0xC0, s15;
	s0 =	sor.u32 s0, s1;
	s1 =	sadd.s32 $0x30, s16;
	v15 =	vadd.f32 v16, v15;
	vm0 =	vge.f32 v14, v11  }
0x1a1: {  	v14 =	vld [tilespmem:s0+$0x80];
	s0 =	sand.u32 $0x70, s1;
	s1 =	sand.u32 $0x1FE00, s7;
	v16 =	vsel vm0, $0x3F800000, v0  }
0x1a2: {  	s7 =	sadd.s32 $0x100, s15;
	vm0 =	vge.f32 v13, v11;
	s0 =	sor.u32 s0, s1;
	s1 =	sadd.s32 $0x40, s16;
	v13 =	vadd.f32 v16, v15  }
0x1a3: {  	v15 =	vsel vm0, $0x3F800000, v0;
	v16 =	vld [tilespmem:s0+$0x80];
	s0 =	sand.u32 $0x70, s1;
	s1 =	sand.u32 $0x1FE00, s7  }
0x1a4: {  	s7 =	sadd.s32 $0x140, s15;
	v13 =	vadd.f32 v15, v13;
	vm0 =	vge.f32 v12, v11;
	s0 =	sor.u32 s0, s1;
	s1 =	sadd.s32 $0x50, s16  }
0x1a5: {  	v12 =	vsel vm0, $0x3F800000, v0;
	v15 =	vld [tilespmem:s0+$0x80];
	s0 =	sand.u32 $0x70, s1;
	s1 =	sand.u32 $0x1FE00, s7  }
0x1a6: {  	s7 =	sadd.s32 $0x180, s15;
	v12 =	vadd.f32 v12, v13;
	vm0 =	vge.f32 v14, v11;
	s0 =	sor.u32 s0, s1;
	s1 =	sadd.s32 $0x60, s16  }
0x1a7: {  	v13 =	vsel vm0, $0x3F800000, v0;
	v14 =	vld [tilespmem:s0+$0x80];
	s0 =	sand.u32 $0x70, s1;
	s1 =	sand.u32 $0x1FE00, s7  }
0x1a8: {  	s7 =	sadd.s32 $0x1C0, s15;
	v12 =	vadd.f32 v13, v12;
	vm0 =	vge.f32 v16, v11;
	s0 =	sor.u32 s0, s1;
	s1 =	sadd.s32 $0x70, s16  }
0x1a9: {  	v13 =	vsel vm0, $0x3F800000, v0;
	v16 =	vld [tilespmem:s0+$0x80];
	s0 =	sand.u32 $0x70, s1;
	s1 =	sand.u32 $0x1FE00, s7  }
0x1aa: {  	v12 =	vadd.f32 v13, v12;
	vm0 =	vge.f32 v15, v11;
	s0 =	sor.u32 s0, s1  }
0x1ab: {  	v13 =	vsel vm0, $0x3F800000, v0;
	v15 =	vld [tilespmem:s0+$0x80]  }
0x1ac: {  	s1 =	sadd.s32 $0x240, s15;
	s0 =	sadd.s32 $0x90, s16;
	v12 =	vadd.f32 v13, v12;
	vm0 =	vge.f32 v14, v11  }
0x1ad: {  	s1 =	sand.u32 $0x1FE00, s1;
	s0 =	sand.u32 $0x70, s0;
	v13 =	vsel vm0, $0x3F800000, v0;
	v14 =	vld [tilespmem:s18+$0x280]  }
0x1ae: {  	s7 =	sadd.s32 $0x280, s15;
	s0 =	sor.u32 s0, s1;
	s1 =	sadd.s32 $0xA0, s16;
	v12 =	vadd.f32 v13, v12;
	vm0 =	vge.f32 v16, v11  }
0x1af: {  	v13 =	vsel vm0, $0x3F800000, v0;
	v16 =	vld [tilespmem:s0+$0x80];
	s0 =	sand.u32 $0x70, s1;
	s1 =	sand.u32 $0x1FE00, s7  }
0x1b0: {  	s7 =	sadd.s32 $0x2C0, s15;
	v12 =	vadd.f32 v13, v12;
	vm0 =	vge.f32 v15, v11;
	s0 =	sor.u32 s0, s1;
	s1 =	sadd.s32 $0xB0, s16  }
.Ltmp5:
0x1b1: {  	v15 =	vsel vm0, $0x3F800000, v0;
	v13 =	vld [tilespmem:s0+$0x80];
	s0 =	sand.u32 $0x70, s1;
	s1 =	sand.u32 $0x1FE00, s7;
	(pc) =	sbr.rel @p0 .LBB2_13-.Ltmp5, $4  }
0x1b2: {  	s7 =	sadd.s32 $0x300, s15;
	v15 =	vadd.f32 v15, v12;
	vm0 =	vge.f32 v14, v11;
	s0 =	sor.u32 s0, s1;
	s1 =	sadd.s32 $0xC0, s16  }
0x1b3: {  	s15 =	smov.u32 s17;
	v14 =	vsel vm0, $0x3F800000, v0;
	v12 =	vld [tilespmem:s0+$0x80];
	s0 =	sand.u32 $0x70, s1;
	s1 =	sand.u32 $0x1FE00, s7  }
0x1b4: {  	s19 =	sadd.s32 $0x40, s17;
	s16 =	sadd.s32 $0xD0, s16;
	v15 =	vadd.f32 v14, v15;
	vm0 =	vge.f32 v16, v11;
	s7 =	sor.u32 s0, s1  }
0x1b5: {  	s17 =	sadd.s32 $0x340, s17;
	s0 =	sand.u32 $0x70, s16;
	s1 =	sand.u32 $0xFE00, s15;
	v16 =	vsel vm0, $0x3F800000, v0;
	v14 =	vld [tilespmem:s7+$0x80]  }
0x1b6: {  	s17 =	sor.u32 s0, s1;
	s24 =	sadd.s32 $0x10, s16;
	v15 =	vadd.f32 v16, v15;
	vm0 =	vge.f32 v13, v11  }
0x1b7: {  	s25 =	sand.u32 $0x1FE00, s19;
	v31 =	vld [tilespmem:s17+$0x80];
	s0 =	sand.u32 $0x70, s24;
	v32 =	vsel vm0, $0x3F800000, v0  }
0x1b8: {  	s26 =	sadd.s32 $0x20, s16;
	s7 =	sadd.s32 $0x80, s15;
	s0 =	sor.u32 s0, s25;
	v15 =	vadd.f32 v32, v15;
	vm12 =	vge.f32 v12, v11  }
0x1b9: {  	s28 =	sand.u32 $0x70, s26;
	s29 =	sand.u32 $0x1FE00, s7;
	v33 =	vld [tilespmem:s0+$0x80];
	v34 =	vsel vm12, $0x3F800000, v0  }
0x1ba: {  	s30 =	sadd.s32 $0x30, s16;
	s31 =	sadd.s32 $0xC0, s15;
	s0 =	sor.u32 s28, s29;
	v15 =	vadd.f32 v34, v15;
	vm13 =	vge.f32 v14, v11  }
0x1bb: {  	s1 =	sand.u32 $0x70, s30;
	s8 =	sand.u32 $0x1FE00, s31;
	v35 =	vld [tilespmem:s0+$0x80];
	v36 =	vsel vm13, $0x3F800000, v0  }
0x1bc: {  	s10 =	sadd.s32 $0x40, s16;
	s18 =	sadd.s32 $0x100, s15;
	s0 =	sor.u32 s1, s8;
	vm14 =	vge.f32 v31, v11;
	v37 =	vadd.f32 v36, v15  }
0x1bd: {  	s19 =	sand.u32 $0x70, s10;
	s20 =	sand.u32 $0x1FE00, s18;
	v39 =	vld [tilespmem:s0+$0x80];
	v38 =	vsel vm14, $0x3F800000, v0  }
0x1be: {  	s21 =	sadd.s32 $0x50, s16;
	s22 =	sadd.s32 $0x140, s15;
	s0 =	sor.u32 s19, s20;
	v13 =	vadd.f32 v38, v37;
	vm15 =	vge.f32 v33, v11  }
0x1bf: {  	s23 =	sand.u32 $0x70, s21;
	s24 =	sand.u32 $0x1FE00, s22;
	v40 =	vld [tilespmem:s0+$0x80];
	v12 =	vsel vm15, $0x3F800000, v0  }
0x1c0: {  	s26 =	sadd.s32 $0x180, s15;
	s25 =	sadd.s32 $0x60, s16;
	s0 =	sor.u32 s23, s24;
	vm4 =	vge.f32 v35, v11;
	v12 =	vadd.f32 v12, v13  }
0x1c1: {  	s28 =	sand.u32 $0x70, s25;
	s29 =	sand.u32 $0x1FE00, s26;
	v42 =	vld [tilespmem:s0+$0x80];
	v41 =	vsel vm4, $0x3F800000, v0  }
0x1c2: {  	s30 =	sadd.s32 $0x70, s16;
	s31 =	sadd.s32 $0x1C0, s15;
	s0 =	sor.u32 s28, s29;
	vm5 =	vge.f32 v39, v11;
	v12 =	vadd.f32 v41, v12  }
0x1c3: {  	s1 =	sand.u32 $0x70, s30;
	s8 =	sand.u32 $0x1FE00, s31;
	v44 =	vld [tilespmem:s0+$0x80];
	v43 =	vsel vm5, $0x3F800000, v0  }
0x1c4: {  	s0 =	sor.u32 s1, s8;
	vm6 =	vge.f32 v40, v11;
	v12 =	vadd.f32 v43, v12  }
0x1c5: {  	v46 =	vld [tilespmem:s0+$0x80];
	v45 =	vsel vm6, $0x3F800000, v0  }
0x1c6: {  	s10 =	sadd.s32 $0x90, s16;
	s18 =	sadd.s32 $0x240, s15;
	vm7 =	vge.f32 v42, v11;
	v12 =	vadd.f32 v45, v12  }
0x1c7: {  	v48 =	vld [tilespmem:s17+$0x280];
	s1 =	sand.u32 $0x1FE00, s18;
	s0 =	sand.u32 $0x70, s10;
	v47 =	vsel vm7, $0x3F800000, v0  }
0x1c8: {  	s19 =	sadd.s32 $0xA0, s16;
	s20 =	sadd.s32 $0x280, s15;
	s0 =	sor.u32 s0, s1;
	vm8 =	vge.f32 v44, v11;
	v12 =	vadd.f32 v47, v12  }
0x1c9: {  	s21 =	sand.u32 $0x70, s19;
	s22 =	sand.u32 $0x1FE00, s20;
	v50 =	vld [tilespmem:s0+$0x80];
	v49 =	vsel vm8, $0x3F800000, v0  }
0x1ca: {  	s23 =	sadd.s32 $0xB0, s16;
	s24 =	sadd.s32 $0x2C0, s15;
	s0 =	sor.u32 s21, s22;
	vm9 =	vge.f32 v46, v11;
	v12 =	vadd.f32 v49, v12  }
0x1cb: {  	s25 =	sand.u32 $0x70, s23;
	s26 =	sand.u32 $0x1FE00, s24;
	v52 =	vld [tilespmem:s0+$0x80];
	v51 =	vsel vm9, $0x3F800000, v0  }
0x1cc: {  	vm10 =	vge.f32 v48, v11;
	s28 =	sadd.s32 $0xC0, s16;
	s29 =	sadd.s32 $0x300, s15;
	s0 =	sor.u32 s25, s26;
	v12 =	vadd.f32 v51, v12  }
0x1cd: {  	v53 =	vsel vm10, $0x3F800000, v0;
	s30 =	sand.u32 $0x70, s28;
	s31 =	sand.u32 $0x1FE00, s29;
	v54 =	vld [tilespmem:s0+$0x80]  }
0x1ce: {  	s0 =	sor.u32 s30, s31;
	vm11 =	vge.f32 v50, v11;
	v12 =	vadd.f32 v53, v12  }
0x1cf: {  	v56 =	vld [tilespmem:s0+$0x80];
	v55 =	vsel vm11, $0x3F800000, v0  }
0x1d0: {  	vm12 =	vge.f32 v52, v11;
	v12 =	vadd.f32 v55, v12  }
0x1d1: {  	v57 =	vsel vm12, $0x3F800000, v0  }
0x1d2: {  	vm13 =	vge.f32 v54, v11;
	v12 =	vadd.f32 v57, v12  }
0x1d3: {  	v58 =	vsel vm13, $0x3F800000, v0  }
0x1d4: {  	vm14 =	vge.f32 v56, v11;
	v12 =	vadd.f32 v58, v12  }
0x1d5: {  	v59 =	vsel vm14, $0x3F800000, v0  }
0x1d6: {  	v12 =	vadd.f32 v59, v12;
	_ =	sdelay $0x1  }
0x1d7: {  	[tilespmem:$0x8C80] =	vst v12  }
0x1d8: {  	[tilespmem:$0x8C90] =	vst v12  }
0x1d9: {  	v60 =	vld [tilespmem:$0x8C88];
	_ =	sdelay $0x4  }
0x1da: {  	v12 =	vadd.f32 v60, v12;
	_ =	sdelay $0x1  }
0x1db: {  	[tilespmem:$0x8C80] =	vst v12  }
0x1dc: {  	[tilespmem:$0x8C90] =	vst v12  }
0x1dd: {  	v61 =	vld [tilespmem:$0x8C84];
	_ =	sdelay $0x4  }
0x1de: {  	v12 =	vadd.f32 v61, v12;
	_ =	sdelay $0x1  }
0x1df: {  	[tilespmem:$0x8C80] =	vst v12  }
0x1e0: {  	[tilespmem:$0x8C90] =	vst v12  }
0x1e1: {  	v62 =	vld [tilespmem:$0x8C82];
	_ =	sdelay $0x4  }
0x1e2: {  	v12 =	vadd.f32 v62, v12;
	_ =	sdelay $0x1  }
0x1e3: {  	[tilespmem:$0x8C80] =	vst v12  }
0x1e4: {  	[tilespmem:$0x8C90] =	vst v12  }
0x1e5: {  	v63 =	vld [tilespmem:$0x8C81];
	_ =	sdelay $0x1  }
0x1e6: {  	s14 =	sadd.s32 $0x1, s14  }
0x1e7: {  	p0 =	sne.s32 s14, $0x14  }
.Ltmp6:
0x1e8: {  	_ = 	snop;
	(pc) =	sbr.rel @p0 .LBB2_12-.Ltmp6, $3  }
0x1e9: {  	v12 =	vadd.f32 v63, v12;
	_ =	sdelay $0x1  }
0x1ea: {  	vm15 =	vge.f32 v12, v7  }
0x1eb: {  	v8 =	vsel vm15, v11, v8;
	v9 =	vsel vm15, v9, v11  }
0x1ec: {  	s0 =	simm.s32 $0x0  }
0x1ed: {  	s1 =	sand.u32 $0x70, s0;
	s0 =	sand.u32 $0xFE00, s0  }
0x1ee: {  	s7 =	simm.s32 $0x40;
	s16 =	simm.s32 $0x10;
	s13 =	sor.u32 s1, s0  }
0x1ef: {  	s17 =	sand.u32 $0x1FE00, s7;
	s0 =	sand.u32 $0x70, s16;
	v9 =	vld [tilespmem:s13+$0x80]  }
0x1f0: {  	s18 =	simm.s32 $0x20;
	s8 =	simm.s32 $0x80;
	s0 =	sor.u32 s0, s17  }
0x1f1: {  	s19 =	sand.u32 $0x70, s18;
	s20 =	sand.u32 $0x1FE00, s8;
	v10 =	vld [tilespmem:s0+$0x80]  }
0x1f2: {  	s21 =	simm.s32 $0x30;
	s22 =	simm.s32 $0xC0;
	s0 =	sor.u32 s19, s20  }
0x1f3: {  	s23 =	sand.u32 $0x70, s21;
	s24 =	sand.u32 $0x1FE00, s22;
	v11 =	vld [tilespmem:s0+$0x80]  }
0x1f4: {  	s25 =	simm.s32 $0x100;
	s0 =	sor.u32 s23, s24;
	vm0 =	vgt.f32 v9, v8  }
0x1f5: {  	v12 =	vimm.f32 $0.0e+00;
	s26 =	sand.u32 $0x70, s7;
	s1 =	sand.u32 $0x1FE00, s25;
	v14 =	vld [tilespmem:s0+$0x80];
	v13 =	vsel vm0, $0x3F800000, v0  }
0x1f6: {  	s28 =	simm.s32 $0x50;
	s29 =	simm.s32 $0x140;
	s0 =	sor.u32 s26, s1;
	v9 =	vnsel vm0, $0x0, v9;
	vm7 =	vgt.f32 v10, v8;
	v13 =	vadd.f32 v13, v12  }
0x1f7: {  	s30 =	sand.u32 $0x70, s28;
	s31 =	sand.u32 $0x1FE00, s29;
	v15 =	vld [tilespmem:s0+$0x80];
	v9 =	vadd.f32 v9, v12;
	v12 =	vsel vm7, $0x3F800000, v0  }
0x1f8: {  	s7 =	simm.s32 $0x60;
	s8 =	simm.s32 $0x180;
	s0 =	sor.u32 s30, s31;
	v10 =	vnsel vm7, $0x0, v10;
	vm8 =	vgt.f32 v11, v8;
	v12 =	vadd.f32 v12, v13  }
0x1f9: {  	s10 =	sand.u32 $0x70, s7;
	s14 =	sand.u32 $0x1FE00, s8;
	v9 =	vadd.f32 v10, v9;
	v10 =	vsel vm8, $0x3F800000, v0;
	v13 =	vld [tilespmem:s0+$0x80]  }
0x1fa: {  	s15 =	simm.s32 $0x70;
	s16 =	simm.s32 $0x1C0;
	v11 =	vnsel vm8, $0x0, v11;
	vm9 =	vgt.f32 v14, v8;
	s0 =	sor.u32 s10, s14;
	v10 =	vadd.f32 v10, v12  }
0x1fb: {  	s17 =	sand.u32 $0x70, s15;
	s18 =	sand.u32 $0x1FE00, s16;
	v9 =	vadd.f32 v11, v9;
	v11 =	vsel vm9, $0x3F800000, v0;
	v12 =	vld [tilespmem:s0+$0x80]  }
0x1fc: {  	v14 =	vnsel vm9, $0x0, v14;
	vm10 =	vgt.f32 v15, v8;
	s0 =	sor.u32 s17, s18;
	v10 =	vadd.f32 v11, v10  }
0x1fd: {  	v9 =	vadd.f32 v14, v9;
	v11 =	vsel vm10, $0x3F800000, v0;
	v14 =	vld [tilespmem:s0+$0x80]  }
0x1fe: {  	v15 =	vnsel vm10, $0x0, v15;
	vm11 =	vgt.f32 v13, v8;
	v10 =	vadd.f32 v11, v10  }
0x1ff: {  	s19 =	simm.s32 $0x90;
	s20 =	simm.s32 $0x240;
	v9 =	vadd.f32 v15, v9;
	v11 =	vsel vm11, $0x3F800000, v0  }
0x200: {  	s1 =	sand.u32 $0x1FE00, s20;
	s0 =	sand.u32 $0x70, s19;
	v15 =	vld [tilespmem:s13+$0x280];
	v13 =	vnsel vm11, $0x0, v13;
	vm12 =	vgt.f32 v12, v8;
	v10 =	vadd.f32 v11, v10  }
0x201: {  	s21 =	simm.s32 $0xA0;
	s22 =	simm.s32 $0x280;
	s0 =	sor.u32 s0, s1;
	v9 =	vadd.f32 v13, v9;
	v11 =	vsel vm12, $0x3F800000, v0  }
0x202: {  	s23 =	sand.u32 $0x70, s21;
	s24 =	sand.u32 $0x1FE00, s22;
	v13 =	vld [tilespmem:s0+$0x80];
	v12 =	vnsel vm12, $0x0, v12;
	vm13 =	vgt.f32 v14, v8;
	v10 =	vadd.f32 v11, v10  }
0x203: {  	s25 =	simm.s32 $0xB0;
	s26 =	simm.s32 $0x2C0;
	s0 =	sor.u32 s23, s24;
	v11 =	vadd.f32 v12, v9;
	v9 =	vsel vm13, $0x3F800000, v0  }
0x204: {  	s7 =	sand.u32 $0x70, s25;
	s1 =	sand.u32 $0x1FE00, s26;
	v12 =	vnsel vm13, $0x0, v14;
	v14 =	vadd.f32 v9, v10;
	v9 =	vld [tilespmem:s0+$0x80]  }
0x205: {  	s28 =	simm.s32 $0xC0;
	s10 =	simm.s32 $0x300;
	s29 =	sor.u32 s7, s1;
	vm14 =	vgt.f32 v15, v8;
	v11 =	vadd.f32 v12, v11  }
0x206: {  	s15 =	simm.s32 $0x680;
	s30 =	sand.u32 $0x70, s28;
	s31 =	sand.u32 $0x1FE00, s10;
	v12 =	vsel vm14, $0x3F800000, v0;
	v15 =	vnsel vm14, $0x0, v15;
	v10 =	vld [tilespmem:s29+$0x80]  }
0x207: {  	s14 =	simm.s32 $0xD0;
	s13 =	simm.s32 $0x340;
	s7 =	sor.u32 s30, s31;
	vm15 =	vgt.f32 v13, v8;
	v14 =	vadd.f32 v12, v14;
	v12 =	vadd.f32 v15, v11  }
0x208: {  	s17 =	simm.s32 $0x380;
	s1 =	sand.u32 $0xFE00, s13;
	s0 =	sand.u32 $0x70, s14;
	v15 =	vsel vm15, $0x3F800000, v0;
	v13 =	vnsel vm15, $0x0, v13;
	v11 =	vld [tilespmem:s7+$0x80]  }
.LBB2_16:
0x209: {  	p0 =	sne.s32 s15, $0x8540;
	s16 =	sor.u32 s0, s1;
	s0 =	sadd.s32 $0x10, s14;
	v14 =	vadd.f32 v15, v14;
	v12 =	vadd.f32 v13, v12;
	vm0 =	vgt.f32 v9, v8  }
0x20a: {  	s1 =	sand.u32 $0x1FE00, s17;
	v13 =	vld [tilespmem:s16+$0x80];
	s0 =	sand.u32 $0x70, s0;
	v15 =	vsel vm0, $0x3F800000, v0;
	v9 =	vnsel vm0, $0x0, v9  }
0x20b: {  	s7 =	sadd.s32 $0x80, s13;
	s0 =	sor.u32 s0, s1;
	s1 =	sadd.s32 $0x20, s14;
	v14 =	vadd.f32 v15, v14;
	v9 =	vadd.f32 v9, v12;
	vm0 =	vgt.f32 v10, v8  }
0x20c: {  	v12 =	vld [tilespmem:s0+$0x80];
	s0 =	sand.u32 $0x70, s1;
	s1 =	sand.u32 $0x1FE00, s7;
	v15 =	vsel vm0, $0x3F800000, v0;
	v10 =	vnsel vm0, $0x0, v10  }
0x20d: {  	s7 =	sadd.s32 $0xC0, s13;
	s0 =	sor.u32 s0, s1;
	s1 =	sadd.s32 $0x30, s14;
	v14 =	vadd.f32 v15, v14;
	v9 =	vadd.f32 v10, v9;
	vm0 =	vgt.f32 v11, v8  }
0x20e: {  	v10 =	vld [tilespmem:s0+$0x80];
	s0 =	sand.u32 $0x70, s1;
	s1 =	sand.u32 $0x1FE00, s7;
	v15 =	vsel vm0, $0x3F800000, v0;
	v11 =	vnsel vm0, $0x0, v11  }
0x20f: {  	s7 =	sadd.s32 $0x100, s13;
	vm0 =	vgt.f32 v13, v8;
	s0 =	sor.u32 s0, s1;
	s1 =	sadd.s32 $0x40, s14;
	v14 =	vadd.f32 v15, v14;
	v9 =	vadd.f32 v11, v9  }
0x210: {  	v11 =	vsel vm0, $0x3F800000, v0;
	v13 =	vnsel vm0, $0x0, v13;
	v15 =	vld [tilespmem:s0+$0x80];
	s0 =	sand.u32 $0x70, s1;
	s1 =	sand.u32 $0x1FE00, s7  }
0x211: {  	s7 =	sadd.s32 $0x140, s13;
	v11 =	vadd.f32 v11, v14;
	v9 =	vadd.f32 v13, v9;
	vm0 =	vgt.f32 v12, v8;
	s0 =	sor.u32 s0, s1;
	s1 =	sadd.s32 $0x50, s14  }
0x212: {  	v13 =	vsel vm0, $0x3F800000, v0;
	v12 =	vnsel vm0, $0x0, v12;
	v14 =	vld [tilespmem:s0+$0x80];
	s0 =	sand.u32 $0x70, s1;
	s1 =	sand.u32 $0x1FE00, s7  }
0x213: {  	s7 =	sadd.s32 $0x180, s13;
	v11 =	vadd.f32 v13, v11;
	v9 =	vadd.f32 v12, v9;
	vm0 =	vgt.f32 v10, v8;
	s0 =	sor.u32 s0, s1;
	s1 =	sadd.s32 $0x60, s14  }
0x214: {  	v12 =	vsel vm0, $0x3F800000, v0;
	v10 =	vnsel vm0, $0x0, v10;
	v13 =	vld [tilespmem:s0+$0x80];
	s0 =	sand.u32 $0x70, s1;
	s1 =	sand.u32 $0x1FE00, s7  }
0x215: {  	s7 =	sadd.s32 $0x1C0, s13;
	v11 =	vadd.f32 v12, v11;
	v9 =	vadd.f32 v10, v9;
	vm0 =	vgt.f32 v15, v8;
	s0 =	sor.u32 s0, s1;
	s1 =	sadd.s32 $0x70, s14  }
0x216: {  	v10 =	vsel vm0, $0x3F800000, v0;
	v12 =	vnsel vm0, $0x0, v15;
	v15 =	vld [tilespmem:s0+$0x80];
	s0 =	sand.u32 $0x70, s1;
	s1 =	sand.u32 $0x1FE00, s7  }
0x217: {  	v10 =	vadd.f32 v10, v11;
	v9 =	vadd.f32 v12, v9;
	vm0 =	vgt.f32 v14, v8;
	s0 =	sor.u32 s0, s1  }
0x218: {  	v11 =	vsel vm0, $0x3F800000, v0;
	v12 =	vnsel vm0, $0x0, v14;
	v14 =	vld [tilespmem:s0+$0x80]  }
0x219: {  	s1 =	sadd.s32 $0x240, s13;
	s0 =	sadd.s32 $0x90, s14;
	v10 =	vadd.f32 v11, v10;
	v9 =	vadd.f32 v12, v9;
	vm0 =	vgt.f32 v13, v8  }
0x21a: {  	s1 =	sand.u32 $0x1FE00, s1;
	s0 =	sand.u32 $0x70, s0;
	v11 =	vsel vm0, $0x3F800000, v0;
	v12 =	vnsel vm0, $0x0, v13;
	v13 =	vld [tilespmem:s16+$0x280]  }
0x21b: {  	s7 =	sadd.s32 $0x280, s13;
	s0 =	sor.u32 s0, s1;
	s1 =	sadd.s32 $0xA0, s14;
	v10 =	vadd.f32 v11, v10;
	v9 =	vadd.f32 v12, v9;
	vm0 =	vgt.f32 v15, v8  }
0x21c: {  	v11 =	vsel vm0, $0x3F800000, v0;
	v12 =	vnsel vm0, $0x0, v15;
	v16 =	vld [tilespmem:s0+$0x80];
	s0 =	sand.u32 $0x70, s1;
	s1 =	sand.u32 $0x1FE00, s7  }
0x21d: {  	s7 =	sadd.s32 $0x2C0, s13;
	v10 =	vadd.f32 v11, v10;
	v11 =	vadd.f32 v12, v9;
	vm0 =	vgt.f32 v14, v8;
	s0 =	sor.u32 s0, s1;
	s1 =	sadd.s32 $0xB0, s14  }
.Ltmp7:
0x21e: {  	v12 =	vsel vm0, $0x3F800000, v0;
	v14 =	vnsel vm0, $0x0, v14;
	v9 =	vld [tilespmem:s0+$0x80];
	s0 =	sand.u32 $0x70, s1;
	s1 =	sand.u32 $0x1FE00, s7;
	(pc) =	sbr.rel @p0 .LBB2_16-.Ltmp7, $4  }
0x21f: {  	s7 =	sadd.s32 $0x300, s13;
	v12 =	vadd.f32 v12, v10;
	v11 =	vadd.f32 v14, v11;
	vm0 =	vgt.f32 v13, v8;
	s0 =	sor.u32 s0, s1;
	s1 =	sadd.s32 $0xC0, s14  }
0x220: {  	s13 =	smov.u32 s15;
	v14 =	vsel vm0, $0x3F800000, v0;
	v13 =	vnsel vm0, $0x0, v13;
	v10 =	vld [tilespmem:s0+$0x80];
	s0 =	sand.u32 $0x70, s1;
	s1 =	sand.u32 $0x1FE00, s7  }
0x221: {  	s17 =	sadd.s32 $0x40, s15;
	s14 =	sadd.s32 $0xD0, s14;
	v14 =	vadd.f32 v14, v12;
	v12 =	vadd.f32 v13, v11;
	vm0 =	vgt.f32 v16, v8;
	s7 =	sor.u32 s0, s1  }
0x222: {  	s15 =	sadd.s32 $0x340, s15;
	s0 =	sand.u32 $0x70, s14;
	s1 =	sand.u32 $0xFE00, s13;
	v15 =	vsel vm0, $0x3F800000, v0;
	v13 =	vnsel vm0, $0x0, v16;
	v11 =	vld [tilespmem:s7+$0x80]  }
0x223: {  	s15 =	sor.u32 s0, s1;
	s18 =	sadd.s32 $0x10, s14;
	v14 =	vadd.f32 v15, v14;
	vm3 =	vgt.f32 v9, v8  }
0x224: {  	s19 =	sand.u32 $0x1FE00, s17;
	v15 =	vld [tilespmem:s15+$0x80];
	s0 =	sand.u32 $0x70, s18;
	v16 =	vsel vm3, $0x3F800000, v0  }
0x225: {  	s20 =	sadd.s32 $0x20, s14;
	s7 =	sadd.s32 $0x80, s13;
	s0 =	sor.u32 s0, s19;
	v14 =	vadd.f32 v16, v14;
	vm4 =	vgt.f32 v10, v8  }
0x226: {  	s21 =	sand.u32 $0x70, s20;
	s22 =	sand.u32 $0x1FE00, s7;
	v50 =	vld [tilespmem:s0+$0x80];
	v17 =	vsel vm4, $0x3F800000, v0  }
0x227: {  	s23 =	sadd.s32 $0x30, s14;
	s24 =	sadd.s32 $0xC0, s13;
	s0 =	sor.u32 s21, s22;
	v14 =	vadd.f32 v17, v14;
	vm5 =	vgt.f32 v11, v8  }
0x228: {  	s25 =	sand.u32 $0x70, s23;
	s26 =	sand.u32 $0x1FE00, s24;
	v51 =	vld [tilespmem:s0+$0x80];
	v18 =	vsel vm5, $0x3F800000, v0  }
0x229: {  	s8 =	sadd.s32 $0x100, s13;
	s7 =	sadd.s32 $0x40, s14;
	s0 =	sor.u32 s25, s26;
	vm6 =	vgt.f32 v15, v8;
	v14 =	vadd.f32 v18, v14  }
0x22a: {  	s16 =	sand.u32 $0x1FE00, s8;
	s10 =	sand.u32 $0x70, s7;
	v19 =	vld [tilespmem:s0+$0x80];
	v52 =	vsel vm6, $0x3F800000, v0  }
0x22b: {  	s17 =	sadd.s32 $0x50, s14;
	s18 =	sadd.s32 $0x140, s13;
	s0 =	sor.u32 s10, s16;
	v14 =	vadd.f32 v52, v14;
	vm7 =	vgt.f32 v50, v8  }
0x22c: {  	s19 =	sand.u32 $0x70, s17;
	s20 =	sand.u32 $0x1FE00, s18;
	v20 =	vld [tilespmem:s0+$0x80];
	v53 =	vsel vm7, $0x3F800000, v0  }
0x22d: {  	s21 =	sadd.s32 $0x60, s14;
	s22 =	sadd.s32 $0x180, s13;
	s0 =	sor.u32 s19, s20;
	vm8 =	vgt.f32 v51, v8;
	v14 =	vadd.f32 v53, v14  }
0x22e: {  	s23 =	sand.u32 $0x70, s21;
	s24 =	sand.u32 $0x1FE00, s22;
	v21 =	vld [tilespmem:s0+$0x80];
	v54 =	vsel vm8, $0x3F800000, v0  }
0x22f: {  	s25 =	sadd.s32 $0x70, s14;
	s26 =	sadd.s32 $0x1C0, s13;
	s0 =	sor.u32 s23, s24;
	vm9 =	vgt.f32 v19, v8;
	v14 =	vadd.f32 v54, v14  }
0x230: {  	s1 =	sand.u32 $0x70, s25;
	s7 =	sand.u32 $0x1FE00, s26;
	v22 =	vld [tilespmem:s0+$0x80];
	v55 =	vsel vm9, $0x3F800000, v0  }
0x231: {  	s0 =	sor.u32 s1, s7;
	vm10 =	vgt.f32 v20, v8;
	v14 =	vadd.f32 v55, v14  }
0x232: {  	v23 =	vld [tilespmem:s0+$0x80];
	v56 =	vsel vm10, $0x3F800000, v0  }
0x233: {  	s8 =	sadd.s32 $0x90, s14;
	s10 =	sadd.s32 $0x240, s13;
	vm11 =	vgt.f32 v21, v8;
	v14 =	vadd.f32 v56, v14  }
0x234: {  	v24 =	vld [tilespmem:s15+$0x280];
	s1 =	sand.u32 $0x1FE00, s10;
	s0 =	sand.u32 $0x70, s8;
	v57 =	vsel vm11, $0x3F800000, v0  }
0x235: {  	s15 =	sadd.s32 $0xA0, s14;
	s16 =	sadd.s32 $0x280, s13;
	s0 =	sor.u32 s0, s1;
	vm12 =	vgt.f32 v22, v8;
	v14 =	vadd.f32 v57, v14  }
0x236: {  	s17 =	sand.u32 $0x70, s15;
	s18 =	sand.u32 $0x1FE00, s16;
	v25 =	vld [tilespmem:s0+$0x80];
	v58 =	vsel vm12, $0x3F800000, v0  }
0x237: {  	s19 =	sadd.s32 $0xB0, s14;
	s20 =	sadd.s32 $0x2C0, s13;
	s0 =	sor.u32 s17, s18;
	vm13 =	vgt.f32 v23, v8;
	v14 =	vadd.f32 v58, v14  }
0x238: {  	s21 =	sand.u32 $0x70, s19;
	s22 =	sand.u32 $0x1FE00, s20;
	v26 =	vld [tilespmem:s0+$0x80];
	v59 =	vsel vm13, $0x3F800000, v0  }
0x239: {  	vm14 =	vgt.f32 v24, v8;
	s23 =	sadd.s32 $0xC0, s14;
	s24 =	sadd.s32 $0x300, s13;
	s0 =	sor.u32 s21, s22;
	v14 =	vadd.f32 v59, v14  }
0x23a: {  	v60 =	vsel vm14, $0x3F800000, v0;
	s25 =	sand.u32 $0x70, s23;
	s26 =	sand.u32 $0x1FE00, s24;
	v27 =	vld [tilespmem:s0+$0x80]  }
0x23b: {  	s0 =	sor.u32 s25, s26;
	vm15 =	vgt.f32 v25, v8;
	v14 =	vadd.f32 v60, v14  }
0x23c: {  	v28 =	vld [tilespmem:s0+$0x80];
	v61 =	vsel vm15, $0x3F800000, v0  }
0x23d: {  	vm0 =	vgt.f32 v26, v8;
	v14 =	vadd.f32 v61, v14  }
0x23e: {  	v62 =	vsel vm0, $0x3F800000, v0  }
0x23f: {  	vm1 =	vgt.f32 v27, v8;
	v14 =	vadd.f32 v62, v14  }
0x240: {  	v12 =	vadd.f32 v13, v12;
	v63 =	vsel vm1, $0x3F800000, v0  }
0x241: {  	v9 =	vnsel vm3, $0x0, v9;
	vm2 =	vgt.f32 v28, v8;
	v13 =	vadd.f32 v63, v14  }
0x242: {  	v9 =	vadd.f32 v9, v12;
	v14 =	vsel vm2, $0x3F800000, v0  }
0x243: {  	v10 =	vnsel vm4, $0x0, v10;
	v12 =	vadd.f32 v14, v13  }
0x244: {  	v9 =	vadd.f32 v10, v9  }
0x245: {  	v10 =	vnsel vm5, $0x0, v11;
	[tilespmem:$0x8C80] =	vst v12  }
0x246: {  	v9 =	vadd.f32 v10, v9;
	[tilespmem:$0x8C90] =	vst v12  }
0x247: {  	v11 =	vnsel vm6, $0x0, v15;
	v10 =	vld [tilespmem:$0x8C88]  }
0x248: {  	v9 =	vadd.f32 v11, v9  }
0x249: {  	v11 =	vnsel vm7, $0x0, v50  }
0x24a: {  	v9 =	vadd.f32 v11, v9  }
0x24b: {  	v11 =	vnsel vm8, $0x0, v51  }
0x24c: {  	v9 =	vadd.f32 v11, v9;
	v10 =	vadd.f32 v10, v12  }
0x24d: {  	v11 =	vnsel vm9, $0x0, v19  }
0x24e: {  	v9 =	vadd.f32 v11, v9;
	[tilespmem:$0x8C80] =	vst v10  }
0x24f: {  	v11 =	vnsel vm10, $0x0, v20;
	[tilespmem:$0x8C90] =	vst v10  }
0x250: {  	v9 =	vadd.f32 v11, v9;
	v12 =	vld [tilespmem:$0x8C84]  }
0x251: {  	v11 =	vnsel vm11, $0x0, v21  }
0x252: {  	v9 =	vadd.f32 v11, v9  }
0x253: {  	v11 =	vnsel vm12, $0x0, v22  }
0x254: {  	v9 =	vadd.f32 v11, v9  }
0x255: {  	v11 =	vnsel vm13, $0x0, v23;
	v10 =	vadd.f32 v12, v10  }
0x256: {  	v9 =	vadd.f32 v11, v9  }
0x257: {  	v11 =	vnsel vm14, $0x0, v24;
	[tilespmem:$0x8C80] =	vst v10  }
0x258: {  	v9 =	vadd.f32 v11, v9;
	[tilespmem:$0x8C90] =	vst v10  }
0x259: {  	v12 =	vnsel vm15, $0x0, v25;
	v11 =	vld [tilespmem:$0x8C82]  }
0x25a: {  	v9 =	vadd.f32 v12, v9  }
0x25b: {  	v12 =	vnsel vm0, $0x0, v26  }
0x25c: {  	v12 =	vadd.f32 v12, v9  }
0x25d: {  	v13 =	vnsel vm1, $0x0, v27  }
0x25e: {  	v9 =	vadd.f32 v11, v10;
	v10 =	vadd.f32 v13, v12  }
0x25f: {  	v11 =	vnsel vm2, $0x0, v28  }
0x260: {  	[tilespmem:$0x8C80] =	vst v9;
	v11 =	vadd.f32 v11, v10  }
0x261: {  	[tilespmem:$0x8C90] =	vst v9  }
0x262: {  	v10 =	vld [tilespmem:$0x8C81];
	[tilespmem:$0x8C80] =	vst v11  }
0x263: {  	[tilespmem:$0x8C90] =	vst v11  }
0x264: {  	v12 =	vld [tilespmem:$0x8C88];
	_ =	sdelay $0x4  }
0x265: {  	v11 =	vadd.f32 v12, v11;
	_ =	sdelay $0x1  }
0x266: {  	[tilespmem:$0x8C80] =	vst v11  }
0x267: {  	[tilespmem:$0x8C90] =	vst v11  }
0x268: {  	v12 =	vld [tilespmem:$0x8C84];
	_ =	sdelay $0x4  }
0x269: {  	v11 =	vadd.f32 v12, v11;
	_ =	sdelay $0x1  }
0x26a: {  	[tilespmem:$0x8C80] =	vst v11  }
0x26b: {  	[tilespmem:$0x8C90] =	vst v11  }
0x26c: {  	v12 =	vld [tilespmem:$0x8C82];
	_ =	sdelay $0x1  }
0x26d: {  	s30 =	simm.s32 $0x80;
	s28 =	simm.s32 $0xC0  }
0x26e: {  	s29 =	simm.s32 $0x40;
	s15 =	simm.s32 $0x2C0;
	s16 =	simm.s32 $0x280  }
0x26f: {  	s14 =	simm.s32 $0x0;
	s13 =	simm.s32 $0x300;
	s19 =	simm.s32 $0x1C0  }
0x270: {  	s20 =	simm.s32 $0x340;
	s24 =	simm.s32 $0x100;
	s23 =	simm.s32 $0x140;
	v11 =	vadd.f32 v12, v11  }
0x271: {  	s31 =	sand.u32 $0xFE00, s14;
	s7 =	sand.u32 $0x70, s14;
	s10 =	simm.s32 $0x10  }
0x272: {  	s8 =	sand.u32 $0x1FE00, s29;
	s1 =	simm.s32 $0x30;
	s18 =	simm.s32 $0x240;
	[tilespmem:$0x8C80] =	vst v11  }
0x273: {  	s17 =	simm.s32 $0xC0;
	s21 =	simm.s32 $0x180;
	s22 =	simm.s32 $0x70;
	v13 =	vld [tilespmem:$0x8B00];
	[tilespmem:$0x8C90] =	vst v11  }
0x274: {  	s26 =	simm.s32 $0x50;
	s25 =	simm.s32 $0x60;
	s0 =	simm.s32 $0x20;
	v14 =	vimm.f32 $0.0e+00;
	v12 =	vld [tilespmem:$0x8C81]  }
.LBB2_18:
0x275: {  	p0 =	sne.s32 s20, $0x8540;
	s7 =	sor.u32 s7, s31;
	s10 =	sand.u32 $0x70, s10  }
0x276: {  	s0 =	sand.u32 $0x70, s0;
	v15 =	vld [tilespmem:s7+$0x100];
	s8 =	sor.u32 s10, s8;
	s10 =	sand.u32 $0x1FE00, s30  }
0x277: {  	s1 =	sand.u32 $0x70, s1;
	v16 =	vld [tilespmem:s8+$0x100];
	s0 =	sor.u32 s0, s10;
	s8 =	sand.u32 $0x1FE00, s28  }
0x278: {  	v17 =	vld [tilespmem:s0+$0x100];
	s0 =	sor.u32 s1, s8;
	s1 =	sand.u32 $0x70, s29;
	s8 =	sand.u32 $0x1FE00, s24  }
0x279: {  	v18 =	vld [tilespmem:s0+$0x100];
	s0 =	sor.u32 s1, s8;
	s1 =	sand.u32 $0x70, s26;
	s8 =	sand.u32 $0x1FE00, s23  }
0x27a: {  	v19 =	vld [tilespmem:s0+$0x100];
	s0 =	sor.u32 s1, s8;
	s1 =	sand.u32 $0x70, s25;
	s8 =	sand.u32 $0x1FE00, s21  }
0x27b: {  	v14 =	vmax.f32 v14, v15;
	v15 =	vld [tilespmem:s0+$0x100];
	s0 =	sor.u32 s1, s8;
	s1 =	sand.u32 $0x70, s22;
	s8 =	sand.u32 $0x1FE00, s19  }
0x27c: {  	v14 =	vmax.f32 v14, v16;
	v16 =	vld [tilespmem:s0+$0x100];
	s0 =	sor.u32 s1, s8;
	s1 =	sadd.s32 $0x90, s14;
	s8 =	sadd.s32 $0xB0, s14  }
0x27d: {  	s10 =	sadd.s32 $0xA0, s14;
	v14 =	vmax.f32 v14, v17;
	v17 =	vld [tilespmem:s0+$0x100];
	s0 =	sand.u32 $0x70, s1;
	s1 =	sand.u32 $0x1FE00, s18  }
0x27e: {  	v14 =	vmax.f32 v14, v18;
	v18 =	vld [tilespmem:s7+$0x300];
	s0 =	sor.u32 s0, s1;
	s1 =	sand.u32 $0x70, s10;
	s7 =	sand.u32 $0x1FE00, s16  }
0x27f: {  	v14 =	vmax.f32 v14, v19;
	v19 =	vld [tilespmem:s0+$0x100];
	s0 =	sor.u32 s1, s7;
	s1 =	sand.u32 $0x70, s8;
	s7 =	sand.u32 $0x1FE00, s15  }
0x280: {  	v14 =	vmax.f32 v14, v15;
	v15 =	vld [tilespmem:s0+$0x100];
	s0 =	sor.u32 s1, s7;
	s1 =	sand.u32 $0x70, s17;
	s7 =	sand.u32 $0x1FE00, s13  }
0x281: {  	s31 =	sand.u32 $0xFE00, s20;
	v14 =	vmax.f32 v14, v16;
	v16 =	vld [tilespmem:s0+$0x100];
	s0 =	sor.u32 s1, s7  }
0x282: {  	s14 =	sadd.s32 $0xD0, s14;
	s15 =	sadd.s32 $0x2C0, s20;
	s13 =	sadd.s32 $0x300, s20;
	v14 =	vmax.f32 v14, v17;
	v17 =	vld [tilespmem:s0+$0x100]  }
0x283: {  	s19 =	sadd.s32 $0x1C0, s20;
	s18 =	sadd.s32 $0x240, s20;
	s16 =	sadd.s32 $0x280, s20;
	v14 =	vmax.f32 v14, v18  }
0x284: {  	s24 =	sadd.s32 $0x100, s20;
	s23 =	sadd.s32 $0x140, s20;
	s21 =	sadd.s32 $0x180, s20;
	v14 =	vmax.f32 v14, v19  }
.Ltmp8:
0x285: {  	s30 =	sadd.s32 $0x80, s20;
	s28 =	sadd.s32 $0xC0, s20;
	v14 =	vmax.f32 v14, v15;
	(pc) =	sbr.rel @p0 .LBB2_18-.Ltmp8, $4  }
0x286: {  	s22 =	sadd.s32 $0x70, s14;
	s8 =	sadd.s32 $0x40, s20;
	s17 =	sadd.s32 $0xC0, s14;
	v14 =	vmax.f32 v14, v16  }
0x287: {  	s29 =	sadd.s32 $0x40, s14;
	s26 =	sadd.s32 $0x50, s14;
	s25 =	sadd.s32 $0x60, s14;
	v14 =	vmax.f32 v14, v17  }
0x288: {  	s7 =	sand.u32 $0x70, s14;
	s1 =	sadd.s32 $0x30, s14;
	s0 =	sadd.s32 $0x20, s14  }
0x289: {  	s10 =	sadd.s32 $0x10, s14;
	s8 =	sand.u32 $0x1FE00, s8;
	s20 =	sadd.s32 $0x340, s20  }
0x28a: {  	s7 =	sor.u32 s7, s31;
	s10 =	sand.u32 $0x70, s10  }
0x28b: {  	s0 =	sand.u32 $0x70, s0;
	s31 =	sand.u32 $0x1FE00, s30;
	v15 =	vld [tilespmem:s7+$0x100];
	s8 =	sor.u32 s10, s8  }
0x28c: {  	s1 =	sand.u32 $0x70, s1;
	s20 =	sand.u32 $0x1FE00, s28;
	s0 =	sor.u32 s0, s31;
	v16 =	vld [tilespmem:s8+$0x100]  }
0x28d: {  	s30 =	sand.u32 $0x70, s29;
	s28 =	sor.u32 s1, s20;
	s31 =	sand.u32 $0x1FE00, s24;
	v17 =	vld [tilespmem:s0+$0x100]  }
0x28e: {  	s10 =	sand.u32 $0x1FE00, s23;
	v18 =	vld [tilespmem:s28+$0x100];
	s1 =	sor.u32 s30, s31;
	s8 =	sand.u32 $0x70, s26  }
0x28f: {  	s23 =	sand.u32 $0x70, s25;
	s24 =	sand.u32 $0x1FE00, s21;
	v19 =	vld [tilespmem:s1+$0x100];
	s20 =	sor.u32 s8, s10  }
0x290: {  	s25 =	sor.u32 s23, s24;
	s26 =	sand.u32 $0x70, s22;
	s28 =	sand.u32 $0x1FE00, s19;
	v14 =	vmax.f32 v14, v15;
	v15 =	vld [tilespmem:s20+$0x100]  }
0x291: {  	s21 =	sadd.s32 $0xA0, s14;
	s30 =	sadd.s32 $0x90, s14;
	s29 =	sor.u32 s26, s28;
	v14 =	vmax.f32 v14, v16;
	v16 =	vld [tilespmem:s25+$0x100]  }
0x292: {  	s31 =	sadd.s32 $0xB0, s14;
	s19 =	sand.u32 $0x70, s30;
	s20 =	sand.u32 $0x1FE00, s18;
	v14 =	vmax.f32 v14, v17;
	v17 =	vld [tilespmem:s29+$0x100]  }
0x293: {  	s22 =	sand.u32 $0x70, s21;
	s23 =	sand.u32 $0x1FE00, s16;
	s0 =	sor.u32 s19, s20;
	v14 =	vmax.f32 v14, v18;
	v18 =	vld [tilespmem:s7+$0x300]  }
0x294: {  	s24 =	sor.u32 s22, s23;
	s26 =	sand.u32 $0x1FE00, s15;
	s25 =	sand.u32 $0x70, s31;
	v14 =	vmax.f32 v14, v19;
	v19 =	vld [tilespmem:s0+$0x100]  }
0x295: {  	s30 =	sand.u32 $0x1FE00, s13;
	s28 =	sor.u32 s25, s26;
	s29 =	sand.u32 $0x70, s17;
	v14 =	vmax.f32 v14, v15;
	v15 =	vld [tilespmem:s24+$0x100]  }
0x296: {  	s31 =	sor.u32 s29, s30;
	v14 =	vmax.f32 v14, v16;
	v16 =	vld [tilespmem:s28+$0x100]  }
0x297: {  	v14 =	vmax.f32 v14, v17;
	v17 =	vld [tilespmem:s31+$0x100]  }
0x298: {  	v14 =	vmax.f32 v14, v18  }
0x299: {  	v14 =	vmax.f32 v14, v19  }
0x29a: {  	v14 =	vmax.f32 v14, v15  }
0x29b: {  	v14 =	vmax.f32 v14, v16  }
0x29c: {  	v14 =	vmax.f32 v14, v17  }
0x29d: {  	[tilespmem:$0x8C80] =	vst v14  }
0x29e: {  	[tilespmem:$0x8C90] =	vst v14  }
0x29f: {  	v15 =	vld [tilespmem:$0x8C88];
	_ =	sdelay $0x4  }
0x2a0: {  	v14 =	vmax.f32 v14, v15  }
0x2a1: {  	[tilespmem:$0x8C80] =	vst v14  }
0x2a2: {  	[tilespmem:$0x8C90] =	vst v14  }
0x2a3: {  	v15 =	vld [tilespmem:$0x8C84];
	_ =	sdelay $0x4  }
0x2a4: {  	v14 =	vmax.f32 v14, v15  }
0x2a5: {  	[tilespmem:$0x8C80] =	vst v14  }
0x2a6: {  	[tilespmem:$0x8C90] =	vst v14  }
0x2a7: {  	v15 =	vld [tilespmem:$0x8C82];
	_ =	sdelay $0x4  }
0x2a8: {  	v14 =	vmax.f32 v14, v15  }
0x2a9: {  	[tilespmem:$0x8C80] =	vst v14  }
0x2aa: {  	[tilespmem:$0x8C90] =	vst v14  }
0x2ab: {  	v15 =	vld [tilespmem:$0x8C81];
	_ =	sdelay $0x4  }
0x2ac: {  	v14 =	vmax.f32 v14, v15  }
0x2ad: {  	v14 =	vmul.f32 $1.000000950e+00, v14;
	_ =	sdelay $0x1  }
0x2ae: {  	s14 =	simm.s32 $0x0;
	s13 =	simm.s32 $0x0;
	v16 =	vimm.f32 $0.0e+00;
	v15 =	vadd.f32 $1.000000000e-30, v14;
	v14 =	vimm.f32 $0.0e+00  }
.LBB2_20:
0x2af: {  	s0 =	sand.u32 $0x70, s13;
	s1 =	sand.u32 $0xFE00, s13  }
0x2b0: {  	s7 =	simm.s32 $0x40;
	s8 =	simm.s32 $0x10;
	s15 =	sor.u32 s0, s1  }
0x2b1: {  	s0 =	sand.u32 $0x70, s8;
	s10 =	sand.u32 $0x1FE00, s7;
	v18 =	vld [tilespmem:s15+$0x100]  }
0x2b2: {  	s16 =	simm.s32 $0x20;
	v17 =	vadd.f32 v15, v14;
	s8 =	simm.s32 $0x80;
	s0 =	sor.u32 s0, s10  }
0x2b3: {  	s17 =	sand.u32 $0x70, s16;
	s18 =	sand.u32 $0x1FE00, s8;
	v19 =	vld [tilespmem:s0+$0x100]  }
0x2b4: {  	s19 =	simm.s32 $0x30;
	s20 =	simm.s32 $0xC0;
	v17 =	vmul.f32 $5.000000000e-01, v17;
	s0 =	sor.u32 s17, s18  }
0x2b5: {  	s21 =	sand.u32 $0x70, s19;
	s22 =	sand.u32 $0x1FE00, s20;
	v20 =	vld [tilespmem:s0+$0x100]  }
0x2b6: {  	s23 =	simm.s32 $0x100;
	s0 =	sor.u32 s21, s22;
	vm0 =	vge.f32 v18, v17  }
0x2b7: {  	s24 =	sand.u32 $0x70, s7;
	s1 =	sand.u32 $0x1FE00, s23;
	v21 =	vld [tilespmem:s0+$0x100];
	v18 =	vsel vm0, $0x3F800000, v0  }
0x2b8: {  	s25 =	simm.s32 $0x50;
	s26 =	simm.s32 $0x140;
	s0 =	sor.u32 s24, s1;
	vm7 =	vge.f32 v19, v17;
	v18 =	vadd.f32 v18, v16  }
0x2b9: {  	s28 =	sand.u32 $0x70, s25;
	s29 =	sand.u32 $0x1FE00, s26;
	v22 =	vld [tilespmem:s0+$0x100];
	v19 =	vsel vm7, $0x3F800000, v0  }
0x2ba: {  	s30 =	simm.s32 $0x60;
	s31 =	simm.s32 $0x180;
	s0 =	sor.u32 s28, s29;
	vm8 =	vge.f32 v20, v17;
	v18 =	vadd.f32 v19, v18  }
0x2bb: {  	s8 =	sand.u32 $0x1FE00, s31;
	s1 =	sand.u32 $0x70, s30;
	v20 =	vld [tilespmem:s0+$0x100];
	v19 =	vsel vm8, $0x3F800000, v0  }
0x2bc: {  	s16 =	simm.s32 $0x1C0;
	s10 =	simm.s32 $0x70;
	s0 =	sor.u32 s1, s8;
	vm9 =	vge.f32 v21, v17;
	v18 =	vadd.f32 v19, v18  }
0x2bd: {  	s17 =	sand.u32 $0x70, s10;
	s18 =	sand.u32 $0x1FE00, s16;
	v21 =	vld [tilespmem:s0+$0x100];
	v19 =	vsel vm9, $0x3F800000, v0  }
0x2be: {  	s0 =	sor.u32 s17, s18;
	vm10 =	vge.f32 v22, v17;
	v18 =	vadd.f32 v19, v18  }
0x2bf: {  	v22 =	vld [tilespmem:s0+$0x100];
	v19 =	vsel vm10, $0x3F800000, v0  }
0x2c0: {  	s19 =	simm.s32 $0x90;
	s20 =	simm.s32 $0x240;
	vm11 =	vge.f32 v20, v17;
	v18 =	vadd.f32 v19, v18  }
0x2c1: {  	s1 =	sand.u32 $0x1FE00, s20;
	s0 =	sand.u32 $0x70, s19;
	v20 =	vld [tilespmem:s15+$0x300];
	v19 =	vsel vm11, $0x3F800000, v0  }
0x2c2: {  	s21 =	simm.s32 $0xA0;
	s22 =	simm.s32 $0x280;
	s0 =	sor.u32 s0, s1;
	vm12 =	vge.f32 v21, v17;
	v18 =	vadd.f32 v19, v18  }
0x2c3: {  	s23 =	sand.u32 $0x70, s21;
	s24 =	sand.u32 $0x1FE00, s22;
	v21 =	vld [tilespmem:s0+$0x100];
	v19 =	vsel vm12, $0x3F800000, v0  }
0x2c4: {  	s25 =	simm.s32 $0xB0;
	s26 =	simm.s32 $0x2C0;
	s0 =	sor.u32 s23, s24;
	vm13 =	vge.f32 v22, v17;
	v18 =	vadd.f32 v19, v18  }
0x2c5: {  	s7 =	sand.u32 $0x70, s25;
	s1 =	sand.u32 $0x1FE00, s26;
	v22 =	vsel vm13, $0x3F800000, v0;
	v19 =	vld [tilespmem:s0+$0x100]  }
0x2c6: {  	s10 =	simm.s32 $0x300;
	s28 =	simm.s32 $0xC0;
	s29 =	sor.u32 s7, s1;
	vm14 =	vge.f32 v20, v17;
	v22 =	vadd.f32 v22, v18  }
0x2c7: {  	s16 =	simm.s32 $0xD0;
	s31 =	sand.u32 $0x1FE00, s10;
	s30 =	sand.u32 $0x70, s28;
	v20 =	vsel vm14, $0x3F800000, v0;
	v18 =	vld [tilespmem:s29+$0x100]  }
0x2c8: {  	s17 =	simm.s32 $0x680;
	s7 =	sor.u32 s30, s31;
	s15 =	simm.s32 $0x340;
	vm15 =	vge.f32 v21, v17;
	v21 =	vadd.f32 v20, v22  }
0x2c9: {  	s19 =	simm.s32 $0x380;
	s1 =	sand.u32 $0xFE00, s15;
	s0 =	sand.u32 $0x70, s16;
	v22 =	vsel vm15, $0x3F800000, v0;
	v20 =	vld [tilespmem:s7+$0x100]  }
.LBB2_21:
0x2ca: {  	p0 =	sne.s32 s17, $0x8540;
	s18 =	sor.u32 s0, s1;
	s0 =	sadd.s32 $0x10, s16;
	v21 =	vadd.f32 v22, v21;
	vm0 =	vge.f32 v19, v17  }
0x2cb: {  	s1 =	sand.u32 $0x1FE00, s19;
	v19 =	vld [tilespmem:s18+$0x100];
	s0 =	sand.u32 $0x70, s0;
	v22 =	vsel vm0, $0x3F800000, v0  }
0x2cc: {  	s7 =	sadd.s32 $0x80, s15;
	s0 =	sor.u32 s0, s1;
	s1 =	sadd.s32 $0x20, s16;
	v21 =	vadd.f32 v22, v21;
	vm0 =	vge.f32 v18, v17  }
0x2cd: {  	v18 =	vld [tilespmem:s0+$0x100];
	s0 =	sand.u32 $0x70, s1;
	s1 =	sand.u32 $0x1FE00, s7;
	v22 =	vsel vm0, $0x3F800000, v0  }
0x2ce: {  	s7 =	sadd.s32 $0xC0, s15;
	s0 =	sor.u32 s0, s1;
	s1 =	sadd.s32 $0x30, s16;
	v21 =	vadd.f32 v22, v21;
	vm0 =	vge.f32 v20, v17  }
0x2cf: {  	v20 =	vld [tilespmem:s0+$0x100];
	s0 =	sand.u32 $0x70, s1;
	s1 =	sand.u32 $0x1FE00, s7;
	v22 =	vsel vm0, $0x3F800000, v0  }
0x2d0: {  	s7 =	sadd.s32 $0x100, s15;
	vm0 =	vge.f32 v19, v17;
	s0 =	sor.u32 s0, s1;
	s1 =	sadd.s32 $0x40, s16;
	v19 =	vadd.f32 v22, v21  }
0x2d1: {  	v21 =	vsel vm0, $0x3F800000, v0;
	v22 =	vld [tilespmem:s0+$0x100];
	s0 =	sand.u32 $0x70, s1;
	s1 =	sand.u32 $0x1FE00, s7  }
0x2d2: {  	s7 =	sadd.s32 $0x140, s15;
	v19 =	vadd.f32 v21, v19;
	vm0 =	vge.f32 v18, v17;
	s0 =	sor.u32 s0, s1;
	s1 =	sadd.s32 $0x50, s16  }
0x2d3: {  	v18 =	vsel vm0, $0x3F800000, v0;
	v21 =	vld [tilespmem:s0+$0x100];
	s0 =	sand.u32 $0x70, s1;
	s1 =	sand.u32 $0x1FE00, s7  }
0x2d4: {  	s7 =	sadd.s32 $0x180, s15;
	v18 =	vadd.f32 v18, v19;
	vm0 =	vge.f32 v20, v17;
	s0 =	sor.u32 s0, s1;
	s1 =	sadd.s32 $0x60, s16  }
0x2d5: {  	v19 =	vsel vm0, $0x3F800000, v0;
	v20 =	vld [tilespmem:s0+$0x100];
	s0 =	sand.u32 $0x70, s1;
	s1 =	sand.u32 $0x1FE00, s7  }
0x2d6: {  	s7 =	sadd.s32 $0x1C0, s15;
	v18 =	vadd.f32 v19, v18;
	vm0 =	vge.f32 v22, v17;
	s0 =	sor.u32 s0, s1;
	s1 =	sadd.s32 $0x70, s16  }
0x2d7: {  	v19 =	vsel vm0, $0x3F800000, v0;
	v22 =	vld [tilespmem:s0+$0x100];
	s0 =	sand.u32 $0x70, s1;
	s1 =	sand.u32 $0x1FE00, s7  }
0x2d8: {  	v18 =	vadd.f32 v19, v18;
	vm0 =	vge.f32 v21, v17;
	s0 =	sor.u32 s0, s1  }
0x2d9: {  	v19 =	vsel vm0, $0x3F800000, v0;
	v21 =	vld [tilespmem:s0+$0x100]  }
0x2da: {  	s1 =	sadd.s32 $0x240, s15;
	s0 =	sadd.s32 $0x90, s16;
	v18 =	vadd.f32 v19, v18;
	vm0 =	vge.f32 v20, v17  }
0x2db: {  	s1 =	sand.u32 $0x1FE00, s1;
	s0 =	sand.u32 $0x70, s0;
	v19 =	vsel vm0, $0x3F800000, v0;
	v20 =	vld [tilespmem:s18+$0x300]  }
0x2dc: {  	s7 =	sadd.s32 $0x280, s15;
	s0 =	sor.u32 s0, s1;
	s1 =	sadd.s32 $0xA0, s16;
	v18 =	vadd.f32 v19, v18;
	vm0 =	vge.f32 v22, v17  }
0x2dd: {  	v19 =	vsel vm0, $0x3F800000, v0;
	v22 =	vld [tilespmem:s0+$0x100];
	s0 =	sand.u32 $0x70, s1;
	s1 =	sand.u32 $0x1FE00, s7  }
0x2de: {  	s7 =	sadd.s32 $0x2C0, s15;
	v18 =	vadd.f32 v19, v18;
	vm0 =	vge.f32 v21, v17;
	s0 =	sor.u32 s0, s1;
	s1 =	sadd.s32 $0xB0, s16  }
.Ltmp9:
0x2df: {  	v21 =	vsel vm0, $0x3F800000, v0;
	v19 =	vld [tilespmem:s0+$0x100];
	s0 =	sand.u32 $0x70, s1;
	s1 =	sand.u32 $0x1FE00, s7;
	(pc) =	sbr.rel @p0 .LBB2_21-.Ltmp9, $4  }
0x2e0: {  	s7 =	sadd.s32 $0x300, s15;
	v21 =	vadd.f32 v21, v18;
	vm0 =	vge.f32 v20, v17;
	s0 =	sor.u32 s0, s1;
	s1 =	sadd.s32 $0xC0, s16  }
0x2e1: {  	s15 =	smov.u32 s17;
	v20 =	vsel vm0, $0x3F800000, v0;
	v18 =	vld [tilespmem:s0+$0x100];
	s0 =	sand.u32 $0x70, s1;
	s1 =	sand.u32 $0x1FE00, s7  }
0x2e2: {  	s19 =	sadd.s32 $0x40, s17;
	s16 =	sadd.s32 $0xD0, s16;
	v21 =	vadd.f32 v20, v21;
	vm0 =	vge.f32 v22, v17;
	s7 =	sor.u32 s0, s1  }
0x2e3: {  	s17 =	sadd.s32 $0x340, s17;
	s0 =	sand.u32 $0x70, s16;
	s1 =	sand.u32 $0xFE00, s15;
	v22 =	vsel vm0, $0x3F800000, v0;
	v20 =	vld [tilespmem:s7+$0x100]  }
0x2e4: {  	s17 =	sor.u32 s0, s1;
	s24 =	sadd.s32 $0x10, s16;
	v21 =	vadd.f32 v22, v21;
	vm0 =	vge.f32 v19, v17  }
0x2e5: {  	s25 =	sand.u32 $0x1FE00, s19;
	v19 =	vld [tilespmem:s17+$0x100];
	s0 =	sand.u32 $0x70, s24;
	v49 =	vsel vm0, $0x3F800000, v0  }
0x2e6: {  	s26 =	sadd.s32 $0x20, s16;
	s7 =	sadd.s32 $0x80, s15;
	s0 =	sor.u32 s0, s25;
	v21 =	vadd.f32 v49, v21;
	vm12 =	vge.f32 v18, v17  }
0x2e7: {  	s28 =	sand.u32 $0x70, s26;
	s29 =	sand.u32 $0x1FE00, s7;
	v18 =	vld [tilespmem:s0+$0x100];
	v50 =	vsel vm12, $0x3F800000, v0  }
0x2e8: {  	s30 =	sadd.s32 $0x30, s16;
	s31 =	sadd.s32 $0xC0, s15;
	s0 =	sor.u32 s28, s29;
	v21 =	vadd.f32 v50, v21;
	vm13 =	vge.f32 v20, v17  }
0x2e9: {  	s1 =	sand.u32 $0x70, s30;
	s8 =	sand.u32 $0x1FE00, s31;
	v51 =	vld [tilespmem:s0+$0x100];
	v52 =	vsel vm13, $0x3F800000, v0  }
0x2ea: {  	s10 =	sadd.s32 $0x40, s16;
	s18 =	sadd.s32 $0x100, s15;
	s0 =	sor.u32 s1, s8;
	vm14 =	vge.f32 v19, v17;
	v19 =	vadd.f32 v52, v21  }
0x2eb: {  	s19 =	sand.u32 $0x70, s10;
	s20 =	sand.u32 $0x1FE00, s18;
	v54 =	vld [tilespmem:s0+$0x100];
	v53 =	vsel vm14, $0x3F800000, v0  }
0x2ec: {  	s21 =	sadd.s32 $0x50, s16;
	s22 =	sadd.s32 $0x140, s15;
	s0 =	sor.u32 s19, s20;
	v19 =	vadd.f32 v53, v19;
	vm15 =	vge.f32 v18, v17  }
0x2ed: {  	s23 =	sand.u32 $0x70, s21;
	s24 =	sand.u32 $0x1FE00, s22;
	v55 =	vld [tilespmem:s0+$0x100];
	v18 =	vsel vm15, $0x3F800000, v0  }
0x2ee: {  	s26 =	sadd.s32 $0x180, s15;
	s25 =	sadd.s32 $0x60, s16;
	s0 =	sor.u32 s23, s24;
	vm4 =	vge.f32 v51, v17;
	v18 =	vadd.f32 v18, v19  }
0x2ef: {  	s28 =	sand.u32 $0x70, s25;
	s29 =	sand.u32 $0x1FE00, s26;
	v56 =	vld [tilespmem:s0+$0x100];
	v19 =	vsel vm4, $0x3F800000, v0  }
0x2f0: {  	s30 =	sadd.s32 $0x70, s16;
	s31 =	sadd.s32 $0x1C0, s15;
	s0 =	sor.u32 s28, s29;
	vm5 =	vge.f32 v54, v17;
	v18 =	vadd.f32 v19, v18  }
0x2f1: {  	s1 =	sand.u32 $0x70, s30;
	s8 =	sand.u32 $0x1FE00, s31;
	v57 =	vld [tilespmem:s0+$0x100];
	v19 =	vsel vm5, $0x3F800000, v0  }
0x2f2: {  	s0 =	sor.u32 s1, s8;
	vm6 =	vge.f32 v55, v17;
	v18 =	vadd.f32 v19, v18  }
0x2f3: {  	v58 =	vld [tilespmem:s0+$0x100];
	v19 =	vsel vm6, $0x3F800000, v0  }
0x2f4: {  	s10 =	sadd.s32 $0x90, s16;
	s18 =	sadd.s32 $0x240, s15;
	vm7 =	vge.f32 v56, v17;
	v18 =	vadd.f32 v19, v18  }
0x2f5: {  	v59 =	vld [tilespmem:s17+$0x300];
	s1 =	sand.u32 $0x1FE00, s18;
	s0 =	sand.u32 $0x70, s10;
	v19 =	vsel vm7, $0x3F800000, v0  }
0x2f6: {  	s19 =	sadd.s32 $0xA0, s16;
	s20 =	sadd.s32 $0x280, s15;
	s0 =	sor.u32 s0, s1;
	vm8 =	vge.f32 v57, v17;
	v18 =	vadd.f32 v19, v18  }
0x2f7: {  	s21 =	sand.u32 $0x70, s19;
	s22 =	sand.u32 $0x1FE00, s20;
	v60 =	vld [tilespmem:s0+$0x100];
	v19 =	vsel vm8, $0x3F800000, v0  }
0x2f8: {  	s23 =	sadd.s32 $0xB0, s16;
	s24 =	sadd.s32 $0x2C0, s15;
	s0 =	sor.u32 s21, s22;
	vm9 =	vge.f32 v58, v17;
	v18 =	vadd.f32 v19, v18  }
0x2f9: {  	s25 =	sand.u32 $0x70, s23;
	s26 =	sand.u32 $0x1FE00, s24;
	v61 =	vld [tilespmem:s0+$0x100];
	v19 =	vsel vm9, $0x3F800000, v0  }
0x2fa: {  	vm10 =	vge.f32 v59, v17;
	s28 =	sadd.s32 $0xC0, s16;
	s29 =	sadd.s32 $0x300, s15;
	s0 =	sor.u32 s25, s26;
	v18 =	vadd.f32 v19, v18  }
0x2fb: {  	s30 =	sand.u32 $0x70, s28;
	s31 =	sand.u32 $0x1FE00, s29;
	v62 =	vld [tilespmem:s0+$0x100];
	v19 =	vsel vm10, $0x3F800000, v0  }
0x2fc: {  	s0 =	sor.u32 s30, s31;
	vm11 =	vge.f32 v60, v17;
	v18 =	vadd.f32 v19, v18  }
0x2fd: {  	v63 =	vld [tilespmem:s0+$0x100];
	v19 =	vsel vm11, $0x3F800000, v0  }
0x2fe: {  	vm12 =	vge.f32 v61, v17;
	v18 =	vadd.f32 v19, v18  }
0x2ff: {  	v19 =	vsel vm12, $0x3F800000, v0  }
0x300: {  	vm13 =	vge.f32 v62, v17;
	v18 =	vadd.f32 v19, v18  }
0x301: {  	v19 =	vsel vm13, $0x3F800000, v0  }
0x302: {  	vm14 =	vge.f32 v63, v17;
	v18 =	vadd.f32 v19, v18  }
0x303: {  	v19 =	vsel vm14, $0x3F800000, v0  }
0x304: {  	v18 =	vadd.f32 v19, v18;
	_ =	sdelay $0x1  }
0x305: {  	[tilespmem:$0x8C80] =	vst v18  }
0x306: {  	[tilespmem:$0x8C90] =	vst v18  }
0x307: {  	v19 =	vld [tilespmem:$0x8C88];
	_ =	sdelay $0x4  }
0x308: {  	v18 =	vadd.f32 v19, v18;
	_ =	sdelay $0x1  }
0x309: {  	[tilespmem:$0x8C80] =	vst v18  }
0x30a: {  	[tilespmem:$0x8C90] =	vst v18  }
0x30b: {  	v19 =	vld [tilespmem:$0x8C84];
	_ =	sdelay $0x4  }
0x30c: {  	v18 =	vadd.f32 v19, v18;
	_ =	sdelay $0x1  }
0x30d: {  	[tilespmem:$0x8C80] =	vst v18  }
0x30e: {  	[tilespmem:$0x8C90] =	vst v18  }
0x30f: {  	v19 =	vld [tilespmem:$0x8C82];
	_ =	sdelay $0x4  }
0x310: {  	v18 =	vadd.f32 v19, v18;
	_ =	sdelay $0x1  }
0x311: {  	[tilespmem:$0x8C80] =	vst v18  }
0x312: {  	[tilespmem:$0x8C90] =	vst v18  }
0x313: {  	v19 =	vld [tilespmem:$0x8C81];
	_ =	sdelay $0x1  }
0x314: {  	s14 =	sadd.s32 $0x1, s14  }
0x315: {  	p0 =	sne.s32 s14, $0x14  }
.Ltmp10:
0x316: {  	_ = 	snop;
	(pc) =	sbr.rel @p0 .LBB2_20-.Ltmp10, $3  }
0x317: {  	v18 =	vadd.f32 v19, v18;
	_ =	sdelay $0x1  }
0x318: {  	vm15 =	vge.f32 v18, v13  }
0x319: {  	v14 =	vsel vm15, v17, v14;
	v15 =	vsel vm15, v15, v17  }
0x31a: {  	s0 =	simm.s32 $0x0  }
0x31b: {  	s1 =	sand.u32 $0x70, s0;
	s0 =	sand.u32 $0xFE00, s0  }
0x31c: {  	s7 =	simm.s32 $0x40;
	s16 =	simm.s32 $0x10;
	s13 =	sor.u32 s1, s0  }
0x31d: {  	s17 =	sand.u32 $0x1FE00, s7;
	s0 =	sand.u32 $0x70, s16;
	v15 =	vld [tilespmem:s13+$0x100]  }
0x31e: {  	s18 =	simm.s32 $0x20;
	s8 =	simm.s32 $0x80;
	s0 =	sor.u32 s0, s17  }
0x31f: {  	s19 =	sand.u32 $0x70, s18;
	s20 =	sand.u32 $0x1FE00, s8;
	v16 =	vld [tilespmem:s0+$0x100]  }
0x320: {  	s21 =	simm.s32 $0x30;
	s22 =	simm.s32 $0xC0;
	s0 =	sor.u32 s19, s20  }
0x321: {  	s23 =	sand.u32 $0x70, s21;
	s24 =	sand.u32 $0x1FE00, s22;
	v17 =	vld [tilespmem:s0+$0x100]  }
0x322: {  	s25 =	simm.s32 $0x100;
	s0 =	sor.u32 s23, s24;
	vm0 =	vgt.f32 v15, v14  }
0x323: {  	v18 =	vimm.f32 $0.0e+00;
	s26 =	sand.u32 $0x70, s7;
	s1 =	sand.u32 $0x1FE00, s25;
	v20 =	vld [tilespmem:s0+$0x100];
	v19 =	vsel vm0, $0x3F800000, v0  }
0x324: {  	s28 =	simm.s32 $0x50;
	s29 =	simm.s32 $0x140;
	s0 =	sor.u32 s26, s1;
	v15 =	vnsel vm0, $0x0, v15;
	vm7 =	vgt.f32 v16, v14;
	v19 =	vadd.f32 v19, v18  }
0x325: {  	s30 =	sand.u32 $0x70, s28;
	s31 =	sand.u32 $0x1FE00, s29;
	v21 =	vld [tilespmem:s0+$0x100];
	v15 =	vadd.f32 v15, v18;
	v18 =	vsel vm7, $0x3F800000, v0  }
0x326: {  	s7 =	simm.s32 $0x60;
	s8 =	simm.s32 $0x180;
	s0 =	sor.u32 s30, s31;
	v16 =	vnsel vm7, $0x0, v16;
	vm8 =	vgt.f32 v17, v14;
	v18 =	vadd.f32 v18, v19  }
0x327: {  	s10 =	sand.u32 $0x70, s7;
	s14 =	sand.u32 $0x1FE00, s8;
	v15 =	vadd.f32 v16, v15;
	v16 =	vsel vm8, $0x3F800000, v0;
	v19 =	vld [tilespmem:s0+$0x100]  }
0x328: {  	s15 =	simm.s32 $0x70;
	s16 =	simm.s32 $0x1C0;
	v17 =	vnsel vm8, $0x0, v17;
	vm9 =	vgt.f32 v20, v14;
	s0 =	sor.u32 s10, s14;
	v16 =	vadd.f32 v16, v18  }
0x329: {  	s17 =	sand.u32 $0x70, s15;
	s18 =	sand.u32 $0x1FE00, s16;
	v15 =	vadd.f32 v17, v15;
	v17 =	vsel vm9, $0x3F800000, v0;
	v18 =	vld [tilespmem:s0+$0x100]  }
0x32a: {  	v20 =	vnsel vm9, $0x0, v20;
	vm10 =	vgt.f32 v21, v14;
	s0 =	sor.u32 s17, s18;
	v16 =	vadd.f32 v17, v16  }
0x32b: {  	v15 =	vadd.f32 v20, v15;
	v17 =	vsel vm10, $0x3F800000, v0;
	v20 =	vld [tilespmem:s0+$0x100]  }
0x32c: {  	v21 =	vnsel vm10, $0x0, v21;
	vm11 =	vgt.f32 v19, v14;
	v16 =	vadd.f32 v17, v16  }
0x32d: {  	s19 =	simm.s32 $0x90;
	s20 =	simm.s32 $0x240;
	v15 =	vadd.f32 v21, v15;
	v17 =	vsel vm11, $0x3F800000, v0  }
0x32e: {  	s1 =	sand.u32 $0x1FE00, s20;
	s0 =	sand.u32 $0x70, s19;
	v21 =	vld [tilespmem:s13+$0x300];
	v19 =	vnsel vm11, $0x0, v19;
	vm12 =	vgt.f32 v18, v14;
	v16 =	vadd.f32 v17, v16  }
0x32f: {  	s21 =	simm.s32 $0xA0;
	s22 =	simm.s32 $0x280;
	s0 =	sor.u32 s0, s1;
	v15 =	vadd.f32 v19, v15;
	v17 =	vsel vm12, $0x3F800000, v0  }
0x330: {  	s23 =	sand.u32 $0x70, s21;
	s24 =	sand.u32 $0x1FE00, s22;
	v19 =	vld [tilespmem:s0+$0x100];
	v18 =	vnsel vm12, $0x0, v18;
	vm13 =	vgt.f32 v20, v14;
	v16 =	vadd.f32 v17, v16  }
0x331: {  	s25 =	simm.s32 $0xB0;
	s26 =	simm.s32 $0x2C0;
	s0 =	sor.u32 s23, s24;
	v17 =	vadd.f32 v18, v15;
	v15 =	vsel vm13, $0x3F800000, v0  }
0x332: {  	s7 =	sand.u32 $0x70, s25;
	s1 =	sand.u32 $0x1FE00, s26;
	v18 =	vnsel vm13, $0x0, v20;
	v20 =	vadd.f32 v15, v16;
	v15 =	vld [tilespmem:s0+$0x100]  }
0x333: {  	s28 =	simm.s32 $0xC0;
	s10 =	simm.s32 $0x300;
	s29 =	sor.u32 s7, s1;
	vm14 =	vgt.f32 v21, v14;
	v17 =	vadd.f32 v18, v17  }
0x334: {  	s15 =	simm.s32 $0x680;
	s30 =	sand.u32 $0x70, s28;
	s31 =	sand.u32 $0x1FE00, s10;
	v18 =	vsel vm14, $0x3F800000, v0;
	v21 =	vnsel vm14, $0x0, v21;
	v16 =	vld [tilespmem:s29+$0x100]  }
0x335: {  	s14 =	simm.s32 $0xD0;
	s13 =	simm.s32 $0x340;
	s7 =	sor.u32 s30, s31;
	vm15 =	vgt.f32 v19, v14;
	v20 =	vadd.f32 v18, v20;
	v18 =	vadd.f32 v21, v17  }
0x336: {  	s17 =	simm.s32 $0x380;
	s1 =	sand.u32 $0xFE00, s13;
	s0 =	sand.u32 $0x70, s14;
	v21 =	vsel vm15, $0x3F800000, v0;
	v19 =	vnsel vm15, $0x0, v19;
	v17 =	vld [tilespmem:s7+$0x100]  }
.LBB2_24:
0x337: {  	p0 =	sne.s32 s15, $0x8540;
	s16 =	sor.u32 s0, s1;
	s0 =	sadd.s32 $0x10, s14;
	v20 =	vadd.f32 v21, v20;
	v18 =	vadd.f32 v19, v18;
	vm0 =	vgt.f32 v15, v14  }
0x338: {  	s1 =	sand.u32 $0x1FE00, s17;
	v19 =	vld [tilespmem:s16+$0x100];
	s0 =	sand.u32 $0x70, s0;
	v21 =	vsel vm0, $0x3F800000, v0;
	v15 =	vnsel vm0, $0x0, v15  }
0x339: {  	s7 =	sadd.s32 $0x80, s13;
	s0 =	sor.u32 s0, s1;
	s1 =	sadd.s32 $0x20, s14;
	v20 =	vadd.f32 v21, v20;
	v15 =	vadd.f32 v15, v18;
	vm0 =	vgt.f32 v16, v14  }
0x33a: {  	v18 =	vld [tilespmem:s0+$0x100];
	s0 =	sand.u32 $0x70, s1;
	s1 =	sand.u32 $0x1FE00, s7;
	v21 =	vsel vm0, $0x3F800000, v0;
	v16 =	vnsel vm0, $0x0, v16  }
0x33b: {  	s7 =	sadd.s32 $0xC0, s13;
	s0 =	sor.u32 s0, s1;
	s1 =	sadd.s32 $0x30, s14;
	v20 =	vadd.f32 v21, v20;
	v15 =	vadd.f32 v16, v15;
	vm0 =	vgt.f32 v17, v14  }
0x33c: {  	v16 =	vld [tilespmem:s0+$0x100];
	s0 =	sand.u32 $0x70, s1;
	s1 =	sand.u32 $0x1FE00, s7;
	v21 =	vsel vm0, $0x3F800000, v0;
	v17 =	vnsel vm0, $0x0, v17  }
0x33d: {  	s7 =	sadd.s32 $0x100, s13;
	vm0 =	vgt.f32 v19, v14;
	s0 =	sor.u32 s0, s1;
	s1 =	sadd.s32 $0x40, s14;
	v20 =	vadd.f32 v21, v20;
	v15 =	vadd.f32 v17, v15  }
0x33e: {  	v17 =	vsel vm0, $0x3F800000, v0;
	v19 =	vnsel vm0, $0x0, v19;
	v21 =	vld [tilespmem:s0+$0x100];
	s0 =	sand.u32 $0x70, s1;
	s1 =	sand.u32 $0x1FE00, s7  }
0x33f: {  	s7 =	sadd.s32 $0x140, s13;
	v17 =	vadd.f32 v17, v20;
	v15 =	vadd.f32 v19, v15;
	vm0 =	vgt.f32 v18, v14;
	s0 =	sor.u32 s0, s1;
	s1 =	sadd.s32 $0x50, s14  }
0x340: {  	v19 =	vsel vm0, $0x3F800000, v0;
	v18 =	vnsel vm0, $0x0, v18;
	v20 =	vld [tilespmem:s0+$0x100];
	s0 =	sand.u32 $0x70, s1;
	s1 =	sand.u32 $0x1FE00, s7  }
0x341: {  	s7 =	sadd.s32 $0x180, s13;
	v17 =	vadd.f32 v19, v17;
	v15 =	vadd.f32 v18, v15;
	vm0 =	vgt.f32 v16, v14;
	s0 =	sor.u32 s0, s1;
	s1 =	sadd.s32 $0x60, s14  }
0x342: {  	v18 =	vsel vm0, $0x3F800000, v0;
	v16 =	vnsel vm0, $0x0, v16;
	v19 =	vld [tilespmem:s0+$0x100];
	s0 =	sand.u32 $0x70, s1;
	s1 =	sand.u32 $0x1FE00, s7  }
0x343: {  	s7 =	sadd.s32 $0x1C0, s13;
	v17 =	vadd.f32 v18, v17;
	v15 =	vadd.f32 v16, v15;
	vm0 =	vgt.f32 v21, v14;
	s0 =	sor.u32 s0, s1;
	s1 =	sadd.s32 $0x70, s14  }
0x344: {  	v16 =	vsel vm0, $0x3F800000, v0;
	v18 =	vnsel vm0, $0x0, v21;
	v21 =	vld [tilespmem:s0+$0x100];
	s0 =	sand.u32 $0x70, s1;
	s1 =	sand.u32 $0x1FE00, s7  }
0x345: {  	v16 =	vadd.f32 v16, v17;
	v15 =	vadd.f32 v18, v15;
	vm0 =	vgt.f32 v20, v14;
	s0 =	sor.u32 s0, s1  }
0x346: {  	v17 =	vsel vm0, $0x3F800000, v0;
	v18 =	vnsel vm0, $0x0, v20;
	v20 =	vld [tilespmem:s0+$0x100]  }
0x347: {  	s1 =	sadd.s32 $0x240, s13;
	s0 =	sadd.s32 $0x90, s14;
	v16 =	vadd.f32 v17, v16;
	v15 =	vadd.f32 v18, v15;
	vm0 =	vgt.f32 v19, v14  }
0x348: {  	s1 =	sand.u32 $0x1FE00, s1;
	s0 =	sand.u32 $0x70, s0;
	v17 =	vsel vm0, $0x3F800000, v0;
	v18 =	vnsel vm0, $0x0, v19;
	v19 =	vld [tilespmem:s16+$0x300]  }
0x349: {  	s7 =	sadd.s32 $0x280, s13;
	s0 =	sor.u32 s0, s1;
	s1 =	sadd.s32 $0xA0, s14;
	v16 =	vadd.f32 v17, v16;
	v15 =	vadd.f32 v18, v15;
	vm0 =	vgt.f32 v21, v14  }
0x34a: {  	v17 =	vsel vm0, $0x3F800000, v0;
	v18 =	vnsel vm0, $0x0, v21;
	v22 =	vld [tilespmem:s0+$0x100];
	s0 =	sand.u32 $0x70, s1;
	s1 =	sand.u32 $0x1FE00, s7  }
0x34b: {  	s7 =	sadd.s32 $0x2C0, s13;
	v16 =	vadd.f32 v17, v16;
	v17 =	vadd.f32 v18, v15;
	vm0 =	vgt.f32 v20, v14;
	s0 =	sor.u32 s0, s1;
	s1 =	sadd.s32 $0xB0, s14  }
.Ltmp11:
0x34c: {  	v18 =	vsel vm0, $0x3F800000, v0;
	v20 =	vnsel vm0, $0x0, v20;
	v15 =	vld [tilespmem:s0+$0x100];
	s0 =	sand.u32 $0x70, s1;
	s1 =	sand.u32 $0x1FE00, s7;
	(pc) =	sbr.rel @p0 .LBB2_24-.Ltmp11, $4  }
0x34d: {  	s7 =	sadd.s32 $0x300, s13;
	v18 =	vadd.f32 v18, v16;
	v17 =	vadd.f32 v20, v17;
	vm0 =	vgt.f32 v19, v14;
	s0 =	sor.u32 s0, s1;
	s1 =	sadd.s32 $0xC0, s14  }
0x34e: {  	s13 =	smov.u32 s15;
	v20 =	vsel vm0, $0x3F800000, v0;
	v19 =	vnsel vm0, $0x0, v19;
	v16 =	vld [tilespmem:s0+$0x100];
	s0 =	sand.u32 $0x70, s1;
	s1 =	sand.u32 $0x1FE00, s7  }
0x34f: {  	s17 =	sadd.s32 $0x40, s15;
	s14 =	sadd.s32 $0xD0, s14;
	v20 =	vadd.f32 v20, v18;
	v18 =	vadd.f32 v19, v17;
	vm0 =	vgt.f32 v22, v14;
	s7 =	sor.u32 s0, s1  }
0x350: {  	s15 =	sadd.s32 $0x340, s15;
	s0 =	sand.u32 $0x70, s14;
	s1 =	sand.u32 $0xFE00, s13;
	v21 =	vsel vm0, $0x3F800000, v0;
	v19 =	vnsel vm0, $0x0, v22;
	v17 =	vld [tilespmem:s7+$0x100]  }
0x351: {  	s15 =	sor.u32 s0, s1;
	s18 =	sadd.s32 $0x10, s14;
	v20 =	vadd.f32 v21, v20;
	vm3 =	vgt.f32 v15, v14  }
0x352: {  	s19 =	sand.u32 $0x1FE00, s17;
	v21 =	vld [tilespmem:s15+$0x100];
	s0 =	sand.u32 $0x70, s18;
	v22 =	vsel vm3, $0x3F800000, v0  }
0x353: {  	s20 =	sadd.s32 $0x20, s14;
	s7 =	sadd.s32 $0x80, s13;
	s0 =	sor.u32 s0, s19;
	v20 =	vadd.f32 v22, v20;
	vm4 =	vgt.f32 v16, v14  }
0x354: {  	s21 =	sand.u32 $0x70, s20;
	s22 =	sand.u32 $0x1FE00, s7;
	v22 =	vld [tilespmem:s0+$0x100];
	v23 =	vsel vm4, $0x3F800000, v0  }
0x355: {  	s23 =	sadd.s32 $0x30, s14;
	s24 =	sadd.s32 $0xC0, s13;
	s0 =	sor.u32 s21, s22;
	v20 =	vadd.f32 v23, v20;
	vm5 =	vgt.f32 v17, v14  }
0x356: {  	s25 =	sand.u32 $0x70, s23;
	s26 =	sand.u32 $0x1FE00, s24;
	v23 =	vld [tilespmem:s0+$0x100];
	v24 =	vsel vm5, $0x3F800000, v0  }
0x357: {  	s8 =	sadd.s32 $0x100, s13;
	s7 =	sadd.s32 $0x40, s14;
	s0 =	sor.u32 s25, s26;
	vm6 =	vgt.f32 v21, v14;
	v20 =	vadd.f32 v24, v20  }
0x358: {  	s16 =	sand.u32 $0x1FE00, s8;
	s10 =	sand.u32 $0x70, s7;
	v25 =	vld [tilespmem:s0+$0x100];
	v52 =	vsel vm6, $0x3F800000, v0  }
0x359: {  	s17 =	sadd.s32 $0x50, s14;
	s18 =	sadd.s32 $0x140, s13;
	s0 =	sor.u32 s10, s16;
	v20 =	vadd.f32 v52, v20;
	vm7 =	vgt.f32 v22, v14  }
0x35a: {  	s19 =	sand.u32 $0x70, s17;
	s20 =	sand.u32 $0x1FE00, s18;
	v26 =	vld [tilespmem:s0+$0x100];
	v53 =	vsel vm7, $0x3F800000, v0  }
0x35b: {  	s21 =	sadd.s32 $0x60, s14;
	s22 =	sadd.s32 $0x180, s13;
	s0 =	sor.u32 s19, s20;
	vm8 =	vgt.f32 v23, v14;
	v20 =	vadd.f32 v53, v20  }
0x35c: {  	s23 =	sand.u32 $0x70, s21;
	s24 =	sand.u32 $0x1FE00, s22;
	v27 =	vld [tilespmem:s0+$0x100];
	v54 =	vsel vm8, $0x3F800000, v0  }
0x35d: {  	s25 =	sadd.s32 $0x70, s14;
	s26 =	sadd.s32 $0x1C0, s13;
	s0 =	sor.u32 s23, s24;
	vm9 =	vgt.f32 v25, v14;
	v20 =	vadd.f32 v54, v20  }
0x35e: {  	s1 =	sand.u32 $0x70, s25;
	s7 =	sand.u32 $0x1FE00, s26;
	v28 =	vld [tilespmem:s0+$0x100];
	v55 =	vsel vm9, $0x3F800000, v0  }
0x35f: {  	s0 =	sor.u32 s1, s7;
	vm10 =	vgt.f32 v26, v14;
	v20 =	vadd.f32 v55, v20  }
0x360: {  	v29 =	vld [tilespmem:s0+$0x100];
	v56 =	vsel vm10, $0x3F800000, v0  }
0x361: {  	s8 =	sadd.s32 $0x90, s14;
	s10 =	sadd.s32 $0x240, s13;
	vm11 =	vgt.f32 v27, v14;
	v20 =	vadd.f32 v56, v20  }
0x362: {  	v30 =	vld [tilespmem:s15+$0x300];
	s1 =	sand.u32 $0x1FE00, s10;
	s0 =	sand.u32 $0x70, s8;
	v57 =	vsel vm11, $0x3F800000, v0  }
0x363: {  	s15 =	sadd.s32 $0xA0, s14;
	s16 =	sadd.s32 $0x280, s13;
	s0 =	sor.u32 s0, s1;
	vm12 =	vgt.f32 v28, v14;
	v20 =	vadd.f32 v57, v20  }
0x364: {  	s17 =	sand.u32 $0x70, s15;
	s18 =	sand.u32 $0x1FE00, s16;
	v31 =	vld [tilespmem:s0+$0x100];
	v58 =	vsel vm12, $0x3F800000, v0  }
0x365: {  	s19 =	sadd.s32 $0xB0, s14;
	s20 =	sadd.s32 $0x2C0, s13;
	s0 =	sor.u32 s17, s18;
	vm13 =	vgt.f32 v29, v14;
	v20 =	vadd.f32 v58, v20  }
0x366: {  	s21 =	sand.u32 $0x70, s19;
	s22 =	sand.u32 $0x1FE00, s20;
	v32 =	vld [tilespmem:s0+$0x100];
	v59 =	vsel vm13, $0x3F800000, v0  }
0x367: {  	vm14 =	vgt.f32 v30, v14;
	s23 =	sadd.s32 $0xC0, s14;
	s24 =	sadd.s32 $0x300, s13;
	s0 =	sor.u32 s21, s22;
	v20 =	vadd.f32 v59, v20  }
0x368: {  	v60 =	vsel vm14, $0x3F800000, v0;
	s25 =	sand.u32 $0x70, s23;
	s26 =	sand.u32 $0x1FE00, s24;
	v33 =	vld [tilespmem:s0+$0x100]  }
0x369: {  	s0 =	sor.u32 s25, s26;
	vm15 =	vgt.f32 v31, v14;
	v20 =	vadd.f32 v60, v20  }
0x36a: {  	v34 =	vld [tilespmem:s0+$0x100];
	v61 =	vsel vm15, $0x3F800000, v0  }
0x36b: {  	vm0 =	vgt.f32 v32, v14;
	v20 =	vadd.f32 v61, v20  }
0x36c: {  	v62 =	vsel vm0, $0x3F800000, v0  }
0x36d: {  	vm1 =	vgt.f32 v33, v14;
	v20 =	vadd.f32 v62, v20  }
0x36e: {  	v18 =	vadd.f32 v19, v18;
	v63 =	vsel vm1, $0x3F800000, v0  }
0x36f: {  	v15 =	vnsel vm3, $0x0, v15;
	vm2 =	vgt.f32 v34, v14;
	v19 =	vadd.f32 v63, v20  }
0x370: {  	v15 =	vadd.f32 v15, v18;
	v20 =	vsel vm2, $0x3F800000, v0  }
0x371: {  	v16 =	vnsel vm4, $0x0, v16;
	v18 =	vadd.f32 v20, v19  }
0x372: {  	v15 =	vadd.f32 v16, v15  }
0x373: {  	v16 =	vnsel vm5, $0x0, v17;
	[tilespmem:$0x8C80] =	vst v18  }
0x374: {  	v15 =	vadd.f32 v16, v15;
	[tilespmem:$0x8C90] =	vst v18  }
0x375: {  	v17 =	vnsel vm6, $0x0, v21;
	v16 =	vld [tilespmem:$0x8C88]  }
0x376: {  	v15 =	vadd.f32 v17, v15  }
0x377: {  	v17 =	vnsel vm7, $0x0, v22  }
0x378: {  	v15 =	vadd.f32 v17, v15  }
0x379: {  	v17 =	vnsel vm8, $0x0, v23  }
0x37a: {  	v15 =	vadd.f32 v17, v15;
	v16 =	vadd.f32 v16, v18  }
0x37b: {  	v17 =	vnsel vm9, $0x0, v25  }
0x37c: {  	v15 =	vadd.f32 v17, v15;
	[tilespmem:$0x8C80] =	vst v16  }
0x37d: {  	v17 =	vnsel vm10, $0x0, v26;
	[tilespmem:$0x8C90] =	vst v16  }
0x37e: {  	v15 =	vadd.f32 v17, v15;
	v18 =	vld [tilespmem:$0x8C84]  }
0x37f: {  	v17 =	vnsel vm11, $0x0, v27  }
0x380: {  	v15 =	vadd.f32 v17, v15  }
0x381: {  	v17 =	vnsel vm12, $0x0, v28  }
0x382: {  	v15 =	vadd.f32 v17, v15  }
0x383: {  	v17 =	vnsel vm13, $0x0, v29;
	v16 =	vadd.f32 v18, v16  }
0x384: {  	v15 =	vadd.f32 v17, v15  }
0x385: {  	v17 =	vnsel vm14, $0x0, v30;
	[tilespmem:$0x8C80] =	vst v16  }
0x386: {  	v15 =	vadd.f32 v17, v15;
	[tilespmem:$0x8C90] =	vst v16  }
0x387: {  	v18 =	vnsel vm15, $0x0, v31;
	v17 =	vld [tilespmem:$0x8C82]  }
0x388: {  	v15 =	vadd.f32 v18, v15  }
0x389: {  	v18 =	vnsel vm0, $0x0, v32  }
0x38a: {  	v18 =	vadd.f32 v18, v15  }
0x38b: {  	v19 =	vnsel vm1, $0x0, v33  }
0x38c: {  	v15 =	vadd.f32 v17, v16;
	v16 =	vadd.f32 v19, v18  }
0x38d: {  	v17 =	vnsel vm2, $0x0, v34  }
0x38e: {  	[tilespmem:$0x8C80] =	vst v15;
	v17 =	vadd.f32 v17, v16  }
0x38f: {  	[tilespmem:$0x8C90] =	vst v15  }
0x390: {  	v16 =	vld [tilespmem:$0x8C81];
	[tilespmem:$0x8C80] =	vst v17  }
0x391: {  	[tilespmem:$0x8C90] =	vst v17  }
0x392: {  	v18 =	vld [tilespmem:$0x8C88];
	_ =	sdelay $0x4  }
0x393: {  	v17 =	vadd.f32 v18, v17;
	_ =	sdelay $0x1  }
0x394: {  	[tilespmem:$0x8C80] =	vst v17  }
0x395: {  	[tilespmem:$0x8C90] =	vst v17  }
0x396: {  	v18 =	vld [tilespmem:$0x8C84];
	_ =	sdelay $0x4  }
0x397: {  	v17 =	vadd.f32 v18, v17;
	_ =	sdelay $0x1  }
0x398: {  	[tilespmem:$0x8C80] =	vst v17  }
0x399: {  	[tilespmem:$0x8C90] =	vst v17  }
0x39a: {  	v18 =	vld [tilespmem:$0x8C82];
	_ =	sdelay $0x1  }
0x39b: {  	s30 =	simm.s32 $0x80;
	s28 =	simm.s32 $0xC0  }
0x39c: {  	s29 =	simm.s32 $0x40;
	s15 =	simm.s32 $0x2C0;
	s16 =	simm.s32 $0x280  }
0x39d: {  	s14 =	simm.s32 $0x0;
	s13 =	simm.s32 $0x300;
	s19 =	simm.s32 $0x1C0  }
0x39e: {  	s20 =	simm.s32 $0x340;
	s24 =	simm.s32 $0x100;
	s23 =	simm.s32 $0x140;
	v17 =	vadd.f32 v18, v17  }
0x39f: {  	s31 =	sand.u32 $0xFE00, s14;
	s7 =	sand.u32 $0x70, s14;
	s10 =	simm.s32 $0x10  }
0x3a0: {  	s8 =	sand.u32 $0x1FE00, s29;
	s1 =	simm.s32 $0x30;
	s18 =	simm.s32 $0x240;
	[tilespmem:$0x8C80] =	vst v17  }
0x3a1: {  	s17 =	simm.s32 $0xC0;
	s21 =	simm.s32 $0x180;
	s22 =	simm.s32 $0x70;
	v19 =	vld [tilespmem:$0x8B80];
	[tilespmem:$0x8C90] =	vst v17  }
0x3a2: {  	s26 =	simm.s32 $0x50;
	s25 =	simm.s32 $0x60;
	s0 =	simm.s32 $0x20;
	v20 =	vimm.f32 $0.0e+00;
	v18 =	vld [tilespmem:$0x8C81]  }
.LBB2_26:
0x3a3: {  	p0 =	sne.s32 s20, $0x8540;
	s7 =	sor.u32 s7, s31;
	s10 =	sand.u32 $0x70, s10  }
0x3a4: {  	s0 =	sand.u32 $0x70, s0;
	v21 =	vld [tilespmem:s7+$0x180];
	s8 =	sor.u32 s10, s8;
	s10 =	sand.u32 $0x1FE00, s30  }
0x3a5: {  	s1 =	sand.u32 $0x70, s1;
	v22 =	vld [tilespmem:s8+$0x180];
	s0 =	sor.u32 s0, s10;
	s8 =	sand.u32 $0x1FE00, s28  }
0x3a6: {  	v23 =	vld [tilespmem:s0+$0x180];
	s0 =	sor.u32 s1, s8;
	s1 =	sand.u32 $0x70, s29;
	s8 =	sand.u32 $0x1FE00, s24  }
0x3a7: {  	v24 =	vld [tilespmem:s0+$0x180];
	s0 =	sor.u32 s1, s8;
	s1 =	sand.u32 $0x70, s26;
	s8 =	sand.u32 $0x1FE00, s23  }
0x3a8: {  	v25 =	vld [tilespmem:s0+$0x180];
	s0 =	sor.u32 s1, s8;
	s1 =	sand.u32 $0x70, s25;
	s8 =	sand.u32 $0x1FE00, s21  }
0x3a9: {  	v20 =	vmax.f32 v20, v21;
	v21 =	vld [tilespmem:s0+$0x180];
	s0 =	sor.u32 s1, s8;
	s1 =	sand.u32 $0x70, s22;
	s8 =	sand.u32 $0x1FE00, s19  }
0x3aa: {  	v20 =	vmax.f32 v20, v22;
	v22 =	vld [tilespmem:s0+$0x180];
	s0 =	sor.u32 s1, s8;
	s1 =	sadd.s32 $0x90, s14;
	s8 =	sadd.s32 $0xB0, s14  }
0x3ab: {  	s10 =	sadd.s32 $0xA0, s14;
	v20 =	vmax.f32 v20, v23;
	v23 =	vld [tilespmem:s0+$0x180];
	s0 =	sand.u32 $0x70, s1;
	s1 =	sand.u32 $0x1FE00, s18  }
0x3ac: {  	v20 =	vmax.f32 v20, v24;
	v24 =	vld [tilespmem:s7+$0x380];
	s0 =	sor.u32 s0, s1;
	s1 =	sand.u32 $0x70, s10;
	s7 =	sand.u32 $0x1FE00, s16  }
0x3ad: {  	v20 =	vmax.f32 v20, v25;
	v25 =	vld [tilespmem:s0+$0x180];
	s0 =	sor.u32 s1, s7;
	s1 =	sand.u32 $0x70, s8;
	s7 =	sand.u32 $0x1FE00, s15  }
0x3ae: {  	v20 =	vmax.f32 v20, v21;
	v21 =	vld [tilespmem:s0+$0x180];
	s0 =	sor.u32 s1, s7;
	s1 =	sand.u32 $0x70, s17;
	s7 =	sand.u32 $0x1FE00, s13  }
0x3af: {  	s31 =	sand.u32 $0xFE00, s20;
	v20 =	vmax.f32 v20, v22;
	v22 =	vld [tilespmem:s0+$0x180];
	s0 =	sor.u32 s1, s7  }
0x3b0: {  	s14 =	sadd.s32 $0xD0, s14;
	s15 =	sadd.s32 $0x2C0, s20;
	s13 =	sadd.s32 $0x300, s20;
	v20 =	vmax.f32 v20, v23;
	v23 =	vld [tilespmem:s0+$0x180]  }
0x3b1: {  	s19 =	sadd.s32 $0x1C0, s20;
	s18 =	sadd.s32 $0x240, s20;
	s16 =	sadd.s32 $0x280, s20;
	v20 =	vmax.f32 v20, v24  }
0x3b2: {  	s24 =	sadd.s32 $0x100, s20;
	s23 =	sadd.s32 $0x140, s20;
	s21 =	sadd.s32 $0x180, s20;
	v20 =	vmax.f32 v20, v25  }
.Ltmp12:
0x3b3: {  	s30 =	sadd.s32 $0x80, s20;
	s28 =	sadd.s32 $0xC0, s20;
	v20 =	vmax.f32 v20, v21;
	(pc) =	sbr.rel @p0 .LBB2_26-.Ltmp12, $4  }
0x3b4: {  	s22 =	sadd.s32 $0x70, s14;
	s8 =	sadd.s32 $0x40, s20;
	s17 =	sadd.s32 $0xC0, s14;
	v20 =	vmax.f32 v20, v22  }
0x3b5: {  	s29 =	sadd.s32 $0x40, s14;
	s26 =	sadd.s32 $0x50, s14;
	s25 =	sadd.s32 $0x60, s14;
	v20 =	vmax.f32 v20, v23  }
0x3b6: {  	s7 =	sand.u32 $0x70, s14;
	s1 =	sadd.s32 $0x30, s14;
	s0 =	sadd.s32 $0x20, s14  }
0x3b7: {  	s10 =	sadd.s32 $0x10, s14;
	s8 =	sand.u32 $0x1FE00, s8;
	s20 =	sadd.s32 $0x340, s20  }
0x3b8: {  	s7 =	sor.u32 s7, s31;
	s10 =	sand.u32 $0x70, s10  }
0x3b9: {  	s0 =	sand.u32 $0x70, s0;
	s31 =	sand.u32 $0x1FE00, s30;
	v21 =	vld [tilespmem:s7+$0x180];
	s8 =	sor.u32 s10, s8  }
0x3ba: {  	s1 =	sand.u32 $0x70, s1;
	s20 =	sand.u32 $0x1FE00, s28;
	s0 =	sor.u32 s0, s31;
	v22 =	vld [tilespmem:s8+$0x180]  }
0x3bb: {  	s30 =	sand.u32 $0x70, s29;
	s28 =	sor.u32 s1, s20;
	s31 =	sand.u32 $0x1FE00, s24;
	v23 =	vld [tilespmem:s0+$0x180]  }
0x3bc: {  	s10 =	sand.u32 $0x1FE00, s23;
	v24 =	vld [tilespmem:s28+$0x180];
	s1 =	sor.u32 s30, s31;
	s8 =	sand.u32 $0x70, s26  }
0x3bd: {  	s23 =	sand.u32 $0x70, s25;
	s24 =	sand.u32 $0x1FE00, s21;
	v25 =	vld [tilespmem:s1+$0x180];
	s20 =	sor.u32 s8, s10  }
0x3be: {  	s25 =	sor.u32 s23, s24;
	s26 =	sand.u32 $0x70, s22;
	s28 =	sand.u32 $0x1FE00, s19;
	v20 =	vmax.f32 v20, v21;
	v21 =	vld [tilespmem:s20+$0x180]  }
0x3bf: {  	s21 =	sadd.s32 $0xA0, s14;
	s30 =	sadd.s32 $0x90, s14;
	s29 =	sor.u32 s26, s28;
	v20 =	vmax.f32 v20, v22;
	v22 =	vld [tilespmem:s25+$0x180]  }
0x3c0: {  	s31 =	sadd.s32 $0xB0, s14;
	s19 =	sand.u32 $0x70, s30;
	s20 =	sand.u32 $0x1FE00, s18;
	v20 =	vmax.f32 v20, v23;
	v23 =	vld [tilespmem:s29+$0x180]  }
0x3c1: {  	v62 =	vld [tilespmem:s7+$0x380];
	s22 =	sand.u32 $0x70, s21;
	s23 =	sand.u32 $0x1FE00, s16;
	s0 =	sor.u32 s19, s20;
	v20 =	vmax.f32 v20, v24  }
0x3c2: {  	s24 =	sor.u32 s22, s23;
	s26 =	sand.u32 $0x1FE00, s15;
	s25 =	sand.u32 $0x70, s31;
	v63 =	vld [tilespmem:s0+$0x180];
	v20 =	vmax.f32 v20, v25  }
0x3c3: {  	s30 =	sand.u32 $0x1FE00, s13;
	s28 =	sor.u32 s25, s26;
	s29 =	sand.u32 $0x70, s17;
	v20 =	vmax.f32 v20, v21;
	v21 =	vld [tilespmem:s24+$0x180]  }
0x3c4: {  	s31 =	sor.u32 s29, s30;
	v20 =	vmax.f32 v20, v22;
	v22 =	vld [tilespmem:s28+$0x180]  }
0x3c5: {  	v20 =	vmax.f32 v20, v23;
	v23 =	vld [tilespmem:s31+$0x180]  }
0x3c6: {  	v20 =	vmax.f32 v20, v62  }
0x3c7: {  	v20 =	vmax.f32 v20, v63  }
0x3c8: {  	v20 =	vmax.f32 v20, v21  }
0x3c9: {  	v20 =	vmax.f32 v20, v22  }
0x3ca: {  	v20 =	vmax.f32 v20, v23  }
0x3cb: {  	[tilespmem:$0x8C80] =	vst v20  }
0x3cc: {  	[tilespmem:$0x8C90] =	vst v20  }
0x3cd: {  	v21 =	vld [tilespmem:$0x8C88];
	_ =	sdelay $0x4  }
0x3ce: {  	v20 =	vmax.f32 v20, v21  }
0x3cf: {  	[tilespmem:$0x8C80] =	vst v20  }
0x3d0: {  	[tilespmem:$0x8C90] =	vst v20  }
0x3d1: {  	v21 =	vld [tilespmem:$0x8C84];
	_ =	sdelay $0x4  }
0x3d2: {  	v20 =	vmax.f32 v20, v21  }
0x3d3: {  	[tilespmem:$0x8C80] =	vst v20  }
0x3d4: {  	[tilespmem:$0x8C90] =	vst v20  }
0x3d5: {  	v21 =	vld [tilespmem:$0x8C82];
	_ =	sdelay $0x4  }
0x3d6: {  	v20 =	vmax.f32 v20, v21  }
0x3d7: {  	[tilespmem:$0x8C80] =	vst v20  }
0x3d8: {  	[tilespmem:$0x8C90] =	vst v20  }
0x3d9: {  	v21 =	vld [tilespmem:$0x8C81];
	_ =	sdelay $0x4  }
0x3da: {  	v20 =	vmax.f32 v20, v21  }
0x3db: {  	v20 =	vmul.f32 $1.000000950e+00, v20;
	_ =	sdelay $0x1  }
0x3dc: {  	s14 =	simm.s32 $0x0;
	s13 =	simm.s32 $0x0;
	v22 =	vimm.f32 $0.0e+00;
	v21 =	vadd.f32 $1.000000000e-30, v20;
	v20 =	vimm.f32 $0.0e+00  }
.LBB2_28:
0x3dd: {  	s0 =	sand.u32 $0x70, s13;
	s1 =	sand.u32 $0xFE00, s13  }
0x3de: {  	s7 =	simm.s32 $0x40;
	s8 =	simm.s32 $0x10;
	s15 =	sor.u32 s0, s1  }
0x3df: {  	s0 =	sand.u32 $0x70, s8;
	s10 =	sand.u32 $0x1FE00, s7;
	v24 =	vld [tilespmem:s15+$0x180]  }
0x3e0: {  	s16 =	simm.s32 $0x20;
	v23 =	vadd.f32 v21, v20;
	s8 =	simm.s32 $0x80;
	s0 =	sor.u32 s0, s10  }
0x3e1: {  	s17 =	sand.u32 $0x70, s16;
	s18 =	sand.u32 $0x1FE00, s8;
	v25 =	vld [tilespmem:s0+$0x180]  }
0x3e2: {  	s19 =	simm.s32 $0x30;
	s20 =	simm.s32 $0xC0;
	v23 =	vmul.f32 $5.000000000e-01, v23;
	s0 =	sor.u32 s17, s18  }
0x3e3: {  	s21 =	sand.u32 $0x70, s19;
	s22 =	sand.u32 $0x1FE00, s20;
	v26 =	vld [tilespmem:s0+$0x180]  }
0x3e4: {  	s23 =	simm.s32 $0x100;
	s0 =	sor.u32 s21, s22;
	vm0 =	vge.f32 v24, v23  }
0x3e5: {  	s24 =	sand.u32 $0x70, s7;
	s1 =	sand.u32 $0x1FE00, s23;
	v27 =	vld [tilespmem:s0+$0x180];
	v24 =	vsel vm0, $0x3F800000, v0  }
0x3e6: {  	s25 =	simm.s32 $0x50;
	s26 =	simm.s32 $0x140;
	s0 =	sor.u32 s24, s1;
	vm7 =	vge.f32 v25, v23;
	v24 =	vadd.f32 v24, v22  }
0x3e7: {  	s28 =	sand.u32 $0x70, s25;
	s29 =	sand.u32 $0x1FE00, s26;
	v28 =	vld [tilespmem:s0+$0x180];
	v25 =	vsel vm7, $0x3F800000, v0  }
0x3e8: {  	s30 =	simm.s32 $0x60;
	s31 =	simm.s32 $0x180;
	s0 =	sor.u32 s28, s29;
	vm8 =	vge.f32 v26, v23;
	v24 =	vadd.f32 v25, v24  }
0x3e9: {  	s8 =	sand.u32 $0x1FE00, s31;
	s1 =	sand.u32 $0x70, s30;
	v26 =	vld [tilespmem:s0+$0x180];
	v25 =	vsel vm8, $0x3F800000, v0  }
0x3ea: {  	s16 =	simm.s32 $0x1C0;
	s10 =	simm.s32 $0x70;
	s0 =	sor.u32 s1, s8;
	vm9 =	vge.f32 v27, v23;
	v24 =	vadd.f32 v25, v24  }
0x3eb: {  	s17 =	sand.u32 $0x70, s10;
	s18 =	sand.u32 $0x1FE00, s16;
	v27 =	vld [tilespmem:s0+$0x180];
	v25 =	vsel vm9, $0x3F800000, v0  }
0x3ec: {  	s0 =	sor.u32 s17, s18;
	vm10 =	vge.f32 v28, v23;
	v24 =	vadd.f32 v25, v24  }
0x3ed: {  	v28 =	vld [tilespmem:s0+$0x180];
	v25 =	vsel vm10, $0x3F800000, v0  }
0x3ee: {  	s19 =	simm.s32 $0x90;
	s20 =	simm.s32 $0x240;
	vm11 =	vge.f32 v26, v23;
	v24 =	vadd.f32 v25, v24  }
0x3ef: {  	s1 =	sand.u32 $0x1FE00, s20;
	s0 =	sand.u32 $0x70, s19;
	v26 =	vld [tilespmem:s15+$0x380];
	v25 =	vsel vm11, $0x3F800000, v0  }
0x3f0: {  	s21 =	simm.s32 $0xA0;
	s22 =	simm.s32 $0x280;
	s0 =	sor.u32 s0, s1;
	vm12 =	vge.f32 v27, v23;
	v24 =	vadd.f32 v25, v24  }
0x3f1: {  	s23 =	sand.u32 $0x70, s21;
	s24 =	sand.u32 $0x1FE00, s22;
	v27 =	vld [tilespmem:s0+$0x180];
	v25 =	vsel vm12, $0x3F800000, v0  }
0x3f2: {  	s25 =	simm.s32 $0xB0;
	s26 =	simm.s32 $0x2C0;
	s0 =	sor.u32 s23, s24;
	vm13 =	vge.f32 v28, v23;
	v24 =	vadd.f32 v25, v24  }
0x3f3: {  	s7 =	sand.u32 $0x70, s25;
	s1 =	sand.u32 $0x1FE00, s26;
	v28 =	vsel vm13, $0x3F800000, v0;
	v25 =	vld [tilespmem:s0+$0x180]  }
0x3f4: {  	s10 =	simm.s32 $0x300;
	s28 =	simm.s32 $0xC0;
	s29 =	sor.u32 s7, s1;
	vm14 =	vge.f32 v26, v23;
	v28 =	vadd.f32 v28, v24  }
0x3f5: {  	s16 =	simm.s32 $0xD0;
	s31 =	sand.u32 $0x1FE00, s10;
	s30 =	sand.u32 $0x70, s28;
	v26 =	vsel vm14, $0x3F800000, v0;
	v24 =	vld [tilespmem:s29+$0x180]  }
0x3f6: {  	s17 =	simm.s32 $0x680;
	s7 =	sor.u32 s30, s31;
	s15 =	simm.s32 $0x340;
	vm15 =	vge.f32 v27, v23;
	v27 =	vadd.f32 v26, v28  }
0x3f7: {  	s19 =	simm.s32 $0x380;
	s1 =	sand.u32 $0xFE00, s15;
	s0 =	sand.u32 $0x70, s16;
	v28 =	vsel vm15, $0x3F800000, v0;
	v26 =	vld [tilespmem:s7+$0x180]  }
.LBB2_29:
0x3f8: {  	p0 =	sne.s32 s17, $0x8540;
	s18 =	sor.u32 s0, s1;
	s0 =	sadd.s32 $0x10, s16;
	v27 =	vadd.f32 v28, v27;
	vm0 =	vge.f32 v25, v23  }
0x3f9: {  	s1 =	sand.u32 $0x1FE00, s19;
	v25 =	vld [tilespmem:s18+$0x180];
	s0 =	sand.u32 $0x70, s0;
	v28 =	vsel vm0, $0x3F800000, v0  }
0x3fa: {  	s7 =	sadd.s32 $0x80, s15;
	s0 =	sor.u32 s0, s1;
	s1 =	sadd.s32 $0x20, s16;
	v27 =	vadd.f32 v28, v27;
	vm0 =	vge.f32 v24, v23  }
0x3fb: {  	v24 =	vld [tilespmem:s0+$0x180];
	s0 =	sand.u32 $0x70, s1;
	s1 =	sand.u32 $0x1FE00, s7;
	v28 =	vsel vm0, $0x3F800000, v0  }
0x3fc: {  	s7 =	sadd.s32 $0xC0, s15;
	s0 =	sor.u32 s0, s1;
	s1 =	sadd.s32 $0x30, s16;
	v27 =	vadd.f32 v28, v27;
	vm0 =	vge.f32 v26, v23  }
0x3fd: {  	v26 =	vld [tilespmem:s0+$0x180];
	s0 =	sand.u32 $0x70, s1;
	s1 =	sand.u32 $0x1FE00, s7;
	v28 =	vsel vm0, $0x3F800000, v0  }
0x3fe: {  	s7 =	sadd.s32 $0x100, s15;
	vm0 =	vge.f32 v25, v23;
	s0 =	sor.u32 s0, s1;
	s1 =	sadd.s32 $0x40, s16;
	v25 =	vadd.f32 v28, v27  }
0x3ff: {  	v27 =	vsel vm0, $0x3F800000, v0;
	v28 =	vld [tilespmem:s0+$0x180];
	s0 =	sand.u32 $0x70, s1;
	s1 =	sand.u32 $0x1FE00, s7  }
0x400: {  	s7 =	sadd.s32 $0x140, s15;
	v25 =	vadd.f32 v27, v25;
	vm0 =	vge.f32 v24, v23;
	s0 =	sor.u32 s0, s1;
	s1 =	sadd.s32 $0x50, s16  }
0x401: {  	v24 =	vsel vm0, $0x3F800000, v0;
	v27 =	vld [tilespmem:s0+$0x180];
	s0 =	sand.u32 $0x70, s1;
	s1 =	sand.u32 $0x1FE00, s7  }
0x402: {  	s7 =	sadd.s32 $0x180, s15;
	v24 =	vadd.f32 v24, v25;
	vm0 =	vge.f32 v26, v23;
	s0 =	sor.u32 s0, s1;
	s1 =	sadd.s32 $0x60, s16  }
0x403: {  	v25 =	vsel vm0, $0x3F800000, v0;
	v26 =	vld [tilespmem:s0+$0x180];
	s0 =	sand.u32 $0x70, s1;
	s1 =	sand.u32 $0x1FE00, s7  }
0x404: {  	s7 =	sadd.s32 $0x1C0, s15;
	v24 =	vadd.f32 v25, v24;
	vm0 =	vge.f32 v28, v23;
	s0 =	sor.u32 s0, s1;
	s1 =	sadd.s32 $0x70, s16  }
0x405: {  	v25 =	vsel vm0, $0x3F800000, v0;
	v28 =	vld [tilespmem:s0+$0x180];
	s0 =	sand.u32 $0x70, s1;
	s1 =	sand.u32 $0x1FE00, s7  }
0x406: {  	v24 =	vadd.f32 v25, v24;
	vm0 =	vge.f32 v27, v23;
	s0 =	sor.u32 s0, s1  }
0x407: {  	v25 =	vsel vm0, $0x3F800000, v0;
	v27 =	vld [tilespmem:s0+$0x180]  }
0x408: {  	s1 =	sadd.s32 $0x240, s15;
	s0 =	sadd.s32 $0x90, s16;
	v24 =	vadd.f32 v25, v24;
	vm0 =	vge.f32 v26, v23  }
0x409: {  	s1 =	sand.u32 $0x1FE00, s1;
	s0 =	sand.u32 $0x70, s0;
	v25 =	vsel vm0, $0x3F800000, v0;
	v26 =	vld [tilespmem:s18+$0x380]  }
0x40a: {  	s7 =	sadd.s32 $0x280, s15;
	s0 =	sor.u32 s0, s1;
	s1 =	sadd.s32 $0xA0, s16;
	v24 =	vadd.f32 v25, v24;
	vm0 =	vge.f32 v28, v23  }
0x40b: {  	v25 =	vsel vm0, $0x3F800000, v0;
	v28 =	vld [tilespmem:s0+$0x180];
	s0 =	sand.u32 $0x70, s1;
	s1 =	sand.u32 $0x1FE00, s7  }
0x40c: {  	s7 =	sadd.s32 $0x2C0, s15;
	v24 =	vadd.f32 v25, v24;
	vm0 =	vge.f32 v27, v23;
	s0 =	sor.u32 s0, s1;
	s1 =	sadd.s32 $0xB0, s16  }
.Ltmp13:
0x40d: {  	v27 =	vsel vm0, $0x3F800000, v0;
	v25 =	vld [tilespmem:s0+$0x180];
	s0 =	sand.u32 $0x70, s1;
	s1 =	sand.u32 $0x1FE00, s7;
	(pc) =	sbr.rel @p0 .LBB2_29-.Ltmp13, $4  }
0x40e: {  	s7 =	sadd.s32 $0x300, s15;
	v27 =	vadd.f32 v27, v24;
	vm0 =	vge.f32 v26, v23;
	s0 =	sor.u32 s0, s1;
	s1 =	sadd.s32 $0xC0, s16  }
0x40f: {  	s15 =	smov.u32 s17;
	v26 =	vsel vm0, $0x3F800000, v0;
	v24 =	vld [tilespmem:s0+$0x180];
	s0 =	sand.u32 $0x70, s1;
	s1 =	sand.u32 $0x1FE00, s7  }
0x410: {  	s19 =	sadd.s32 $0x40, s17;
	s16 =	sadd.s32 $0xD0, s16;
	v27 =	vadd.f32 v26, v27;
	vm0 =	vge.f32 v28, v23;
	s7 =	sor.u32 s0, s1  }
0x411: {  	s17 =	sadd.s32 $0x340, s17;
	s0 =	sand.u32 $0x70, s16;
	s1 =	sand.u32 $0xFE00, s15;
	v28 =	vsel vm0, $0x3F800000, v0;
	v26 =	vld [tilespmem:s7+$0x180]  }
0x412: {  	s17 =	sor.u32 s0, s1;
	s24 =	sadd.s32 $0x10, s16;
	v27 =	vadd.f32 v28, v27;
	vm0 =	vge.f32 v25, v23  }
0x413: {  	s25 =	sand.u32 $0x1FE00, s19;
	v63 =	vld [tilespmem:s17+$0x180];
	s0 =	sand.u32 $0x70, s24;
	v32 =	vsel vm0, $0x3F800000, v0  }
0x414: {  	s26 =	sadd.s32 $0x20, s16;
	s7 =	sadd.s32 $0x80, s15;
	s0 =	sor.u32 s0, s25;
	v27 =	vadd.f32 v32, v27;
	vm12 =	vge.f32 v24, v23  }
0x415: {  	s28 =	sand.u32 $0x70, s26;
	s29 =	sand.u32 $0x1FE00, s7;
	v33 =	vld [tilespmem:s0+$0x180];
	v34 =	vsel vm12, $0x3F800000, v0  }
0x416: {  	s30 =	sadd.s32 $0x30, s16;
	s31 =	sadd.s32 $0xC0, s15;
	s0 =	sor.u32 s28, s29;
	v27 =	vadd.f32 v34, v27;
	vm13 =	vge.f32 v26, v23  }
0x417: {  	s1 =	sand.u32 $0x70, s30;
	s8 =	sand.u32 $0x1FE00, s31;
	v35 =	vld [tilespmem:s0+$0x180];
	v36 =	vsel vm13, $0x3F800000, v0  }
0x418: {  	s10 =	sadd.s32 $0x40, s16;
	s18 =	sadd.s32 $0x100, s15;
	s0 =	sor.u32 s1, s8;
	vm14 =	vge.f32 v63, v23;
	v37 =	vadd.f32 v36, v27  }
0x419: {  	s19 =	sand.u32 $0x70, s10;
	s20 =	sand.u32 $0x1FE00, s18;
	v39 =	vld [tilespmem:s0+$0x180];
	v38 =	vsel vm14, $0x3F800000, v0  }
0x41a: {  	s21 =	sadd.s32 $0x50, s16;
	s22 =	sadd.s32 $0x140, s15;
	s0 =	sor.u32 s19, s20;
	v25 =	vadd.f32 v38, v37;
	vm15 =	vge.f32 v33, v23  }
0x41b: {  	s23 =	sand.u32 $0x70, s21;
	s24 =	sand.u32 $0x1FE00, s22;
	v40 =	vld [tilespmem:s0+$0x180];
	v24 =	vsel vm15, $0x3F800000, v0  }
0x41c: {  	s26 =	sadd.s32 $0x180, s15;
	s25 =	sadd.s32 $0x60, s16;
	s0 =	sor.u32 s23, s24;
	vm4 =	vge.f32 v35, v23;
	v24 =	vadd.f32 v24, v25  }
0x41d: {  	s28 =	sand.u32 $0x70, s25;
	s29 =	sand.u32 $0x1FE00, s26;
	v42 =	vld [tilespmem:s0+$0x180];
	v41 =	vsel vm4, $0x3F800000, v0  }
0x41e: {  	s30 =	sadd.s32 $0x70, s16;
	s31 =	sadd.s32 $0x1C0, s15;
	s0 =	sor.u32 s28, s29;
	vm5 =	vge.f32 v39, v23;
	v24 =	vadd.f32 v41, v24  }
0x41f: {  	s1 =	sand.u32 $0x70, s30;
	s8 =	sand.u32 $0x1FE00, s31;
	v44 =	vld [tilespmem:s0+$0x180];
	v43 =	vsel vm5, $0x3F800000, v0  }
0x420: {  	s0 =	sor.u32 s1, s8;
	vm6 =	vge.f32 v40, v23;
	v24 =	vadd.f32 v43, v24  }
0x421: {  	v46 =	vld [tilespmem:s0+$0x180];
	v45 =	vsel vm6, $0x3F800000, v0  }
0x422: {  	s10 =	sadd.s32 $0x90, s16;
	s18 =	sadd.s32 $0x240, s15;
	vm7 =	vge.f32 v42, v23;
	v24 =	vadd.f32 v45, v24  }
0x423: {  	v48 =	vld [tilespmem:s17+$0x380];
	s1 =	sand.u32 $0x1FE00, s18;
	s0 =	sand.u32 $0x70, s10;
	v47 =	vsel vm7, $0x3F800000, v0  }
0x424: {  	s19 =	sadd.s32 $0xA0, s16;
	s20 =	sadd.s32 $0x280, s15;
	s0 =	sor.u32 s0, s1;
	vm8 =	vge.f32 v44, v23;
	v24 =	vadd.f32 v47, v24  }
0x425: {  	s21 =	sand.u32 $0x70, s19;
	s22 =	sand.u32 $0x1FE00, s20;
	v50 =	vld [tilespmem:s0+$0x180];
	v49 =	vsel vm8, $0x3F800000, v0  }
0x426: {  	s23 =	sadd.s32 $0xB0, s16;
	s24 =	sadd.s32 $0x2C0, s15;
	s0 =	sor.u32 s21, s22;
	vm9 =	vge.f32 v46, v23;
	v24 =	vadd.f32 v49, v24  }
0x427: {  	s25 =	sand.u32 $0x70, s23;
	s26 =	sand.u32 $0x1FE00, s24;
	v52 =	vld [tilespmem:s0+$0x180];
	v51 =	vsel vm9, $0x3F800000, v0  }
0x428: {  	vm10 =	vge.f32 v48, v23;
	s28 =	sadd.s32 $0xC0, s16;
	s29 =	sadd.s32 $0x300, s15;
	s0 =	sor.u32 s25, s26;
	v24 =	vadd.f32 v51, v24  }
0x429: {  	v53 =	vsel vm10, $0x3F800000, v0;
	s30 =	sand.u32 $0x70, s28;
	s31 =	sand.u32 $0x1FE00, s29;
	v54 =	vld [tilespmem:s0+$0x180]  }
0x42a: {  	s0 =	sor.u32 s30, s31;
	vm11 =	vge.f32 v50, v23;
	v24 =	vadd.f32 v53, v24  }
0x42b: {  	v56 =	vld [tilespmem:s0+$0x180];
	v55 =	vsel vm11, $0x3F800000, v0  }
0x42c: {  	vm12 =	vge.f32 v52, v23;
	v24 =	vadd.f32 v55, v24  }
0x42d: {  	v57 =	vsel vm12, $0x3F800000, v0  }
0x42e: {  	vm13 =	vge.f32 v54, v23;
	v24 =	vadd.f32 v57, v24  }
0x42f: {  	v58 =	vsel vm13, $0x3F800000, v0  }
0x430: {  	vm14 =	vge.f32 v56, v23;
	v24 =	vadd.f32 v58, v24  }
0x431: {  	v59 =	vsel vm14, $0x3F800000, v0  }
0x432: {  	v24 =	vadd.f32 v59, v24;
	_ =	sdelay $0x1  }
0x433: {  	[tilespmem:$0x8C80] =	vst v24  }
0x434: {  	[tilespmem:$0x8C90] =	vst v24  }
0x435: {  	v60 =	vld [tilespmem:$0x8C88];
	_ =	sdelay $0x4  }
0x436: {  	v24 =	vadd.f32 v60, v24;
	_ =	sdelay $0x1  }
0x437: {  	[tilespmem:$0x8C80] =	vst v24  }
0x438: {  	[tilespmem:$0x8C90] =	vst v24  }
0x439: {  	v61 =	vld [tilespmem:$0x8C84];
	_ =	sdelay $0x4  }
0x43a: {  	v24 =	vadd.f32 v61, v24;
	_ =	sdelay $0x1  }
0x43b: {  	[tilespmem:$0x8C80] =	vst v24  }
0x43c: {  	[tilespmem:$0x8C90] =	vst v24  }
0x43d: {  	v62 =	vld [tilespmem:$0x8C82];
	_ =	sdelay $0x4  }
0x43e: {  	v24 =	vadd.f32 v62, v24;
	_ =	sdelay $0x1  }
0x43f: {  	[tilespmem:$0x8C80] =	vst v24  }
0x440: {  	[tilespmem:$0x8C90] =	vst v24  }
0x441: {  	v63 =	vld [tilespmem:$0x8C81];
	_ =	sdelay $0x1  }
0x442: {  	s14 =	sadd.s32 $0x1, s14  }
0x443: {  	p0 =	sne.s32 s14, $0x14  }
.Ltmp14:
0x444: {  	_ = 	snop;
	(pc) =	sbr.rel @p0 .LBB2_28-.Ltmp14, $3  }
0x445: {  	v24 =	vadd.f32 v63, v24;
	_ =	sdelay $0x1  }
0x446: {  	vm15 =	vge.f32 v24, v19  }
0x447: {  	v20 =	vsel vm15, v23, v20;
	v21 =	vsel vm15, v21, v23  }
0x448: {  	s0 =	simm.s32 $0x0  }
0x449: {  	s1 =	sand.u32 $0x70, s0;
	s0 =	sand.u32 $0xFE00, s0  }
0x44a: {  	s7 =	simm.s32 $0x40;
	s16 =	simm.s32 $0x10;
	s13 =	sor.u32 s1, s0  }
0x44b: {  	s17 =	sand.u32 $0x1FE00, s7;
	s0 =	sand.u32 $0x70, s16;
	v21 =	vld [tilespmem:s13+$0x180]  }
0x44c: {  	s18 =	simm.s32 $0x20;
	s8 =	simm.s32 $0x80;
	s0 =	sor.u32 s0, s17  }
0x44d: {  	s19 =	sand.u32 $0x70, s18;
	s20 =	sand.u32 $0x1FE00, s8;
	v22 =	vld [tilespmem:s0+$0x180]  }
0x44e: {  	s21 =	simm.s32 $0x30;
	s22 =	simm.s32 $0xC0;
	s0 =	sor.u32 s19, s20  }
0x44f: {  	s23 =	sand.u32 $0x70, s21;
	s24 =	sand.u32 $0x1FE00, s22;
	v23 =	vld [tilespmem:s0+$0x180]  }
0x450: {  	s25 =	simm.s32 $0x100;
	s0 =	sor.u32 s23, s24;
	vm0 =	vgt.f32 v21, v20  }
0x451: {  	v24 =	vimm.f32 $0.0e+00;
	s26 =	sand.u32 $0x70, s7;
	s1 =	sand.u32 $0x1FE00, s25;
	v26 =	vld [tilespmem:s0+$0x180];
	v25 =	vsel vm0, $0x3F800000, v0  }
0x452: {  	s28 =	simm.s32 $0x50;
	s29 =	simm.s32 $0x140;
	s0 =	sor.u32 s26, s1;
	v21 =	vnsel vm0, $0x0, v21;
	vm7 =	vgt.f32 v22, v20;
	v25 =	vadd.f32 v25, v24  }
0x453: {  	s30 =	sand.u32 $0x70, s28;
	s31 =	sand.u32 $0x1FE00, s29;
	v27 =	vld [tilespmem:s0+$0x180];
	v21 =	vadd.f32 v21, v24;
	v24 =	vsel vm7, $0x3F800000, v0  }
0x454: {  	s7 =	simm.s32 $0x60;
	s8 =	simm.s32 $0x180;
	s0 =	sor.u32 s30, s31;
	v22 =	vnsel vm7, $0x0, v22;
	vm8 =	vgt.f32 v23, v20;
	v24 =	vadd.f32 v24, v25  }
0x455: {  	s10 =	sand.u32 $0x70, s7;
	s14 =	sand.u32 $0x1FE00, s8;
	v21 =	vadd.f32 v22, v21;
	v22 =	vsel vm8, $0x3F800000, v0;
	v25 =	vld [tilespmem:s0+$0x180]  }
0x456: {  	s15 =	simm.s32 $0x70;
	s16 =	simm.s32 $0x1C0;
	v23 =	vnsel vm8, $0x0, v23;
	vm9 =	vgt.f32 v26, v20;
	s0 =	sor.u32 s10, s14;
	v22 =	vadd.f32 v22, v24  }
0x457: {  	s17 =	sand.u32 $0x70, s15;
	s18 =	sand.u32 $0x1FE00, s16;
	v21 =	vadd.f32 v23, v21;
	v23 =	vsel vm9, $0x3F800000, v0;
	v24 =	vld [tilespmem:s0+$0x180]  }
0x458: {  	v26 =	vnsel vm9, $0x0, v26;
	vm10 =	vgt.f32 v27, v20;
	s0 =	sor.u32 s17, s18;
	v22 =	vadd.f32 v23, v22  }
0x459: {  	v21 =	vadd.f32 v26, v21;
	v23 =	vsel vm10, $0x3F800000, v0;
	v26 =	vld [tilespmem:s0+$0x180]  }
0x45a: {  	v27 =	vnsel vm10, $0x0, v27;
	vm11 =	vgt.f32 v25, v20;
	v22 =	vadd.f32 v23, v22  }
0x45b: {  	s19 =	simm.s32 $0x90;
	s20 =	simm.s32 $0x240;
	v21 =	vadd.f32 v27, v21;
	v23 =	vsel vm11, $0x3F800000, v0  }
0x45c: {  	s1 =	sand.u32 $0x1FE00, s20;
	s0 =	sand.u32 $0x70, s19;
	v27 =	vld [tilespmem:s13+$0x380];
	v25 =	vnsel vm11, $0x0, v25;
	vm12 =	vgt.f32 v24, v20;
	v22 =	vadd.f32 v23, v22  }
0x45d: {  	s21 =	simm.s32 $0xA0;
	s22 =	simm.s32 $0x280;
	s0 =	sor.u32 s0, s1;
	v21 =	vadd.f32 v25, v21;
	v23 =	vsel vm12, $0x3F800000, v0  }
0x45e: {  	s23 =	sand.u32 $0x70, s21;
	s24 =	sand.u32 $0x1FE00, s22;
	v25 =	vld [tilespmem:s0+$0x180];
	v24 =	vnsel vm12, $0x0, v24;
	vm13 =	vgt.f32 v26, v20;
	v22 =	vadd.f32 v23, v22  }
0x45f: {  	s25 =	simm.s32 $0xB0;
	s26 =	simm.s32 $0x2C0;
	s0 =	sor.u32 s23, s24;
	v23 =	vadd.f32 v24, v21;
	v21 =	vsel vm13, $0x3F800000, v0  }
0x460: {  	s7 =	sand.u32 $0x70, s25;
	s1 =	sand.u32 $0x1FE00, s26;
	v24 =	vnsel vm13, $0x0, v26;
	v26 =	vadd.f32 v21, v22;
	v21 =	vld [tilespmem:s0+$0x180]  }
0x461: {  	s28 =	simm.s32 $0xC0;
	s10 =	simm.s32 $0x300;
	s29 =	sor.u32 s7, s1;
	vm14 =	vgt.f32 v27, v20;
	v23 =	vadd.f32 v24, v23  }
0x462: {  	s15 =	simm.s32 $0x680;
	s30 =	sand.u32 $0x70, s28;
	s31 =	sand.u32 $0x1FE00, s10;
	v24 =	vsel vm14, $0x3F800000, v0;
	v27 =	vnsel vm14, $0x0, v27;
	v22 =	vld [tilespmem:s29+$0x180]  }
0x463: {  	s14 =	simm.s32 $0xD0;
	s13 =	simm.s32 $0x340;
	s7 =	sor.u32 s30, s31;
	vm15 =	vgt.f32 v25, v20;
	v26 =	vadd.f32 v24, v26;
	v24 =	vadd.f32 v27, v23  }
0x464: {  	s17 =	simm.s32 $0x380;
	s1 =	sand.u32 $0xFE00, s13;
	s0 =	sand.u32 $0x70, s14;
	v27 =	vsel vm15, $0x3F800000, v0;
	v25 =	vnsel vm15, $0x0, v25;
	v23 =	vld [tilespmem:s7+$0x180]  }
.LBB2_32:
0x465: {  	p0 =	sne.s32 s15, $0x8540;
	s16 =	sor.u32 s0, s1;
	s0 =	sadd.s32 $0x10, s14;
	v26 =	vadd.f32 v27, v26;
	v24 =	vadd.f32 v25, v24;
	vm0 =	vgt.f32 v21, v20  }
0x466: {  	s1 =	sand.u32 $0x1FE00, s17;
	v25 =	vld [tilespmem:s16+$0x180];
	s0 =	sand.u32 $0x70, s0;
	v27 =	vsel vm0, $0x3F800000, v0;
	v21 =	vnsel vm0, $0x0, v21  }
0x467: {  	s7 =	sadd.s32 $0x80, s13;
	s0 =	sor.u32 s0, s1;
	s1 =	sadd.s32 $0x20, s14;
	v26 =	vadd.f32 v27, v26;
	v21 =	vadd.f32 v21, v24;
	vm0 =	vgt.f32 v22, v20  }
0x468: {  	v24 =	vld [tilespmem:s0+$0x180];
	s0 =	sand.u32 $0x70, s1;
	s1 =	sand.u32 $0x1FE00, s7;
	v27 =	vsel vm0, $0x3F800000, v0;
	v22 =	vnsel vm0, $0x0, v22  }
0x469: {  	s7 =	sadd.s32 $0xC0, s13;
	s0 =	sor.u32 s0, s1;
	s1 =	sadd.s32 $0x30, s14;
	v26 =	vadd.f32 v27, v26;
	v21 =	vadd.f32 v22, v21;
	vm0 =	vgt.f32 v23, v20  }
0x46a: {  	v22 =	vld [tilespmem:s0+$0x180];
	s0 =	sand.u32 $0x70, s1;
	s1 =	sand.u32 $0x1FE00, s7;
	v27 =	vsel vm0, $0x3F800000, v0;
	v23 =	vnsel vm0, $0x0, v23  }
0x46b: {  	s7 =	sadd.s32 $0x100, s13;
	vm0 =	vgt.f32 v25, v20;
	s0 =	sor.u32 s0, s1;
	s1 =	sadd.s32 $0x40, s14;
	v26 =	vadd.f32 v27, v26;
	v21 =	vadd.f32 v23, v21  }
0x46c: {  	v23 =	vsel vm0, $0x3F800000, v0;
	v25 =	vnsel vm0, $0x0, v25;
	v27 =	vld [tilespmem:s0+$0x180];
	s0 =	sand.u32 $0x70, s1;
	s1 =	sand.u32 $0x1FE00, s7  }
0x46d: {  	s7 =	sadd.s32 $0x140, s13;
	v23 =	vadd.f32 v23, v26;
	v21 =	vadd.f32 v25, v21;
	vm0 =	vgt.f32 v24, v20;
	s0 =	sor.u32 s0, s1;
	s1 =	sadd.s32 $0x50, s14  }
0x46e: {  	v25 =	vsel vm0, $0x3F800000, v0;
	v24 =	vnsel vm0, $0x0, v24;
	v26 =	vld [tilespmem:s0+$0x180];
	s0 =	sand.u32 $0x70, s1;
	s1 =	sand.u32 $0x1FE00, s7  }
0x46f: {  	s7 =	sadd.s32 $0x180, s13;
	v23 =	vadd.f32 v25, v23;
	v21 =	vadd.f32 v24, v21;
	vm0 =	vgt.f32 v22, v20;
	s0 =	sor.u32 s0, s1;
	s1 =	sadd.s32 $0x60, s14  }
0x470: {  	v24 =	vsel vm0, $0x3F800000, v0;
	v22 =	vnsel vm0, $0x0, v22;
	v25 =	vld [tilespmem:s0+$0x180];
	s0 =	sand.u32 $0x70, s1;
	s1 =	sand.u32 $0x1FE00, s7  }
0x471: {  	s7 =	sadd.s32 $0x1C0, s13;
	v23 =	vadd.f32 v24, v23;
	v21 =	vadd.f32 v22, v21;
	vm0 =	vgt.f32 v27, v20;
	s0 =	sor.u32 s0, s1;
	s1 =	sadd.s32 $0x70, s14  }
0x472: {  	v22 =	vsel vm0, $0x3F800000, v0;
	v24 =	vnsel vm0, $0x0, v27;
	v27 =	vld [tilespmem:s0+$0x180];
	s0 =	sand.u32 $0x70, s1;
	s1 =	sand.u32 $0x1FE00, s7  }
0x473: {  	v22 =	vadd.f32 v22, v23;
	v21 =	vadd.f32 v24, v21;
	vm0 =	vgt.f32 v26, v20;
	s0 =	sor.u32 s0, s1  }
0x474: {  	v23 =	vsel vm0, $0x3F800000, v0;
	v24 =	vnsel vm0, $0x0, v26;
	v26 =	vld [tilespmem:s0+$0x180]  }
0x475: {  	s1 =	sadd.s32 $0x240, s13;
	s0 =	sadd.s32 $0x90, s14;
	v22 =	vadd.f32 v23, v22;
	v21 =	vadd.f32 v24, v21;
	vm0 =	vgt.f32 v25, v20  }
0x476: {  	s1 =	sand.u32 $0x1FE00, s1;
	s0 =	sand.u32 $0x70, s0;
	v23 =	vsel vm0, $0x3F800000, v0;
	v24 =	vnsel vm0, $0x0, v25;
	v25 =	vld [tilespmem:s16+$0x380]  }
0x477: {  	s7 =	sadd.s32 $0x280, s13;
	s0 =	sor.u32 s0, s1;
	s1 =	sadd.s32 $0xA0, s14;
	v22 =	vadd.f32 v23, v22;
	v21 =	vadd.f32 v24, v21;
	vm0 =	vgt.f32 v27, v20  }
0x478: {  	v23 =	vsel vm0, $0x3F800000, v0;
	v24 =	vnsel vm0, $0x0, v27;
	v28 =	vld [tilespmem:s0+$0x180];
	s0 =	sand.u32 $0x70, s1;
	s1 =	sand.u32 $0x1FE00, s7  }
0x479: {  	s7 =	sadd.s32 $0x2C0, s13;
	v22 =	vadd.f32 v23, v22;
	v23 =	vadd.f32 v24, v21;
	vm0 =	vgt.f32 v26, v20;
	s0 =	sor.u32 s0, s1;
	s1 =	sadd.s32 $0xB0, s14  }
.Ltmp15:
0x47a: {  	v24 =	vsel vm0, $0x3F800000, v0;
	v26 =	vnsel vm0, $0x0, v26;
	v21 =	vld [tilespmem:s0+$0x180];
	s0 =	sand.u32 $0x70, s1;
	s1 =	sand.u32 $0x1FE00, s7;
	(pc) =	sbr.rel @p0 .LBB2_32-.Ltmp15, $4  }
0x47b: {  	s7 =	sadd.s32 $0x300, s13;
	v24 =	vadd.f32 v24, v22;
	v23 =	vadd.f32 v26, v23;
	vm0 =	vgt.f32 v25, v20;
	s0 =	sor.u32 s0, s1;
	s1 =	sadd.s32 $0xC0, s14  }
0x47c: {  	s13 =	smov.u32 s15;
	v26 =	vsel vm0, $0x3F800000, v0;
	v25 =	vnsel vm0, $0x0, v25;
	v22 =	vld [tilespmem:s0+$0x180];
	s0 =	sand.u32 $0x70, s1;
	s1 =	sand.u32 $0x1FE00, s7  }
0x47d: {  	s17 =	sadd.s32 $0x40, s15;
	s14 =	sadd.s32 $0xD0, s14;
	v26 =	vadd.f32 v26, v24;
	v24 =	vadd.f32 v25, v23;
	vm0 =	vgt.f32 v28, v20;
	s7 =	sor.u32 s0, s1  }
0x47e: {  	s15 =	sadd.s32 $0x340, s15;
	s0 =	sand.u32 $0x70, s14;
	s1 =	sand.u32 $0xFE00, s13;
	v27 =	vsel vm0, $0x3F800000, v0;
	v25 =	vnsel vm0, $0x0, v28;
	v23 =	vld [tilespmem:s7+$0x180]  }
0x47f: {  	s15 =	sor.u32 s0, s1;
	s29 =	sadd.s32 $0x10, s14;
	v26 =	vadd.f32 v27, v26;
	vm3 =	vgt.f32 v21, v20  }
0x480: {  	s30 =	sand.u32 $0x1FE00, s17;
	v46 =	vld [tilespmem:s15+$0x180];
	s0 =	sand.u32 $0x70, s29;
	v28 =	vsel vm3, $0x3F800000, v0  }
0x481: {  	s31 =	sadd.s32 $0x20, s14;
	s7 =	sadd.s32 $0x80, s13;
	s0 =	sor.u32 s0, s30;
	v26 =	vadd.f32 v28, v26;
	vm4 =	vgt.f32 v22, v20  }
0x482: {  	s1 =	sand.u32 $0x70, s31;
	s8 =	sand.u32 $0x1FE00, s7;
	v47 =	vld [tilespmem:s0+$0x180];
	v29 =	vsel vm4, $0x3F800000, v0  }
0x483: {  	s10 =	sadd.s32 $0x30, s14;
	s16 =	sadd.s32 $0xC0, s13;
	s0 =	sor.u32 s1, s8;
	v26 =	vadd.f32 v29, v26;
	vm5 =	vgt.f32 v23, v20  }
0x484: {  	s17 =	sand.u32 $0x70, s10;
	s18 =	sand.u32 $0x1FE00, s16;
	v48 =	vld [tilespmem:s0+$0x180];
	v30 =	vsel vm5, $0x3F800000, v0  }
0x485: {  	s19 =	sadd.s32 $0x40, s14;
	s20 =	sadd.s32 $0x100, s13;
	s0 =	sor.u32 s17, s18;
	vm6 =	vgt.f32 v46, v20;
	v26 =	vadd.f32 v30, v26  }
0x486: {  	s21 =	sand.u32 $0x70, s19;
	s22 =	sand.u32 $0x1FE00, s20;
	v31 =	vld [tilespmem:s0+$0x180];
	v49 =	vsel vm6, $0x3F800000, v0  }
0x487: {  	s23 =	sadd.s32 $0x50, s14;
	s24 =	sadd.s32 $0x140, s13;
	s0 =	sor.u32 s21, s22;
	v26 =	vadd.f32 v49, v26;
	vm7 =	vgt.f32 v47, v20  }
0x488: {  	s25 =	sand.u32 $0x70, s23;
	s26 =	sand.u32 $0x1FE00, s24;
	v32 =	vld [tilespmem:s0+$0x180];
	v50 =	vsel vm7, $0x3F800000, v0  }
0x489: {  	s28 =	sadd.s32 $0x60, s14;
	s29 =	sadd.s32 $0x180, s13;
	s0 =	sor.u32 s25, s26;
	vm8 =	vgt.f32 v48, v20;
	v26 =	vadd.f32 v50, v26  }
0x48a: {  	s30 =	sand.u32 $0x70, s28;
	s31 =	sand.u32 $0x1FE00, s29;
	v33 =	vld [tilespmem:s0+$0x180];
	v51 =	vsel vm8, $0x3F800000, v0  }
0x48b: {  	s7 =	sadd.s32 $0x70, s14;
	s8 =	sadd.s32 $0x1C0, s13;
	s0 =	sor.u32 s30, s31;
	vm9 =	vgt.f32 v31, v20;
	v26 =	vadd.f32 v51, v26  }
0x48c: {  	s10 =	sand.u32 $0x70, s7;
	s16 =	sand.u32 $0x1FE00, s8;
	v34 =	vld [tilespmem:s0+$0x180];
	v52 =	vsel vm9, $0x3F800000, v0  }
0x48d: {  	s0 =	sor.u32 s10, s16;
	vm10 =	vgt.f32 v32, v20;
	v26 =	vadd.f32 v52, v26  }
0x48e: {  	v35 =	vld [tilespmem:s0+$0x180];
	v53 =	vsel vm10, $0x3F800000, v0  }
0x48f: {  	s17 =	sadd.s32 $0x90, s14;
	s18 =	sadd.s32 $0x240, s13;
	vm11 =	vgt.f32 v33, v20;
	v26 =	vadd.f32 v53, v26  }
0x490: {  	v36 =	vld [tilespmem:s15+$0x380];
	s1 =	sand.u32 $0x1FE00, s18;
	s0 =	sand.u32 $0x70, s17;
	v54 =	vsel vm11, $0x3F800000, v0  }
0x491: {  	s19 =	sadd.s32 $0xA0, s14;
	s20 =	sadd.s32 $0x280, s13;
	s0 =	sor.u32 s0, s1;
	vm12 =	vgt.f32 v34, v20;
	v26 =	vadd.f32 v54, v26  }
0x492: {  	s21 =	sand.u32 $0x70, s19;
	s22 =	sand.u32 $0x1FE00, s20;
	v37 =	vld [tilespmem:s0+$0x180];
	v55 =	vsel vm12, $0x3F800000, v0  }
0x493: {  	s23 =	sadd.s32 $0xB0, s14;
	s24 =	sadd.s32 $0x2C0, s13;
	s0 =	sor.u32 s21, s22;
	vm13 =	vgt.f32 v35, v20;
	v26 =	vadd.f32 v55, v26  }
0x494: {  	s25 =	sand.u32 $0x70, s23;
	s26 =	sand.u32 $0x1FE00, s24;
	v38 =	vld [tilespmem:s0+$0x180];
	v56 =	vsel vm13, $0x3F800000, v0  }
0x495: {  	s28 =	sadd.s32 $0xC0, s14;
	s29 =	sadd.s32 $0x300, s13;
	vm14 =	vgt.f32 v36, v20;
	s0 =	sor.u32 s25, s26;
	v26 =	vadd.f32 v56, v26  }
0x496: {  	v57 =	vsel vm14, $0x3F800000, v0;
	s30 =	sand.u32 $0x70, s28;
	s31 =	sand.u32 $0x1FE00, s29;
	v39 =	vld [tilespmem:s0+$0x180]  }
0x497: {  	s0 =	sor.u32 s30, s31;
	vm15 =	vgt.f32 v37, v20;
	v26 =	vadd.f32 v57, v26  }
0x498: {  	v40 =	vld [tilespmem:s0+$0x180];
	v58 =	vsel vm15, $0x3F800000, v0  }
0x499: {  	vm0 =	vgt.f32 v38, v20;
	v26 =	vadd.f32 v58, v26  }
0x49a: {  	v59 =	vsel vm0, $0x3F800000, v0  }
0x49b: {  	vm1 =	vgt.f32 v39, v20;
	v26 =	vadd.f32 v59, v26  }
0x49c: {  	v24 =	vadd.f32 v25, v24;
	v60 =	vsel vm1, $0x3F800000, v0  }
0x49d: {  	v21 =	vnsel vm3, $0x0, v21;
	vm2 =	vgt.f32 v40, v20;
	v61 =	vadd.f32 v60, v26  }
0x49e: {  	v21 =	vadd.f32 v21, v24;
	v62 =	vsel vm2, $0x3F800000, v0  }
0x49f: {  	v22 =	vnsel vm4, $0x0, v22;
	v63 =	vadd.f32 v62, v61  }
0x4a0: {  	v21 =	vadd.f32 v22, v21  }
0x4a1: {  	v25 =	vnsel vm5, $0x0, v23;
	[tilespmem:$0x8C80] =	vst v63  }
0x4a2: {  	v21 =	vadd.f32 v25, v21;
	[tilespmem:$0x8C90] =	vst v63  }
0x4a3: {  	v27 =	vnsel vm6, $0x0, v46;
	v26 =	vld [tilespmem:$0x8C88]  }
0x4a4: {  	v21 =	vadd.f32 v27, v21  }
0x4a5: {  	v30 =	vnsel vm7, $0x0, v47  }
0x4a6: {  	v21 =	vadd.f32 v30, v21  }
0x4a7: {  	v41 =	vnsel vm8, $0x0, v48  }
0x4a8: {  	v21 =	vadd.f32 v41, v21;
	v22 =	vadd.f32 v26, v63  }
0x4a9: {  	v42 =	vnsel vm9, $0x0, v31  }
0x4aa: {  	v21 =	vadd.f32 v42, v21;
	[tilespmem:$0x8C80] =	vst v22  }
0x4ab: {  	v43 =	vnsel vm10, $0x0, v32;
	[tilespmem:$0x8C90] =	vst v22  }
0x4ac: {  	v21 =	vadd.f32 v43, v21;
	v44 =	vld [tilespmem:$0x8C84]  }
0x4ad: {  	v45 =	vnsel vm11, $0x0, v33  }
0x4ae: {  	v21 =	vadd.f32 v45, v21  }
0x4af: {  	v46 =	vnsel vm12, $0x0, v34  }
0x4b0: {  	v21 =	vadd.f32 v46, v21  }
0x4b1: {  	v47 =	vnsel vm13, $0x0, v35;
	v22 =	vadd.f32 v44, v22  }
0x4b2: {  	v21 =	vadd.f32 v47, v21  }
0x4b3: {  	v48 =	vnsel vm14, $0x0, v36;
	[tilespmem:$0x8C80] =	vst v22  }
0x4b4: {  	v21 =	vadd.f32 v48, v21;
	[tilespmem:$0x8C90] =	vst v22  }
0x4b5: {  	v50 =	vnsel vm15, $0x0, v37;
	v49 =	vld [tilespmem:$0x8C82]  }
0x4b6: {  	v21 =	vadd.f32 v50, v21  }
0x4b7: {  	v51 =	vnsel vm0, $0x0, v38  }
0x4b8: {  	v21 =	vadd.f32 v51, v21  }
0x4b9: {  	v52 =	vnsel vm1, $0x0, v39  }
0x4ba: {  	v21 =	vadd.f32 v52, v21;
	v22 =	vadd.f32 v49, v22  }
0x4bb: {  	v53 =	vnsel vm2, $0x0, v40  }
0x4bc: {  	v21 =	vadd.f32 v53, v21;
	[tilespmem:$0x8C80] =	vst v22  }
0x4bd: {  	[tilespmem:$0x8C90] =	vst v22  }
0x4be: {  	v54 =	vld [tilespmem:$0x8C81];
	[tilespmem:$0x8C80] =	vst v21  }
0x4bf: {  	[tilespmem:$0x8C90] =	vst v21  }
0x4c0: {  	v55 =	vld [tilespmem:$0x8C88];
	_ =	sdelay $0x4  }
0x4c1: {  	v21 =	vadd.f32 v55, v21;
	_ =	sdelay $0x1  }
0x4c2: {  	[tilespmem:$0x8C80] =	vst v21  }
0x4c3: {  	[tilespmem:$0x8C90] =	vst v21  }
0x4c4: {  	v56 =	vld [tilespmem:$0x8C84];
	_ =	sdelay $0x4  }
0x4c5: {  	v21 =	vadd.f32 v56, v21;
	_ =	sdelay $0x1  }
0x4c6: {  	[tilespmem:$0x8C80] =	vst v21  }
0x4c7: {  	[tilespmem:$0x8C90] =	vst v21  }
0x4c8: {  	v57 =	vld [tilespmem:$0x8C82];
	_ =	sdelay $0x4  }
0x4c9: {  	v3 =	vadd.f32 v4, v3;
	v58 =	vadd.f32 v57, v21;
	_ =	sdelay $0x1  }
0x4ca: {  	v1 =	vsub.f32 v1, v3;
	[tilespmem:$0x8C80] =	vst v58  }
0x4cb: {  	v3 =	vadd.f32 v10, v9;
	[tilespmem:$0x8C90] =	vst v58  }
0x4cc: {  	v5 =	vadd.f32 v6, v5;
	v1 =	vmul.f32 v1, v2;
	v2 =	vadd.f32 v16, v15;
	v59 =	vld [tilespmem:$0x8C81]  }
0x4cd: {  	v3 =	vsub.f32 v7, v3;
	v60 =	vadd.f32 v54, v22  }
0x4ce: {  	v1 =	vadd.f32 v5, v1;
	v2 =	vsub.f32 v13, v2  }
0x4cf: {  	v3 =	vmul.f32 v3, v8;
	v61 =	vadd.f32 v12, v11;
	v7 =	vsub.f32 v19, v60  }
0x4d0: {  	v2 =	vmul.f32 v2, v14;
	vm12 =	vmmov $0x1;
	v62 =	vadd.f32 v18, v17  }
0x4d1: {  	v3 =	vadd.f32 v61, v3;
	v63 =	vmul.f32 v7, v20;
	v4 =	vadd.f32 v59, v58  }
0x4d2: {  	v1 =	vnsel vm12, $0x0, v1;
	vm13 =	vcmask $0x310;
	v2 =	vadd.f32 v62, v2  }
0x4d3: {  	vm14 =	vcmask $0x710;
	v1 =	vsel vm13, v1, v3;
	v3 =	vadd.f32 v4, v63  }
0x4d4: {  	s12 =	sadd.s32 $0x1, s12;
	vm15 =	vcmask $0xB10;
	v1 =	vsel vm14, v1, v2  }
0x4d5: {  	p0 =	sne.s32 s12, s6;
	v1 =	vsel vm15, v1, v3  }
.Ltmp16:
0x4d6: {  	[tilespmem:$0x8C00] =	vst v1;
	(pc) =	sbr.rel @p0 .LBB2_1-.Ltmp16, $4  }
0x4d7: {  	[hbm4b:s5+s2] =	stream.linear.scatter [tilespmem:s11], [sflag:$0x1], $0x80, $0x38;
	[tilespmem:$0x8D00] =	vst v63  }
0x4d8: {  	_ =	swait.ge [sflag:s9], $0x80  }
0x4d9: {  	[sflag:s9] =	ssyncset.done $0x0  }
0x4da: {  	[sflag:s9] =	ssyncadd.s32 $0xFFFFFF80  }
0x4db: {  	_ =	sfence.sel $0x180000  }
0x4dc: {  	[bflag:$0x0] =	sbarrier.arrive $0xFFFF  }
0x4dd: {  	_ =	strace $0x90000047  }
0x4de: {  	s0 =	stileid.u32;
	[bflag:$0x2] =	sbarrier.arrive $0xFFFF  }
0x4df: {  	p0 =	sne.s32 s0, $0x0;
	s0 =	rddreg [dreg:$0x1]  }
0x4e0: {  	s0 =	sadd.s32 @!p0 $0x100000, s0  }
0x4e1: {  	[sflag:s0] =	ssyncadd.tile.s32 @!p0 $0x1;
	_ =	shalt  }
.Lfunc_end2:
_tile_overlayer_lowered:
.L_overlay_start_2:
0x4e2: {  	(tag) =	ssettag $0x2  }
0x4e3: {  	s0 =	rddreg [dreg:$0x0];
	s2 =	stileid.u32  }
0x4e4: {  	s1 =	rddreg [dreg:$0x1];
	p0 =	sne.s32 s2, $0x0  }
0x4e5: {  	s3 =	rddreg [dreg:$0x2];
	[bflag:$0x3] =	sbarrier.arrive $0xFFFF;
	s2 =	simm.s32 @!p0 $0x1C01  }
0x4e6: {  	[timem:s3], [sflag:s2] =	dma.local @!p0 [hbm:s0], s1  }
0x4e7: {  	s0 =	simm.s32 @!p0 $0x1  }
0x4e8: {  	_ =	swait.ge @!p0 [sflag:s0], s1  }
0x4e9: {  	s1 =	ssub.s32 @!p0 $0x0, s1;
	[sflag:s0] =	ssyncset.done @!p0 $0x0  }
0x4ea: {  	[sflag:s0] =	ssyncadd.s32 @!p0 s1  }
0x4eb: {  	[bflag:$0x3] =	sbarrier.arrive $0xFFFF  }
0x4ec: {  	_ =	shalt  }

</sc_bundles>
